<compile_context>
chip_gen: v7x
topology: tpu7x:2x2x1
jax: 0.10.2.dev20260603
libtpu: 0.0.44.dev20260713+nightly
codegen_flags: <defaults>
</compile_context>

<pallas_src>
import jax
import jax.numpy as jnp
from jax import lax
from jax.experimental import pallas as pl
from jax.experimental.pallas import tpu as pltpu
from jax.experimental.pallas import tpu_sc as plsc

D_MODEL = 768
N_PATCHES = 576
N_TOT = 577
BATCH = 128
NW = 32
LANES = 16
W = 256
WV = W // LANES
PB = N_PATCHES // 8
TB = BATCH // 8
TC = D_MODEL // W
UNITS = PB * TB * TC
UPW = UNITS // NW
NIN = 4
NOUT = 2


def _sc_body(in_hbm, pos_hbm, row0_hbm, out_hbm,
             row0_v, row0_rep, in_bufs, pos_bufs, out_bufs, pos_sm,
             in_sems, pos_sems, out_sems):
    c = lax.axis_index("c")
    s = lax.axis_index("s")
    wid = s * 2 + c

    HPB = PB // 2
    for k in range(3):
        kb = s + 16 * k
        @pl.when(kb < HPB)
        def _fill():
            pltpu.sync_copy(pos_hbm.at[pl.ds(8 * (c * HPB + kb), 8), :],
                            pos_sm.at[pl.ds(8 * kb, 8), :])
    plsc.subcore_barrier()

    def unit(j):
        u = s + 16 * j
        pbl = u // (TB * TC)
        rem = u - pbl * (TB * TC)
        tb = rem // TC
        tc = rem - tb * TC
        return c * HPB + pbl, pbl, tb, tc

    def in_src(j):
        pb, _, tb, tc = unit(j)
        return in_hbm.at[pl.ds(8 * tb, 8), pl.ds(8 * pb, 8), pl.ds(W * tc, W)]

    def pos_src(j):
        _, pbl, _, tc = unit(j)
        return pos_sm.at[pl.ds(8 * pbl, 8), pl.ds(W * tc, W)]

    def out_dst(j):
        pb, _, tb, tc = unit(j)
        return out_hbm.at[pl.ds(8 * pb + 1, 8), pl.ds(8 * tb, 8), pl.ds(W * tc, W)]

    pltpu.sync_copy(row0_hbm, row0_v)
    for r in range(8):
        @plsc.parallel_loop(0, D_MODEL // LANES, unroll=4)
        def _rep(i):
            o = i * LANES
            row0_rep[r, pl.ds(o, LANES)] = row0_v[pl.ds(o, LANES)]

    @pl.when(wid < TB)
    def _cls_row():
        pltpu.sync_copy(row0_rep, out_hbm.at[0, pl.ds(8 * wid, 8), :])

    for ph in range(NIN):
        pltpu.async_copy(in_src(ph), in_bufs.at[ph], in_sems.at[ph])
        pltpu.async_copy(pos_src(ph), pos_bufs.at[ph], pos_sems.at[ph])

    @pl.loop(0, UPW, step=NIN)
    def _unit_loop(g):
        for ph in range(NIN):
            j = g + ph
            oph = ph % NOUT
            in_buf = in_bufs.at[ph]
            pos_buf = pos_bufs.at[ph]
            out_buf = out_bufs.at[oph]
            pltpu.make_async_copy(in_src(j), in_buf, in_sems.at[ph]).wait()
            pltpu.make_async_copy(pos_src(j), pos_buf, pos_sems.at[ph]).wait()

            @pl.when(j >= NOUT)
            def _wait_out():
                pltpu.make_async_copy(out_buf, out_dst(j), out_sems.at[oph]).wait()

            @plsc.parallel_loop(0, 8 * WV, unroll=2)
            def _add(i):
                pp = i >> 4
                o = (i & (WV - 1)) * LANES
                pv = pos_buf[pp, pl.ds(o, LANES)]
                for bb in range(8):
                    out_buf[pp, bb, pl.ds(o, LANES)] = (
                        in_buf[bb, pp, pl.ds(o, LANES)] + pv)

            pltpu.async_copy(out_buf, out_dst(j), out_sems.at[oph])
            nj = jnp.minimum(j + NIN, UPW - 1)
            pltpu.async_copy(in_src(nj), in_bufs.at[ph], in_sems.at[ph])
            pltpu.async_copy(pos_src(nj), pos_bufs.at[ph], pos_sems.at[ph])

    for ph in range(NIN):
        pltpu.make_async_copy(in_src(UPW - 1), in_bufs.at[ph], in_sems.at[ph]).wait()
        pltpu.make_async_copy(pos_src(UPW - 1), pos_bufs.at[ph], pos_sems.at[ph]).wait()
    for oph in range(NOUT):
        pltpu.make_async_copy(out_bufs.at[oph], out_dst(UPW - NOUT + oph), out_sems.at[oph]).wait()


def kernel(inputs, class_embed, pos_table):
    pos_sh = pos_table[1:]
    row0 = class_embed.reshape(D_MODEL) + pos_table[0]
    mesh = plsc.VectorSubcoreMesh(
        core_axis_name="c", subcore_axis_name="s", num_cores=2, num_subcores=16)
    out_phys = pl.kernel(
        _sc_body,
        out_type=jax.ShapeDtypeStruct((N_TOT, BATCH, D_MODEL), jnp.float32),
        mesh=mesh,
        scratch_types=[
            pltpu.VMEM((D_MODEL,), jnp.float32),
            pltpu.VMEM((8, D_MODEL), jnp.float32),
            pltpu.VMEM((NIN, 8, 8, W), jnp.float32),
            pltpu.VMEM((NIN, 8, W), jnp.float32),
            pltpu.VMEM((NOUT, 8, 8, W), jnp.float32),
            pltpu.VMEM_SHARED((N_PATCHES // 2, D_MODEL), jnp.float32),
            pltpu.SemaphoreType.DMA((NIN,)),
            pltpu.SemaphoreType.DMA((NIN,)),
            pltpu.SemaphoreType.DMA((NOUT,)),
        ],
    )(inputs, pos_sh, row0)
    return jnp.transpose(out_phys, (1, 0, 2))

# --- scband reference (transcript-rebuilt; emitter-appended) ---
"""Pipeline reference for scband-patch-class-embedding-53206054863006 (READ-ONLY COPY).

The authoritative reference and input builder live on the scoring server;
editing this copy changes nothing except your own understanding.
"""

import jax, jax.numpy as jnp
import numpy as np

D_MODEL = 768
N_PATCHES = 576
N_TOT = N_PATCHES + 1
BATCH = 128

def setup_inputs(seed: int = 0) -> dict:
    key = jax.random.key(seed)
    k1, k2, k3 = jax.random.split(key, 3)
    inputs = jax.random.normal(k1, (BATCH, N_PATCHES, D_MODEL), dtype=jnp.float32)
    class_embed = jax.random.normal(k2, (1, 1, D_MODEL), dtype=jnp.float32)
    pos_table = jax.random.normal(k3, (N_TOT, D_MODEL), dtype=jnp.float32)
    return {"inputs": inputs, "class_embed": class_embed, "pos_table": pos_table}

def reference(inputs, class_embed, pos_table):
    # x = class_embed.repeat(B, 1, 1); x = cat((x, inputs), dim=1)
    b = inputs.shape[0]
    cls = jnp.broadcast_to(class_embed, (b, 1, class_embed.shape[-1]))
    x = jnp.concatenate([cls, inputs], axis=1)
    # positions = arange(n_tot_patches); pe = position_embedding(positions)
    positions = jnp.arange(N_TOT)
    pe = jnp.take(pos_table, positions, axis=0)  # [N_TOT, D_MODEL]
    encoded = x + pe  # broadcast over batch
    return encoded

if __name__ == "__main__":
    import jax
    _d = setup_inputs()
    print(jax.jit(kernel)(*tuple(_d.values())))

</pallas_src>

<mosaic_0001>
#map = affine_map<(d0, d1) -> (0, 0, 0)>
#map1 = affine_map<(d0, d1) -> (0, 0)>
#map2 = affine_map<(d0, d1) -> (0)>
module attributes {stable_mosaic.version = 14 : i64} {
  func.func @_sc_body(%arg0: i32, %arg1: i32, %arg2: memref<128x576x768xf32, #tpu.memory_space<hbm>>, %arg3: memref<576x768xf32, #tpu.memory_space<hbm>>, %arg4: memref<768xf32, #tpu.memory_space<hbm>>, %arg5: memref<577x128x768xf32, #tpu.memory_space<hbm>>, %arg6: memref<768xf32, #tpu.memory_space<vmem>>, %arg7: memref<8x768xf32, #tpu.memory_space<vmem>>, %arg8: memref<4x8x8x256xf32, #tpu.memory_space<vmem>>, %arg9: memref<4x8x256xf32, #tpu.memory_space<vmem>>, %arg10: memref<2x8x8x256xf32, #tpu.memory_space<vmem>>, %arg11: memref<288x768xf32, #tpu.memory_space<vmem_shared>>, %arg12: memref<4x!tpu.dma_semaphore, #tpu.memory_space<semaphore_mem>>, %arg13: memref<4x!tpu.dma_semaphore, #tpu.memory_space<semaphore_mem>>, %arg14: memref<2x!tpu.dma_semaphore, #tpu.memory_space<semaphore_mem>>) attributes {dimension_semantics = [#tpu.dimension_semantics<core_parallel>, #tpu.dimension_semantics<subcore_parallel>], iteration_bounds = array<i64: 2, 16>, scalar_prefetch = 0 : i64, scratch_operands = 9 : i64, tpu.core_type = #tpu.core_type<sc_vector_subcore>, window_params = [{transform_indices = #map}, {transform_indices = #map1}, {transform_indices = #map2}, {transform_indices = #map}]} {
    %mul3A = arith.constant 2 : i32
    %mul3A_0 = arith.muli %arg1, %mul3A : i32
    %add3A = arith.addi %mul3A_0, %arg0 : i32
    %add3A_1 = arith.constant 0 : i32
    %add3A_2 = arith.addi %arg1, %add3A_1 : i32
    %lt3A = arith.constant 36 : i32
    %lt3A_3 = arith.cmpi slt, %add3A_2, %lt3A : i32
    %convert_element_type3A = arith.extui %lt3A_3 : i1 to i32
    %cond3A = arith.constant 0 : i32
    %cond3A_4 = arith.cmpi ne, %convert_element_type3A, %cond3A : i32
    scf.if %cond3A_4 {
      %mul3A_1471 = arith.constant 36 : i32
      %mul3A_1472 = arith.muli %arg0, %mul3A_1471 : i32
      %add3A_1473 = arith.addi %mul3A_1472, %add3A_2 : i32
      %mul3A_1474 = arith.constant 8 : i32
      %mul3A_1475 = arith.muli %mul3A_1474, %add3A_1473 : i32
      %mul3A_1476 = arith.constant 8 : i32
      %mul3A_1477 = arith.muli %mul3A_1476, %add3A_2 : i32
      "tpu.region"() ({
        %run_scoped3A = tpu.sem_alloc : memref<!tpu.dma_semaphore, #tpu.memory_space<semaphore_mem>>
        %dma_start3A_1478 = arith.constant 0 : i32
        %dma_start3A_1479 = tpu.memref_slice %arg11[%mul3A_1477, %dma_start3A_1478] : memref<288x768xf32, #tpu.memory_space<vmem_shared>> -> memref<8x768xf32, #tpu.memory_space<vmem_shared>>
        %dma_start3A_1480 = arith.constant 0 : i32
        %dma_start3A_1481 = tpu.memref_slice %arg3[%mul3A_1475, %dma_start3A_1480] : memref<576x768xf32, #tpu.memory_space<hbm>> -> memref<8x768xf32, #tpu.memory_space<hbm>>
        tpu.enqueue_dma source(%dma_start3A_1481 : memref<8x768xf32, #tpu.memory_space<hbm>>) target(%dma_start3A_1479 : memref<8x768xf32, #tpu.memory_space<vmem_shared>>) target_semaphore(%run_scoped3A : memref<!tpu.dma_semaphore, #tpu.memory_space<semaphore_mem>>)
        %dma_wait3A_1482 = arith.constant 0 : i32
        %dma_wait3A_1483 = tpu.memref_slice %arg11[%mul3A_1477, %dma_wait3A_1482] : memref<288x768xf32, #tpu.memory_space<vmem_shared>> -> memref<8x768xf32, #tpu.memory_space<vmem_shared>>
        %dma_wait3A_1484 = arith.constant 0 : i32
        %dma_wait3A_1485 = tpu.memref_slice %arg3[%mul3A_1475, %dma_wait3A_1484] : memref<576x768xf32, #tpu.memory_space<hbm>> -> memref<8x768xf32, #tpu.memory_space<hbm>>
        tpu.wait_dma2 semaphore(%run_scoped3A : memref<!tpu.dma_semaphore, #tpu.memory_space<semaphore_mem>>) src(%dma_wait3A_1485 : memref<8x768xf32, #tpu.memory_space<hbm>>) dst(%dma_wait3A_1483 : memref<8x768xf32, #tpu.memory_space<vmem_shared>>)
        tpu.yield
      }) : () -> ()
    } else {
    }
    %add3A_5 = arith.constant 16 : i32
    %add3A_6 = arith.addi %arg1, %add3A_5 : i32
    %lt3A_7 = arith.constant 36 : i32
    %lt3A_8 = arith.cmpi slt, %add3A_6, %lt3A_7 : i32
    %convert_element_type3A_9 = arith.extui %lt3A_8 : i1 to i32
    %cond3A_10 = arith.constant 0 : i32
    %cond3A_11 = arith.cmpi ne, %convert_element_type3A_9, %cond3A_10 : i32
    scf.if %cond3A_11 {
      %mul3A_1471 = arith.constant 36 : i32
      %mul3A_1472 = arith.muli %arg0, %mul3A_1471 : i32
      %add3A_1473 = arith.addi %mul3A_1472, %add3A_6 : i32
      %mul3A_1474 = arith.constant 8 : i32
      %mul3A_1475 = arith.muli %mul3A_1474, %add3A_1473 : i32
      %mul3A_1476 = arith.constant 8 : i32
      %mul3A_1477 = arith.muli %mul3A_1476, %add3A_6 : i32
      "tpu.region"() ({
        %run_scoped3A = tpu.sem_alloc : memref<!tpu.dma_semaphore, #tpu.memory_space<semaphore_mem>>
        %dma_start3A_1478 = arith.constant 0 : i32
        %dma_start3A_1479 = tpu.memref_slice %arg11[%mul3A_1477, %dma_start3A_1478] : memref<288x768xf32, #tpu.memory_space<vmem_shared>> -> memref<8x768xf32, #tpu.memory_space<vmem_shared>>
        %dma_start3A_1480 = arith.constant 0 : i32
        %dma_start3A_1481 = tpu.memref_slice %arg3[%mul3A_1475, %dma_start3A_1480] : memref<576x768xf32, #tpu.memory_space<hbm>> -> memref<8x768xf32, #tpu.memory_space<hbm>>
        tpu.enqueue_dma source(%dma_start3A_1481 : memref<8x768xf32, #tpu.memory_space<hbm>>) target(%dma_start3A_1479 : memref<8x768xf32, #tpu.memory_space<vmem_shared>>) target_semaphore(%run_scoped3A : memref<!tpu.dma_semaphore, #tpu.memory_space<semaphore_mem>>)
        %dma_wait3A_1482 = arith.constant 0 : i32
        %dma_wait3A_1483 = tpu.memref_slice %arg11[%mul3A_1477, %dma_wait3A_1482] : memref<288x768xf32, #tpu.memory_space<vmem_shared>> -> memref<8x768xf32, #tpu.memory_space<vmem_shared>>
        %dma_wait3A_1484 = arith.constant 0 : i32
        %dma_wait3A_1485 = tpu.memref_slice %arg3[%mul3A_1475, %dma_wait3A_1484] : memref<576x768xf32, #tpu.memory_space<hbm>> -> memref<8x768xf32, #tpu.memory_space<hbm>>
        tpu.wait_dma2 semaphore(%run_scoped3A : memref<!tpu.dma_semaphore, #tpu.memory_space<semaphore_mem>>) src(%dma_wait3A_1485 : memref<8x768xf32, #tpu.memory_space<hbm>>) dst(%dma_wait3A_1483 : memref<8x768xf32, #tpu.memory_space<vmem_shared>>)
        tpu.yield
      }) : () -> ()
    } else {
    }
    %add3A_12 = arith.constant 32 : i32
    %add3A_13 = arith.addi %arg1, %add3A_12 : i32
    %lt3A_14 = arith.constant 36 : i32
    %lt3A_15 = arith.cmpi slt, %add3A_13, %lt3A_14 : i32
    %convert_element_type3A_16 = arith.extui %lt3A_15 : i1 to i32
    %cond3A_17 = arith.constant 0 : i32
    %cond3A_18 = arith.cmpi ne, %convert_element_type3A_16, %cond3A_17 : i32
    scf.if %cond3A_18 {
      %mul3A_1471 = arith.constant 36 : i32
      %mul3A_1472 = arith.muli %arg0, %mul3A_1471 : i32
      %add3A_1473 = arith.addi %mul3A_1472, %add3A_13 : i32
      %mul3A_1474 = arith.constant 8 : i32
      %mul3A_1475 = arith.muli %mul3A_1474, %add3A_1473 : i32
      %mul3A_1476 = arith.constant 8 : i32
      %mul3A_1477 = arith.muli %mul3A_1476, %add3A_13 : i32
      "tpu.region"() ({
        %run_scoped3A = tpu.sem_alloc : memref<!tpu.dma_semaphore, #tpu.memory_space<semaphore_mem>>
        %dma_start3A_1478 = arith.constant 0 : i32
        %dma_start3A_1479 = tpu.memref_slice %arg11[%mul3A_1477, %dma_start3A_1478] : memref<288x768xf32, #tpu.memory_space<vmem_shared>> -> memref<8x768xf32, #tpu.memory_space<vmem_shared>>
        %dma_start3A_1480 = arith.constant 0 : i32
        %dma_start3A_1481 = tpu.memref_slice %arg3[%mul3A_1475, %dma_start3A_1480] : memref<576x768xf32, #tpu.memory_space<hbm>> -> memref<8x768xf32, #tpu.memory_space<hbm>>
        tpu.enqueue_dma source(%dma_start3A_1481 : memref<8x768xf32, #tpu.memory_space<hbm>>) target(%dma_start3A_1479 : memref<8x768xf32, #tpu.memory_space<vmem_shared>>) target_semaphore(%run_scoped3A : memref<!tpu.dma_semaphore, #tpu.memory_space<semaphore_mem>>)
        %dma_wait3A_1482 = arith.constant 0 : i32
        %dma_wait3A_1483 = tpu.memref_slice %arg11[%mul3A_1477, %dma_wait3A_1482] : memref<288x768xf32, #tpu.memory_space<vmem_shared>> -> memref<8x768xf32, #tpu.memory_space<vmem_shared>>
        %dma_wait3A_1484 = arith.constant 0 : i32
        %dma_wait3A_1485 = tpu.memref_slice %arg3[%mul3A_1475, %dma_wait3A_1484] : memref<576x768xf32, #tpu.memory_space<hbm>> -> memref<8x768xf32, #tpu.memory_space<hbm>>
        tpu.wait_dma2 semaphore(%run_scoped3A : memref<!tpu.dma_semaphore, #tpu.memory_space<semaphore_mem>>) src(%dma_wait3A_1485 : memref<8x768xf32, #tpu.memory_space<hbm>>) dst(%dma_wait3A_1483 : memref<8x768xf32, #tpu.memory_space<vmem_shared>>)
        tpu.yield
      }) : () -> ()
    } else {
    }
    %barrier3A = arith.constant 0 : index
    tpu.barrier barrier_id(%barrier3A)
    "tpu.region"() ({
      %run_scoped3A = tpu.sem_alloc : memref<!tpu.dma_semaphore, #tpu.memory_space<semaphore_mem>>
      tpu.enqueue_dma source(%arg4 : memref<768xf32, #tpu.memory_space<hbm>>) target(%arg6 : memref<768xf32, #tpu.memory_space<vmem>>) target_semaphore(%run_scoped3A : memref<!tpu.dma_semaphore, #tpu.memory_space<semaphore_mem>>)
      tpu.wait_dma2 semaphore(%run_scoped3A : memref<!tpu.dma_semaphore, #tpu.memory_space<semaphore_mem>>) src(%arg4 : memref<768xf32, #tpu.memory_space<hbm>>) dst(%arg6 : memref<768xf32, #tpu.memory_space<vmem>>)
      tpu.yield
    }) : () -> ()
    %parallel_loop3A = arith.constant 0 : i32
    %parallel_loop3A_19 = arith.constant 48 : i32
    %parallel_loop3A_20 = arith.constant 1 : i32
    scf.for %parallel_loop3A_1471 = %parallel_loop3A to %parallel_loop3A_19 step %parallel_loop3A_20  : i32 {
      %parallel_loop3A_1472 = arith.constant 16 : i32
      %parallel_loop3A_1473 = arith.muli %parallel_loop3A_1471, %parallel_loop3A_1472 : i32
      %parallel_loop3A_1474 = arith.index_cast %parallel_loop3A_1473 : i32 to index
      %parallel_loop3A_1475 = tpu.vector_load %arg6[%parallel_loop3A_1474] {strides = array<i32>} : memref<768xf32, #tpu.memory_space<vmem>>, vector<16xf32>,
      %parallel_loop3A_1476 = vector.shape_cast %parallel_loop3A_1475 : vector<16xf32> to vector<16xf32>
      %parallel_loop3A_1477 = arith.constant 0 : i32
      %parallel_loop3A_1478 = arith.index_cast %parallel_loop3A_1477 : i32 to index
      %parallel_loop3A_1479 = arith.index_cast %parallel_loop3A_1473 : i32 to index
      %parallel_loop3A_1480 = tpu.vector_load %arg7[%parallel_loop3A_1478, %parallel_loop3A_1479] {strides = array<i32>} : memref<8x768xf32, #tpu.memory_space<vmem>>, vector<1x16xf32>,
      %parallel_loop3A_1481 = vector.shape_cast %parallel_loop3A_1480 : vector<1x16xf32> to vector<16xf32>
      %parallel_loop3A_1482 = vector.shape_cast %parallel_loop3A_1476 : vector<16xf32> to vector<1x16xf32>
      tpu.vector_store %arg7[%parallel_loop3A_1478, %parallel_loop3A_1479], %parallel_loop3A_1482 {strides = array<i32>} : memref<8x768xf32, #tpu.memory_space<vmem>>, vector<1x16xf32>,
    } {sc.loop_unroll_factor = 4 : i64, sc.parallel_access}
    %parallel_loop3A_21 = arith.constant 0 : i32
    %parallel_loop3A_22 = arith.constant 48 : i32
    %parallel_loop3A_23 = arith.constant 1 : i32
    scf.for %parallel_loop3A_1471 = %parallel_loop3A_21 to %parallel_loop3A_22 step %parallel_loop3A_23  : i32 {
      %parallel_loop3A_1472 = arith.constant 16 : i32
      %parallel_loop3A_1473 = arith.muli %parallel_loop3A_1471, %parallel_loop3A_1472 : i32
      %parallel_loop3A_1474 = arith.index_cast %parallel_loop3A_1473 : i32 to index
      %parallel_loop3A_1475 = tpu.vector_load %arg6[%parallel_loop3A_1474] {strides = array<i32>} : memref<768xf32, #tpu.memory_space<vmem>>, vector<16xf32>,
      %parallel_loop3A_1476 = vector.shape_cast %parallel_loop3A_1475 : vector<16xf32> to vector<16xf32>
      %parallel_loop3A_1477 = arith.constant 1 : i32
      %parallel_loop3A_1478 = arith.index_cast %parallel_loop3A_1477 : i32 to index
      %parallel_loop3A_1479 = arith.index_cast %parallel_loop3A_1473 : i32 to index
      %parallel_loop3A_1480 = tpu.vector_load %arg7[%parallel_loop3A_1478, %parallel_loop3A_1479] {strides = array<i32>} : memref<8x768xf32, #tpu.memory_space<vmem>>, vector<1x16xf32>,
      %parallel_loop3A_1481 = vector.shape_cast %parallel_loop3A_1480 : vector<1x16xf32> to vector<16xf32>
      %parallel_loop3A_1482 = vector.shape_cast %parallel_loop3A_1476 : vector<16xf32> to vector<1x16xf32>
      tpu.vector_store %arg7[%parallel_loop3A_1478, %parallel_loop3A_1479], %parallel_loop3A_1482 {strides = array<i32>} : memref<8x768xf32, #tpu.memory_space<vmem>>, vector<1x16xf32>,
    } {sc.loop_unroll_factor = 4 : i64, sc.parallel_access}
    %parallel_loop3A_24 = arith.constant 0 : i32
    %parallel_loop3A_25 = arith.constant 48 : i32
    %parallel_loop3A_26 = arith.constant 1 : i32
    scf.for %parallel_loop3A_1471 = %parallel_loop3A_24 to %parallel_loop3A_25 step %parallel_loop3A_26  : i32 {
      %parallel_loop3A_1472 = arith.constant 16 : i32
      %parallel_loop3A_1473 = arith.muli %parallel_loop3A_1471, %parallel_loop3A_1472 : i32
      %parallel_loop3A_1474 = arith.index_cast %parallel_loop3A_1473 : i32 to index
      %parallel_loop3A_1475 = tpu.vector_load %arg6[%parallel_loop3A_1474] {strides = array<i32>} : memref<768xf32, #tpu.memory_space<vmem>>, vector<16xf32>,
      %parallel_loop3A_1476 = vector.shape_cast %parallel_loop3A_1475 : vector<16xf32> to vector<16xf32>
      %parallel_loop3A_1477 = arith.constant 2 : i32
      %parallel_loop3A_1478 = arith.index_cast %parallel_loop3A_1477 : i32 to index
      %parallel_loop3A_1479 = arith.index_cast %parallel_loop3A_1473 : i32 to index
      %parallel_loop3A_1480 = tpu.vector_load %arg7[%parallel_loop3A_1478, %parallel_loop3A_1479] {strides = array<i32>} : memref<8x768xf32, #tpu.memory_space<vmem>>, vector<1x16xf32>,
      %parallel_loop3A_1481 = vector.shape_cast %parallel_loop3A_1480 : vector<1x16xf32> to vector<16xf32>
      %parallel_loop3A_1482 = vector.shape_cast %parallel_loop3A_1476 : vector<16xf32> to vector<1x16xf32>
      tpu.vector_store %arg7[%parallel_loop3A_1478, %parallel_loop3A_1479], %parallel_loop3A_1482 {strides = array<i32>} : memref<8x768xf32, #tpu.memory_space<vmem>>, vector<1x16xf32>,
    } {sc.loop_unroll_factor = 4 : i64, sc.parallel_access}
    %parallel_loop3A_27 = arith.constant 0 : i32
    %parallel_loop3A_28 = arith.constant 48 : i32
    %parallel_loop3A_29 = arith.constant 1 : i32
    scf.for %parallel_loop3A_1471 = %parallel_loop3A_27 to %parallel_loop3A_28 step %parallel_loop3A_29  : i32 {
      %parallel_loop3A_1472 = arith.constant 16 : i32
      %parallel_loop3A_1473 = arith.muli %parallel_loop3A_1471, %parallel_loop3A_1472 : i32
      %parallel_loop3A_1474 = arith.index_cast %parallel_loop3A_1473 : i32 to index
      %parallel_loop3A_1475 = tpu.vector_load %arg6[%parallel_loop3A_1474] {strides = array<i32>} : memref<768xf32, #tpu.memory_space<vmem>>, vector<16xf32>,
      %parallel_loop3A_1476 = vector.shape_cast %parallel_loop3A_1475 : vector<16xf32> to vector<16xf32>
      %parallel_loop3A_1477 = arith.constant 3 : i32
      %parallel_loop3A_1478 = arith.index_cast %parallel_loop3A_1477 : i32 to index
      %parallel_loop3A_1479 = arith.index_cast %parallel_loop3A_1473 : i32 to index
      %parallel_loop3A_1480 = tpu.vector_load %arg7[%parallel_loop3A_1478, %parallel_loop3A_1479] {strides = array<i32>} : memref<8x768xf32, #tpu.memory_space<vmem>>, vector<1x16xf32>,
      %parallel_loop3A_1481 = vector.shape_cast %parallel_loop3A_1480 : vector<1x16xf32> to vector<16xf32>
      %parallel_loop3A_1482 = vector.shape_cast %parallel_loop3A_1476 : vector<16xf32> to vector<1x16xf32>
      tpu.vector_store %arg7[%parallel_loop3A_1478, %parallel_loop3A_1479], %parallel_loop3A_1482 {strides = array<i32>} : memref<8x768xf32, #tpu.memory_space<vmem>>, vector<1x16xf32>,
    } {sc.loop_unroll_factor = 4 : i64, sc.parallel_access}
    %parallel_loop3A_30 = arith.constant 0 : i32
    %parallel_loop3A_31 = arith.constant 48 : i32
    %parallel_loop3A_32 = arith.constant 1 : i32
    scf.for %parallel_loop3A_1471 = %parallel_loop3A_30 to %parallel_loop3A_31 step %parallel_loop3A_32  : i32 {
      %parallel_loop3A_1472 = arith.constant 16 : i32
      %parallel_loop3A_1473 = arith.muli %parallel_loop3A_1471, %parallel_loop3A_1472 : i32
      %parallel_loop3A_1474 = arith.index_cast %parallel_loop3A_1473 : i32 to index
      %parallel_loop3A_1475 = tpu.vector_load %arg6[%parallel_loop3A_1474] {strides = array<i32>} : memref<768xf32, #tpu.memory_space<vmem>>, vector<16xf32>,
      %parallel_loop3A_1476 = vector.shape_cast %parallel_loop3A_1475 : vector<16xf32> to vector<16xf32>
      %parallel_loop3A_1477 = arith.constant 4 : i32
      %parallel_loop3A_1478 = arith.index_cast %parallel_loop3A_1477 : i32 to index
      %parallel_loop3A_1479 = arith.index_cast %parallel_loop3A_1473 : i32 to index
      %parallel_loop3A_1480 = tpu.vector_load %arg7[%parallel_loop3A_1478, %parallel_loop3A_1479] {strides = array<i32>} : memref<8x768xf32, #tpu.memory_space<vmem>>, vector<1x16xf32>,
      %parallel_loop3A_1481 = vector.shape_cast %parallel_loop3A_1480 : vector<1x16xf32> to vector<16xf32>
      %parallel_loop3A_1482 = vector.shape_cast %parallel_loop3A_1476 : vector<16xf32> to vector<1x16xf32>
      tpu.vector_store %arg7[%parallel_loop3A_1478, %parallel_loop3A_1479], %parallel_loop3A_1482 {strides = array<i32>} : memref<8x768xf32, #tpu.memory_space<vmem>>, vector<1x16xf32>,
    } {sc.loop_unroll_factor = 4 : i64, sc.parallel_access}
    %parallel_loop3A_33 = arith.constant 0 : i32
    %parallel_loop3A_34 = arith.constant 48 : i32
    %parallel_loop3A_35 = arith.constant 1 : i32
    scf.for %parallel_loop3A_1471 = %parallel_loop3A_33 to %parallel_loop3A_34 step %parallel_loop3A_35  : i32 {
      %parallel_loop3A_1472 = arith.constant 16 : i32
      %parallel_loop3A_1473 = arith.muli %parallel_loop3A_1471, %parallel_loop3A_1472 : i32
      %parallel_loop3A_1474 = arith.index_cast %parallel_loop3A_1473 : i32 to index
      %parallel_loop3A_1475 = tpu.vector_load %arg6[%parallel_loop3A_1474] {strides = array<i32>} : memref<768xf32, #tpu.memory_space<vmem>>, vector<16xf32>,
      %parallel_loop3A_1476 = vector.shape_cast %parallel_loop3A_1475 : vector<16xf32> to vector<16xf32>
      %parallel_loop3A_1477 = arith.constant 5 : i32
      %parallel_loop3A_1478 = arith.index_cast %parallel_loop3A_1477 : i32 to index
      %parallel_loop3A_1479 = arith.index_cast %parallel_loop3A_1473 : i32 to index
      %parallel_loop3A_1480 = tpu.vector_load %arg7[%parallel_loop3A_1478, %parallel_loop3A_1479] {strides = array<i32>} : memref<8x768xf32, #tpu.memory_space<vmem>>, vector<1x16xf32>,
      %parallel_loop3A_1481 = vector.shape_cast %parallel_loop3A_1480 : vector<1x16xf32> to vector<16xf32>
      %parallel_loop3A_1482 = vector.shape_cast %parallel_loop3A_1476 : vector<16xf32> to vector<1x16xf32>
      tpu.vector_store %arg7[%parallel_loop3A_1478, %parallel_loop3A_1479], %parallel_loop3A_1482 {strides = array<i32>} : memref<8x768xf32, #tpu.memory_space<vmem>>, vector<1x16xf32>,
    } {sc.loop_unroll_factor = 4 : i64, sc.parallel_access}
    %parallel_loop3A_36 = arith.constant 0 : i32
    %parallel_loop3A_37 = arith.constant 48 : i32
    %parallel_loop3A_38 = arith.constant 1 : i32
    scf.for %parallel_loop3A_1471 = %parallel_loop3A_36 to %parallel_loop3A_37 step %parallel_loop3A_38  : i32 {
      %parallel_loop3A_1472 = arith.constant 16 : i32
      %parallel_loop3A_1473 = arith.muli %parallel_loop3A_1471, %parallel_loop3A_1472 : i32
      %parallel_loop3A_1474 = arith.index_cast %parallel_loop3A_1473 : i32 to index
      %parallel_loop3A_1475 = tpu.vector_load %arg6[%parallel_loop3A_1474] {strides = array<i32>} : memref<768xf32, #tpu.memory_space<vmem>>, vector<16xf32>,
      %parallel_loop3A_1476 = vector.shape_cast %parallel_loop3A_1475 : vector<16xf32> to vector<16xf32>
      %parallel_loop3A_1477 = arith.constant 6 : i32
      %parallel_loop3A_1478 = arith.index_cast %parallel_loop3A_1477 : i32 to index
      %parallel_loop3A_1479 = arith.index_cast %parallel_loop3A_1473 : i32 to index
      %parallel_loop3A_1480 = tpu.vector_load %arg7[%parallel_loop3A_1478, %parallel_loop3A_1479] {strides = array<i32>} : memref<8x768xf32, #tpu.memory_space<vmem>>, vector<1x16xf32>,
      %parallel_loop3A_1481 = vector.shape_cast %parallel_loop3A_1480 : vector<1x16xf32> to vector<16xf32>
      %parallel_loop3A_1482 = vector.shape_cast %parallel_loop3A_1476 : vector<16xf32> to vector<1x16xf32>
      tpu.vector_store %arg7[%parallel_loop3A_1478, %parallel_loop3A_1479], %parallel_loop3A_1482 {strides = array<i32>} : memref<8x768xf32, #tpu.memory_space<vmem>>, vector<1x16xf32>,
    } {sc.loop_unroll_factor = 4 : i64, sc.parallel_access}
    %parallel_loop3A_39 = arith.constant 0 : i32
    %parallel_loop3A_40 = arith.constant 48 : i32
    %parallel_loop3A_41 = arith.constant 1 : i32
    scf.for %parallel_loop3A_1471 = %parallel_loop3A_39 to %parallel_loop3A_40 step %parallel_loop3A_41  : i32 {
      %parallel_loop3A_1472 = arith.constant 16 : i32
      %parallel_loop3A_1473 = arith.muli %parallel_loop3A_1471, %parallel_loop3A_1472 : i32
      %parallel_loop3A_1474 = arith.index_cast %parallel_loop3A_1473 : i32 to index
      %parallel_loop3A_1475 = tpu.vector_load %arg6[%parallel_loop3A_1474] {strides = array<i32>} : memref<768xf32, #tpu.memory_space<vmem>>, vector<16xf32>,
      %parallel_loop3A_1476 = vector.shape_cast %parallel_loop3A_1475 : vector<16xf32> to vector<16xf32>
      %parallel_loop3A_1477 = arith.constant 7 : i32
      %parallel_loop3A_1478 = arith.index_cast %parallel_loop3A_1477 : i32 to index
      %parallel_loop3A_1479 = arith.index_cast %parallel_loop3A_1473 : i32 to index
      %parallel_loop3A_1480 = tpu.vector_load %arg7[%parallel_loop3A_1478, %parallel_loop3A_1479] {strides = array<i32>} : memref<8x768xf32, #tpu.memory_space<vmem>>, vector<1x16xf32>,
      %parallel_loop3A_1481 = vector.shape_cast %parallel_loop3A_1480 : vector<1x16xf32> to vector<16xf32>
      %parallel_loop3A_1482 = vector.shape_cast %parallel_loop3A_1476 : vector<16xf32> to vector<1x16xf32>
      tpu.vector_store %arg7[%parallel_loop3A_1478, %parallel_loop3A_1479], %parallel_loop3A_1482 {strides = array<i32>} : memref<8x768xf32, #tpu.memory_space<vmem>>, vector<1x16xf32>,
    } {sc.loop_unroll_factor = 4 : i64, sc.parallel_access}
    %lt3A_42 = arith.constant 16 : i32
    %lt3A_43 = arith.cmpi slt, %add3A, %lt3A_42 : i32
    %convert_element_type3A_44 = arith.extui %lt3A_43 : i1 to i32
    %cond3A_45 = arith.constant 0 : i32
    %cond3A_46 = arith.cmpi ne, %convert_element_type3A_44, %cond3A_45 : i32
    scf.if %cond3A_46 {
      %mul3A_1471 = arith.constant 8 : i32
      %mul3A_1472 = arith.muli %mul3A_1471, %add3A : i32
      %run_scoped3A = arith.constant 0 : i32
      "tpu.region"() ({
        %run_scoped3A_1473 = tpu.sem_alloc : memref<!tpu.dma_semaphore, #tpu.memory_space<semaphore_mem>>
        %dma_start3A_1474 = arith.constant 0 : i32
        %dma_start3A_1475 = tpu.memref_slice %arg5[%run_scoped3A, %mul3A_1472, %dma_start3A_1474] : memref<577x128x768xf32, #tpu.memory_space<hbm>> -> memref<1x8x768xf32, #tpu.memory_space<hbm>>
        %dma_start3A_1476 = tpu.memref_squeeze %dma_start3A_1475 : memref<1x8x768xf32, #tpu.memory_space<hbm>> -> memref<8x768xf32, #tpu.memory_space<hbm>>
        %dma_start3A_1477 = arith.constant 0 : i32
        %dma_start3A_1478 = tpu.memref_slice %arg5[%run_scoped3A, %mul3A_1472, %dma_start3A_1477] : memref<577x128x768xf32, #tpu.memory_space<hbm>> -> memref<1x8x768xf32, #tpu.memory_space<hbm>>
        %dma_start3A_1479 = tpu.memref_squeeze %dma_start3A_1478 : memref<1x8x768xf32, #tpu.memory_space<hbm>> -> memref<8x768xf32, #tpu.memory_space<hbm>>
        tpu.enqueue_dma source(%arg7 : memref<8x768xf32, #tpu.memory_space<vmem>>) target(%dma_start3A_1479 : memref<8x768xf32, #tpu.memory_space<hbm>>) target_semaphore(%run_scoped3A_1473 : memref<!tpu.dma_semaphore, #tpu.memory_space<semaphore_mem>>)
        %dma_wait3A_1480 = arith.constant 0 : i32
        %dma_wait3A_1481 = tpu.memref_slice %arg5[%run_scoped3A, %mul3A_1472, %dma_wait3A_1480] : memref<577x128x768xf32, #tpu.memory_space<hbm>> -> memref<1x8x768xf32, #tpu.memory_space<hbm>>
        %dma_wait3A_1482 = tpu.memref_squeeze %dma_wait3A_1481 : memref<1x8x768xf32, #tpu.memory_space<hbm>> -> memref<8x768xf32, #tpu.memory_space<hbm>>
        %dma_wait3A_1483 = arith.constant 0 : i32
        %dma_wait3A_1484 = tpu.memref_slice %arg5[%run_scoped3A, %mul3A_1472, %dma_wait3A_1483] : memref<577x128x768xf32, #tpu.memory_space<hbm>> -> memref<1x8x768xf32, #tpu.memory_space<hbm>>
        %dma_wait3A_1485 = tpu.memref_squeeze %dma_wait3A_1484 : memref<1x8x768xf32, #tpu.memory_space<hbm>> -> memref<8x768xf32, #tpu.memory_space<hbm>>
        tpu.wait_dma2 semaphore(%run_scoped3A_1473 : memref<!tpu.dma_semaphore, #tpu.memory_space<semaphore_mem>>) src(%arg7 : memref<8x768xf32, #tpu.memory_space<vmem>>) dst(%dma_wait3A_1485 : memref<8x768xf32, #tpu.memory_space<hbm>>)
        tpu.yield
      }) : () -> ()
    } else {
    }
    %add3A_47 = arith.constant 0 : i32
    %add3A_48 = arith.addi %arg1, %add3A_47 : i32
    %jit3A = arith.constant 48 : i32
    %div3A = arith.divsi %add3A_48, %jit3A : i32
    %sign3A = arith.constant 0 : i32
    %sign3A_49 = arith.cmpi sgt, %add3A_48, %sign3A : i32
    %sign3A_50 = arith.extui %sign3A_49 : i1 to i32
    %sign3A_51 = arith.constant 0 : i32
    %sign3A_52 = arith.cmpi slt, %add3A_48, %sign3A_51 : i32
    %sign3A_53 = arith.extui %sign3A_52 : i1 to i32
    %sign3A_54 = arith.subi %sign3A_50, %sign3A_53 : i32
    %sign3A_55 = arith.constant 0 : i32
    %sign3A_56 = arith.cmpi sgt, %jit3A, %sign3A_55 : i32
    %sign3A_57 = arith.extui %sign3A_56 : i1 to i32
    %sign3A_58 = arith.constant 0 : i32
    %sign3A_59 = arith.cmpi slt, %jit3A, %sign3A_58 : i32
    %sign3A_60 = arith.extui %sign3A_59 : i1 to i32
    %sign3A_61 = arith.subi %sign3A_57, %sign3A_60 : i32
    %ne3A = arith.cmpi ne, %sign3A_54, %sign3A_61 : i32
    %rem3A = arith.remsi %add3A_48, %jit3A : i32
    %ne3A_62 = arith.constant 0 : i32
    %ne3A_63 = arith.cmpi ne, %rem3A, %ne3A_62 : i32
    %and3A = arith.andi %ne3A, %ne3A_63 : i1
    %sub3A = arith.constant 1 : i32
    %sub3A_64 = arith.subi %div3A, %sub3A : i32
    %select_n3A = arith.select %and3A, %sub3A_64, %div3A : i32
    %mul3A_65 = arith.constant 48 : i32
    %mul3A_66 = arith.muli %select_n3A, %mul3A_65 : i32
    %sub3A_67 = arith.subi %add3A_48, %mul3A_66 : i32
    %jit3A_68 = arith.constant 3 : i32
    %div3A_69 = arith.divsi %sub3A_67, %jit3A_68 : i32
    %sign3A_70 = arith.constant 0 : i32
    %sign3A_71 = arith.cmpi sgt, %sub3A_67, %sign3A_70 : i32
    %sign3A_72 = arith.extui %sign3A_71 : i1 to i32
    %sign3A_73 = arith.constant 0 : i32
    %sign3A_74 = arith.cmpi slt, %sub3A_67, %sign3A_73 : i32
    %sign3A_75 = arith.extui %sign3A_74 : i1 to i32
    %sign3A_76 = arith.subi %sign3A_72, %sign3A_75 : i32
    %sign3A_77 = arith.constant 0 : i32
    %sign3A_78 = arith.cmpi sgt, %jit3A_68, %sign3A_77 : i32
    %sign3A_79 = arith.extui %sign3A_78 : i1 to i32
    %sign3A_80 = arith.constant 0 : i32
    %sign3A_81 = arith.cmpi slt, %jit3A_68, %sign3A_80 : i32
    %sign3A_82 = arith.extui %sign3A_81 : i1 to i32
    %sign3A_83 = arith.subi %sign3A_79, %sign3A_82 : i32
    %ne3A_84 = arith.cmpi ne, %sign3A_76, %sign3A_83 : i32
    %rem3A_85 = arith.remsi %sub3A_67, %jit3A_68 : i32
    %ne3A_86 = arith.constant 0 : i32
    %ne3A_87 = arith.cmpi ne, %rem3A_85, %ne3A_86 : i32
    %and3A_88 = arith.andi %ne3A_84, %ne3A_87 : i1
    %sub3A_89 = arith.constant 1 : i32
    %sub3A_90 = arith.subi %div3A_69, %sub3A_89 : i32
    %select_n3A_91 = arith.select %and3A_88, %sub3A_90, %div3A_69 : i32
    %mul3A_92 = arith.constant 3 : i32
    %mul3A_93 = arith.muli %select_n3A_91, %mul3A_92 : i32
    %sub3A_94 = arith.subi %sub3A_67, %mul3A_93 : i32
    %mul3A_95 = arith.constant 36 : i32
    %mul3A_96 = arith.muli %arg0, %mul3A_95 : i32
    %add3A_97 = arith.addi %mul3A_96, %select_n3A : i32
    %mul3A_98 = arith.constant 8 : i32
    %mul3A_99 = arith.muli %mul3A_98, %select_n3A_91 : i32
    %mul3A_100 = arith.constant 8 : i32
    %mul3A_101 = arith.muli %mul3A_100, %add3A_97 : i32
    %mul3A_102 = arith.constant 256 : i32
    %mul3A_103 = arith.muli %mul3A_102, %sub3A_94 : i32
    %dma_start3A = arith.constant 0 : i32
    %dma_start3A_104 = arith.constant 0 : i32
    %dma_start3A_105 = arith.constant 0 : i32
    %dma_start3A_106 = arith.constant 0 : i32
    %dma_start3A_107 = arith.constant 0 : i32
    %dma_start3A_108 = tpu.memref_slice %arg8[%dma_start3A, %dma_start3A_105, %dma_start3A_106, %dma_start3A_107] : memref<4x8x8x256xf32, #tpu.memory_space<vmem>> -> memref<1x8x8x256xf32, #tpu.memory_space<vmem>>
    %dma_start3A_109 = tpu.memref_squeeze %dma_start3A_108 : memref<1x8x8x256xf32, #tpu.memory_space<vmem>> -> memref<8x8x256xf32, #tpu.memory_space<vmem>>
    %dma_start3A_110 = tpu.memref_slice %arg2[%mul3A_99, %mul3A_101, %mul3A_103] : memref<128x576x768xf32, #tpu.memory_space<hbm>> -> memref<8x8x256xf32, #tpu.memory_space<hbm>>
    %dma_start3A_111 = tpu.memref_slice %arg12[%dma_start3A_104] : memref<4x!tpu.dma_semaphore, #tpu.memory_space<semaphore_mem>> -> memref<1x!tpu.dma_semaphore, #tpu.memory_space<semaphore_mem>>
    %dma_start3A_112 = tpu.memref_squeeze %dma_start3A_111 : memref<1x!tpu.dma_semaphore, #tpu.memory_space<semaphore_mem>> -> memref<!tpu.dma_semaphore, #tpu.memory_space<semaphore_mem>>
    %dma_start3A_113 = arith.constant 0 : i32
    %dma_start3A_114 = arith.constant 0 : i32
    %dma_start3A_115 = arith.constant 0 : i32
    %dma_start3A_116 = tpu.memref_slice %arg8[%dma_start3A, %dma_start3A_113, %dma_start3A_114, %dma_start3A_115] : memref<4x8x8x256xf32, #tpu.memory_space<vmem>> -> memref<1x8x8x256xf32, #tpu.memory_space<vmem>>
    %dma_start3A_117 = tpu.memref_squeeze %dma_start3A_116 : memref<1x8x8x256xf32, #tpu.memory_space<vmem>> -> memref<8x8x256xf32, #tpu.memory_space<vmem>>
    %dma_start3A_118 = tpu.memref_slice %arg2[%mul3A_99, %mul3A_101, %mul3A_103] : memref<128x576x768xf32, #tpu.memory_space<hbm>> -> memref<8x8x256xf32, #tpu.memory_space<hbm>>
    tpu.enqueue_dma source(%dma_start3A_118 : memref<8x8x256xf32, #tpu.memory_space<hbm>>) target(%dma_start3A_117 : memref<8x8x256xf32, #tpu.memory_space<vmem>>) target_semaphore(%dma_start3A_112 : memref<!tpu.dma_semaphore, #tpu.memory_space<semaphore_mem>>)
    %add3A_119 = arith.constant 0 : i32
    %add3A_120 = arith.addi %arg1, %add3A_119 : i32
    %jit3A_121 = arith.constant 48 : i32
    %div3A_122 = arith.divsi %add3A_120, %jit3A_121 : i32
    %sign3A_123 = arith.constant 0 : i32
    %sign3A_124 = arith.cmpi sgt, %add3A_120, %sign3A_123 : i32
    %sign3A_125 = arith.extui %sign3A_124 : i1 to i32
    %sign3A_126 = arith.constant 0 : i32
    %sign3A_127 = arith.cmpi slt, %add3A_120, %sign3A_126 : i32
    %sign3A_128 = arith.extui %sign3A_127 : i1 to i32
    %sign3A_129 = arith.subi %sign3A_125, %sign3A_128 : i32
    %sign3A_130 = arith.constant 0 : i32
    %sign3A_131 = arith.cmpi sgt, %jit3A_121, %sign3A_130 : i32
    %sign3A_132 = arith.extui %sign3A_131 : i1 to i32
    %sign3A_133 = arith.constant 0 : i32
    %sign3A_134 = arith.cmpi slt, %jit3A_121, %sign3A_133 : i32
    %sign3A_135 = arith.extui %sign3A_134 : i1 to i32
    %sign3A_136 = arith.subi %sign3A_132, %sign3A_135 : i32
    %ne3A_137 = arith.cmpi ne, %sign3A_129, %sign3A_136 : i32
    %rem3A_138 = arith.remsi %add3A_120, %jit3A_121 : i32
    %ne3A_139 = arith.constant 0 : i32
    %ne3A_140 = arith.cmpi ne, %rem3A_138, %ne3A_139 : i32
    %and3A_141 = arith.andi %ne3A_137, %ne3A_140 : i1
    %sub3A_142 = arith.constant 1 : i32
    %sub3A_143 = arith.subi %div3A_122, %sub3A_142 : i32
    %select_n3A_144 = arith.select %and3A_141, %sub3A_143, %div3A_122 : i32
    %mul3A_145 = arith.constant 48 : i32
    %mul3A_146 = arith.muli %select_n3A_144, %mul3A_145 : i32
    %sub3A_147 = arith.subi %add3A_120, %mul3A_146 : i32
    %jit3A_148 = arith.constant 3 : i32
    %div3A_149 = arith.divsi %sub3A_147, %jit3A_148 : i32
    %sign3A_150 = arith.constant 0 : i32
    %sign3A_151 = arith.cmpi sgt, %sub3A_147, %sign3A_150 : i32
    %sign3A_152 = arith.extui %sign3A_151 : i1 to i32
    %sign3A_153 = arith.constant 0 : i32
    %sign3A_154 = arith.cmpi slt, %sub3A_147, %sign3A_153 : i32
    %sign3A_155 = arith.extui %sign3A_154 : i1 to i32
    %sign3A_156 = arith.subi %sign3A_152, %sign3A_155 : i32
    %sign3A_157 = arith.constant 0 : i32
    %sign3A_158 = arith.cmpi sgt, %jit3A_148, %sign3A_157 : i32
    %sign3A_159 = arith.extui %sign3A_158 : i1 to i32
    %sign3A_160 = arith.constant 0 : i32
    %sign3A_161 = arith.cmpi slt, %jit3A_148, %sign3A_160 : i32
    %sign3A_162 = arith.extui %sign3A_161 : i1 to i32
    %sign3A_163 = arith.subi %sign3A_159, %sign3A_162 : i32
    %ne3A_164 = arith.cmpi ne, %sign3A_156, %sign3A_163 : i32
    %rem3A_165 = arith.remsi %sub3A_147, %jit3A_148 : i32
    %ne3A_166 = arith.constant 0 : i32
    %ne3A_167 = arith.cmpi ne, %rem3A_165, %ne3A_166 : i32
    %and3A_168 = arith.andi %ne3A_164, %ne3A_167 : i1
    %sub3A_169 = arith.constant 1 : i32
    %sub3A_170 = arith.subi %div3A_149, %sub3A_169 : i32
    %select_n3A_171 = arith.select %and3A_168, %sub3A_170, %div3A_149 : i32
    %mul3A_172 = arith.constant 3 : i32
    %mul3A_173 = arith.muli %select_n3A_171, %mul3A_172 : i32
    %sub3A_174 = arith.subi %sub3A_147, %mul3A_173 : i32
    %mul3A_175 = arith.constant 36 : i32
    %mul3A_176 = arith.muli %arg0, %mul3A_175 : i32
    %add3A_177 = arith.addi %mul3A_176, %select_n3A_144 : i32
    %mul3A_178 = arith.constant 8 : i32
    %mul3A_179 = arith.muli %mul3A_178, %select_n3A_144 : i32
    %mul3A_180 = arith.constant 256 : i32
    %mul3A_181 = arith.muli %mul3A_180, %sub3A_174 : i32
    %dma_start3A_182 = arith.constant 0 : i32
    %dma_start3A_183 = arith.constant 0 : i32
    %dma_start3A_184 = arith.constant 0 : i32
    %dma_start3A_185 = arith.constant 0 : i32
    %dma_start3A_186 = tpu.memref_slice %arg9[%dma_start3A_182, %dma_start3A_184, %dma_start3A_185] : memref<4x8x256xf32, #tpu.memory_space<vmem>> -> memref<1x8x256xf32, #tpu.memory_space<vmem>>
    %dma_start3A_187 = tpu.memref_squeeze %dma_start3A_186 : memref<1x8x256xf32, #tpu.memory_space<vmem>> -> memref<8x256xf32, #tpu.memory_space<vmem>>
    %dma_start3A_188 = tpu.memref_slice %arg11[%mul3A_179, %mul3A_181] : memref<288x768xf32, #tpu.memory_space<vmem_shared>> -> memref<8x256xf32, #tpu.memory_space<vmem_shared>>
    %dma_start3A_189 = tpu.memref_slice %arg13[%dma_start3A_183] : memref<4x!tpu.dma_semaphore, #tpu.memory_space<semaphore_mem>> -> memref<1x!tpu.dma_semaphore, #tpu.memory_space<semaphore_mem>>
    %dma_start3A_190 = tpu.memref_squeeze %dma_start3A_189 : memref<1x!tpu.dma_semaphore, #tpu.memory_space<semaphore_mem>> -> memref<!tpu.dma_semaphore, #tpu.memory_space<semaphore_mem>>
    %dma_start3A_191 = arith.constant 0 : i32
    %dma_start3A_192 = arith.constant 0 : i32
    %dma_start3A_193 = tpu.memref_slice %arg9[%dma_start3A_182, %dma_start3A_191, %dma_start3A_192] : memref<4x8x256xf32, #tpu.memory_space<vmem>> -> memref<1x8x256xf32, #tpu.memory_space<vmem>>
    %dma_start3A_194 = tpu.memref_squeeze %dma_start3A_193 : memref<1x8x256xf32, #tpu.memory_space<vmem>> -> memref<8x256xf32, #tpu.memory_space<vmem>>
    %dma_start3A_195 = tpu.memref_slice %arg11[%mul3A_179, %mul3A_181] : memref<288x768xf32, #tpu.memory_space<vmem_shared>> -> memref<8x256xf32, #tpu.memory_space<vmem_shared>>
    tpu.enqueue_dma source(%dma_start3A_195 : memref<8x256xf32, #tpu.memory_space<vmem_shared>>) target(%dma_start3A_194 : memref<8x256xf32, #tpu.memory_space<vmem>>) target_semaphore(%dma_start3A_190 : memref<!tpu.dma_semaphore, #tpu.memory_space<semaphore_mem>>)
    %add3A_196 = arith.constant 16 : i32
    %add3A_197 = arith.addi %arg1, %add3A_196 : i32
    %jit3A_198 = arith.constant 48 : i32
    %div3A_199 = arith.divsi %add3A_197, %jit3A_198 : i32
    %sign3A_200 = arith.constant 0 : i32
    %sign3A_201 = arith.cmpi sgt, %add3A_197, %sign3A_200 : i32
    %sign3A_202 = arith.extui %sign3A_201 : i1 to i32
    %sign3A_203 = arith.constant 0 : i32
    %sign3A_204 = arith.cmpi slt, %add3A_197, %sign3A_203 : i32
    %sign3A_205 = arith.extui %sign3A_204 : i1 to i32
    %sign3A_206 = arith.subi %sign3A_202, %sign3A_205 : i32
    %sign3A_207 = arith.constant 0 : i32
    %sign3A_208 = arith.cmpi sgt, %jit3A_198, %sign3A_207 : i32
    %sign3A_209 = arith.extui %sign3A_208 : i1 to i32
    %sign3A_210 = arith.constant 0 : i32
    %sign3A_211 = arith.cmpi slt, %jit3A_198, %sign3A_210 : i32
    %sign3A_212 = arith.extui %sign3A_211 : i1 to i32
    %sign3A_213 = arith.subi %sign3A_209, %sign3A_212 : i32
    %ne3A_214 = arith.cmpi ne, %sign3A_206, %sign3A_213 : i32
    %rem3A_215 = arith.remsi %add3A_197, %jit3A_198 : i32
    %ne3A_216 = arith.constant 0 : i32
    %ne3A_217 = arith.cmpi ne, %rem3A_215, %ne3A_216 : i32
    %and3A_218 = arith.andi %ne3A_214, %ne3A_217 : i1
    %sub3A_219 = arith.constant 1 : i32
    %sub3A_220 = arith.subi %div3A_199, %sub3A_219 : i32
    %select_n3A_221 = arith.select %and3A_218, %sub3A_220, %div3A_199 : i32
    %mul3A_222 = arith.constant 48 : i32
    %mul3A_223 = arith.muli %select_n3A_221, %mul3A_222 : i32
    %sub3A_224 = arith.subi %add3A_197, %mul3A_223 : i32
    %jit3A_225 = arith.constant 3 : i32
    %div3A_226 = arith.divsi %sub3A_224, %jit3A_225 : i32
    %sign3A_227 = arith.constant 0 : i32
    %sign3A_228 = arith.cmpi sgt, %sub3A_224, %sign3A_227 : i32
    %sign3A_229 = arith.extui %sign3A_228 : i1 to i32
    %sign3A_230 = arith.constant 0 : i32
    %sign3A_231 = arith.cmpi slt, %sub3A_224, %sign3A_230 : i32
    %sign3A_232 = arith.extui %sign3A_231 : i1 to i32
    %sign3A_233 = arith.subi %sign3A_229, %sign3A_232 : i32
    %sign3A_234 = arith.constant 0 : i32
    %sign3A_235 = arith.cmpi sgt, %jit3A_225, %sign3A_234 : i32
    %sign3A_236 = arith.extui %sign3A_235 : i1 to i32
    %sign3A_237 = arith.constant 0 : i32
    %sign3A_238 = arith.cmpi slt, %jit3A_225, %sign3A_237 : i32
    %sign3A_239 = arith.extui %sign3A_238 : i1 to i32
    %sign3A_240 = arith.subi %sign3A_236, %sign3A_239 : i32
    %ne3A_241 = arith.cmpi ne, %sign3A_233, %sign3A_240 : i32
    %rem3A_242 = arith.remsi %sub3A_224, %jit3A_225 : i32
    %ne3A_243 = arith.constant 0 : i32
    %ne3A_244 = arith.cmpi ne, %rem3A_242, %ne3A_243 : i32
    %and3A_245 = arith.andi %ne3A_241, %ne3A_244 : i1
    %sub3A_246 = arith.constant 1 : i32
    %sub3A_247 = arith.subi %div3A_226, %sub3A_246 : i32
    %select_n3A_248 = arith.select %and3A_245, %sub3A_247, %div3A_226 : i32
    %mul3A_249 = arith.constant 3 : i32
    %mul3A_250 = arith.muli %select_n3A_248, %mul3A_249 : i32
    %sub3A_251 = arith.subi %sub3A_224, %mul3A_250 : i32
    %mul3A_252 = arith.constant 36 : i32
    %mul3A_253 = arith.muli %arg0, %mul3A_252 : i32
    %add3A_254 = arith.addi %mul3A_253, %select_n3A_221 : i32
    %mul3A_255 = arith.constant 8 : i32
    %mul3A_256 = arith.muli %mul3A_255, %select_n3A_248 : i32
    %mul3A_257 = arith.constant 8 : i32
    %mul3A_258 = arith.muli %mul3A_257, %add3A_254 : i32
    %mul3A_259 = arith.constant 256 : i32
    %mul3A_260 = arith.muli %mul3A_259, %sub3A_251 : i32
    %dma_start3A_261 = arith.constant 1 : i32
    %dma_start3A_262 = arith.constant 1 : i32
    %dma_start3A_263 = arith.constant 0 : i32
    %dma_start3A_264 = arith.constant 0 : i32
    %dma_start3A_265 = arith.constant 0 : i32
    %dma_start3A_266 = tpu.memref_slice %arg8[%dma_start3A_261, %dma_start3A_263, %dma_start3A_264, %dma_start3A_265] : memref<4x8x8x256xf32, #tpu.memory_space<vmem>> -> memref<1x8x8x256xf32, #tpu.memory_space<vmem>>
    %dma_start3A_267 = tpu.memref_squeeze %dma_start3A_266 : memref<1x8x8x256xf32, #tpu.memory_space<vmem>> -> memref<8x8x256xf32, #tpu.memory_space<vmem>>
    %dma_start3A_268 = tpu.memref_slice %arg2[%mul3A_256, %mul3A_258, %mul3A_260] : memref<128x576x768xf32, #tpu.memory_space<hbm>> -> memref<8x8x256xf32, #tpu.memory_space<hbm>>
    %dma_start3A_269 = tpu.memref_slice %arg12[%dma_start3A_262] : memref<4x!tpu.dma_semaphore, #tpu.memory_space<semaphore_mem>> -> memref<1x!tpu.dma_semaphore, #tpu.memory_space<semaphore_mem>>
    %dma_start3A_270 = tpu.memref_squeeze %dma_start3A_269 : memref<1x!tpu.dma_semaphore, #tpu.memory_space<semaphore_mem>> -> memref<!tpu.dma_semaphore, #tpu.memory_space<semaphore_mem>>
    %dma_start3A_271 = arith.constant 0 : i32
    %dma_start3A_272 = arith.constant 0 : i32
    %dma_start3A_273 = arith.constant 0 : i32
    %dma_start3A_274 = tpu.memref_slice %arg8[%dma_start3A_261, %dma_start3A_271, %dma_start3A_272, %dma_start3A_273] : memref<4x8x8x256xf32, #tpu.memory_space<vmem>> -> memref<1x8x8x256xf32, #tpu.memory_space<vmem>>
    %dma_start3A_275 = tpu.memref_squeeze %dma_start3A_274 : memref<1x8x8x256xf32, #tpu.memory_space<vmem>> -> memref<8x8x256xf32, #tpu.memory_space<vmem>>
    %dma_start3A_276 = tpu.memref_slice %arg2[%mul3A_256, %mul3A_258, %mul3A_260] : memref<128x576x768xf32, #tpu.memory_space<hbm>> -> memref<8x8x256xf32, #tpu.memory_space<hbm>>
    tpu.enqueue_dma source(%dma_start3A_276 : memref<8x8x256xf32, #tpu.memory_space<hbm>>) target(%dma_start3A_275 : memref<8x8x256xf32, #tpu.memory_space<vmem>>) target_semaphore(%dma_start3A_270 : memref<!tpu.dma_semaphore, #tpu.memory_space<semaphore_mem>>)
    %add3A_277 = arith.constant 16 : i32
    %add3A_278 = arith.addi %arg1, %add3A_277 : i32
    %jit3A_279 = arith.constant 48 : i32
    %div3A_280 = arith.divsi %add3A_278, %jit3A_279 : i32
    %sign3A_281 = arith.constant 0 : i32
    %sign3A_282 = arith.cmpi sgt, %add3A_278, %sign3A_281 : i32
    %sign3A_283 = arith.extui %sign3A_282 : i1 to i32
    %sign3A_284 = arith.constant 0 : i32
    %sign3A_285 = arith.cmpi slt, %add3A_278, %sign3A_284 : i32
    %sign3A_286 = arith.extui %sign3A_285 : i1 to i32
    %sign3A_287 = arith.subi %sign3A_283, %sign3A_286 : i32
    %sign3A_288 = arith.constant 0 : i32
    %sign3A_289 = arith.cmpi sgt, %jit3A_279, %sign3A_288 : i32
    %sign3A_290 = arith.extui %sign3A_289 : i1 to i32
    %sign3A_291 = arith.constant 0 : i32
    %sign3A_292 = arith.cmpi slt, %jit3A_279, %sign3A_291 : i32
    %sign3A_293 = arith.extui %sign3A_292 : i1 to i32
    %sign3A_294 = arith.subi %sign3A_290, %sign3A_293 : i32
    %ne3A_295 = arith.cmpi ne, %sign3A_287, %sign3A_294 : i32
    %rem3A_296 = arith.remsi %add3A_278, %jit3A_279 : i32
    %ne3A_297 = arith.constant 0 : i32
    %ne3A_298 = arith.cmpi ne, %rem3A_296, %ne3A_297 : i32
    %and3A_299 = arith.andi %ne3A_295, %ne3A_298 : i1
    %sub3A_300 = arith.constant 1 : i32
    %sub3A_301 = arith.subi %div3A_280, %sub3A_300 : i32
    %select_n3A_302 = arith.select %and3A_299, %sub3A_301, %div3A_280 : i32
    %mul3A_303 = arith.constant 48 : i32
    %mul3A_304 = arith.muli %select_n3A_302, %mul3A_303 : i32
    %sub3A_305 = arith.subi %add3A_278, %mul3A_304 : i32
    %jit3A_306 = arith.constant 3 : i32
    %div3A_307 = arith.divsi %sub3A_305, %jit3A_306 : i32
    %sign3A_308 = arith.constant 0 : i32
    %sign3A_309 = arith.cmpi sgt, %sub3A_305, %sign3A_308 : i32
    %sign3A_310 = arith.extui %sign3A_309 : i1 to i32
    %sign3A_311 = arith.constant 0 : i32
    %sign3A_312 = arith.cmpi slt, %sub3A_305, %sign3A_311 : i32
    %sign3A_313 = arith.extui %sign3A_312 : i1 to i32
    %sign3A_314 = arith.subi %sign3A_310, %sign3A_313 : i32
    %sign3A_315 = arith.constant 0 : i32
    %sign3A_316 = arith.cmpi sgt, %jit3A_306, %sign3A_315 : i32
    %sign3A_317 = arith.extui %sign3A_316 : i1 to i32
    %sign3A_318 = arith.constant 0 : i32
    %sign3A_319 = arith.cmpi slt, %jit3A_306, %sign3A_318 : i32
    %sign3A_320 = arith.extui %sign3A_319 : i1 to i32
    %sign3A_321 = arith.subi %sign3A_317, %sign3A_320 : i32
    %ne3A_322 = arith.cmpi ne, %sign3A_314, %sign3A_321 : i32
    %rem3A_323 = arith.remsi %sub3A_305, %jit3A_306 : i32
    %ne3A_324 = arith.constant 0 : i32
    %ne3A_325 = arith.cmpi ne, %rem3A_323, %ne3A_324 : i32
    %and3A_326 = arith.andi %ne3A_322, %ne3A_325 : i1
    %sub3A_327 = arith.constant 1 : i32
    %sub3A_328 = arith.subi %div3A_307, %sub3A_327 : i32
    %select_n3A_329 = arith.select %and3A_326, %sub3A_328, %div3A_307 : i32
    %mul3A_330 = arith.constant 3 : i32
    %mul3A_331 = arith.muli %select_n3A_329, %mul3A_330 : i32
    %sub3A_332 = arith.subi %sub3A_305, %mul3A_331 : i32
    %mul3A_333 = arith.constant 36 : i32
    %mul3A_334 = arith.muli %arg0, %mul3A_333 : i32
    %add3A_335 = arith.addi %mul3A_334, %select_n3A_302 : i32
    %mul3A_336 = arith.constant 8 : i32
    %mul3A_337 = arith.muli %mul3A_336, %select_n3A_302 : i32
    %mul3A_338 = arith.constant 256 : i32
    %mul3A_339 = arith.muli %mul3A_338, %sub3A_332 : i32
    %dma_start3A_340 = arith.constant 1 : i32
    %dma_start3A_341 = arith.constant 1 : i32
    %dma_start3A_342 = arith.constant 0 : i32
    %dma_start3A_343 = arith.constant 0 : i32
    %dma_start3A_344 = tpu.memref_slice %arg9[%dma_start3A_340, %dma_start3A_342, %dma_start3A_343] : memref<4x8x256xf32, #tpu.memory_space<vmem>> -> memref<1x8x256xf32, #tpu.memory_space<vmem>>
    %dma_start3A_345 = tpu.memref_squeeze %dma_start3A_344 : memref<1x8x256xf32, #tpu.memory_space<vmem>> -> memref<8x256xf32, #tpu.memory_space<vmem>>
    %dma_start3A_346 = tpu.memref_slice %arg11[%mul3A_337, %mul3A_339] : memref<288x768xf32, #tpu.memory_space<vmem_shared>> -> memref<8x256xf32, #tpu.memory_space<vmem_shared>>
    %dma_start3A_347 = tpu.memref_slice %arg13[%dma_start3A_341] : memref<4x!tpu.dma_semaphore, #tpu.memory_space<semaphore_mem>> -> memref<1x!tpu.dma_semaphore, #tpu.memory_space<semaphore_mem>>
    %dma_start3A_348 = tpu.memref_squeeze %dma_start3A_347 : memref<1x!tpu.dma_semaphore, #tpu.memory_space<semaphore_mem>> -> memref<!tpu.dma_semaphore, #tpu.memory_space<semaphore_mem>>
    %dma_start3A_349 = arith.constant 0 : i32
    %dma_start3A_350 = arith.constant 0 : i32
    %dma_start3A_351 = tpu.memref_slice %arg9[%dma_start3A_340, %dma_start3A_349, %dma_start3A_350] : memref<4x8x256xf32, #tpu.memory_space<vmem>> -> memref<1x8x256xf32, #tpu.memory_space<vmem>>
    %dma_start3A_352 = tpu.memref_squeeze %dma_start3A_351 : memref<1x8x256xf32, #tpu.memory_space<vmem>> -> memref<8x256xf32, #tpu.memory_space<vmem>>
    %dma_start3A_353 = tpu.memref_slice %arg11[%mul3A_337, %mul3A_339] : memref<288x768xf32, #tpu.memory_space<vmem_shared>> -> memref<8x256xf32, #tpu.memory_space<vmem_shared>>
    tpu.enqueue_dma source(%dma_start3A_353 : memref<8x256xf32, #tpu.memory_space<vmem_shared>>) target(%dma_start3A_352 : memref<8x256xf32, #tpu.memory_space<vmem>>) target_semaphore(%dma_start3A_348 : memref<!tpu.dma_semaphore, #tpu.memory_space<semaphore_mem>>)
    %add3A_354 = arith.constant 32 : i32
    %add3A_355 = arith.addi %arg1, %add3A_354 : i32
    %jit3A_356 = arith.constant 48 : i32
    %div3A_357 = arith.divsi %add3A_355, %jit3A_356 : i32
    %sign3A_358 = arith.constant 0 : i32
    %sign3A_359 = arith.cmpi sgt, %add3A_355, %sign3A_358 : i32
    %sign3A_360 = arith.extui %sign3A_359 : i1 to i32
    %sign3A_361 = arith.constant 0 : i32
    %sign3A_362 = arith.cmpi slt, %add3A_355, %sign3A_361 : i32
    %sign3A_363 = arith.extui %sign3A_362 : i1 to i32
    %sign3A_364 = arith.subi %sign3A_360, %sign3A_363 : i32
    %sign3A_365 = arith.constant 0 : i32
    %sign3A_366 = arith.cmpi sgt, %jit3A_356, %sign3A_365 : i32
    %sign3A_367 = arith.extui %sign3A_366 : i1 to i32
    %sign3A_368 = arith.constant 0 : i32
    %sign3A_369 = arith.cmpi slt, %jit3A_356, %sign3A_368 : i32
    %sign3A_370 = arith.extui %sign3A_369 : i1 to i32
    %sign3A_371 = arith.subi %sign3A_367, %sign3A_370 : i32
    %ne3A_372 = arith.cmpi ne, %sign3A_364, %sign3A_371 : i32
    %rem3A_373 = arith.remsi %add3A_355, %jit3A_356 : i32
    %ne3A_374 = arith.constant 0 : i32
    %ne3A_375 = arith.cmpi ne, %rem3A_373, %ne3A_374 : i32
    %and3A_376 = arith.andi %ne3A_372, %ne3A_375 : i1
    %sub3A_377 = arith.constant 1 : i32
    %sub3A_378 = arith.subi %div3A_357, %sub3A_377 : i32
    %select_n3A_379 = arith.select %and3A_376, %sub3A_378, %div3A_357 : i32
    %mul3A_380 = arith.constant 48 : i32
    %mul3A_381 = arith.muli %select_n3A_379, %mul3A_380 : i32
    %sub3A_382 = arith.subi %add3A_355, %mul3A_381 : i32
    %jit3A_383 = arith.constant 3 : i32
    %div3A_384 = arith.divsi %sub3A_382, %jit3A_383 : i32
    %sign3A_385 = arith.constant 0 : i32
    %sign3A_386 = arith.cmpi sgt, %sub3A_382, %sign3A_385 : i32
    %sign3A_387 = arith.extui %sign3A_386 : i1 to i32
    %sign3A_388 = arith.constant 0 : i32
    %sign3A_389 = arith.cmpi slt, %sub3A_382, %sign3A_388 : i32
    %sign3A_390 = arith.extui %sign3A_389 : i1 to i32
    %sign3A_391 = arith.subi %sign3A_387, %sign3A_390 : i32
    %sign3A_392 = arith.constant 0 : i32
    %sign3A_393 = arith.cmpi sgt, %jit3A_383, %sign3A_392 : i32
    %sign3A_394 = arith.extui %sign3A_393 : i1 to i32
    %sign3A_395 = arith.constant 0 : i32
    %sign3A_396 = arith.cmpi slt, %jit3A_383, %sign3A_395 : i32
    %sign3A_397 = arith.extui %sign3A_396 : i1 to i32
    %sign3A_398 = arith.subi %sign3A_394, %sign3A_397 : i32
    %ne3A_399 = arith.cmpi ne, %sign3A_391, %sign3A_398 : i32
    %rem3A_400 = arith.remsi %sub3A_382, %jit3A_383 : i32
    %ne3A_401 = arith.constant 0 : i32
    %ne3A_402 = arith.cmpi ne, %rem3A_400, %ne3A_401 : i32
    %and3A_403 = arith.andi %ne3A_399, %ne3A_402 : i1
    %sub3A_404 = arith.constant 1 : i32
    %sub3A_405 = arith.subi %div3A_384, %sub3A_404 : i32
    %select_n3A_406 = arith.select %and3A_403, %sub3A_405, %div3A_384 : i32
    %mul3A_407 = arith.constant 3 : i32
    %mul3A_408 = arith.muli %select_n3A_406, %mul3A_407 : i32
    %sub3A_409 = arith.subi %sub3A_382, %mul3A_408 : i32
    %mul3A_410 = arith.constant 36 : i32
    %mul3A_411 = arith.muli %arg0, %mul3A_410 : i32
    %add3A_412 = arith.addi %mul3A_411, %select_n3A_379 : i32
    %mul3A_413 = arith.constant 8 : i32
    %mul3A_414 = arith.muli %mul3A_413, %select_n3A_406 : i32
    %mul3A_415 = arith.constant 8 : i32
    %mul3A_416 = arith.muli %mul3A_415, %add3A_412 : i32
    %mul3A_417 = arith.constant 256 : i32
    %mul3A_418 = arith.muli %mul3A_417, %sub3A_409 : i32
    %dma_start3A_419 = arith.constant 2 : i32
    %dma_start3A_420 = arith.constant 2 : i32
    %dma_start3A_421 = arith.constant 0 : i32
    %dma_start3A_422 = arith.constant 0 : i32
    %dma_start3A_423 = arith.constant 0 : i32
    %dma_start3A_424 = tpu.memref_slice %arg8[%dma_start3A_419, %dma_start3A_421, %dma_start3A_422, %dma_start3A_423] : memref<4x8x8x256xf32, #tpu.memory_space<vmem>> -> memref<1x8x8x256xf32, #tpu.memory_space<vmem>>
    %dma_start3A_425 = tpu.memref_squeeze %dma_start3A_424 : memref<1x8x8x256xf32, #tpu.memory_space<vmem>> -> memref<8x8x256xf32, #tpu.memory_space<vmem>>
    %dma_start3A_426 = tpu.memref_slice %arg2[%mul3A_414, %mul3A_416, %mul3A_418] : memref<128x576x768xf32, #tpu.memory_space<hbm>> -> memref<8x8x256xf32, #tpu.memory_space<hbm>>
    %dma_start3A_427 = tpu.memref_slice %arg12[%dma_start3A_420] : memref<4x!tpu.dma_semaphore, #tpu.memory_space<semaphore_mem>> -> memref<1x!tpu.dma_semaphore, #tpu.memory_space<semaphore_mem>>
    %dma_start3A_428 = tpu.memref_squeeze %dma_start3A_427 : memref<1x!tpu.dma_semaphore, #tpu.memory_space<semaphore_mem>> -> memref<!tpu.dma_semaphore, #tpu.memory_space<semaphore_mem>>
    %dma_start3A_429 = arith.constant 0 : i32
    %dma_start3A_430 = arith.constant 0 : i32
    %dma_start3A_431 = arith.constant 0 : i32
    %dma_start3A_432 = tpu.memref_slice %arg8[%dma_start3A_419, %dma_start3A_429, %dma_start3A_430, %dma_start3A_431] : memref<4x8x8x256xf32, #tpu.memory_space<vmem>> -> memref<1x8x8x256xf32, #tpu.memory_space<vmem>>
    %dma_start3A_433 = tpu.memref_squeeze %dma_start3A_432 : memref<1x8x8x256xf32, #tpu.memory_space<vmem>> -> memref<8x8x256xf32, #tpu.memory_space<vmem>>
    %dma_start3A_434 = tpu.memref_slice %arg2[%mul3A_414, %mul3A_416, %mul3A_418] : memref<128x576x768xf32, #tpu.memory_space<hbm>> -> memref<8x8x256xf32, #tpu.memory_space<hbm>>
    tpu.enqueue_dma source(%dma_start3A_434 : memref<8x8x256xf32, #tpu.memory_space<hbm>>) target(%dma_start3A_433 : memref<8x8x256xf32, #tpu.memory_space<vmem>>) target_semaphore(%dma_start3A_428 : memref<!tpu.dma_semaphore, #tpu.memory_space<semaphore_mem>>)
    %add3A_435 = arith.constant 32 : i32
    %add3A_436 = arith.addi %arg1, %add3A_435 : i32
    %jit3A_437 = arith.constant 48 : i32
    %div3A_438 = arith.divsi %add3A_436, %jit3A_437 : i32
    %sign3A_439 = arith.constant 0 : i32
    %sign3A_440 = arith.cmpi sgt, %add3A_436, %sign3A_439 : i32
    %sign3A_441 = arith.extui %sign3A_440 : i1 to i32
    %sign3A_442 = arith.constant 0 : i32
    %sign3A_443 = arith.cmpi slt, %add3A_436, %sign3A_442 : i32
    %sign3A_444 = arith.extui %sign3A_443 : i1 to i32
    %sign3A_445 = arith.subi %sign3A_441, %sign3A_444 : i32
    %sign3A_446 = arith.constant 0 : i32
    %sign3A_447 = arith.cmpi sgt, %jit3A_437, %sign3A_446 : i32
    %sign3A_448 = arith.extui %sign3A_447 : i1 to i32
    %sign3A_449 = arith.constant 0 : i32
    %sign3A_450 = arith.cmpi slt, %jit3A_437, %sign3A_449 : i32
    %sign3A_451 = arith.extui %sign3A_450 : i1 to i32
    %sign3A_452 = arith.subi %sign3A_448, %sign3A_451 : i32
    %ne3A_453 = arith.cmpi ne, %sign3A_445, %sign3A_452 : i32
    %rem3A_454 = arith.remsi %add3A_436, %jit3A_437 : i32
    %ne3A_455 = arith.constant 0 : i32
    %ne3A_456 = arith.cmpi ne, %rem3A_454, %ne3A_455 : i32
    %and3A_457 = arith.andi %ne3A_453, %ne3A_456 : i1
    %sub3A_458 = arith.constant 1 : i32
    %sub3A_459 = arith.subi %div3A_438, %sub3A_458 : i32
    %select_n3A_460 = arith.select %and3A_457, %sub3A_459, %div3A_438 : i32
    %mul3A_461 = arith.constant 48 : i32
    %mul3A_462 = arith.muli %select_n3A_460, %mul3A_461 : i32
    %sub3A_463 = arith.subi %add3A_436, %mul3A_462 : i32
    %jit3A_464 = arith.constant 3 : i32
    %div3A_465 = arith.divsi %sub3A_463, %jit3A_464 : i32
    %sign3A_466 = arith.constant 0 : i32
    %sign3A_467 = arith.cmpi sgt, %sub3A_463, %sign3A_466 : i32
    %sign3A_468 = arith.extui %sign3A_467 : i1 to i32
    %sign3A_469 = arith.constant 0 : i32
    %sign3A_470 = arith.cmpi slt, %sub3A_463, %sign3A_469 : i32
    %sign3A_471 = arith.extui %sign3A_470 : i1 to i32
    %sign3A_472 = arith.subi %sign3A_468, %sign3A_471 : i32
    %sign3A_473 = arith.constant 0 : i32
    %sign3A_474 = arith.cmpi sgt, %jit3A_464, %sign3A_473 : i32
    %sign3A_475 = arith.extui %sign3A_474 : i1 to i32
    %sign3A_476 = arith.constant 0 : i32
    %sign3A_477 = arith.cmpi slt, %jit3A_464, %sign3A_476 : i32
    %sign3A_478 = arith.extui %sign3A_477 : i1 to i32
    %sign3A_479 = arith.subi %sign3A_475, %sign3A_478 : i32
    %ne3A_480 = arith.cmpi ne, %sign3A_472, %sign3A_479 : i32
    %rem3A_481 = arith.remsi %sub3A_463, %jit3A_464 : i32
    %ne3A_482 = arith.constant 0 : i32
    %ne3A_483 = arith.cmpi ne, %rem3A_481, %ne3A_482 : i32
    %and3A_484 = arith.andi %ne3A_480, %ne3A_483 : i1
    %sub3A_485 = arith.constant 1 : i32
    %sub3A_486 = arith.subi %div3A_465, %sub3A_485 : i32
    %select_n3A_487 = arith.select %and3A_484, %sub3A_486, %div3A_465 : i32
    %mul3A_488 = arith.constant 3 : i32
    %mul3A_489 = arith.muli %select_n3A_487, %mul3A_488 : i32
    %sub3A_490 = arith.subi %sub3A_463, %mul3A_489 : i32
    %mul3A_491 = arith.constant 36 : i32
    %mul3A_492 = arith.muli %arg0, %mul3A_491 : i32
    %add3A_493 = arith.addi %mul3A_492, %select_n3A_460 : i32
    %mul3A_494 = arith.constant 8 : i32
    %mul3A_495 = arith.muli %mul3A_494, %select_n3A_460 : i32
    %mul3A_496 = arith.constant 256 : i32
    %mul3A_497 = arith.muli %mul3A_496, %sub3A_490 : i32
    %dma_start3A_498 = arith.constant 2 : i32
    %dma_start3A_499 = arith.constant 2 : i32
    %dma_start3A_500 = arith.constant 0 : i32
    %dma_start3A_501 = arith.constant 0 : i32
    %dma_start3A_502 = tpu.memref_slice %arg9[%dma_start3A_498, %dma_start3A_500, %dma_start3A_501] : memref<4x8x256xf32, #tpu.memory_space<vmem>> -> memref<1x8x256xf32, #tpu.memory_space<vmem>>
    %dma_start3A_503 = tpu.memref_squeeze %dma_start3A_502 : memref<1x8x256xf32, #tpu.memory_space<vmem>> -> memref<8x256xf32, #tpu.memory_space<vmem>>
    %dma_start3A_504 = tpu.memref_slice %arg11[%mul3A_495, %mul3A_497] : memref<288x768xf32, #tpu.memory_space<vmem_shared>> -> memref<8x256xf32, #tpu.memory_space<vmem_shared>>
    %dma_start3A_505 = tpu.memref_slice %arg13[%dma_start3A_499] : memref<4x!tpu.dma_semaphore, #tpu.memory_space<semaphore_mem>> -> memref<1x!tpu.dma_semaphore, #tpu.memory_space<semaphore_mem>>
    %dma_start3A_506 = tpu.memref_squeeze %dma_start3A_505 : memref<1x!tpu.dma_semaphore, #tpu.memory_space<semaphore_mem>> -> memref<!tpu.dma_semaphore, #tpu.memory_space<semaphore_mem>>
    %dma_start3A_507 = arith.constant 0 : i32
    %dma_start3A_508 = arith.constant 0 : i32
    %dma_start3A_509 = tpu.memref_slice %arg9[%dma_start3A_498, %dma_start3A_507, %dma_start3A_508] : memref<4x8x256xf32, #tpu.memory_space<vmem>> -> memref<1x8x256xf32, #tpu.memory_space<vmem>>
    %dma_start3A_510 = tpu.memref_squeeze %dma_start3A_509 : memref<1x8x256xf32, #tpu.memory_space<vmem>> -> memref<8x256xf32, #tpu.memory_space<vmem>>
    %dma_start3A_511 = tpu.memref_slice %arg11[%mul3A_495, %mul3A_497] : memref<288x768xf32, #tpu.memory_space<vmem_shared>> -> memref<8x256xf32, #tpu.memory_space<vmem_shared>>
    tpu.enqueue_dma source(%dma_start3A_511 : memref<8x256xf32, #tpu.memory_space<vmem_shared>>) target(%dma_start3A_510 : memref<8x256xf32, #tpu.memory_space<vmem>>) target_semaphore(%dma_start3A_506 : memref<!tpu.dma_semaphore, #tpu.memory_space<semaphore_mem>>)
    %add3A_512 = arith.constant 48 : i32
    %add3A_513 = arith.addi %arg1, %add3A_512 : i32
    %jit3A_514 = arith.constant 48 : i32
    %div3A_515 = arith.divsi %add3A_513, %jit3A_514 : i32
    %sign3A_516 = arith.constant 0 : i32
    %sign3A_517 = arith.cmpi sgt, %add3A_513, %sign3A_516 : i32
    %sign3A_518 = arith.extui %sign3A_517 : i1 to i32
    %sign3A_519 = arith.constant 0 : i32
    %sign3A_520 = arith.cmpi slt, %add3A_513, %sign3A_519 : i32
    %sign3A_521 = arith.extui %sign3A_520 : i1 to i32
    %sign3A_522 = arith.subi %sign3A_518, %sign3A_521 : i32
    %sign3A_523 = arith.constant 0 : i32
    %sign3A_524 = arith.cmpi sgt, %jit3A_514, %sign3A_523 : i32
    %sign3A_525 = arith.extui %sign3A_524 : i1 to i32
    %sign3A_526 = arith.constant 0 : i32
    %sign3A_527 = arith.cmpi slt, %jit3A_514, %sign3A_526 : i32
    %sign3A_528 = arith.extui %sign3A_527 : i1 to i32
    %sign3A_529 = arith.subi %sign3A_525, %sign3A_528 : i32
    %ne3A_530 = arith.cmpi ne, %sign3A_522, %sign3A_529 : i32
    %rem3A_531 = arith.remsi %add3A_513, %jit3A_514 : i32
    %ne3A_532 = arith.constant 0 : i32
    %ne3A_533 = arith.cmpi ne, %rem3A_531, %ne3A_532 : i32
    %and3A_534 = arith.andi %ne3A_530, %ne3A_533 : i1
    %sub3A_535 = arith.constant 1 : i32
    %sub3A_536 = arith.subi %div3A_515, %sub3A_535 : i32
    %select_n3A_537 = arith.select %and3A_534, %sub3A_536, %div3A_515 : i32
    %mul3A_538 = arith.constant 48 : i32
    %mul3A_539 = arith.muli %select_n3A_537, %mul3A_538 : i32
    %sub3A_540 = arith.subi %add3A_513, %mul3A_539 : i32
    %jit3A_541 = arith.constant 3 : i32
    %div3A_542 = arith.divsi %sub3A_540, %jit3A_541 : i32
    %sign3A_543 = arith.constant 0 : i32
    %sign3A_544 = arith.cmpi sgt, %sub3A_540, %sign3A_543 : i32
    %sign3A_545 = arith.extui %sign3A_544 : i1 to i32
    %sign3A_546 = arith.constant 0 : i32
    %sign3A_547 = arith.cmpi slt, %sub3A_540, %sign3A_546 : i32
    %sign3A_548 = arith.extui %sign3A_547 : i1 to i32
    %sign3A_549 = arith.subi %sign3A_545, %sign3A_548 : i32
    %sign3A_550 = arith.constant 0 : i32
    %sign3A_551 = arith.cmpi sgt, %jit3A_541, %sign3A_550 : i32
    %sign3A_552 = arith.extui %sign3A_551 : i1 to i32
    %sign3A_553 = arith.constant 0 : i32
    %sign3A_554 = arith.cmpi slt, %jit3A_541, %sign3A_553 : i32
    %sign3A_555 = arith.extui %sign3A_554 : i1 to i32
    %sign3A_556 = arith.subi %sign3A_552, %sign3A_555 : i32
    %ne3A_557 = arith.cmpi ne, %sign3A_549, %sign3A_556 : i32
    %rem3A_558 = arith.remsi %sub3A_540, %jit3A_541 : i32
    %ne3A_559 = arith.constant 0 : i32
    %ne3A_560 = arith.cmpi ne, %rem3A_558, %ne3A_559 : i32
    %and3A_561 = arith.andi %ne3A_557, %ne3A_560 : i1
    %sub3A_562 = arith.constant 1 : i32
    %sub3A_563 = arith.subi %div3A_542, %sub3A_562 : i32
    %select_n3A_564 = arith.select %and3A_561, %sub3A_563, %div3A_542 : i32
    %mul3A_565 = arith.constant 3 : i32
    %mul3A_566 = arith.muli %select_n3A_564, %mul3A_565 : i32
    %sub3A_567 = arith.subi %sub3A_540, %mul3A_566 : i32
    %mul3A_568 = arith.constant 36 : i32
    %mul3A_569 = arith.muli %arg0, %mul3A_568 : i32
    %add3A_570 = arith.addi %mul3A_569, %select_n3A_537 : i32
    %mul3A_571 = arith.constant 8 : i32
    %mul3A_572 = arith.muli %mul3A_571, %select_n3A_564 : i32
    %mul3A_573 = arith.constant 8 : i32
    %mul3A_574 = arith.muli %mul3A_573, %add3A_570 : i32
    %mul3A_575 = arith.constant 256 : i32
    %mul3A_576 = arith.muli %mul3A_575, %sub3A_567 : i32
    %dma_start3A_577 = arith.constant 3 : i32
    %dma_start3A_578 = arith.constant 3 : i32
    %dma_start3A_579 = arith.constant 0 : i32
    %dma_start3A_580 = arith.constant 0 : i32
    %dma_start3A_581 = arith.constant 0 : i32
    %dma_start3A_582 = tpu.memref_slice %arg8[%dma_start3A_577, %dma_start3A_579, %dma_start3A_580, %dma_start3A_581] : memref<4x8x8x256xf32, #tpu.memory_space<vmem>> -> memref<1x8x8x256xf32, #tpu.memory_space<vmem>>
    %dma_start3A_583 = tpu.memref_squeeze %dma_start3A_582 : memref<1x8x8x256xf32, #tpu.memory_space<vmem>> -> memref<8x8x256xf32, #tpu.memory_space<vmem>>
    %dma_start3A_584 = tpu.memref_slice %arg2[%mul3A_572, %mul3A_574, %mul3A_576] : memref<128x576x768xf32, #tpu.memory_space<hbm>> -> memref<8x8x256xf32, #tpu.memory_space<hbm>>
    %dma_start3A_585 = tpu.memref_slice %arg12[%dma_start3A_578] : memref<4x!tpu.dma_semaphore, #tpu.memory_space<semaphore_mem>> -> memref<1x!tpu.dma_semaphore, #tpu.memory_space<semaphore_mem>>
    %dma_start3A_586 = tpu.memref_squeeze %dma_start3A_585 : memref<1x!tpu.dma_semaphore, #tpu.memory_space<semaphore_mem>> -> memref<!tpu.dma_semaphore, #tpu.memory_space<semaphore_mem>>
    %dma_start3A_587 = arith.constant 0 : i32
    %dma_start3A_588 = arith.constant 0 : i32
    %dma_start3A_589 = arith.constant 0 : i32
    %dma_start3A_590 = tpu.memref_slice %arg8[%dma_start3A_577, %dma_start3A_587, %dma_start3A_588, %dma_start3A_589] : memref<4x8x8x256xf32, #tpu.memory_space<vmem>> -> memref<1x8x8x256xf32, #tpu.memory_space<vmem>>
    %dma_start3A_591 = tpu.memref_squeeze %dma_start3A_590 : memref<1x8x8x256xf32, #tpu.memory_space<vmem>> -> memref<8x8x256xf32, #tpu.memory_space<vmem>>
    %dma_start3A_592 = tpu.memref_slice %arg2[%mul3A_572, %mul3A_574, %mul3A_576] : memref<128x576x768xf32, #tpu.memory_space<hbm>> -> memref<8x8x256xf32, #tpu.memory_space<hbm>>
    tpu.enqueue_dma source(%dma_start3A_592 : memref<8x8x256xf32, #tpu.memory_space<hbm>>) target(%dma_start3A_591 : memref<8x8x256xf32, #tpu.memory_space<vmem>>) target_semaphore(%dma_start3A_586 : memref<!tpu.dma_semaphore, #tpu.memory_space<semaphore_mem>>)
    %add3A_593 = arith.constant 48 : i32
    %add3A_594 = arith.addi %arg1, %add3A_593 : i32
    %jit3A_595 = arith.constant 48 : i32
    %div3A_596 = arith.divsi %add3A_594, %jit3A_595 : i32
    %sign3A_597 = arith.constant 0 : i32
    %sign3A_598 = arith.cmpi sgt, %add3A_594, %sign3A_597 : i32
    %sign3A_599 = arith.extui %sign3A_598 : i1 to i32
    %sign3A_600 = arith.constant 0 : i32
    %sign3A_601 = arith.cmpi slt, %add3A_594, %sign3A_600 : i32
    %sign3A_602 = arith.extui %sign3A_601 : i1 to i32
    %sign3A_603 = arith.subi %sign3A_599, %sign3A_602 : i32
    %sign3A_604 = arith.constant 0 : i32
    %sign3A_605 = arith.cmpi sgt, %jit3A_595, %sign3A_604 : i32
    %sign3A_606 = arith.extui %sign3A_605 : i1 to i32
    %sign3A_607 = arith.constant 0 : i32
    %sign3A_608 = arith.cmpi slt, %jit3A_595, %sign3A_607 : i32
    %sign3A_609 = arith.extui %sign3A_608 : i1 to i32
    %sign3A_610 = arith.subi %sign3A_606, %sign3A_609 : i32
    %ne3A_611 = arith.cmpi ne, %sign3A_603, %sign3A_610 : i32
    %rem3A_612 = arith.remsi %add3A_594, %jit3A_595 : i32
    %ne3A_613 = arith.constant 0 : i32
    %ne3A_614 = arith.cmpi ne, %rem3A_612, %ne3A_613 : i32
    %and3A_615 = arith.andi %ne3A_611, %ne3A_614 : i1
    %sub3A_616 = arith.constant 1 : i32
    %sub3A_617 = arith.subi %div3A_596, %sub3A_616 : i32
    %select_n3A_618 = arith.select %and3A_615, %sub3A_617, %div3A_596 : i32
    %mul3A_619 = arith.constant 48 : i32
    %mul3A_620 = arith.muli %select_n3A_618, %mul3A_619 : i32
    %sub3A_621 = arith.subi %add3A_594, %mul3A_620 : i32
    %jit3A_622 = arith.constant 3 : i32
    %div3A_623 = arith.divsi %sub3A_621, %jit3A_622 : i32
    %sign3A_624 = arith.constant 0 : i32
    %sign3A_625 = arith.cmpi sgt, %sub3A_621, %sign3A_624 : i32
    %sign3A_626 = arith.extui %sign3A_625 : i1 to i32
    %sign3A_627 = arith.constant 0 : i32
    %sign3A_628 = arith.cmpi slt, %sub3A_621, %sign3A_627 : i32
    %sign3A_629 = arith.extui %sign3A_628 : i1 to i32
    %sign3A_630 = arith.subi %sign3A_626, %sign3A_629 : i32
    %sign3A_631 = arith.constant 0 : i32
    %sign3A_632 = arith.cmpi sgt, %jit3A_622, %sign3A_631 : i32
    %sign3A_633 = arith.extui %sign3A_632 : i1 to i32
    %sign3A_634 = arith.constant 0 : i32
    %sign3A_635 = arith.cmpi slt, %jit3A_622, %sign3A_634 : i32
    %sign3A_636 = arith.extui %sign3A_635 : i1 to i32
    %sign3A_637 = arith.subi %sign3A_633, %sign3A_636 : i32
    %ne3A_638 = arith.cmpi ne, %sign3A_630, %sign3A_637 : i32
    %rem3A_639 = arith.remsi %sub3A_621, %jit3A_622 : i32
    %ne3A_640 = arith.constant 0 : i32
    %ne3A_641 = arith.cmpi ne, %rem3A_639, %ne3A_640 : i32
    %and3A_642 = arith.andi %ne3A_638, %ne3A_641 : i1
    %sub3A_643 = arith.constant 1 : i32
    %sub3A_644 = arith.subi %div3A_623, %sub3A_643 : i32
    %select_n3A_645 = arith.select %and3A_642, %sub3A_644, %div3A_623 : i32
    %mul3A_646 = arith.constant 3 : i32
    %mul3A_647 = arith.muli %select_n3A_645, %mul3A_646 : i32
    %sub3A_648 = arith.subi %sub3A_621, %mul3A_647 : i32
    %mul3A_649 = arith.constant 36 : i32
    %mul3A_650 = arith.muli %arg0, %mul3A_649 : i32
    %add3A_651 = arith.addi %mul3A_650, %select_n3A_618 : i32
    %mul3A_652 = arith.constant 8 : i32
    %mul3A_653 = arith.muli %mul3A_652, %select_n3A_618 : i32
    %mul3A_654 = arith.constant 256 : i32
    %mul3A_655 = arith.muli %mul3A_654, %sub3A_648 : i32
    %dma_start3A_656 = arith.constant 3 : i32
    %dma_start3A_657 = arith.constant 3 : i32
    %dma_start3A_658 = arith.constant 0 : i32
    %dma_start3A_659 = arith.constant 0 : i32
    %dma_start3A_660 = tpu.memref_slice %arg9[%dma_start3A_656, %dma_start3A_658, %dma_start3A_659] : memref<4x8x256xf32, #tpu.memory_space<vmem>> -> memref<1x8x256xf32, #tpu.memory_space<vmem>>
    %dma_start3A_661 = tpu.memref_squeeze %dma_start3A_660 : memref<1x8x256xf32, #tpu.memory_space<vmem>> -> memref<8x256xf32, #tpu.memory_space<vmem>>
    %dma_start3A_662 = tpu.memref_slice %arg11[%mul3A_653, %mul3A_655] : memref<288x768xf32, #tpu.memory_space<vmem_shared>> -> memref<8x256xf32, #tpu.memory_space<vmem_shared>>
    %dma_start3A_663 = tpu.memref_slice %arg13[%dma_start3A_657] : memref<4x!tpu.dma_semaphore, #tpu.memory_space<semaphore_mem>> -> memref<1x!tpu.dma_semaphore, #tpu.memory_space<semaphore_mem>>
    %dma_start3A_664 = tpu.memref_squeeze %dma_start3A_663 : memref<1x!tpu.dma_semaphore, #tpu.memory_space<semaphore_mem>> -> memref<!tpu.dma_semaphore, #tpu.memory_space<semaphore_mem>>
    %dma_start3A_665 = arith.constant 0 : i32
    %dma_start3A_666 = arith.constant 0 : i32
    %dma_start3A_667 = tpu.memref_slice %arg9[%dma_start3A_656, %dma_start3A_665, %dma_start3A_666] : memref<4x8x256xf32, #tpu.memory_space<vmem>> -> memref<1x8x256xf32, #tpu.memory_space<vmem>>
    %dma_start3A_668 = tpu.memref_squeeze %dma_start3A_667 : memref<1x8x256xf32, #tpu.memory_space<vmem>> -> memref<8x256xf32, #tpu.memory_space<vmem>>
    %dma_start3A_669 = tpu.memref_slice %arg11[%mul3A_653, %mul3A_655] : memref<288x768xf32, #tpu.memory_space<vmem_shared>> -> memref<8x256xf32, #tpu.memory_space<vmem_shared>>
    tpu.enqueue_dma source(%dma_start3A_669 : memref<8x256xf32, #tpu.memory_space<vmem_shared>>) target(%dma_start3A_668 : memref<8x256xf32, #tpu.memory_space<vmem>>) target_semaphore(%dma_start3A_664 : memref<!tpu.dma_semaphore, #tpu.memory_space<semaphore_mem>>)
    %scan3A = arith.constant 0 : i32
    %scan3A_670 = arith.constant 27 : i32
    %scan3A_671 = arith.addi %scan3A, %scan3A_670 : i32
    %scan3A_672 = arith.constant 1 : i32
    scf.for %scan3A_1471 = %scan3A to %scan3A_671 step %scan3A_672  : i32 {
      %mul3A_1472 = arith.constant 4 : i32
      %mul3A_1473 = arith.muli %scan3A_1471, %mul3A_1472 : i32
      %add3A_1474 = arith.constant 0 : i32
      %add3A_1475 = arith.addi %add3A_1474, %mul3A_1473 : i32
      %add3A_1476 = arith.constant 0 : i32
      %add3A_1477 = arith.addi %add3A_1475, %add3A_1476 : i32
      %mul3A_1478 = arith.constant 16 : i32
      %mul3A_1479 = arith.muli %mul3A_1478, %add3A_1477 : i32
      %add3A_1480 = arith.addi %arg1, %mul3A_1479 : i32
      %jit3A_1481 = arith.constant 48 : i32
      %div3A_1482 = arith.divsi %add3A_1480, %jit3A_1481 : i32
      %sign3A_1483 = arith.constant 0 : i32
      %sign3A_1484 = arith.cmpi sgt, %add3A_1480, %sign3A_1483 : i32
      %sign3A_1485 = arith.extui %sign3A_1484 : i1 to i32
      %sign3A_1486 = arith.constant 0 : i32
      %sign3A_1487 = arith.cmpi slt, %add3A_1480, %sign3A_1486 : i32
      %sign3A_1488 = arith.extui %sign3A_1487 : i1 to i32
      %sign3A_1489 = arith.subi %sign3A_1485, %sign3A_1488 : i32
      %sign3A_1490 = arith.constant 0 : i32
      %sign3A_1491 = arith.cmpi sgt, %jit3A_1481, %sign3A_1490 : i32
      %sign3A_1492 = arith.extui %sign3A_1491 : i1 to i32
      %sign3A_1493 = arith.constant 0 : i32
      %sign3A_1494 = arith.cmpi slt, %jit3A_1481, %sign3A_1493 : i32
      %sign3A_1495 = arith.extui %sign3A_1494 : i1 to i32
      %sign3A_1496 = arith.subi %sign3A_1492, %sign3A_1495 : i32
      %ne3A_1497 = arith.cmpi ne, %sign3A_1489, %sign3A_1496 : i32
      %rem3A_1498 = arith.remsi %add3A_1480, %jit3A_1481 : i32
      %ne3A_1499 = arith.constant 0 : i32
      %ne3A_1500 = arith.cmpi ne, %rem3A_1498, %ne3A_1499 : i32
      %and3A_1501 = arith.andi %ne3A_1497, %ne3A_1500 : i1
      %sub3A_1502 = arith.constant 1 : i32
      %sub3A_1503 = arith.subi %div3A_1482, %sub3A_1502 : i32
      %select_n3A_1504 = arith.select %and3A_1501, %sub3A_1503, %div3A_1482 : i32
      %mul3A_1505 = arith.constant 48 : i32
      %mul3A_1506 = arith.muli %select_n3A_1504, %mul3A_1505 : i32
      %sub3A_1507 = arith.subi %add3A_1480, %mul3A_1506 : i32
      %jit3A_1508 = arith.constant 3 : i32
      %div3A_1509 = arith.divsi %sub3A_1507, %jit3A_1508 : i32
      %sign3A_1510 = arith.constant 0 : i32
      %sign3A_1511 = arith.cmpi sgt, %sub3A_1507, %sign3A_1510 : i32
      %sign3A_1512 = arith.extui %sign3A_1511 : i1 to i32
      %sign3A_1513 = arith.constant 0 : i32
      %sign3A_1514 = arith.cmpi slt, %sub3A_1507, %sign3A_1513 : i32
      %sign3A_1515 = arith.extui %sign3A_1514 : i1 to i32
      %sign3A_1516 = arith.subi %sign3A_1512, %sign3A_1515 : i32
      %sign3A_1517 = arith.constant 0 : i32
      %sign3A_1518 = arith.cmpi sgt, %jit3A_1508, %sign3A_1517 : i32
      %sign3A_1519 = arith.extui %sign3A_1518 : i1 to i32
      %sign3A_1520 = arith.constant 0 : i32
      %sign3A_1521 = arith.cmpi slt, %jit3A_1508, %sign3A_1520 : i32
      %sign3A_1522 = arith.extui %sign3A_1521 : i1 to i32
      %sign3A_1523 = arith.subi %sign3A_1519, %sign3A_1522 : i32
      %ne3A_1524 = arith.cmpi ne, %sign3A_1516, %sign3A_1523 : i32
      %rem3A_1525 = arith.remsi %sub3A_1507, %jit3A_1508 : i32
      %ne3A_1526 = arith.constant 0 : i32
      %ne3A_1527 = arith.cmpi ne, %rem3A_1525, %ne3A_1526 : i32
      %and3A_1528 = arith.andi %ne3A_1524, %ne3A_1527 : i1
      %sub3A_1529 = arith.constant 1 : i32
      %sub3A_1530 = arith.subi %div3A_1509, %sub3A_1529 : i32
      %select_n3A_1531 = arith.select %and3A_1528, %sub3A_1530, %div3A_1509 : i32
      %mul3A_1532 = arith.constant 3 : i32
      %mul3A_1533 = arith.muli %select_n3A_1531, %mul3A_1532 : i32
      %sub3A_1534 = arith.subi %sub3A_1507, %mul3A_1533 : i32
      %mul3A_1535 = arith.constant 36 : i32
      %mul3A_1536 = arith.muli %arg0, %mul3A_1535 : i32
      %add3A_1537 = arith.addi %mul3A_1536, %select_n3A_1504 : i32
      %mul3A_1538 = arith.constant 8 : i32
      %mul3A_1539 = arith.muli %mul3A_1538, %select_n3A_1531 : i32
      %mul3A_1540 = arith.constant 8 : i32
      %mul3A_1541 = arith.muli %mul3A_1540, %add3A_1537 : i32
      %mul3A_1542 = arith.constant 256 : i32
      %mul3A_1543 = arith.muli %mul3A_1542, %sub3A_1534 : i32
      %dma_wait3A_1544 = arith.constant 0 : i32
      %dma_wait3A_1545 = arith.constant 0 : i32
      %dma_wait3A_1546 = arith.constant 0 : i32
      %dma_wait3A_1547 = arith.constant 0 : i32
      %dma_wait3A_1548 = arith.constant 0 : i32
      %dma_wait3A_1549 = tpu.memref_slice %arg8[%dma_wait3A_1544, %dma_wait3A_1546, %dma_wait3A_1547, %dma_wait3A_1548] : memref<4x8x8x256xf32, #tpu.memory_space<vmem>> -> memref<1x8x8x256xf32, #tpu.memory_space<vmem>>
      %dma_wait3A_1550 = tpu.memref_squeeze %dma_wait3A_1549 : memref<1x8x8x256xf32, #tpu.memory_space<vmem>> -> memref<8x8x256xf32, #tpu.memory_space<vmem>>
      %dma_wait3A_1551 = tpu.memref_slice %arg2[%mul3A_1539, %mul3A_1541, %mul3A_1543] : memref<128x576x768xf32, #tpu.memory_space<hbm>> -> memref<8x8x256xf32, #tpu.memory_space<hbm>>
      %dma_wait3A_1552 = tpu.memref_slice %arg12[%dma_wait3A_1545] : memref<4x!tpu.dma_semaphore, #tpu.memory_space<semaphore_mem>> -> memref<1x!tpu.dma_semaphore, #tpu.memory_space<semaphore_mem>>
      %dma_wait3A_1553 = tpu.memref_squeeze %dma_wait3A_1552 : memref<1x!tpu.dma_semaphore, #tpu.memory_space<semaphore_mem>> -> memref<!tpu.dma_semaphore, #tpu.memory_space<semaphore_mem>>
      %dma_wait3A_1554 = arith.constant 0 : i32
      %dma_wait3A_1555 = arith.constant 0 : i32
      %dma_wait3A_1556 = arith.constant 0 : i32
      %dma_wait3A_1557 = tpu.memref_slice %arg8[%dma_wait3A_1544, %dma_wait3A_1554, %dma_wait3A_1555, %dma_wait3A_1556] : memref<4x8x8x256xf32, #tpu.memory_space<vmem>> -> memref<1x8x8x256xf32, #tpu.memory_space<vmem>>
      %dma_wait3A_1558 = tpu.memref_squeeze %dma_wait3A_1557 : memref<1x8x8x256xf32, #tpu.memory_space<vmem>> -> memref<8x8x256xf32, #tpu.memory_space<vmem>>
      %dma_wait3A_1559 = tpu.memref_slice %arg2[%mul3A_1539, %mul3A_1541, %mul3A_1543] : memref<128x576x768xf32, #tpu.memory_space<hbm>> -> memref<8x8x256xf32, #tpu.memory_space<hbm>>
      tpu.wait_dma2 semaphore(%dma_wait3A_1553 : memref<!tpu.dma_semaphore, #tpu.memory_space<semaphore_mem>>) src(%dma_wait3A_1559 : memref<8x8x256xf32, #tpu.memory_space<hbm>>) dst(%dma_wait3A_1558 : memref<8x8x256xf32, #tpu.memory_space<vmem>>)
      %mul3A_1560 = arith.constant 16 : i32
      %mul3A_1561 = arith.muli %mul3A_1560, %add3A_1477 : i32
      %add3A_1562 = arith.addi %arg1, %mul3A_1561 : i32
      %jit3A_1563 = arith.constant 48 : i32
      %div3A_1564 = arith.divsi %add3A_1562, %jit3A_1563 : i32
      %sign3A_1565 = arith.constant 0 : i32
      %sign3A_1566 = arith.cmpi sgt, %add3A_1562, %sign3A_1565 : i32
      %sign3A_1567 = arith.extui %sign3A_1566 : i1 to i32
      %sign3A_1568 = arith.constant 0 : i32
      %sign3A_1569 = arith.cmpi slt, %add3A_1562, %sign3A_1568 : i32
      %sign3A_1570 = arith.extui %sign3A_1569 : i1 to i32
      %sign3A_1571 = arith.subi %sign3A_1567, %sign3A_1570 : i32
      %sign3A_1572 = arith.constant 0 : i32
      %sign3A_1573 = arith.cmpi sgt, %jit3A_1563, %sign3A_1572 : i32
      %sign3A_1574 = arith.extui %sign3A_1573 : i1 to i32
      %sign3A_1575 = arith.constant 0 : i32
      %sign3A_1576 = arith.cmpi slt, %jit3A_1563, %sign3A_1575 : i32
      %sign3A_1577 = arith.extui %sign3A_1576 : i1 to i32
      %sign3A_1578 = arith.subi %sign3A_1574, %sign3A_1577 : i32
      %ne3A_1579 = arith.cmpi ne, %sign3A_1571, %sign3A_1578 : i32
      %rem3A_1580 = arith.remsi %add3A_1562, %jit3A_1563 : i32
      %ne3A_1581 = arith.constant 0 : i32
      %ne3A_1582 = arith.cmpi ne, %rem3A_1580, %ne3A_1581 : i32
      %and3A_1583 = arith.andi %ne3A_1579, %ne3A_1582 : i1
      %sub3A_1584 = arith.constant 1 : i32
      %sub3A_1585 = arith.subi %div3A_1564, %sub3A_1584 : i32
      %select_n3A_1586 = arith.select %and3A_1583, %sub3A_1585, %div3A_1564 : i32
      %mul3A_1587 = arith.constant 48 : i32
      %mul3A_1588 = arith.muli %select_n3A_1586, %mul3A_1587 : i32
      %sub3A_1589 = arith.subi %add3A_1562, %mul3A_1588 : i32
      %jit3A_1590 = arith.constant 3 : i32
      %div3A_1591 = arith.divsi %sub3A_1589, %jit3A_1590 : i32
      %sign3A_1592 = arith.constant 0 : i32
      %sign3A_1593 = arith.cmpi sgt, %sub3A_1589, %sign3A_1592 : i32
      %sign3A_1594 = arith.extui %sign3A_1593 : i1 to i32
      %sign3A_1595 = arith.constant 0 : i32
      %sign3A_1596 = arith.cmpi slt, %sub3A_1589, %sign3A_1595 : i32
      %sign3A_1597 = arith.extui %sign3A_1596 : i1 to i32
      %sign3A_1598 = arith.subi %sign3A_1594, %sign3A_1597 : i32
      %sign3A_1599 = arith.constant 0 : i32
      %sign3A_1600 = arith.cmpi sgt, %jit3A_1590, %sign3A_1599 : i32
      %sign3A_1601 = arith.extui %sign3A_1600 : i1 to i32
      %sign3A_1602 = arith.constant 0 : i32
      %sign3A_1603 = arith.cmpi slt, %jit3A_1590, %sign3A_1602 : i32
      %sign3A_1604 = arith.extui %sign3A_1603 : i1 to i32
      %sign3A_1605 = arith.subi %sign3A_1601, %sign3A_1604 : i32
      %ne3A_1606 = arith.cmpi ne, %sign3A_1598, %sign3A_1605 : i32
      %rem3A_1607 = arith.remsi %sub3A_1589, %jit3A_1590 : i32
      %ne3A_1608 = arith.constant 0 : i32
      %ne3A_1609 = arith.cmpi ne, %rem3A_1607, %ne3A_1608 : i32
      %and3A_1610 = arith.andi %ne3A_1606, %ne3A_1609 : i1
      %sub3A_1611 = arith.constant 1 : i32
      %sub3A_1612 = arith.subi %div3A_1591, %sub3A_1611 : i32
      %select_n3A_1613 = arith.select %and3A_1610, %sub3A_1612, %div3A_1591 : i32
      %mul3A_1614 = arith.constant 3 : i32
      %mul3A_1615 = arith.muli %select_n3A_1613, %mul3A_1614 : i32
      %sub3A_1616 = arith.subi %sub3A_1589, %mul3A_1615 : i32
      %mul3A_1617 = arith.constant 36 : i32
      %mul3A_1618 = arith.muli %arg0, %mul3A_1617 : i32
      %add3A_1619 = arith.addi %mul3A_1618, %select_n3A_1586 : i32
      %mul3A_1620 = arith.constant 8 : i32
      %mul3A_1621 = arith.muli %mul3A_1620, %select_n3A_1586 : i32
      %mul3A_1622 = arith.constant 256 : i32
      %mul3A_1623 = arith.muli %mul3A_1622, %sub3A_1616 : i32
      %dma_wait3A_1624 = arith.constant 0 : i32
      %dma_wait3A_1625 = arith.constant 0 : i32
      %dma_wait3A_1626 = arith.constant 0 : i32
      %dma_wait3A_1627 = arith.constant 0 : i32
      %dma_wait3A_1628 = tpu.memref_slice %arg9[%dma_wait3A_1624, %dma_wait3A_1626, %dma_wait3A_1627] : memref<4x8x256xf32, #tpu.memory_space<vmem>> -> memref<1x8x256xf32, #tpu.memory_space<vmem>>
      %dma_wait3A_1629 = tpu.memref_squeeze %dma_wait3A_1628 : memref<1x8x256xf32, #tpu.memory_space<vmem>> -> memref<8x256xf32, #tpu.memory_space<vmem>>
      %dma_wait3A_1630 = tpu.memref_slice %arg11[%mul3A_1621, %mul3A_1623] : memref<288x768xf32, #tpu.memory_space<vmem_shared>> -> memref<8x256xf32, #tpu.memory_space<vmem_shared>>
      %dma_wait3A_1631 = tpu.memref_slice %arg13[%dma_wait3A_1625] : memref<4x!tpu.dma_semaphore, #tpu.memory_space<semaphore_mem>> -> memref<1x!tpu.dma_semaphore, #tpu.memory_space<semaphore_mem>>
      %dma_wait3A_1632 = tpu.memref_squeeze %dma_wait3A_1631 : memref<1x!tpu.dma_semaphore, #tpu.memory_space<semaphore_mem>> -> memref<!tpu.dma_semaphore, #tpu.memory_space<semaphore_mem>>
      %dma_wait3A_1633 = arith.constant 0 : i32
      %dma_wait3A_1634 = arith.constant 0 : i32
      %dma_wait3A_1635 = tpu.memref_slice %arg9[%dma_wait3A_1624, %dma_wait3A_1633, %dma_wait3A_1634] : memref<4x8x256xf32, #tpu.memory_space<vmem>> -> memref<1x8x256xf32, #tpu.memory_space<vmem>>
      %dma_wait3A_1636 = tpu.memref_squeeze %dma_wait3A_1635 : memref<1x8x256xf32, #tpu.memory_space<vmem>> -> memref<8x256xf32, #tpu.memory_space<vmem>>
      %dma_wait3A_1637 = tpu.memref_slice %arg11[%mul3A_1621, %mul3A_1623] : memref<288x768xf32, #tpu.memory_space<vmem_shared>> -> memref<8x256xf32, #tpu.memory_space<vmem_shared>>
      tpu.wait_dma2 semaphore(%dma_wait3A_1632 : memref<!tpu.dma_semaphore, #tpu.memory_space<semaphore_mem>>) src(%dma_wait3A_1637 : memref<8x256xf32, #tpu.memory_space<vmem_shared>>) dst(%dma_wait3A_1636 : memref<8x256xf32, #tpu.memory_space<vmem>>)
      %ge3A = arith.constant 2 : i32
      %ge3A_1638 = arith.cmpi sge, %add3A_1477, %ge3A : i32
      %convert_element_type3A_1639 = arith.extui %ge3A_1638 : i1 to i32
      %cond3A_1640 = arith.constant 0 : i32
      %cond3A_1641 = arith.constant 0 : i32
      %cond3A_1642 = arith.cmpi ne, %convert_element_type3A_1639, %cond3A_1641 : i32
      scf.if %cond3A_1642 {
        %mul3A_3162 = arith.constant 16 : i32
        %mul3A_3163 = arith.muli %mul3A_3162, %add3A_1477 : i32
        %add3A_3164 = arith.addi %arg1, %mul3A_3163 : i32
        %jit3A_3165 = arith.constant 48 : i32
        %div3A_3166 = arith.divsi %add3A_3164, %jit3A_3165 : i32
        %sign3A_3167 = arith.constant 0 : i32
        %sign3A_3168 = arith.cmpi sgt, %add3A_3164, %sign3A_3167 : i32
        %sign3A_3169 = arith.extui %sign3A_3168 : i1 to i32
        %sign3A_3170 = arith.constant 0 : i32
        %sign3A_3171 = arith.cmpi slt, %add3A_3164, %sign3A_3170 : i32
        %sign3A_3172 = arith.extui %sign3A_3171 : i1 to i32
        %sign3A_3173 = arith.subi %sign3A_3169, %sign3A_3172 : i32
        %sign3A_3174 = arith.constant 0 : i32
        %sign3A_3175 = arith.cmpi sgt, %jit3A_3165, %sign3A_3174 : i32
        %sign3A_3176 = arith.extui %sign3A_3175 : i1 to i32
        %sign3A_3177 = arith.constant 0 : i32
        %sign3A_3178 = arith.cmpi slt, %jit3A_3165, %sign3A_3177 : i32
        %sign3A_3179 = arith.extui %sign3A_3178 : i1 to i32
        %sign3A_3180 = arith.subi %sign3A_3176, %sign3A_3179 : i32
        %ne3A_3181 = arith.cmpi ne, %sign3A_3173, %sign3A_3180 : i32
        %rem3A_3182 = arith.remsi %add3A_3164, %jit3A_3165 : i32
        %ne3A_3183 = arith.constant 0 : i32
        %ne3A_3184 = arith.cmpi ne, %rem3A_3182, %ne3A_3183 : i32
        %and3A_3185 = arith.andi %ne3A_3181, %ne3A_3184 : i1
        %sub3A_3186 = arith.constant 1 : i32
        %sub3A_3187 = arith.subi %div3A_3166, %sub3A_3186 : i32
        %select_n3A_3188 = arith.select %and3A_3185, %sub3A_3187, %div3A_3166 : i32
        %mul3A_3189 = arith.constant 48 : i32
        %mul3A_3190 = arith.muli %select_n3A_3188, %mul3A_3189 : i32
        %sub3A_3191 = arith.subi %add3A_3164, %mul3A_3190 : i32
        %jit3A_3192 = arith.constant 3 : i32
        %div3A_3193 = arith.divsi %sub3A_3191, %jit3A_3192 : i32
        %sign3A_3194 = arith.constant 0 : i32
        %sign3A_3195 = arith.cmpi sgt, %sub3A_3191, %sign3A_3194 : i32
        %sign3A_3196 = arith.extui %sign3A_3195 : i1 to i32
        %sign3A_3197 = arith.constant 0 : i32
        %sign3A_3198 = arith.cmpi slt, %sub3A_3191, %sign3A_3197 : i32
        %sign3A_3199 = arith.extui %sign3A_3198 : i1 to i32
        %sign3A_3200 = arith.subi %sign3A_3196, %sign3A_3199 : i32
        %sign3A_3201 = arith.constant 0 : i32
        %sign3A_3202 = arith.cmpi sgt, %jit3A_3192, %sign3A_3201 : i32
        %sign3A_3203 = arith.extui %sign3A_3202 : i1 to i32
        %sign3A_3204 = arith.constant 0 : i32
        %sign3A_3205 = arith.cmpi slt, %jit3A_3192, %sign3A_3204 : i32
        %sign3A_3206 = arith.extui %sign3A_3205 : i1 to i32
        %sign3A_3207 = arith.subi %sign3A_3203, %sign3A_3206 : i32
        %ne3A_3208 = arith.cmpi ne, %sign3A_3200, %sign3A_3207 : i32
        %rem3A_3209 = arith.remsi %sub3A_3191, %jit3A_3192 : i32
        %ne3A_3210 = arith.constant 0 : i32
        %ne3A_3211 = arith.cmpi ne, %rem3A_3209, %ne3A_3210 : i32
        %and3A_3212 = arith.andi %ne3A_3208, %ne3A_3211 : i1
        %sub3A_3213 = arith.constant 1 : i32
        %sub3A_3214 = arith.subi %div3A_3193, %sub3A_3213 : i32
        %select_n3A_3215 = arith.select %and3A_3212, %sub3A_3214, %div3A_3193 : i32
        %mul3A_3216 = arith.constant 3 : i32
        %mul3A_3217 = arith.muli %select_n3A_3215, %mul3A_3216 : i32
        %sub3A_3218 = arith.subi %sub3A_3191, %mul3A_3217 : i32
        %mul3A_3219 = arith.constant 36 : i32
        %mul3A_3220 = arith.muli %arg0, %mul3A_3219 : i32
        %add3A_3221 = arith.addi %mul3A_3220, %select_n3A_3188 : i32
        %mul3A_3222 = arith.constant 8 : i32
        %mul3A_3223 = arith.muli %mul3A_3222, %add3A_3221 : i32
        %add3A_3224 = arith.constant 1 : i32
        %add3A_3225 = arith.addi %mul3A_3223, %add3A_3224 : i32
        %mul3A_3226 = arith.constant 8 : i32
        %mul3A_3227 = arith.muli %mul3A_3226, %select_n3A_3215 : i32
        %mul3A_3228 = arith.constant 256 : i32
        %mul3A_3229 = arith.muli %mul3A_3228, %sub3A_3218 : i32
        %dma_wait3A_3230 = arith.constant 0 : i32
        %dma_wait3A_3231 = arith.constant 0 : i32
        %dma_wait3A_3232 = arith.constant 0 : i32
        %dma_wait3A_3233 = arith.constant 0 : i32
        %dma_wait3A_3234 = tpu.memref_slice %arg10[%cond3A_1640, %dma_wait3A_3231, %dma_wait3A_3232, %dma_wait3A_3233] : memref<2x8x8x256xf32, #tpu.memory_space<vmem>> -> memref<1x8x8x256xf32, #tpu.memory_space<vmem>>
        %dma_wait3A_3235 = tpu.memref_squeeze %dma_wait3A_3234 : memref<1x8x8x256xf32, #tpu.memory_space<vmem>> -> memref<8x8x256xf32, #tpu.memory_space<vmem>>
        %dma_wait3A_3236 = tpu.memref_slice %arg5[%add3A_3225, %mul3A_3227, %mul3A_3229] : memref<577x128x768xf32, #tpu.memory_space<hbm>> -> memref<8x8x256xf32, #tpu.memory_space<hbm>>
        %dma_wait3A_3237 = tpu.memref_slice %arg14[%dma_wait3A_3230] : memref<2x!tpu.dma_semaphore, #tpu.memory_space<semaphore_mem>> -> memref<1x!tpu.dma_semaphore, #tpu.memory_space<semaphore_mem>>
        %dma_wait3A_3238 = tpu.memref_squeeze %dma_wait3A_3237 : memref<1x!tpu.dma_semaphore, #tpu.memory_space<semaphore_mem>> -> memref<!tpu.dma_semaphore, #tpu.memory_space<semaphore_mem>>
        %dma_wait3A_3239 = tpu.memref_slice %arg5[%add3A_3225, %mul3A_3227, %mul3A_3229] : memref<577x128x768xf32, #tpu.memory_space<hbm>> -> memref<8x8x256xf32, #tpu.memory_space<hbm>>
        %dma_wait3A_3240 = arith.constant 0 : i32
        %dma_wait3A_3241 = arith.constant 0 : i32
        %dma_wait3A_3242 = arith.constant 0 : i32
        %dma_wait3A_3243 = tpu.memref_slice %arg10[%cond3A_1640, %dma_wait3A_3240, %dma_wait3A_3241, %dma_wait3A_3242] : memref<2x8x8x256xf32, #tpu.memory_space<vmem>> -> memref<1x8x8x256xf32, #tpu.memory_space<vmem>>
        %dma_wait3A_3244 = tpu.memref_squeeze %dma_wait3A_3243 : memref<1x8x8x256xf32, #tpu.memory_space<vmem>> -> memref<8x8x256xf32, #tpu.memory_space<vmem>>
        tpu.wait_dma2 semaphore(%dma_wait3A_3238 : memref<!tpu.dma_semaphore, #tpu.memory_space<semaphore_mem>>) src(%dma_wait3A_3244 : memref<8x8x256xf32, #tpu.memory_space<vmem>>) dst(%dma_wait3A_3239 : memref<8x8x256xf32, #tpu.memory_space<hbm>>)
      } else {
      }
      %parallel_loop3A_1643 = arith.constant 0 : i32
      %parallel_loop3A_1644 = arith.constant 128 : i32
      %parallel_loop3A_1645 = arith.constant 1 : i32
      %parallel_loop3A_1646 = arith.constant 0 : i32
      %parallel_loop3A_1647 = arith.constant 0 : i32
      %parallel_loop3A_1648 = arith.constant 0 : i32
      scf.for %parallel_loop3A_3162 = %parallel_loop3A_1643 to %parallel_loop3A_1644 step %parallel_loop3A_1645  : i32 {
        %parallel_loop3A_3163 = arith.constant 4 : i32
        %parallel_loop3A_3164 = arith.shrsi %parallel_loop3A_3162, %parallel_loop3A_3163 : i32
        %parallel_loop3A_3165 = arith.constant 15 : i32
        %parallel_loop3A_3166 = arith.andi %parallel_loop3A_3162, %parallel_loop3A_3165 : i32
        %parallel_loop3A_3167 = arith.constant 16 : i32
        %parallel_loop3A_3168 = arith.muli %parallel_loop3A_3166, %parallel_loop3A_3167 : i32
        %parallel_loop3A_3169 = arith.constant 0 : i32
        %parallel_loop3A_3170 = arith.constant 0 : i32
        %parallel_loop3A_3171 = tpu.memref_slice %arg9[%parallel_loop3A_1646, %parallel_loop3A_3169, %parallel_loop3A_3170] : memref<4x8x256xf32, #tpu.memory_space<vmem>> -> memref<1x8x256xf32, #tpu.memory_space<vmem>>
        %parallel_loop3A_3172 = tpu.memref_squeeze %parallel_loop3A_3171 : memref<1x8x256xf32, #tpu.memory_space<vmem>> -> memref<8x256xf32, #tpu.memory_space<vmem>>
        %parallel_loop3A_3173 = arith.index_cast %parallel_loop3A_3164 : i32 to index
        %parallel_loop3A_3174 = arith.index_cast %parallel_loop3A_3168 : i32 to index
        %parallel_loop3A_3175 = tpu.vector_load %parallel_loop3A_3172[%parallel_loop3A_3173, %parallel_loop3A_3174] {strides = array<i32>} : memref<8x256xf32, #tpu.memory_space<vmem>>, vector<1x16xf32>,
        %parallel_loop3A_3176 = vector.shape_cast %parallel_loop3A_3175 : vector<1x16xf32> to vector<16xf32>
        %parallel_loop3A_3177 = arith.constant 0 : i32
        %parallel_loop3A_3178 = arith.constant 0 : i32
        %parallel_loop3A_3179 = arith.constant 0 : i32
        %parallel_loop3A_3180 = arith.constant 0 : i32
        %parallel_loop3A_3181 = tpu.memref_slice %arg8[%parallel_loop3A_1647, %parallel_loop3A_3178, %parallel_loop3A_3179, %parallel_loop3A_3180] : memref<4x8x8x256xf32, #tpu.memory_space<vmem>> -> memref<1x8x8x256xf32, #tpu.memory_space<vmem>>
        %parallel_loop3A_3182 = tpu.memref_squeeze %parallel_loop3A_3181 : memref<1x8x8x256xf32, #tpu.memory_space<vmem>> -> memref<8x8x256xf32, #tpu.memory_space<vmem>>
        %parallel_loop3A_3183 = arith.index_cast %parallel_loop3A_3177 : i32 to index
        %parallel_loop3A_3184 = arith.index_cast %parallel_loop3A_3164 : i32 to index
        %parallel_loop3A_3185 = arith.index_cast %parallel_loop3A_3168 : i32 to index
        %parallel_loop3A_3186 = tpu.vector_load %parallel_loop3A_3182[%parallel_loop3A_3183, %parallel_loop3A_3184, %parallel_loop3A_3185] {strides = array<i32>} : memref<8x8x256xf32, #tpu.memory_space<vmem>>, vector<1x1x16xf32>,
        %parallel_loop3A_3187 = vector.shape_cast %parallel_loop3A_3186 : vector<1x1x16xf32> to vector<16xf32>
        %parallel_loop3A_3188 = arith.addf %parallel_loop3A_3187, %parallel_loop3A_3176 : vector<16xf32>
        %parallel_loop3A_3189 = arith.constant 0 : i32
        %parallel_loop3A_3190 = arith.constant 0 : i32
        %parallel_loop3A_3191 = arith.constant 0 : i32
        %parallel_loop3A_3192 = arith.constant 0 : i32
        %parallel_loop3A_3193 = tpu.memref_slice %arg10[%parallel_loop3A_1648, %parallel_loop3A_3190, %parallel_loop3A_3191, %parallel_loop3A_3192] : memref<2x8x8x256xf32, #tpu.memory_space<vmem>> -> memref<1x8x8x256xf32, #tpu.memory_space<vmem>>
        %parallel_loop3A_3194 = tpu.memref_squeeze %parallel_loop3A_3193 : memref<1x8x8x256xf32, #tpu.memory_space<vmem>> -> memref<8x8x256xf32, #tpu.memory_space<vmem>>
        %parallel_loop3A_3195 = arith.index_cast %parallel_loop3A_3164 : i32 to index
        %parallel_loop3A_3196 = arith.index_cast %parallel_loop3A_3189 : i32 to index
        %parallel_loop3A_3197 = arith.index_cast %parallel_loop3A_3168 : i32 to index
        %parallel_loop3A_3198 = tpu.vector_load %parallel_loop3A_3194[%parallel_loop3A_3195, %parallel_loop3A_3196, %parallel_loop3A_3197] {strides = array<i32>} : memref<8x8x256xf32, #tpu.memory_space<vmem>>, vector<1x1x16xf32>,
        %parallel_loop3A_3199 = vector.shape_cast %parallel_loop3A_3198 : vector<1x1x16xf32> to vector<16xf32>
        %parallel_loop3A_3200 = vector.shape_cast %parallel_loop3A_3188 : vector<16xf32> to vector<1x1x16xf32>
        tpu.vector_store %parallel_loop3A_3194[%parallel_loop3A_3195, %parallel_loop3A_3196, %parallel_loop3A_3197], %parallel_loop3A_3200 {strides = array<i32>} : memref<8x8x256xf32, #tpu.memory_space<vmem>>, vector<1x1x16xf32>,
        %parallel_loop3A_3201 = arith.constant 1 : i32
        %parallel_loop3A_3202 = arith.constant 0 : i32
        %parallel_loop3A_3203 = arith.constant 0 : i32
        %parallel_loop3A_3204 = arith.constant 0 : i32
        %parallel_loop3A_3205 = tpu.memref_slice %arg8[%parallel_loop3A_1647, %parallel_loop3A_3202, %parallel_loop3A_3203, %parallel_loop3A_3204] : memref<4x8x8x256xf32, #tpu.memory_space<vmem>> -> memref<1x8x8x256xf32, #tpu.memory_space<vmem>>
        %parallel_loop3A_3206 = tpu.memref_squeeze %parallel_loop3A_3205 : memref<1x8x8x256xf32, #tpu.memory_space<vmem>> -> memref<8x8x256xf32, #tpu.memory_space<vmem>>
        %parallel_loop3A_3207 = arith.index_cast %parallel_loop3A_3201 : i32 to index
        %parallel_loop3A_3208 = arith.index_cast %parallel_loop3A_3164 : i32 to index
        %parallel_loop3A_3209 = arith.index_cast %parallel_loop3A_3168 : i32 to index
        %parallel_loop3A_3210 = tpu.vector_load %parallel_loop3A_3206[%parallel_loop3A_3207, %parallel_loop3A_3208, %parallel_loop3A_3209] {strides = array<i32>} : memref<8x8x256xf32, #tpu.memory_space<vmem>>, vector<1x1x16xf32>,
        %parallel_loop3A_3211 = vector.shape_cast %parallel_loop3A_3210 : vector<1x1x16xf32> to vector<16xf32>
        %parallel_loop3A_3212 = arith.addf %parallel_loop3A_3211, %parallel_loop3A_3176 : vector<16xf32>
        %parallel_loop3A_3213 = arith.constant 1 : i32
        %parallel_loop3A_3214 = arith.constant 0 : i32
        %parallel_loop3A_3215 = arith.constant 0 : i32
        %parallel_loop3A_3216 = arith.constant 0 : i32
        %parallel_loop3A_3217 = tpu.memref_slice %arg10[%parallel_loop3A_1648, %parallel_loop3A_3214, %parallel_loop3A_3215, %parallel_loop3A_3216] : memref<2x8x8x256xf32, #tpu.memory_space<vmem>> -> memref<1x8x8x256xf32, #tpu.memory_space<vmem>>
        %parallel_loop3A_3218 = tpu.memref_squeeze %parallel_loop3A_3217 : memref<1x8x8x256xf32, #tpu.memory_space<vmem>> -> memref<8x8x256xf32, #tpu.memory_space<vmem>>
        %parallel_loop3A_3219 = arith.index_cast %parallel_loop3A_3164 : i32 to index
        %parallel_loop3A_3220 = arith.index_cast %parallel_loop3A_3213 : i32 to index
        %parallel_loop3A_3221 = arith.index_cast %parallel_loop3A_3168 : i32 to index
        %parallel_loop3A_3222 = tpu.vector_load %parallel_loop3A_3218[%parallel_loop3A_3219, %parallel_loop3A_3220, %parallel_loop3A_3221] {strides = array<i32>} : memref<8x8x256xf32, #tpu.memory_space<vmem>>, vector<1x1x16xf32>,
        %parallel_loop3A_3223 = vector.shape_cast %parallel_loop3A_3222 : vector<1x1x16xf32> to vector<16xf32>
        %parallel_loop3A_3224 = vector.shape_cast %parallel_loop3A_3212 : vector<16xf32> to vector<1x1x16xf32>
        tpu.vector_store %parallel_loop3A_3218[%parallel_loop3A_3219, %parallel_loop3A_3220, %parallel_loop3A_3221], %parallel_loop3A_3224 {strides = array<i32>} : memref<8x8x256xf32, #tpu.memory_space<vmem>>, vector<1x1x16xf32>,
        %parallel_loop3A_3225 = arith.constant 2 : i32
        %parallel_loop3A_3226 = arith.constant 0 : i32
        %parallel_loop3A_3227 = arith.constant 0 : i32
        %parallel_loop3A_3228 = arith.constant 0 : i32
        %parallel_loop3A_3229 = tpu.memref_slice %arg8[%parallel_loop3A_1647, %parallel_loop3A_3226, %parallel_loop3A_3227, %parallel_loop3A_3228] : memref<4x8x8x256xf32, #tpu.memory_space<vmem>> -> memref<1x8x8x256xf32, #tpu.memory_space<vmem>>
        %parallel_loop3A_3230 = tpu.memref_squeeze %parallel_loop3A_3229 : memref<1x8x8x256xf32, #tpu.memory_space<vmem>> -> memref<8x8x256xf32, #tpu.memory_space<vmem>>
        %parallel_loop3A_3231 = arith.index_cast %parallel_loop3A_3225 : i32 to index
        %parallel_loop3A_3232 = arith.index_cast %parallel_loop3A_3164 : i32 to index
        %parallel_loop3A_3233 = arith.index_cast %parallel_loop3A_3168 : i32 to index
        %parallel_loop3A_3234 = tpu.vector_load %parallel_loop3A_3230[%parallel_loop3A_3231, %parallel_loop3A_3232, %parallel_loop3A_3233] {strides = array<i32>} : memref<8x8x256xf32, #tpu.memory_space<vmem>>, vector<1x1x16xf32>,
        %parallel_loop3A_3235 = vector.shape_cast %parallel_loop3A_3234 : vector<1x1x16xf32> to vector<16xf32>
        %parallel_loop3A_3236 = arith.addf %parallel_loop3A_3235, %parallel_loop3A_3176 : vector<16xf32>
        %parallel_loop3A_3237 = arith.constant 2 : i32
        %parallel_loop3A_3238 = arith.constant 0 : i32
        %parallel_loop3A_3239 = arith.constant 0 : i32
        %parallel_loop3A_3240 = arith.constant 0 : i32
        %parallel_loop3A_3241 = tpu.memref_slice %arg10[%parallel_loop3A_1648, %parallel_loop3A_3238, %parallel_loop3A_3239, %parallel_loop3A_3240] : memref<2x8x8x256xf32, #tpu.memory_space<vmem>> -> memref<1x8x8x256xf32, #tpu.memory_space<vmem>>
        %parallel_loop3A_3242 = tpu.memref_squeeze %parallel_loop3A_3241 : memref<1x8x8x256xf32, #tpu.memory_space<vmem>> -> memref<8x8x256xf32, #tpu.memory_space<vmem>>
        %parallel_loop3A_3243 = arith.index_cast %parallel_loop3A_3164 : i32 to index
        %parallel_loop3A_3244 = arith.index_cast %parallel_loop3A_3237 : i32 to index
        %parallel_loop3A_3245 = arith.index_cast %parallel_loop3A_3168 : i32 to index
        %parallel_loop3A_3246 = tpu.vector_load %parallel_loop3A_3242[%parallel_loop3A_3243, %parallel_loop3A_3244, %parallel_loop3A_3245] {strides = array<i32>} : memref<8x8x256xf32, #tpu.memory_space<vmem>>, vector<1x1x16xf32>,
        %parallel_loop3A_3247 = vector.shape_cast %parallel_loop3A_3246 : vector<1x1x16xf32> to vector<16xf32>
        %parallel_loop3A_3248 = vector.shape_cast %parallel_loop3A_3236 : vector<16xf32> to vector<1x1x16xf32>
        tpu.vector_store %parallel_loop3A_3242[%parallel_loop3A_3243, %parallel_loop3A_3244, %parallel_loop3A_3245], %parallel_loop3A_3248 {strides = array<i32>} : memref<8x8x256xf32, #tpu.memory_space<vmem>>, vector<1x1x16xf32>,
        %parallel_loop3A_3249 = arith.constant 3 : i32
        %parallel_loop3A_3250 = arith.constant 0 : i32
        %parallel_loop3A_3251 = arith.constant 0 : i32
        %parallel_loop3A_3252 = arith.constant 0 : i32
        %parallel_loop3A_3253 = tpu.memref_slice %arg8[%parallel_loop3A_1647, %parallel_loop3A_3250, %parallel_loop3A_3251, %parallel_loop3A_3252] : memref<4x8x8x256xf32, #tpu.memory_space<vmem>> -> memref<1x8x8x256xf32, #tpu.memory_space<vmem>>
        %parallel_loop3A_3254 = tpu.memref_squeeze %parallel_loop3A_3253 : memref<1x8x8x256xf32, #tpu.memory_space<vmem>> -> memref<8x8x256xf32, #tpu.memory_space<vmem>>
        %parallel_loop3A_3255 = arith.index_cast %parallel_loop3A_3249 : i32 to index
        %parallel_loop3A_3256 = arith.index_cast %parallel_loop3A_3164 : i32 to index
        %parallel_loop3A_3257 = arith.index_cast %parallel_loop3A_3168 : i32 to index
        %parallel_loop3A_3258 = tpu.vector_load %parallel_loop3A_3254[%parallel_loop3A_3255, %parallel_loop3A_3256, %parallel_loop3A_3257] {strides = array<i32>} : memref<8x8x256xf32, #tpu.memory_space<vmem>>, vector<1x1x16xf32>,
        %parallel_loop3A_3259 = vector.shape_cast %parallel_loop3A_3258 : vector<1x1x16xf32> to vector<16xf32>
        %parallel_loop3A_3260 = arith.addf %parallel_loop3A_3259, %parallel_loop3A_3176 : vector<16xf32>
        %parallel_loop3A_3261 = arith.constant 3 : i32
        %parallel_loop3A_3262 = arith.constant 0 : i32
        %parallel_loop3A_3263 = arith.constant 0 : i32
        %parallel_loop3A_3264 = arith.constant 0 : i32
        %parallel_loop3A_3265 = tpu.memref_slice %arg10[%parallel_loop3A_1648, %parallel_loop3A_3262, %parallel_loop3A_3263, %parallel_loop3A_3264] : memref<2x8x8x256xf32, #tpu.memory_space<vmem>> -> memref<1x8x8x256xf32, #tpu.memory_space<vmem>>
        %parallel_loop3A_3266 = tpu.memref_squeeze %parallel_loop3A_3265 : memref<1x8x8x256xf32, #tpu.memory_space<vmem>> -> memref<8x8x256xf32, #tpu.memory_space<vmem>>
        %parallel_loop3A_3267 = arith.index_cast %parallel_loop3A_3164 : i32 to index
        %parallel_loop3A_3268 = arith.index_cast %parallel_loop3A_3261 : i32 to index
        %parallel_loop3A_3269 = arith.index_cast %parallel_loop3A_3168 : i32 to index
        %parallel_loop3A_3270 = tpu.vector_load %parallel_loop3A_3266[%parallel_loop3A_3267, %parallel_loop3A_3268, %parallel_loop3A_3269] {strides = array<i32>} : memref<8x8x256xf32, #tpu.memory_space<vmem>>, vector<1x1x16xf32>,
        %parallel_loop3A_3271 = vector.shape_cast %parallel_loop3A_3270 : vector<1x1x16xf32> to vector<16xf32>
        %parallel_loop3A_3272 = vector.shape_cast %parallel_loop3A_3260 : vector<16xf32> to vector<1x1x16xf32>
        tpu.vector_store %parallel_loop3A_3266[%parallel_loop3A_3267, %parallel_loop3A_3268, %parallel_loop3A_3269], %parallel_loop3A_3272 {strides = array<i32>} : memref<8x8x256xf32, #tpu.memory_space<vmem>>, vector<1x1x16xf32>,
        %parallel_loop3A_3273 = arith.constant 4 : i32
        %parallel_loop3A_3274 = arith.constant 0 : i32
        %parallel_loop3A_3275 = arith.constant 0 : i32
        %parallel_loop3A_3276 = arith.constant 0 : i32
        %parallel_loop3A_3277 = tpu.memref_slice %arg8[%parallel_loop3A_1647, %parallel_loop3A_3274, %parallel_loop3A_3275, %parallel_loop3A_3276] : memref<4x8x8x256xf32, #tpu.memory_space<vmem>> -> memref<1x8x8x256xf32, #tpu.memory_space<vmem>>
        %parallel_loop3A_3278 = tpu.memref_squeeze %parallel_loop3A_3277 : memref<1x8x8x256xf32, #tpu.memory_space<vmem>> -> memref<8x8x256xf32, #tpu.memory_space<vmem>>
        %parallel_loop3A_3279 = arith.index_cast %parallel_loop3A_3273 : i32 to index
        %parallel_loop3A_3280 = arith.index_cast %parallel_loop3A_3164 : i32 to index
        %parallel_loop3A_3281 = arith.index_cast %parallel_loop3A_3168 : i32 to index
        %parallel_loop3A_3282 = tpu.vector_load %parallel_loop3A_3278[%parallel_loop3A_3279, %parallel_loop3A_3280, %parallel_loop3A_3281] {strides = array<i32>} : memref<8x8x256xf32, #tpu.memory_space<vmem>>, vector<1x1x16xf32>,
        %parallel_loop3A_3283 = vector.shape_cast %parallel_loop3A_3282 : vector<1x1x16xf32> to vector<16xf32>
        %parallel_loop3A_3284 = arith.addf %parallel_loop3A_3283, %parallel_loop3A_3176 : vector<16xf32>
        %parallel_loop3A_3285 = arith.constant 4 : i32
        %parallel_loop3A_3286 = arith.constant 0 : i32
        %parallel_loop3A_3287 = arith.constant 0 : i32
        %parallel_loop3A_3288 = arith.constant 0 : i32
        %parallel_loop3A_3289 = tpu.memref_slice %arg10[%parallel_loop3A_1648, %parallel_loop3A_3286, %parallel_loop3A_3287, %parallel_loop3A_3288] : memref<2x8x8x256xf32, #tpu.memory_space<vmem>> -> memref<1x8x8x256xf32, #tpu.memory_space<vmem>>
        %parallel_loop3A_3290 = tpu.memref_squeeze %parallel_loop3A_3289 : memref<1x8x8x256xf32, #tpu.memory_space<vmem>> -> memref<8x8x256xf32, #tpu.memory_space<vmem>>
        %parallel_loop3A_3291 = arith.index_cast %parallel_loop3A_3164 : i32 to index
        %parallel_loop3A_3292 = arith.index_cast %parallel_loop3A_3285 : i32 to index
        %parallel_loop3A_3293 = arith.index_cast %parallel_loop3A_3168 : i32 to index
        %parallel_loop3A_3294 = tpu.vector_load %parallel_loop3A_3290[%parallel_loop3A_3291, %parallel_loop3A_3292, %parallel_loop3A_3293] {strides = array<i32>} : memref<8x8x256xf32, #tpu.memory_space<vmem>>, vector<1x1x16xf32>,
        %parallel_loop3A_3295 = vector.shape_cast %parallel_loop3A_3294 : vector<1x1x16xf32> to vector<16xf32>
        %parallel_loop3A_3296 = vector.shape_cast %parallel_loop3A_3284 : vector<16xf32> to vector<1x1x16xf32>
        tpu.vector_store %parallel_loop3A_3290[%parallel_loop3A_3291, %parallel_loop3A_3292, %parallel_loop3A_3293], %parallel_loop3A_3296 {strides = array<i32>} : memref<8x8x256xf32, #tpu.memory_space<vmem>>, vector<1x1x16xf32>,
        %parallel_loop3A_3297 = arith.constant 5 : i32
        %parallel_loop3A_3298 = arith.constant 0 : i32
        %parallel_loop3A_3299 = arith.constant 0 : i32
        %parallel_loop3A_3300 = arith.constant 0 : i32
        %parallel_loop3A_3301 = tpu.memref_slice %arg8[%parallel_loop3A_1647, %parallel_loop3A_3298, %parallel_loop3A_3299, %parallel_loop3A_3300] : memref<4x8x8x256xf32, #tpu.memory_space<vmem>> -> memref<1x8x8x256xf32, #tpu.memory_space<vmem>>
        %parallel_loop3A_3302 = tpu.memref_squeeze %parallel_loop3A_3301 : memref<1x8x8x256xf32, #tpu.memory_space<vmem>> -> memref<8x8x256xf32, #tpu.memory_space<vmem>>
        %parallel_loop3A_3303 = arith.index_cast %parallel_loop3A_3297 : i32 to index
        %parallel_loop3A_3304 = arith.index_cast %parallel_loop3A_3164 : i32 to index
        %parallel_loop3A_3305 = arith.index_cast %parallel_loop3A_3168 : i32 to index
        %parallel_loop3A_3306 = tpu.vector_load %parallel_loop3A_3302[%parallel_loop3A_3303, %parallel_loop3A_3304, %parallel_loop3A_3305] {strides = array<i32>} : memref<8x8x256xf32, #tpu.memory_space<vmem>>, vector<1x1x16xf32>,
        %parallel_loop3A_3307 = vector.shape_cast %parallel_loop3A_3306 : vector<1x1x16xf32> to vector<16xf32>
        %parallel_loop3A_3308 = arith.addf %parallel_loop3A_3307, %parallel_loop3A_3176 : vector<16xf32>
        %parallel_loop3A_3309 = arith.constant 5 : i32
        %parallel_loop3A_3310 = arith.constant 0 : i32
        %parallel_loop3A_3311 = arith.constant 0 : i32
        %parallel_loop3A_3312 = arith.constant 0 : i32
        %parallel_loop3A_3313 = tpu.memref_slice %arg10[%parallel_loop3A_1648, %parallel_loop3A_3310, %parallel_loop3A_3311, %parallel_loop3A_3312] : memref<2x8x8x256xf32, #tpu.memory_space<vmem>> -> memref<1x8x8x256xf32, #tpu.memory_space<vmem>>
        %parallel_loop3A_3314 = tpu.memref_squeeze %parallel_loop3A_3313 : memref<1x8x8x256xf32, #tpu.memory_space<vmem>> -> memref<8x8x256xf32, #tpu.memory_space<vmem>>
        %parallel_loop3A_3315 = arith.index_cast %parallel_loop3A_3164 : i32 to index
        %parallel_loop3A_3316 = arith.index_cast %parallel_loop3A_3309 : i32 to index
        %parallel_loop3A_3317 = arith.index_cast %parallel_loop3A_3168 : i32 to index
        %parallel_loop3A_3318 = tpu.vector_load %parallel_loop3A_3314[%parallel_loop3A_3315, %parallel_loop3A_3316, %parallel_loop3A_3317] {strides = array<i32>} : memref<8x8x256xf32, #tpu.memory_space<vmem>>, vector<1x1x16xf32>,
        %parallel_loop3A_3319 = vector.shape_cast %parallel_loop3A_3318 : vector<1x1x16xf32> to vector<16xf32>
        %parallel_loop3A_3320 = vector.shape_cast %parallel_loop3A_3308 : vector<16xf32> to vector<1x1x16xf32>
        tpu.vector_store %parallel_loop3A_3314[%parallel_loop3A_3315, %parallel_loop3A_3316, %parallel_loop3A_3317], %parallel_loop3A_3320 {strides = array<i32>} : memref<8x8x256xf32, #tpu.memory_space<vmem>>, vector<1x1x16xf32>,
        %parallel_loop3A_3321 = arith.constant 6 : i32
        %parallel_loop3A_3322 = arith.constant 0 : i32
        %parallel_loop3A_3323 = arith.constant 0 : i32
        %parallel_loop3A_3324 = arith.constant 0 : i32
        %parallel_loop3A_3325 = tpu.memref_slice %arg8[%parallel_loop3A_1647, %parallel_loop3A_3322, %parallel_loop3A_3323, %parallel_loop3A_3324] : memref<4x8x8x256xf32, #tpu.memory_space<vmem>> -> memref<1x8x8x256xf32, #tpu.memory_space<vmem>>
        %parallel_loop3A_3326 = tpu.memref_squeeze %parallel_loop3A_3325 : memref<1x8x8x256xf32, #tpu.memory_space<vmem>> -> memref<8x8x256xf32, #tpu.memory_space<vmem>>
        %parallel_loop3A_3327 = arith.index_cast %parallel_loop3A_3321 : i32 to index
        %parallel_loop3A_3328 = arith.index_cast %parallel_loop3A_3164 : i32 to index
        %parallel_loop3A_3329 = arith.index_cast %parallel_loop3A_3168 : i32 to index
        %parallel_loop3A_3330 = tpu.vector_load %parallel_loop3A_3326[%parallel_loop3A_3327, %parallel_loop3A_3328, %parallel_loop3A_3329] {strides = array<i32>} : memref<8x8x256xf32, #tpu.memory_space<vmem>>, vector<1x1x16xf32>,
        %parallel_loop3A_3331 = vector.shape_cast %parallel_loop3A_3330 : vector<1x1x16xf32> to vector<16xf32>
        %parallel_loop3A_3332 = arith.addf %parallel_loop3A_3331, %parallel_loop3A_3176 : vector<16xf32>
        %parallel_loop3A_3333 = arith.constant 6 : i32
        %parallel_loop3A_3334 = arith.constant 0 : i32
        %parallel_loop3A_3335 = arith.constant 0 : i32
        %parallel_loop3A_3336 = arith.constant 0 : i32
        %parallel_loop3A_3337 = tpu.memref_slice %arg10[%parallel_loop3A_1648, %parallel_loop3A_3334, %parallel_loop3A_3335, %parallel_loop3A_3336] : memref<2x8x8x256xf32, #tpu.memory_space<vmem>> -> memref<1x8x8x256xf32, #tpu.memory_space<vmem>>
        %parallel_loop3A_3338 = tpu.memref_squeeze %parallel_loop3A_3337 : memref<1x8x8x256xf32, #tpu.memory_space<vmem>> -> memref<8x8x256xf32, #tpu.memory_space<vmem>>
        %parallel_loop3A_3339 = arith.index_cast %parallel_loop3A_3164 : i32 to index
        %parallel_loop3A_3340 = arith.index_cast %parallel_loop3A_3333 : i32 to index
        %parallel_loop3A_3341 = arith.index_cast %parallel_loop3A_3168 : i32 to index
        %parallel_loop3A_3342 = tpu.vector_load %parallel_loop3A_3338[%parallel_loop3A_3339, %parallel_loop3A_3340, %parallel_loop3A_3341] {strides = array<i32>} : memref<8x8x256xf32, #tpu.memory_space<vmem>>, vector<1x1x16xf32>,
        %parallel_loop3A_3343 = vector.shape_cast %parallel_loop3A_3342 : vector<1x1x16xf32> to vector<16xf32>
        %parallel_loop3A_3344 = vector.shape_cast %parallel_loop3A_3332 : vector<16xf32> to vector<1x1x16xf32>
        tpu.vector_store %parallel_loop3A_3338[%parallel_loop3A_3339, %parallel_loop3A_3340, %parallel_loop3A_3341], %parallel_loop3A_3344 {strides = array<i32>} : memref<8x8x256xf32, #tpu.memory_space<vmem>>, vector<1x1x16xf32>,
        %parallel_loop3A_3345 = arith.constant 7 : i32
        %parallel_loop3A_3346 = arith.constant 0 : i32
        %parallel_loop3A_3347 = arith.constant 0 : i32
        %parallel_loop3A_3348 = arith.constant 0 : i32
        %parallel_loop3A_3349 = tpu.memref_slice %arg8[%parallel_loop3A_1647, %parallel_loop3A_3346, %parallel_loop3A_3347, %parallel_loop3A_3348] : memref<4x8x8x256xf32, #tpu.memory_space<vmem>> -> memref<1x8x8x256xf32, #tpu.memory_space<vmem>>
        %parallel_loop3A_3350 = tpu.memref_squeeze %parallel_loop3A_3349 : memref<1x8x8x256xf32, #tpu.memory_space<vmem>> -> memref<8x8x256xf32, #tpu.memory_space<vmem>>
        %parallel_loop3A_3351 = arith.index_cast %parallel_loop3A_3345 : i32 to index
        %parallel_loop3A_3352 = arith.index_cast %parallel_loop3A_3164 : i32 to index
        %parallel_loop3A_3353 = arith.index_cast %parallel_loop3A_3168 : i32 to index
        %parallel_loop3A_3354 = tpu.vector_load %parallel_loop3A_3350[%parallel_loop3A_3351, %parallel_loop3A_3352, %parallel_loop3A_3353] {strides = array<i32>} : memref<8x8x256xf32, #tpu.memory_space<vmem>>, vector<1x1x16xf32>,
        %parallel_loop3A_3355 = vector.shape_cast %parallel_loop3A_3354 : vector<1x1x16xf32> to vector<16xf32>
        %parallel_loop3A_3356 = arith.addf %parallel_loop3A_3355, %parallel_loop3A_3176 : vector<16xf32>
        %parallel_loop3A_3357 = arith.constant 7 : i32
        %parallel_loop3A_3358 = arith.constant 0 : i32
        %parallel_loop3A_3359 = arith.constant 0 : i32
        %parallel_loop3A_3360 = arith.constant 0 : i32
        %parallel_loop3A_3361 = tpu.memref_slice %arg10[%parallel_loop3A_1648, %parallel_loop3A_3358, %parallel_loop3A_3359, %parallel_loop3A_3360] : memref<2x8x8x256xf32, #tpu.memory_space<vmem>> -> memref<1x8x8x256xf32, #tpu.memory_space<vmem>>
        %parallel_loop3A_3362 = tpu.memref_squeeze %parallel_loop3A_3361 : memref<1x8x8x256xf32, #tpu.memory_space<vmem>> -> memref<8x8x256xf32, #tpu.memory_space<vmem>>
        %parallel_loop3A_3363 = arith.index_cast %parallel_loop3A_3164 : i32 to index
        %parallel_loop3A_3364 = arith.index_cast %parallel_loop3A_3357 : i32 to index
        %parallel_loop3A_3365 = arith.index_cast %parallel_loop3A_3168 : i32 to index
        %parallel_loop3A_3366 = tpu.vector_load %parallel_loop3A_3362[%parallel_loop3A_3363, %parallel_loop3A_3364, %parallel_loop3A_3365] {strides = array<i32>} : memref<8x8x256xf32, #tpu.memory_space<vmem>>, vector<1x1x16xf32>,
        %parallel_loop3A_3367 = vector.shape_cast %parallel_loop3A_3366 : vector<1x1x16xf32> to vector<16xf32>
        %parallel_loop3A_3368 = vector.shape_cast %parallel_loop3A_3356 : vector<16xf32> to vector<1x1x16xf32>
        tpu.vector_store %parallel_loop3A_3362[%parallel_loop3A_3363, %parallel_loop3A_3364, %parallel_loop3A_3365], %parallel_loop3A_3368 {strides = array<i32>} : memref<8x8x256xf32, #tpu.memory_space<vmem>>, vector<1x1x16xf32>,
      } {sc.loop_unroll_factor = 2 : i64, sc.parallel_access}
      %mul3A_1649 = arith.constant 16 : i32
      %mul3A_1650 = arith.muli %mul3A_1649, %add3A_1477 : i32
      %add3A_1651 = arith.addi %arg1, %mul3A_1650 : i32
      %jit3A_1652 = arith.constant 48 : i32
      %div3A_1653 = arith.divsi %add3A_1651, %jit3A_1652 : i32
      %sign3A_1654 = arith.constant 0 : i32
      %sign3A_1655 = arith.cmpi sgt, %add3A_1651, %sign3A_1654 : i32
      %sign3A_1656 = arith.extui %sign3A_1655 : i1 to i32
      %sign3A_1657 = arith.constant 0 : i32
      %sign3A_1658 = arith.cmpi slt, %add3A_1651, %sign3A_1657 : i32
      %sign3A_1659 = arith.extui %sign3A_1658 : i1 to i32
      %sign3A_1660 = arith.subi %sign3A_1656, %sign3A_1659 : i32
      %sign3A_1661 = arith.constant 0 : i32
      %sign3A_1662 = arith.cmpi sgt, %jit3A_1652, %sign3A_1661 : i32
      %sign3A_1663 = arith.extui %sign3A_1662 : i1 to i32
      %sign3A_1664 = arith.constant 0 : i32
      %sign3A_1665 = arith.cmpi slt, %jit3A_1652, %sign3A_1664 : i32
      %sign3A_1666 = arith.extui %sign3A_1665 : i1 to i32
      %sign3A_1667 = arith.subi %sign3A_1663, %sign3A_1666 : i32
      %ne3A_1668 = arith.cmpi ne, %sign3A_1660, %sign3A_1667 : i32
      %rem3A_1669 = arith.remsi %add3A_1651, %jit3A_1652 : i32
      %ne3A_1670 = arith.constant 0 : i32
      %ne3A_1671 = arith.cmpi ne, %rem3A_1669, %ne3A_1670 : i32
      %and3A_1672 = arith.andi %ne3A_1668, %ne3A_1671 : i1
      %sub3A_1673 = arith.constant 1 : i32
      %sub3A_1674 = arith.subi %div3A_1653, %sub3A_1673 : i32
      %select_n3A_1675 = arith.select %and3A_1672, %sub3A_1674, %div3A_1653 : i32
      %mul3A_1676 = arith.constant 48 : i32
      %mul3A_1677 = arith.muli %select_n3A_1675, %mul3A_1676 : i32
      %sub3A_1678 = arith.subi %add3A_1651, %mul3A_1677 : i32
      %jit3A_1679 = arith.constant 3 : i32
      %div3A_1680 = arith.divsi %sub3A_1678, %jit3A_1679 : i32
      %sign3A_1681 = arith.constant 0 : i32
      %sign3A_1682 = arith.cmpi sgt, %sub3A_1678, %sign3A_1681 : i32
      %sign3A_1683 = arith.extui %sign3A_1682 : i1 to i32
      %sign3A_1684 = arith.constant 0 : i32
      %sign3A_1685 = arith.cmpi slt, %sub3A_1678, %sign3A_1684 : i32
      %sign3A_1686 = arith.extui %sign3A_1685 : i1 to i32
      %sign3A_1687 = arith.subi %sign3A_1683, %sign3A_1686 : i32
      %sign3A_1688 = arith.constant 0 : i32
      %sign3A_1689 = arith.cmpi sgt, %jit3A_1679, %sign3A_1688 : i32
      %sign3A_1690 = arith.extui %sign3A_1689 : i1 to i32
      %sign3A_1691 = arith.constant 0 : i32
      %sign3A_1692 = arith.cmpi slt, %jit3A_1679, %sign3A_1691 : i32
      %sign3A_1693 = arith.extui %sign3A_1692 : i1 to i32
      %sign3A_1694 = arith.subi %sign3A_1690, %sign3A_1693 : i32
      %ne3A_1695 = arith.cmpi ne, %sign3A_1687, %sign3A_1694 : i32
      %rem3A_1696 = arith.remsi %sub3A_1678, %jit3A_1679 : i32
      %ne3A_1697 = arith.constant 0 : i32
      %ne3A_1698 = arith.cmpi ne, %rem3A_1696, %ne3A_1697 : i32
      %and3A_1699 = arith.andi %ne3A_1695, %ne3A_1698 : i1
      %sub3A_1700 = arith.constant 1 : i32
      %sub3A_1701 = arith.subi %div3A_1680, %sub3A_1700 : i32
      %select_n3A_1702 = arith.select %and3A_1699, %sub3A_1701, %div3A_1680 : i32
      %mul3A_1703 = arith.constant 3 : i32
      %mul3A_1704 = arith.muli %select_n3A_1702, %mul3A_1703 : i32
      %sub3A_1705 = arith.subi %sub3A_1678, %mul3A_1704 : i32
      %mul3A_1706 = arith.constant 36 : i32
      %mul3A_1707 = arith.muli %arg0, %mul3A_1706 : i32
      %add3A_1708 = arith.addi %mul3A_1707, %select_n3A_1675 : i32
      %mul3A_1709 = arith.constant 8 : i32
      %mul3A_1710 = arith.muli %mul3A_1709, %add3A_1708 : i32
      %add3A_1711 = arith.constant 1 : i32
      %add3A_1712 = arith.addi %mul3A_1710, %add3A_1711 : i32
      %mul3A_1713 = arith.constant 8 : i32
      %mul3A_1714 = arith.muli %mul3A_1713, %select_n3A_1702 : i32
      %mul3A_1715 = arith.constant 256 : i32
      %mul3A_1716 = arith.muli %mul3A_1715, %sub3A_1705 : i32
      %dma_start3A_1717 = arith.constant 0 : i32
      %dma_start3A_1718 = arith.constant 0 : i32
      %dma_start3A_1719 = arith.constant 0 : i32
      %dma_start3A_1720 = arith.constant 0 : i32
      %dma_start3A_1721 = arith.constant 0 : i32
      %dma_start3A_1722 = tpu.memref_slice %arg10[%dma_start3A_1717, %dma_start3A_1719, %dma_start3A_1720, %dma_start3A_1721] : memref<2x8x8x256xf32, #tpu.memory_space<vmem>> -> memref<1x8x8x256xf32, #tpu.memory_space<vmem>>
      %dma_start3A_1723 = tpu.memref_squeeze %dma_start3A_1722 : memref<1x8x8x256xf32, #tpu.memory_space<vmem>> -> memref<8x8x256xf32, #tpu.memory_space<vmem>>
      %dma_start3A_1724 = tpu.memref_slice %arg5[%add3A_1712, %mul3A_1714, %mul3A_1716] : memref<577x128x768xf32, #tpu.memory_space<hbm>> -> memref<8x8x256xf32, #tpu.memory_space<hbm>>
      %dma_start3A_1725 = tpu.memref_slice %arg14[%dma_start3A_1718] : memref<2x!tpu.dma_semaphore, #tpu.memory_space<semaphore_mem>> -> memref<1x!tpu.dma_semaphore, #tpu.memory_space<semaphore_mem>>
      %dma_start3A_1726 = tpu.memref_squeeze %dma_start3A_1725 : memref<1x!tpu.dma_semaphore, #tpu.memory_space<semaphore_mem>> -> memref<!tpu.dma_semaphore, #tpu.memory_space<semaphore_mem>>
      %dma_start3A_1727 = tpu.memref_slice %arg5[%add3A_1712, %mul3A_1714, %mul3A_1716] : memref<577x128x768xf32, #tpu.memory_space<hbm>> -> memref<8x8x256xf32, #tpu.memory_space<hbm>>
      %dma_start3A_1728 = arith.constant 0 : i32
      %dma_start3A_1729 = arith.constant 0 : i32
      %dma_start3A_1730 = arith.constant 0 : i32
      %dma_start3A_1731 = tpu.memref_slice %arg10[%dma_start3A_1717, %dma_start3A_1728, %dma_start3A_1729, %dma_start3A_1730] : memref<2x8x8x256xf32, #tpu.memory_space<vmem>> -> memref<1x8x8x256xf32, #tpu.memory_space<vmem>>
      %dma_start3A_1732 = tpu.memref_squeeze %dma_start3A_1731 : memref<1x8x8x256xf32, #tpu.memory_space<vmem>> -> memref<8x8x256xf32, #tpu.memory_space<vmem>>
      tpu.enqueue_dma source(%dma_start3A_1732 : memref<8x8x256xf32, #tpu.memory_space<vmem>>) target(%dma_start3A_1727 : memref<8x8x256xf32, #tpu.memory_space<hbm>>) target_semaphore(%dma_start3A_1726 : memref<!tpu.dma_semaphore, #tpu.memory_space<semaphore_mem>>)
      %add3A_1733 = arith.constant 4 : i32
      %add3A_1734 = arith.addi %add3A_1477, %add3A_1733 : i32
      %min3A = arith.constant 107 : i32
      %min3A_1735 = arith.minsi %add3A_1734, %min3A : i32
      %mul3A_1736 = arith.constant 16 : i32
      %mul3A_1737 = arith.muli %mul3A_1736, %min3A_1735 : i32
      %add3A_1738 = arith.addi %arg1, %mul3A_1737 : i32
      %jit3A_1739 = arith.constant 48 : i32
      %div3A_1740 = arith.divsi %add3A_1738, %jit3A_1739 : i32
      %sign3A_1741 = arith.constant 0 : i32
      %sign3A_1742 = arith.cmpi sgt, %add3A_1738, %sign3A_1741 : i32
      %sign3A_1743 = arith.extui %sign3A_1742 : i1 to i32
      %sign3A_1744 = arith.constant 0 : i32
      %sign3A_1745 = arith.cmpi slt, %add3A_1738, %sign3A_1744 : i32
      %sign3A_1746 = arith.extui %sign3A_1745 : i1 to i32
      %sign3A_1747 = arith.subi %sign3A_1743, %sign3A_1746 : i32
      %sign3A_1748 = arith.constant 0 : i32
      %sign3A_1749 = arith.cmpi sgt, %jit3A_1739, %sign3A_1748 : i32
      %sign3A_1750 = arith.extui %sign3A_1749 : i1 to i32
      %sign3A_1751 = arith.constant 0 : i32
      %sign3A_1752 = arith.cmpi slt, %jit3A_1739, %sign3A_1751 : i32
      %sign3A_1753 = arith.extui %sign3A_1752 : i1 to i32
      %sign3A_1754 = arith.subi %sign3A_1750, %sign3A_1753 : i32
      %ne3A_1755 = arith.cmpi ne, %sign3A_1747, %sign3A_1754 : i32
      %rem3A_1756 = arith.remsi %add3A_1738, %jit3A_1739 : i32
      %ne3A_1757 = arith.constant 0 : i32
      %ne3A_1758 = arith.cmpi ne, %rem3A_1756, %ne3A_1757 : i32
      %and3A_1759 = arith.andi %ne3A_1755, %ne3A_1758 : i1
      %sub3A_1760 = arith.constant 1 : i32
      %sub3A_1761 = arith.subi %div3A_1740, %sub3A_1760 : i32
      %select_n3A_1762 = arith.select %and3A_1759, %sub3A_1761, %div3A_1740 : i32
      %mul3A_1763 = arith.constant 48 : i32
      %mul3A_1764 = arith.muli %select_n3A_1762, %mul3A_1763 : i32
      %sub3A_1765 = arith.subi %add3A_1738, %mul3A_1764 : i32
      %jit3A_1766 = arith.constant 3 : i32
      %div3A_1767 = arith.divsi %sub3A_1765, %jit3A_1766 : i32
      %sign3A_1768 = arith.constant 0 : i32
      %sign3A_1769 = arith.cmpi sgt, %sub3A_1765, %sign3A_1768 : i32
      %sign3A_1770 = arith.extui %sign3A_1769 : i1 to i32
      %sign3A_1771 = arith.constant 0 : i32
      %sign3A_1772 = arith.cmpi slt, %sub3A_1765, %sign3A_1771 : i32
      %sign3A_1773 = arith.extui %sign3A_1772 : i1 to i32
      %sign3A_1774 = arith.subi %sign3A_1770, %sign3A_1773 : i32
      %sign3A_1775 = arith.constant 0 : i32
      %sign3A_1776 = arith.cmpi sgt, %jit3A_1766, %sign3A_1775 : i32
      %sign3A_1777 = arith.extui %sign3A_1776 : i1 to i32
      %sign3A_1778 = arith.constant 0 : i32
      %sign3A_1779 = arith.cmpi slt, %jit3A_1766, %sign3A_1778 : i32
      %sign3A_1780 = arith.extui %sign3A_1779 : i1 to i32
      %sign3A_1781 = arith.subi %sign3A_1777, %sign3A_1780 : i32
      %ne3A_1782 = arith.cmpi ne, %sign3A_1774, %sign3A_1781 : i32
      %rem3A_1783 = arith.remsi %sub3A_1765, %jit3A_1766 : i32
      %ne3A_1784 = arith.constant 0 : i32
      %ne3A_1785 = arith.cmpi ne, %rem3A_1783, %ne3A_1784 : i32
      %and3A_1786 = arith.andi %ne3A_1782, %ne3A_1785 : i1
      %sub3A_1787 = arith.constant 1 : i32
      %sub3A_1788 = arith.subi %div3A_1767, %sub3A_1787 : i32
      %select_n3A_1789 = arith.select %and3A_1786, %sub3A_1788, %div3A_1767 : i32
      %mul3A_1790 = arith.constant 3 : i32
      %mul3A_1791 = arith.muli %select_n3A_1789, %mul3A_1790 : i32
      %sub3A_1792 = arith.subi %sub3A_1765, %mul3A_1791 : i32
      %mul3A_1793 = arith.constant 36 : i32
      %mul3A_1794 = arith.muli %arg0, %mul3A_1793 : i32
      %add3A_1795 = arith.addi %mul3A_1794, %select_n3A_1762 : i32
      %mul3A_1796 = arith.constant 8 : i32
      %mul3A_1797 = arith.muli %mul3A_1796, %select_n3A_1789 : i32
      %mul3A_1798 = arith.constant 8 : i32
      %mul3A_1799 = arith.muli %mul3A_1798, %add3A_1795 : i32
      %mul3A_1800 = arith.constant 256 : i32
      %mul3A_1801 = arith.muli %mul3A_1800, %sub3A_1792 : i32
      %dma_start3A_1802 = arith.constant 0 : i32
      %dma_start3A_1803 = arith.constant 0 : i32
      %dma_start3A_1804 = arith.constant 0 : i32
      %dma_start3A_1805 = arith.constant 0 : i32
      %dma_start3A_1806 = arith.constant 0 : i32
      %dma_start3A_1807 = tpu.memref_slice %arg8[%dma_start3A_1802, %dma_start3A_1804, %dma_start3A_1805, %dma_start3A_1806] : memref<4x8x8x256xf32, #tpu.memory_space<vmem>> -> memref<1x8x8x256xf32, #tpu.memory_space<vmem>>
      %dma_start3A_1808 = tpu.memref_squeeze %dma_start3A_1807 : memref<1x8x8x256xf32, #tpu.memory_space<vmem>> -> memref<8x8x256xf32, #tpu.memory_space<vmem>>
      %dma_start3A_1809 = tpu.memref_slice %arg2[%mul3A_1797, %mul3A_1799, %mul3A_1801] : memref<128x576x768xf32, #tpu.memory_space<hbm>> -> memref<8x8x256xf32, #tpu.memory_space<hbm>>
      %dma_start3A_1810 = tpu.memref_slice %arg12[%dma_start3A_1803] : memref<4x!tpu.dma_semaphore, #tpu.memory_space<semaphore_mem>> -> memref<1x!tpu.dma_semaphore, #tpu.memory_space<semaphore_mem>>
      %dma_start3A_1811 = tpu.memref_squeeze %dma_start3A_1810 : memref<1x!tpu.dma_semaphore, #tpu.memory_space<semaphore_mem>> -> memref<!tpu.dma_semaphore, #tpu.memory_space<semaphore_mem>>
      %dma_start3A_1812 = arith.constant 0 : i32
      %dma_start3A_1813 = arith.constant 0 : i32
      %dma_start3A_1814 = arith.constant 0 : i32
      %dma_start3A_1815 = tpu.memref_slice %arg8[%dma_start3A_1802, %dma_start3A_1812, %dma_start3A_1813, %dma_start3A_1814] : memref<4x8x8x256xf32, #tpu.memory_space<vmem>> -> memref<1x8x8x256xf32, #tpu.memory_space<vmem>>
      %dma_start3A_1816 = tpu.memref_squeeze %dma_start3A_1815 : memref<1x8x8x256xf32, #tpu.memory_space<vmem>> -> memref<8x8x256xf32, #tpu.memory_space<vmem>>
      %dma_start3A_1817 = tpu.memref_slice %arg2[%mul3A_1797, %mul3A_1799, %mul3A_1801] : memref<128x576x768xf32, #tpu.memory_space<hbm>> -> memref<8x8x256xf32, #tpu.memory_space<hbm>>
      tpu.enqueue_dma source(%dma_start3A_1817 : memref<8x8x256xf32, #tpu.memory_space<hbm>>) target(%dma_start3A_1816 : memref<8x8x256xf32, #tpu.memory_space<vmem>>) target_semaphore(%dma_start3A_1811 : memref<!tpu.dma_semaphore, #tpu.memory_space<semaphore_mem>>)
      %mul3A_1818 = arith.constant 16 : i32
      %mul3A_1819 = arith.muli %mul3A_1818, %min3A_1735 : i32
      %add3A_1820 = arith.addi %arg1, %mul3A_1819 : i32
      %jit3A_1821 = arith.constant 48 : i32
      %div3A_1822 = arith.divsi %add3A_1820, %jit3A_1821 : i32
      %sign3A_1823 = arith.constant 0 : i32
      %sign3A_1824 = arith.cmpi sgt, %add3A_1820, %sign3A_1823 : i32
      %sign3A_1825 = arith.extui %sign3A_1824 : i1 to i32
      %sign3A_1826 = arith.constant 0 : i32
      %sign3A_1827 = arith.cmpi slt, %add3A_1820, %sign3A_1826 : i32
      %sign3A_1828 = arith.extui %sign3A_1827 : i1 to i32
      %sign3A_1829 = arith.subi %sign3A_1825, %sign3A_1828 : i32
      %sign3A_1830 = arith.constant 0 : i32
      %sign3A_1831 = arith.cmpi sgt, %jit3A_1821, %sign3A_1830 : i32
      %sign3A_1832 = arith.extui %sign3A_1831 : i1 to i32
      %sign3A_1833 = arith.constant 0 : i32
      %sign3A_1834 = arith.cmpi slt, %jit3A_1821, %sign3A_1833 : i32
      %sign3A_1835 = arith.extui %sign3A_1834 : i1 to i32
      %sign3A_1836 = arith.subi %sign3A_1832, %sign3A_1835 : i32
      %ne3A_1837 = arith.cmpi ne, %sign3A_1829, %sign3A_1836 : i32
      %rem3A_1838 = arith.remsi %add3A_1820, %jit3A_1821 : i32
      %ne3A_1839 = arith.constant 0 : i32
      %ne3A_1840 = arith.cmpi ne, %rem3A_1838, %ne3A_1839 : i32
      %and3A_1841 = arith.andi %ne3A_1837, %ne3A_1840 : i1
      %sub3A_1842 = arith.constant 1 : i32
      %sub3A_1843 = arith.subi %div3A_1822, %sub3A_1842 : i32
      %select_n3A_1844 = arith.select %and3A_1841, %sub3A_1843, %div3A_1822 : i32
      %mul3A_1845 = arith.constant 48 : i32
      %mul3A_1846 = arith.muli %select_n3A_1844, %mul3A_1845 : i32
      %sub3A_1847 = arith.subi %add3A_1820, %mul3A_1846 : i32
      %jit3A_1848 = arith.constant 3 : i32
      %div3A_1849 = arith.divsi %sub3A_1847, %jit3A_1848 : i32
      %sign3A_1850 = arith.constant 0 : i32
      %sign3A_1851 = arith.cmpi sgt, %sub3A_1847, %sign3A_1850 : i32
      %sign3A_1852 = arith.extui %sign3A_1851 : i1 to i32
      %sign3A_1853 = arith.constant 0 : i32
      %sign3A_1854 = arith.cmpi slt, %sub3A_1847, %sign3A_1853 : i32
      %sign3A_1855 = arith.extui %sign3A_1854 : i1 to i32
      %sign3A_1856 = arith.subi %sign3A_1852, %sign3A_1855 : i32
      %sign3A_1857 = arith.constant 0 : i32
      %sign3A_1858 = arith.cmpi sgt, %jit3A_1848, %sign3A_1857 : i32
      %sign3A_1859 = arith.extui %sign3A_1858 : i1 to i32
      %sign3A_1860 = arith.constant 0 : i32
      %sign3A_1861 = arith.cmpi slt, %jit3A_1848, %sign3A_1860 : i32
      %sign3A_1862 = arith.extui %sign3A_1861 : i1 to i32
      %sign3A_1863 = arith.subi %sign3A_1859, %sign3A_1862 : i32
      %ne3A_1864 = arith.cmpi ne, %sign3A_1856, %sign3A_1863 : i32
      %rem3A_1865 = arith.remsi %sub3A_1847, %jit3A_1848 : i32
      %ne3A_1866 = arith.constant 0 : i32
      %ne3A_1867 = arith.cmpi ne, %rem3A_1865, %ne3A_1866 : i32
      %and3A_1868 = arith.andi %ne3A_1864, %ne3A_1867 : i1
      %sub3A_1869 = arith.constant 1 : i32
      %sub3A_1870 = arith.subi %div3A_1849, %sub3A_1869 : i32
      %select_n3A_1871 = arith.select %and3A_1868, %sub3A_1870, %div3A_1849 : i32
      %mul3A_1872 = arith.constant 3 : i32
      %mul3A_1873 = arith.muli %select_n3A_1871, %mul3A_1872 : i32
      %sub3A_1874 = arith.subi %sub3A_1847, %mul3A_1873 : i32
      %mul3A_1875 = arith.constant 36 : i32
      %mul3A_1876 = arith.muli %arg0, %mul3A_1875 : i32
      %add3A_1877 = arith.addi %mul3A_1876, %select_n3A_1844 : i32
      %mul3A_1878 = arith.constant 8 : i32
      %mul3A_1879 = arith.muli %mul3A_1878, %select_n3A_1844 : i32
      %mul3A_1880 = arith.constant 256 : i32
      %mul3A_1881 = arith.muli %mul3A_1880, %sub3A_1874 : i32
      %dma_start3A_1882 = arith.constant 0 : i32
      %dma_start3A_1883 = arith.constant 0 : i32
      %dma_start3A_1884 = arith.constant 0 : i32
      %dma_start3A_1885 = arith.constant 0 : i32
      %dma_start3A_1886 = tpu.memref_slice %arg9[%dma_start3A_1882, %dma_start3A_1884, %dma_start3A_1885] : memref<4x8x256xf32, #tpu.memory_space<vmem>> -> memref<1x8x256xf32, #tpu.memory_space<vmem>>
      %dma_start3A_1887 = tpu.memref_squeeze %dma_start3A_1886 : memref<1x8x256xf32, #tpu.memory_space<vmem>> -> memref<8x256xf32, #tpu.memory_space<vmem>>
      %dma_start3A_1888 = tpu.memref_slice %arg11[%mul3A_1879, %mul3A_1881] : memref<288x768xf32, #tpu.memory_space<vmem_shared>> -> memref<8x256xf32, #tpu.memory_space<vmem_shared>>
      %dma_start3A_1889 = tpu.memref_slice %arg13[%dma_start3A_1883] : memref<4x!tpu.dma_semaphore, #tpu.memory_space<semaphore_mem>> -> memref<1x!tpu.dma_semaphore, #tpu.memory_space<semaphore_mem>>
      %dma_start3A_1890 = tpu.memref_squeeze %dma_start3A_1889 : memref<1x!tpu.dma_semaphore, #tpu.memory_space<semaphore_mem>> -> memref<!tpu.dma_semaphore, #tpu.memory_space<semaphore_mem>>
      %dma_start3A_1891 = arith.constant 0 : i32
      %dma_start3A_1892 = arith.constant 0 : i32
      %dma_start3A_1893 = tpu.memref_slice %arg9[%dma_start3A_1882, %dma_start3A_1891, %dma_start3A_1892] : memref<4x8x256xf32, #tpu.memory_space<vmem>> -> memref<1x8x256xf32, #tpu.memory_space<vmem>>
      %dma_start3A_1894 = tpu.memref_squeeze %dma_start3A_1893 : memref<1x8x256xf32, #tpu.memory_space<vmem>> -> memref<8x256xf32, #tpu.memory_space<vmem>>
      %dma_start3A_1895 = tpu.memref_slice %arg11[%mul3A_1879, %mul3A_1881] : memref<288x768xf32, #tpu.memory_space<vmem_shared>> -> memref<8x256xf32, #tpu.memory_space<vmem_shared>>
      tpu.enqueue_dma source(%dma_start3A_1895 : memref<8x256xf32, #tpu.memory_space<vmem_shared>>) target(%dma_start3A_1894 : memref<8x256xf32, #tpu.memory_space<vmem>>) target_semaphore(%dma_start3A_1890 : memref<!tpu.dma_semaphore, #tpu.memory_space<semaphore_mem>>)
      %add3A_1896 = arith.constant 1 : i32
      %add3A_1897 = arith.addi %add3A_1475, %add3A_1896 : i32
      %mul3A_1898 = arith.constant 16 : i32
      %mul3A_1899 = arith.muli %mul3A_1898, %add3A_1897 : i32
      %add3A_1900 = arith.addi %arg1, %mul3A_1899 : i32
      %jit3A_1901 = arith.constant 48 : i32
      %div3A_1902 = arith.divsi %add3A_1900, %jit3A_1901 : i32
      %sign3A_1903 = arith.constant 0 : i32
      %sign3A_1904 = arith.cmpi sgt, %add3A_1900, %sign3A_1903 : i32
      %sign3A_1905 = arith.extui %sign3A_1904 : i1 to i32
      %sign3A_1906 = arith.constant 0 : i32
      %sign3A_1907 = arith.cmpi slt, %add3A_1900, %sign3A_1906 : i32
      %sign3A_1908 = arith.extui %sign3A_1907 : i1 to i32
      %sign3A_1909 = arith.subi %sign3A_1905, %sign3A_1908 : i32
      %sign3A_1910 = arith.constant 0 : i32
      %sign3A_1911 = arith.cmpi sgt, %jit3A_1901, %sign3A_1910 : i32
      %sign3A_1912 = arith.extui %sign3A_1911 : i1 to i32
      %sign3A_1913 = arith.constant 0 : i32
      %sign3A_1914 = arith.cmpi slt, %jit3A_1901, %sign3A_1913 : i32
      %sign3A_1915 = arith.extui %sign3A_1914 : i1 to i32
      %sign3A_1916 = arith.subi %sign3A_1912, %sign3A_1915 : i32
      %ne3A_1917 = arith.cmpi ne, %sign3A_1909, %sign3A_1916 : i32
      %rem3A_1918 = arith.remsi %add3A_1900, %jit3A_1901 : i32
      %ne3A_1919 = arith.constant 0 : i32
      %ne3A_1920 = arith.cmpi ne, %rem3A_1918, %ne3A_1919 : i32
      %and3A_1921 = arith.andi %ne3A_1917, %ne3A_1920 : i1
      %sub3A_1922 = arith.constant 1 : i32
      %sub3A_1923 = arith.subi %div3A_1902, %sub3A_1922 : i32
      %select_n3A_1924 = arith.select %and3A_1921, %sub3A_1923, %div3A_1902 : i32
      %mul3A_1925 = arith.constant 48 : i32
      %mul3A_1926 = arith.muli %select_n3A_1924, %mul3A_1925 : i32
      %sub3A_1927 = arith.subi %add3A_1900, %mul3A_1926 : i32
      %jit3A_1928 = arith.constant 3 : i32
      %div3A_1929 = arith.divsi %sub3A_1927, %jit3A_1928 : i32
      %sign3A_1930 = arith.constant 0 : i32
      %sign3A_1931 = arith.cmpi sgt, %sub3A_1927, %sign3A_1930 : i32
      %sign3A_1932 = arith.extui %sign3A_1931 : i1 to i32
      %sign3A_1933 = arith.constant 0 : i32
      %sign3A_1934 = arith.cmpi slt, %sub3A_1927, %sign3A_1933 : i32
      %sign3A_1935 = arith.extui %sign3A_1934 : i1 to i32
      %sign3A_1936 = arith.subi %sign3A_1932, %sign3A_1935 : i32
      %sign3A_1937 = arith.constant 0 : i32
      %sign3A_1938 = arith.cmpi sgt, %jit3A_1928, %sign3A_1937 : i32
      %sign3A_1939 = arith.extui %sign3A_1938 : i1 to i32
      %sign3A_1940 = arith.constant 0 : i32
      %sign3A_1941 = arith.cmpi slt, %jit3A_1928, %sign3A_1940 : i32
      %sign3A_1942 = arith.extui %sign3A_1941 : i1 to i32
      %sign3A_1943 = arith.subi %sign3A_1939, %sign3A_1942 : i32
      %ne3A_1944 = arith.cmpi ne, %sign3A_1936, %sign3A_1943 : i32
      %rem3A_1945 = arith.remsi %sub3A_1927, %jit3A_1928 : i32
      %ne3A_1946 = arith.constant 0 : i32
      %ne3A_1947 = arith.cmpi ne, %rem3A_1945, %ne3A_1946 : i32
      %and3A_1948 = arith.andi %ne3A_1944, %ne3A_1947 : i1
      %sub3A_1949 = arith.constant 1 : i32
      %sub3A_1950 = arith.subi %div3A_1929, %sub3A_1949 : i32
      %select_n3A_1951 = arith.select %and3A_1948, %sub3A_1950, %div3A_1929 : i32
      %mul3A_1952 = arith.constant 3 : i32
      %mul3A_1953 = arith.muli %select_n3A_1951, %mul3A_1952 : i32
      %sub3A_1954 = arith.subi %sub3A_1927, %mul3A_1953 : i32
      %mul3A_1955 = arith.constant 36 : i32
      %mul3A_1956 = arith.muli %arg0, %mul3A_1955 : i32
      %add3A_1957 = arith.addi %mul3A_1956, %select_n3A_1924 : i32
      %mul3A_1958 = arith.constant 8 : i32
      %mul3A_1959 = arith.muli %mul3A_1958, %select_n3A_1951 : i32
      %mul3A_1960 = arith.constant 8 : i32
      %mul3A_1961 = arith.muli %mul3A_1960, %add3A_1957 : i32
      %mul3A_1962 = arith.constant 256 : i32
      %mul3A_1963 = arith.muli %mul3A_1962, %sub3A_1954 : i32
      %dma_wait3A_1964 = arith.constant 1 : i32
      %dma_wait3A_1965 = arith.constant 1 : i32
      %dma_wait3A_1966 = arith.constant 0 : i32
      %dma_wait3A_1967 = arith.constant 0 : i32
      %dma_wait3A_1968 = arith.constant 0 : i32
      %dma_wait3A_1969 = tpu.memref_slice %arg8[%dma_wait3A_1964, %dma_wait3A_1966, %dma_wait3A_1967, %dma_wait3A_1968] : memref<4x8x8x256xf32, #tpu.memory_space<vmem>> -> memref<1x8x8x256xf32, #tpu.memory_space<vmem>>
      %dma_wait3A_1970 = tpu.memref_squeeze %dma_wait3A_1969 : memref<1x8x8x256xf32, #tpu.memory_space<vmem>> -> memref<8x8x256xf32, #tpu.memory_space<vmem>>
      %dma_wait3A_1971 = tpu.memref_slice %arg2[%mul3A_1959, %mul3A_1961, %mul3A_1963] : memref<128x576x768xf32, #tpu.memory_space<hbm>> -> memref<8x8x256xf32, #tpu.memory_space<hbm>>
      %dma_wait3A_1972 = tpu.memref_slice %arg12[%dma_wait3A_1965] : memref<4x!tpu.dma_semaphore, #tpu.memory_space<semaphore_mem>> -> memref<1x!tpu.dma_semaphore, #tpu.memory_space<semaphore_mem>>
      %dma_wait3A_1973 = tpu.memref_squeeze %dma_wait3A_1972 : memref<1x!tpu.dma_semaphore, #tpu.memory_space<semaphore_mem>> -> memref<!tpu.dma_semaphore, #tpu.memory_space<semaphore_mem>>
      %dma_wait3A_1974 = arith.constant 0 : i32
      %dma_wait3A_1975 = arith.constant 0 : i32
      %dma_wait3A_1976 = arith.constant 0 : i32
      %dma_wait3A_1977 = tpu.memref_slice %arg8[%dma_wait3A_1964, %dma_wait3A_1974, %dma_wait3A_1975, %dma_wait3A_1976] : memref<4x8x8x256xf32, #tpu.memory_space<vmem>> -> memref<1x8x8x256xf32, #tpu.memory_space<vmem>>
      %dma_wait3A_1978 = tpu.memref_squeeze %dma_wait3A_1977 : memref<1x8x8x256xf32, #tpu.memory_space<vmem>> -> memref<8x8x256xf32, #tpu.memory_space<vmem>>
      %dma_wait3A_1979 = tpu.memref_slice %arg2[%mul3A_1959, %mul3A_1961, %mul3A_1963] : memref<128x576x768xf32, #tpu.memory_space<hbm>> -> memref<8x8x256xf32, #tpu.memory_space<hbm>>
      tpu.wait_dma2 semaphore(%dma_wait3A_1973 : memref<!tpu.dma_semaphore, #tpu.memory_space<semaphore_mem>>) src(%dma_wait3A_1979 : memref<8x8x256xf32, #tpu.memory_space<hbm>>) dst(%dma_wait3A_1978 : memref<8x8x256xf32, #tpu.memory_space<vmem>>)
      %mul3A_1980 = arith.constant 16 : i32
      %mul3A_1981 = arith.muli %mul3A_1980, %add3A_1897 : i32
      %add3A_1982 = arith.addi %arg1, %mul3A_1981 : i32
      %jit3A_1983 = arith.constant 48 : i32
      %div3A_1984 = arith.divsi %add3A_1982, %jit3A_1983 : i32
      %sign3A_1985 = arith.constant 0 : i32
      %sign3A_1986 = arith.cmpi sgt, %add3A_1982, %sign3A_1985 : i32
      %sign3A_1987 = arith.extui %sign3A_1986 : i1 to i32
      %sign3A_1988 = arith.constant 0 : i32
      %sign3A_1989 = arith.cmpi slt, %add3A_1982, %sign3A_1988 : i32
      %sign3A_1990 = arith.extui %sign3A_1989 : i1 to i32
      %sign3A_1991 = arith.subi %sign3A_1987, %sign3A_1990 : i32
      %sign3A_1992 = arith.constant 0 : i32
      %sign3A_1993 = arith.cmpi sgt, %jit3A_1983, %sign3A_1992 : i32
      %sign3A_1994 = arith.extui %sign3A_1993 : i1 to i32
      %sign3A_1995 = arith.constant 0 : i32
      %sign3A_1996 = arith.cmpi slt, %jit3A_1983, %sign3A_1995 : i32
      %sign3A_1997 = arith.extui %sign3A_1996 : i1 to i32
      %sign3A_1998 = arith.subi %sign3A_1994, %sign3A_1997 : i32
      %ne3A_1999 = arith.cmpi ne, %sign3A_1991, %sign3A_1998 : i32
      %rem3A_2000 = arith.remsi %add3A_1982, %jit3A_1983 : i32
      %ne3A_2001 = arith.constant 0 : i32
      %ne3A_2002 = arith.cmpi ne, %rem3A_2000, %ne3A_2001 : i32
      %and3A_2003 = arith.andi %ne3A_1999, %ne3A_2002 : i1
      %sub3A_2004 = arith.constant 1 : i32
      %sub3A_2005 = arith.subi %div3A_1984, %sub3A_2004 : i32
      %select_n3A_2006 = arith.select %and3A_2003, %sub3A_2005, %div3A_1984 : i32
      %mul3A_2007 = arith.constant 48 : i32
      %mul3A_2008 = arith.muli %select_n3A_2006, %mul3A_2007 : i32
      %sub3A_2009 = arith.subi %add3A_1982, %mul3A_2008 : i32
      %jit3A_2010 = arith.constant 3 : i32
      %div3A_2011 = arith.divsi %sub3A_2009, %jit3A_2010 : i32
      %sign3A_2012 = arith.constant 0 : i32
      %sign3A_2013 = arith.cmpi sgt, %sub3A_2009, %sign3A_2012 : i32
      %sign3A_2014 = arith.extui %sign3A_2013 : i1 to i32
      %sign3A_2015 = arith.constant 0 : i32
      %sign3A_2016 = arith.cmpi slt, %sub3A_2009, %sign3A_2015 : i32
      %sign3A_2017 = arith.extui %sign3A_2016 : i1 to i32
      %sign3A_2018 = arith.subi %sign3A_2014, %sign3A_2017 : i32
      %sign3A_2019 = arith.constant 0 : i32
      %sign3A_2020 = arith.cmpi sgt, %jit3A_2010, %sign3A_2019 : i32
      %sign3A_2021 = arith.extui %sign3A_2020 : i1 to i32
      %sign3A_2022 = arith.constant 0 : i32
      %sign3A_2023 = arith.cmpi slt, %jit3A_2010, %sign3A_2022 : i32
      %sign3A_2024 = arith.extui %sign3A_2023 : i1 to i32
      %sign3A_2025 = arith.subi %sign3A_2021, %sign3A_2024 : i32
      %ne3A_2026 = arith.cmpi ne, %sign3A_2018, %sign3A_2025 : i32
      %rem3A_2027 = arith.remsi %sub3A_2009, %jit3A_2010 : i32
      %ne3A_2028 = arith.constant 0 : i32
      %ne3A_2029 = arith.cmpi ne, %rem3A_2027, %ne3A_2028 : i32
      %and3A_2030 = arith.andi %ne3A_2026, %ne3A_2029 : i1
      %sub3A_2031 = arith.constant 1 : i32
      %sub3A_2032 = arith.subi %div3A_2011, %sub3A_2031 : i32
      %select_n3A_2033 = arith.select %and3A_2030, %sub3A_2032, %div3A_2011 : i32
      %mul3A_2034 = arith.constant 3 : i32
      %mul3A_2035 = arith.muli %select_n3A_2033, %mul3A_2034 : i32
      %sub3A_2036 = arith.subi %sub3A_2009, %mul3A_2035 : i32
      %mul3A_2037 = arith.constant 36 : i32
      %mul3A_2038 = arith.muli %arg0, %mul3A_2037 : i32
      %add3A_2039 = arith.addi %mul3A_2038, %select_n3A_2006 : i32
      %mul3A_2040 = arith.constant 8 : i32
      %mul3A_2041 = arith.muli %mul3A_2040, %select_n3A_2006 : i32
      %mul3A_2042 = arith.constant 256 : i32
      %mul3A_2043 = arith.muli %mul3A_2042, %sub3A_2036 : i32
      %dma_wait3A_2044 = arith.constant 1 : i32
      %dma_wait3A_2045 = arith.constant 1 : i32
      %dma_wait3A_2046 = arith.constant 0 : i32
      %dma_wait3A_2047 = arith.constant 0 : i32
      %dma_wait3A_2048 = tpu.memref_slice %arg9[%dma_wait3A_2044, %dma_wait3A_2046, %dma_wait3A_2047] : memref<4x8x256xf32, #tpu.memory_space<vmem>> -> memref<1x8x256xf32, #tpu.memory_space<vmem>>
      %dma_wait3A_2049 = tpu.memref_squeeze %dma_wait3A_2048 : memref<1x8x256xf32, #tpu.memory_space<vmem>> -> memref<8x256xf32, #tpu.memory_space<vmem>>
      %dma_wait3A_2050 = tpu.memref_slice %arg11[%mul3A_2041, %mul3A_2043] : memref<288x768xf32, #tpu.memory_space<vmem_shared>> -> memref<8x256xf32, #tpu.memory_space<vmem_shared>>
      %dma_wait3A_2051 = tpu.memref_slice %arg13[%dma_wait3A_2045] : memref<4x!tpu.dma_semaphore, #tpu.memory_space<semaphore_mem>> -> memref<1x!tpu.dma_semaphore, #tpu.memory_space<semaphore_mem>>
      %dma_wait3A_2052 = tpu.memref_squeeze %dma_wait3A_2051 : memref<1x!tpu.dma_semaphore, #tpu.memory_space<semaphore_mem>> -> memref<!tpu.dma_semaphore, #tpu.memory_space<semaphore_mem>>
      %dma_wait3A_2053 = arith.constant 0 : i32
      %dma_wait3A_2054 = arith.constant 0 : i32
      %dma_wait3A_2055 = tpu.memref_slice %arg9[%dma_wait3A_2044, %dma_wait3A_2053, %dma_wait3A_2054] : memref<4x8x256xf32, #tpu.memory_space<vmem>> -> memref<1x8x256xf32, #tpu.memory_space<vmem>>
      %dma_wait3A_2056 = tpu.memref_squeeze %dma_wait3A_2055 : memref<1x8x256xf32, #tpu.memory_space<vmem>> -> memref<8x256xf32, #tpu.memory_space<vmem>>
      %dma_wait3A_2057 = tpu.memref_slice %arg11[%mul3A_2041, %mul3A_2043] : memref<288x768xf32, #tpu.memory_space<vmem_shared>> -> memref<8x256xf32, #tpu.memory_space<vmem_shared>>
      tpu.wait_dma2 semaphore(%dma_wait3A_2052 : memref<!tpu.dma_semaphore, #tpu.memory_space<semaphore_mem>>) src(%dma_wait3A_2057 : memref<8x256xf32, #tpu.memory_space<vmem_shared>>) dst(%dma_wait3A_2056 : memref<8x256xf32, #tpu.memory_space<vmem>>)
      %ge3A_2058 = arith.constant 2 : i32
      %ge3A_2059 = arith.cmpi sge, %add3A_1897, %ge3A_2058 : i32
      %convert_element_type3A_2060 = arith.extui %ge3A_2059 : i1 to i32
      %cond3A_2061 = arith.constant 1 : i32
      %cond3A_2062 = arith.constant 0 : i32
      %cond3A_2063 = arith.cmpi ne, %convert_element_type3A_2060, %cond3A_2062 : i32
      scf.if %cond3A_2063 {
        %mul3A_3162 = arith.constant 16 : i32
        %mul3A_3163 = arith.muli %mul3A_3162, %add3A_1897 : i32
        %add3A_3164 = arith.addi %arg1, %mul3A_3163 : i32
        %jit3A_3165 = arith.constant 48 : i32
        %div3A_3166 = arith.divsi %add3A_3164, %jit3A_3165 : i32
        %sign3A_3167 = arith.constant 0 : i32
        %sign3A_3168 = arith.cmpi sgt, %add3A_3164, %sign3A_3167 : i32
        %sign3A_3169 = arith.extui %sign3A_3168 : i1 to i32
        %sign3A_3170 = arith.constant 0 : i32
        %sign3A_3171 = arith.cmpi slt, %add3A_3164, %sign3A_3170 : i32
        %sign3A_3172 = arith.extui %sign3A_3171 : i1 to i32
        %sign3A_3173 = arith.subi %sign3A_3169, %sign3A_3172 : i32
        %sign3A_3174 = arith.constant 0 : i32
        %sign3A_3175 = arith.cmpi sgt, %jit3A_3165, %sign3A_3174 : i32
        %sign3A_3176 = arith.extui %sign3A_3175 : i1 to i32
        %sign3A_3177 = arith.constant 0 : i32
        %sign3A_3178 = arith.cmpi slt, %jit3A_3165, %sign3A_3177 : i32
        %sign3A_3179 = arith.extui %sign3A_3178 : i1 to i32
        %sign3A_3180 = arith.subi %sign3A_3176, %sign3A_3179 : i32
        %ne3A_3181 = arith.cmpi ne, %sign3A_3173, %sign3A_3180 : i32
        %rem3A_3182 = arith.remsi %add3A_3164, %jit3A_3165 : i32
        %ne3A_3183 = arith.constant 0 : i32
        %ne3A_3184 = arith.cmpi ne, %rem3A_3182, %ne3A_3183 : i32
        %and3A_3185 = arith.andi %ne3A_3181, %ne3A_3184 : i1
        %sub3A_3186 = arith.constant 1 : i32
        %sub3A_3187 = arith.subi %div3A_3166, %sub3A_3186 : i32
        %select_n3A_3188 = arith.select %and3A_3185, %sub3A_3187, %div3A_3166 : i32
        %mul3A_3189 = arith.constant 48 : i32
        %mul3A_3190 = arith.muli %select_n3A_3188, %mul3A_3189 : i32
        %sub3A_3191 = arith.subi %add3A_3164, %mul3A_3190 : i32
        %jit3A_3192 = arith.constant 3 : i32
        %div3A_3193 = arith.divsi %sub3A_3191, %jit3A_3192 : i32
        %sign3A_3194 = arith.constant 0 : i32
        %sign3A_3195 = arith.cmpi sgt, %sub3A_3191, %sign3A_3194 : i32
        %sign3A_3196 = arith.extui %sign3A_3195 : i1 to i32
        %sign3A_3197 = arith.constant 0 : i32
        %sign3A_3198 = arith.cmpi slt, %sub3A_3191, %sign3A_3197 : i32
        %sign3A_3199 = arith.extui %sign3A_3198 : i1 to i32
        %sign3A_3200 = arith.subi %sign3A_3196, %sign3A_3199 : i32
        %sign3A_3201 = arith.constant 0 : i32
        %sign3A_3202 = arith.cmpi sgt, %jit3A_3192, %sign3A_3201 : i32
        %sign3A_3203 = arith.extui %sign3A_3202 : i1 to i32
        %sign3A_3204 = arith.constant 0 : i32
        %sign3A_3205 = arith.cmpi slt, %jit3A_3192, %sign3A_3204 : i32
        %sign3A_3206 = arith.extui %sign3A_3205 : i1 to i32
        %sign3A_3207 = arith.subi %sign3A_3203, %sign3A_3206 : i32
        %ne3A_3208 = arith.cmpi ne, %sign3A_3200, %sign3A_3207 : i32
        %rem3A_3209 = arith.remsi %sub3A_3191, %jit3A_3192 : i32
        %ne3A_3210 = arith.constant 0 : i32
        %ne3A_3211 = arith.cmpi ne, %rem3A_3209, %ne3A_3210 : i32
        %and3A_3212 = arith.andi %ne3A_3208, %ne3A_3211 : i1
        %sub3A_3213 = arith.constant 1 : i32
        %sub3A_3214 = arith.subi %div3A_3193, %sub3A_3213 : i32
        %select_n3A_3215 = arith.select %and3A_3212, %sub3A_3214, %div3A_3193 : i32
        %mul3A_3216 = arith.constant 3 : i32
        %mul3A_3217 = arith.muli %select_n3A_3215, %mul3A_3216 : i32
        %sub3A_3218 = arith.subi %sub3A_3191, %mul3A_3217 : i32
        %mul3A_3219 = arith.constant 36 : i32
        %mul3A_3220 = arith.muli %arg0, %mul3A_3219 : i32
        %add3A_3221 = arith.addi %mul3A_3220, %select_n3A_3188 : i32
        %mul3A_3222 = arith.constant 8 : i32
        %mul3A_3223 = arith.muli %mul3A_3222, %add3A_3221 : i32
        %add3A_3224 = arith.constant 1 : i32
        %add3A_3225 = arith.addi %mul3A_3223, %add3A_3224 : i32
        %mul3A_3226 = arith.constant 8 : i32
        %mul3A_3227 = arith.muli %mul3A_3226, %select_n3A_3215 : i32
        %mul3A_3228 = arith.constant 256 : i32
        %mul3A_3229 = arith.muli %mul3A_3228, %sub3A_3218 : i32
        %dma_wait3A_3230 = arith.constant 1 : i32
        %dma_wait3A_3231 = arith.constant 0 : i32
        %dma_wait3A_3232 = arith.constant 0 : i32
        %dma_wait3A_3233 = arith.constant 0 : i32
        %dma_wait3A_3234 = tpu.memref_slice %arg10[%cond3A_2061, %dma_wait3A_3231, %dma_wait3A_3232, %dma_wait3A_3233] : memref<2x8x8x256xf32, #tpu.memory_space<vmem>> -> memref<1x8x8x256xf32, #tpu.memory_space<vmem>>
        %dma_wait3A_3235 = tpu.memref_squeeze %dma_wait3A_3234 : memref<1x8x8x256xf32, #tpu.memory_space<vmem>> -> memref<8x8x256xf32, #tpu.memory_space<vmem>>
        %dma_wait3A_3236 = tpu.memref_slice %arg5[%add3A_3225, %mul3A_3227, %mul3A_3229] : memref<577x128x768xf32, #tpu.memory_space<hbm>> -> memref<8x8x256xf32, #tpu.memory_space<hbm>>
        %dma_wait3A_3237 = tpu.memref_slice %arg14[%dma_wait3A_3230] : memref<2x!tpu.dma_semaphore, #tpu.memory_space<semaphore_mem>> -> memref<1x!tpu.dma_semaphore, #tpu.memory_space<semaphore_mem>>
        %dma_wait3A_3238 = tpu.memref_squeeze %dma_wait3A_3237 : memref<1x!tpu.dma_semaphore, #tpu.memory_space<semaphore_mem>> -> memref<!tpu.dma_semaphore, #tpu.memory_space<semaphore_mem>>
        %dma_wait3A_3239 = tpu.memref_slice %arg5[%add3A_3225, %mul3A_3227, %mul3A_3229] : memref<577x128x768xf32, #tpu.memory_space<hbm>> -> memref<8x8x256xf32, #tpu.memory_space<hbm>>
        %dma_wait3A_3240 = arith.constant 0 : i32
        %dma_wait3A_3241 = arith.constant 0 : i32
        %dma_wait3A_3242 = arith.constant 0 : i32
        %dma_wait3A_3243 = tpu.memref_slice %arg10[%cond3A_2061, %dma_wait3A_3240, %dma_wait3A_3241, %dma_wait3A_3242] : memref<2x8x8x256xf32, #tpu.memory_space<vmem>> -> memref<1x8x8x256xf32, #tpu.memory_space<vmem>>
        %dma_wait3A_3244 = tpu.memref_squeeze %dma_wait3A_3243 : memref<1x8x8x256xf32, #tpu.memory_space<vmem>> -> memref<8x8x256xf32, #tpu.memory_space<vmem>>
        tpu.wait_dma2 semaphore(%dma_wait3A_3238 : memref<!tpu.dma_semaphore, #tpu.memory_space<semaphore_mem>>) src(%dma_wait3A_3244 : memref<8x8x256xf32, #tpu.memory_space<vmem>>) dst(%dma_wait3A_3239 : memref<8x8x256xf32, #tpu.memory_space<hbm>>)
      } else {
      }
      %parallel_loop3A_2064 = arith.constant 0 : i32
      %parallel_loop3A_2065 = arith.constant 128 : i32
      %parallel_loop3A_2066 = arith.constant 1 : i32
      %parallel_loop3A_2067 = arith.constant 1 : i32
      %parallel_loop3A_2068 = arith.constant 1 : i32
      %parallel_loop3A_2069 = arith.constant 1 : i32
      scf.for %parallel_loop3A_3162 = %parallel_loop3A_2064 to %parallel_loop3A_2065 step %parallel_loop3A_2066  : i32 {
        %parallel_loop3A_3163 = arith.constant 4 : i32
        %parallel_loop3A_3164 = arith.shrsi %parallel_loop3A_3162, %parallel_loop3A_3163 : i32
        %parallel_loop3A_3165 = arith.constant 15 : i32
        %parallel_loop3A_3166 = arith.andi %parallel_loop3A_3162, %parallel_loop3A_3165 : i32
        %parallel_loop3A_3167 = arith.constant 16 : i32
        %parallel_loop3A_3168 = arith.muli %parallel_loop3A_3166, %parallel_loop3A_3167 : i32
        %parallel_loop3A_3169 = arith.constant 0 : i32
        %parallel_loop3A_3170 = arith.constant 0 : i32
        %parallel_loop3A_3171 = tpu.memref_slice %arg9[%parallel_loop3A_2067, %parallel_loop3A_3169, %parallel_loop3A_3170] : memref<4x8x256xf32, #tpu.memory_space<vmem>> -> memref<1x8x256xf32, #tpu.memory_space<vmem>>
        %parallel_loop3A_3172 = tpu.memref_squeeze %parallel_loop3A_3171 : memref<1x8x256xf32, #tpu.memory_space<vmem>> -> memref<8x256xf32, #tpu.memory_space<vmem>>
        %parallel_loop3A_3173 = arith.index_cast %parallel_loop3A_3164 : i32 to index
        %parallel_loop3A_3174 = arith.index_cast %parallel_loop3A_3168 : i32 to index
        %parallel_loop3A_3175 = tpu.vector_load %parallel_loop3A_3172[%parallel_loop3A_3173, %parallel_loop3A_3174] {strides = array<i32>} : memref<8x256xf32, #tpu.memory_space<vmem>>, vector<1x16xf32>,
        %parallel_loop3A_3176 = vector.shape_cast %parallel_loop3A_3175 : vector<1x16xf32> to vector<16xf32>
        %parallel_loop3A_3177 = arith.constant 0 : i32
        %parallel_loop3A_3178 = arith.constant 0 : i32
        %parallel_loop3A_3179 = arith.constant 0 : i32
        %parallel_loop3A_3180 = arith.constant 0 : i32
        %parallel_loop3A_3181 = tpu.memref_slice %arg8[%parallel_loop3A_2068, %parallel_loop3A_3178, %parallel_loop3A_3179, %parallel_loop3A_3180] : memref<4x8x8x256xf32, #tpu.memory_space<vmem>> -> memref<1x8x8x256xf32, #tpu.memory_space<vmem>>
        %parallel_loop3A_3182 = tpu.memref_squeeze %parallel_loop3A_3181 : memref<1x8x8x256xf32, #tpu.memory_space<vmem>> -> memref<8x8x256xf32, #tpu.memory_space<vmem>>
        %parallel_loop3A_3183 = arith.index_cast %parallel_loop3A_3177 : i32 to index
        %parallel_loop3A_3184 = arith.index_cast %parallel_loop3A_3164 : i32 to index
        %parallel_loop3A_3185 = arith.index_cast %parallel_loop3A_3168 : i32 to index
        %parallel_loop3A_3186 = tpu.vector_load %parallel_loop3A_3182[%parallel_loop3A_3183, %parallel_loop3A_3184, %parallel_loop3A_3185] {strides = array<i32>} : memref<8x8x256xf32, #tpu.memory_space<vmem>>, vector<1x1x16xf32>,
        %parallel_loop3A_3187 = vector.shape_cast %parallel_loop3A_3186 : vector<1x1x16xf32> to vector<16xf32>
        %parallel_loop3A_3188 = arith.addf %parallel_loop3A_3187, %parallel_loop3A_3176 : vector<16xf32>
        %parallel_loop3A_3189 = arith.constant 0 : i32
        %parallel_loop3A_3190 = arith.constant 0 : i32
        %parallel_loop3A_3191 = arith.constant 0 : i32
        %parallel_loop3A_3192 = arith.constant 0 : i32
        %parallel_loop3A_3193 = tpu.memref_slice %arg10[%parallel_loop3A_2069, %parallel_loop3A_3190, %parallel_loop3A_3191, %parallel_loop3A_3192] : memref<2x8x8x256xf32, #tpu.memory_space<vmem>> -> memref<1x8x8x256xf32, #tpu.memory_space<vmem>>
        %parallel_loop3A_3194 = tpu.memref_squeeze %parallel_loop3A_3193 : memref<1x8x8x256xf32, #tpu.memory_space<vmem>> -> memref<8x8x256xf32, #tpu.memory_space<vmem>>
        %parallel_loop3A_3195 = arith.index_cast %parallel_loop3A_3164 : i32 to index
        %parallel_loop3A_3196 = arith.index_cast %parallel_loop3A_3189 : i32 to index
        %parallel_loop3A_3197 = arith.index_cast %parallel_loop3A_3168 : i32 to index
        %parallel_loop3A_3198 = tpu.vector_load %parallel_loop3A_3194[%parallel_loop3A_3195, %parallel_loop3A_3196, %parallel_loop3A_3197] {strides = array<i32>} : memref<8x8x256xf32, #tpu.memory_space<vmem>>, vector<1x1x16xf32>,
        %parallel_loop3A_3199 = vector.shape_cast %parallel_loop3A_3198 : vector<1x1x16xf32> to vector<16xf32>
        %parallel_loop3A_3200 = vector.shape_cast %parallel_loop3A_3188 : vector<16xf32> to vector<1x1x16xf32>
        tpu.vector_store %parallel_loop3A_3194[%parallel_loop3A_3195, %parallel_loop3A_3196, %parallel_loop3A_3197], %parallel_loop3A_3200 {strides = array<i32>} : memref<8x8x256xf32, #tpu.memory_space<vmem>>, vector<1x1x16xf32>,
        %parallel_loop3A_3201 = arith.constant 1 : i32
        %parallel_loop3A_3202 = arith.constant 0 : i32
        %parallel_loop3A_3203 = arith.constant 0 : i32
        %parallel_loop3A_3204 = arith.constant 0 : i32
        %parallel_loop3A_3205 = tpu.memref_slice %arg8[%parallel_loop3A_2068, %parallel_loop3A_3202, %parallel_loop3A_3203, %parallel_loop3A_3204] : memref<4x8x8x256xf32, #tpu.memory_space<vmem>> -> memref<1x8x8x256xf32, #tpu.memory_space<vmem>>
        %parallel_loop3A_3206 = tpu.memref_squeeze %parallel_loop3A_3205 : memref<1x8x8x256xf32, #tpu.memory_space<vmem>> -> memref<8x8x256xf32, #tpu.memory_space<vmem>>
        %parallel_loop3A_3207 = arith.index_cast %parallel_loop3A_3201 : i32 to index
        %parallel_loop3A_3208 = arith.index_cast %parallel_loop3A_3164 : i32 to index
        %parallel_loop3A_3209 = arith.index_cast %parallel_loop3A_3168 : i32 to index
        %parallel_loop3A_3210 = tpu.vector_load %parallel_loop3A_3206[%parallel_loop3A_3207, %parallel_loop3A_3208, %parallel_loop3A_3209] {strides = array<i32>} : memref<8x8x256xf32, #tpu.memory_space<vmem>>, vector<1x1x16xf32>,
        %parallel_loop3A_3211 = vector.shape_cast %parallel_loop3A_3210 : vector<1x1x16xf32> to vector<16xf32>
        %parallel_loop3A_3212 = arith.addf %parallel_loop3A_3211, %parallel_loop3A_3176 : vector<16xf32>
        %parallel_loop3A_3213 = arith.constant 1 : i32
        %parallel_loop3A_3214 = arith.constant 0 : i32
        %parallel_loop3A_3215 = arith.constant 0 : i32
        %parallel_loop3A_3216 = arith.constant 0 : i32
        %parallel_loop3A_3217 = tpu.memref_slice %arg10[%parallel_loop3A_2069, %parallel_loop3A_3214, %parallel_loop3A_3215, %parallel_loop3A_3216] : memref<2x8x8x256xf32, #tpu.memory_space<vmem>> -> memref<1x8x8x256xf32, #tpu.memory_space<vmem>>
        %parallel_loop3A_3218 = tpu.memref_squeeze %parallel_loop3A_3217 : memref<1x8x8x256xf32, #tpu.memory_space<vmem>> -> memref<8x8x256xf32, #tpu.memory_space<vmem>>
        %parallel_loop3A_3219 = arith.index_cast %parallel_loop3A_3164 : i32 to index
        %parallel_loop3A_3220 = arith.index_cast %parallel_loop3A_3213 : i32 to index
        %parallel_loop3A_3221 = arith.index_cast %parallel_loop3A_3168 : i32 to index
        %parallel_loop3A_3222 = tpu.vector_load %parallel_loop3A_3218[%parallel_loop3A_3219, %parallel_loop3A_3220, %parallel_loop3A_3221] {strides = array<i32>} : memref<8x8x256xf32, #tpu.memory_space<vmem>>, vector<1x1x16xf32>,
        %parallel_loop3A_3223 = vector.shape_cast %parallel_loop3A_3222 : vector<1x1x16xf32> to vector<16xf32>
        %parallel_loop3A_3224 = vector.shape_cast %parallel_loop3A_3212 : vector<16xf32> to vector<1x1x16xf32>
        tpu.vector_store %parallel_loop3A_3218[%parallel_loop3A_3219, %parallel_loop3A_3220, %parallel_loop3A_3221], %parallel_loop3A_3224 {strides = array<i32>} : memref<8x8x256xf32, #tpu.memory_space<vmem>>, vector<1x1x16xf32>,
        %parallel_loop3A_3225 = arith.constant 2 : i32
        %parallel_loop3A_3226 = arith.constant 0 : i32
        %parallel_loop3A_3227 = arith.constant 0 : i32
        %parallel_loop3A_3228 = arith.constant 0 : i32
        %parallel_loop3A_3229 = tpu.memref_slice %arg8[%parallel_loop3A_2068, %parallel_loop3A_3226, %parallel_loop3A_3227, %parallel_loop3A_3228] : memref<4x8x8x256xf32, #tpu.memory_space<vmem>> -> memref<1x8x8x256xf32, #tpu.memory_space<vmem>>
        %parallel_loop3A_3230 = tpu.memref_squeeze %parallel_loop3A_3229 : memref<1x8x8x256xf32, #tpu.memory_space<vmem>> -> memref<8x8x256xf32, #tpu.memory_space<vmem>>
        %parallel_loop3A_3231 = arith.index_cast %parallel_loop3A_3225 : i32 to index
        %parallel_loop3A_3232 = arith.index_cast %parallel_loop3A_3164 : i32 to index
        %parallel_loop3A_3233 = arith.index_cast %parallel_loop3A_3168 : i32 to index
        %parallel_loop3A_3234 = tpu.vector_load %parallel_loop3A_3230[%parallel_loop3A_3231, %parallel_loop3A_3232, %parallel_loop3A_3233] {strides = array<i32>} : memref<8x8x256xf32, #tpu.memory_space<vmem>>, vector<1x1x16xf32>,
        %parallel_loop3A_3235 = vector.shape_cast %parallel_loop3A_3234 : vector<1x1x16xf32> to vector<16xf32>
        %parallel_loop3A_3236 = arith.addf %parallel_loop3A_3235, %parallel_loop3A_3176 : vector<16xf32>
        %parallel_loop3A_3237 = arith.constant 2 : i32
        %parallel_loop3A_3238 = arith.constant 0 : i32
        %parallel_loop3A_3239 = arith.constant 0 : i32
        %parallel_loop3A_3240 = arith.constant 0 : i32
        %parallel_loop3A_3241 = tpu.memref_slice %arg10[%parallel_loop3A_2069, %parallel_loop3A_3238, %parallel_loop3A_3239, %parallel_loop3A_3240] : memref<2x8x8x256xf32, #tpu.memory_space<vmem>> -> memref<1x8x8x256xf32, #tpu.memory_space<vmem>>
        %parallel_loop3A_3242 = tpu.memref_squeeze %parallel_loop3A_3241 : memref<1x8x8x256xf32, #tpu.memory_space<vmem>> -> memref<8x8x256xf32, #tpu.memory_space<vmem>>
        %parallel_loop3A_3243 = arith.index_cast %parallel_loop3A_3164 : i32 to index
        %parallel_loop3A_3244 = arith.index_cast %parallel_loop3A_3237 : i32 to index
        %parallel_loop3A_3245 = arith.index_cast %parallel_loop3A_3168 : i32 to index
        %parallel_loop3A_3246 = tpu.vector_load %parallel_loop3A_3242[%parallel_loop3A_3243, %parallel_loop3A_3244, %parallel_loop3A_3245] {strides = array<i32>} : memref<8x8x256xf32, #tpu.memory_space<vmem>>, vector<1x1x16xf32>,
        %parallel_loop3A_3247 = vector.shape_cast %parallel_loop3A_3246 : vector<1x1x16xf32> to vector<16xf32>
        %parallel_loop3A_3248 = vector.shape_cast %parallel_loop3A_3236 : vector<16xf32> to vector<1x1x16xf32>
        tpu.vector_store %parallel_loop3A_3242[%parallel_loop3A_3243, %parallel_loop3A_3244, %parallel_loop3A_3245], %parallel_loop3A_3248 {strides = array<i32>} : memref<8x8x256xf32, #tpu.memory_space<vmem>>, vector<1x1x16xf32>,
        %parallel_loop3A_3249 = arith.constant 3 : i32
        %parallel_loop3A_3250 = arith.constant 0 : i32
        %parallel_loop3A_3251 = arith.constant 0 : i32
        %parallel_loop3A_3252 = arith.constant 0 : i32
        %parallel_loop3A_3253 = tpu.memref_slice %arg8[%parallel_loop3A_2068, %parallel_loop3A_3250, %parallel_loop3A_3251, %parallel_loop3A_3252] : memref<4x8x8x256xf32, #tpu.memory_space<vmem>> -> memref<1x8x8x256xf32, #tpu.memory_space<vmem>>
        %parallel_loop3A_3254 = tpu.memref_squeeze %parallel_loop3A_3253 : memref<1x8x8x256xf32, #tpu.memory_space<vmem>> -> memref<8x8x256xf32, #tpu.memory_space<vmem>>
        %parallel_loop3A_3255 = arith.index_cast %parallel_loop3A_3249 : i32 to index
        %parallel_loop3A_3256 = arith.index_cast %parallel_loop3A_3164 : i32 to index
        %parallel_loop3A_3257 = arith.index_cast %parallel_loop3A_3168 : i32 to index
        %parallel_loop3A_3258 = tpu.vector_load %parallel_loop3A_3254[%parallel_loop3A_3255, %parallel_loop3A_3256, %parallel_loop3A_3257] {strides = array<i32>} : memref<8x8x256xf32, #tpu.memory_space<vmem>>, vector<1x1x16xf32>,
        %parallel_loop3A_3259 = vector.shape_cast %parallel_loop3A_3258 : vector<1x1x16xf32> to vector<16xf32>
        %parallel_loop3A_3260 = arith.addf %parallel_loop3A_3259, %parallel_loop3A_3176 : vector<16xf32>
        %parallel_loop3A_3261 = arith.constant 3 : i32
        %parallel_loop3A_3262 = arith.constant 0 : i32
        %parallel_loop3A_3263 = arith.constant 0 : i32
        %parallel_loop3A_3264 = arith.constant 0 : i32
        %parallel_loop3A_3265 = tpu.memref_slice %arg10[%parallel_loop3A_2069, %parallel_loop3A_3262, %parallel_loop3A_3263, %parallel_loop3A_3264] : memref<2x8x8x256xf32, #tpu.memory_space<vmem>> -> memref<1x8x8x256xf32, #tpu.memory_space<vmem>>
        %parallel_loop3A_3266 = tpu.memref_squeeze %parallel_loop3A_3265 : memref<1x8x8x256xf32, #tpu.memory_space<vmem>> -> memref<8x8x256xf32, #tpu.memory_space<vmem>>
        %parallel_loop3A_3267 = arith.index_cast %parallel_loop3A_3164 : i32 to index
        %parallel_loop3A_3268 = arith.index_cast %parallel_loop3A_3261 : i32 to index
        %parallel_loop3A_3269 = arith.index_cast %parallel_loop3A_3168 : i32 to index
        %parallel_loop3A_3270 = tpu.vector_load %parallel_loop3A_3266[%parallel_loop3A_3267, %parallel_loop3A_3268, %parallel_loop3A_3269] {strides = array<i32>} : memref<8x8x256xf32, #tpu.memory_space<vmem>>, vector<1x1x16xf32>,
        %parallel_loop3A_3271 = vector.shape_cast %parallel_loop3A_3270 : vector<1x1x16xf32> to vector<16xf32>
        %parallel_loop3A_3272 = vector.shape_cast %parallel_loop3A_3260 : vector<16xf32> to vector<1x1x16xf32>
        tpu.vector_store %parallel_loop3A_3266[%parallel_loop3A_3267, %parallel_loop3A_3268, %parallel_loop3A_3269], %parallel_loop3A_3272 {strides = array<i32>} : memref<8x8x256xf32, #tpu.memory_space<vmem>>, vector<1x1x16xf32>,
        %parallel_loop3A_3273 = arith.constant 4 : i32
        %parallel_loop3A_3274 = arith.constant 0 : i32
        %parallel_loop3A_3275 = arith.constant 0 : i32
        %parallel_loop3A_3276 = arith.constant 0 : i32
        %parallel_loop3A_3277 = tpu.memref_slice %arg8[%parallel_loop3A_2068, %parallel_loop3A_3274, %parallel_loop3A_3275, %parallel_loop3A_3276] : memref<4x8x8x256xf32, #tpu.memory_space<vmem>> -> memref<1x8x8x256xf32, #tpu.memory_space<vmem>>
        %parallel_loop3A_3278 = tpu.memref_squeeze %parallel_loop3A_3277 : memref<1x8x8x256xf32, #tpu.memory_space<vmem>> -> memref<8x8x256xf32, #tpu.memory_space<vmem>>
        %parallel_loop3A_3279 = arith.index_cast %parallel_loop3A_3273 : i32 to index
        %parallel_loop3A_3280 = arith.index_cast %parallel_loop3A_3164 : i32 to index
        %parallel_loop3A_3281 = arith.index_cast %parallel_loop3A_3168 : i32 to index
        %parallel_loop3A_3282 = tpu.vector_load %parallel_loop3A_3278[%parallel_loop3A_3279, %parallel_loop3A_3280, %parallel_loop3A_3281] {strides = array<i32>} : memref<8x8x256xf32, #tpu.memory_space<vmem>>, vector<1x1x16xf32>,
        %parallel_loop3A_3283 = vector.shape_cast %parallel_loop3A_3282 : vector<1x1x16xf32> to vector<16xf32>
        %parallel_loop3A_3284 = arith.addf %parallel_loop3A_3283, %parallel_loop3A_3176 : vector<16xf32>
        %parallel_loop3A_3285 = arith.constant 4 : i32
        %parallel_loop3A_3286 = arith.constant 0 : i32
        %parallel_loop3A_3287 = arith.constant 0 : i32
        %parallel_loop3A_3288 = arith.constant 0 : i32
        %parallel_loop3A_3289 = tpu.memref_slice %arg10[%parallel_loop3A_2069, %parallel_loop3A_3286, %parallel_loop3A_3287, %parallel_loop3A_3288] : memref<2x8x8x256xf32, #tpu.memory_space<vmem>> -> memref<1x8x8x256xf32, #tpu.memory_space<vmem>>
        %parallel_loop3A_3290 = tpu.memref_squeeze %parallel_loop3A_3289 : memref<1x8x8x256xf32, #tpu.memory_space<vmem>> -> memref<8x8x256xf32, #tpu.memory_space<vmem>>
        %parallel_loop3A_3291 = arith.index_cast %parallel_loop3A_3164 : i32 to index
        %parallel_loop3A_3292 = arith.index_cast %parallel_loop3A_3285 : i32 to index
        %parallel_loop3A_3293 = arith.index_cast %parallel_loop3A_3168 : i32 to index
        %parallel_loop3A_3294 = tpu.vector_load %parallel_loop3A_3290[%parallel_loop3A_3291, %parallel_loop3A_3292, %parallel_loop3A_3293] {strides = array<i32>} : memref<8x8x256xf32, #tpu.memory_space<vmem>>, vector<1x1x16xf32>,
        %parallel_loop3A_3295 = vector.shape_cast %parallel_loop3A_3294 : vector<1x1x16xf32> to vector<16xf32>
        %parallel_loop3A_3296 = vector.shape_cast %parallel_loop3A_3284 : vector<16xf32> to vector<1x1x16xf32>
        tpu.vector_store %parallel_loop3A_3290[%parallel_loop3A_3291, %parallel_loop3A_3292, %parallel_loop3A_3293], %parallel_loop3A_3296 {strides = array<i32>} : memref<8x8x256xf32, #tpu.memory_space<vmem>>, vector<1x1x16xf32>,
        %parallel_loop3A_3297 = arith.constant 5 : i32
        %parallel_loop3A_3298 = arith.constant 0 : i32
        %parallel_loop3A_3299 = arith.constant 0 : i32
        %parallel_loop3A_3300 = arith.constant 0 : i32
        %parallel_loop3A_3301 = tpu.memref_slice %arg8[%parallel_loop3A_2068, %parallel_loop3A_3298, %parallel_loop3A_3299, %parallel_loop3A_3300] : memref<4x8x8x256xf32, #tpu.memory_space<vmem>> -> memref<1x8x8x256xf32, #tpu.memory_space<vmem>>
        %parallel_loop3A_3302 = tpu.memref_squeeze %parallel_loop3A_3301 : memref<1x8x8x256xf32, #tpu.memory_space<vmem>> -> memref<8x8x256xf32, #tpu.memory_space<vmem>>
        %parallel_loop3A_3303 = arith.index_cast %parallel_loop3A_3297 : i32 to index
        %parallel_loop3A_3304 = arith.index_cast %parallel_loop3A_3164 : i32 to index
        %parallel_loop3A_3305 = arith.index_cast %parallel_loop3A_3168 : i32 to index
        %parallel_loop3A_3306 = tpu.vector_load %parallel_loop3A_3302[%parallel_loop3A_3303, %parallel_loop3A_3304, %parallel_loop3A_3305] {strides = array<i32>} : memref<8x8x256xf32, #tpu.memory_space<vmem>>, vector<1x1x16xf32>,
        %parallel_loop3A_3307 = vector.shape_cast %parallel_loop3A_3306 : vector<1x1x16xf32> to vector<16xf32>
        %parallel_loop3A_3308 = arith.addf %parallel_loop3A_3307, %parallel_loop3A_3176 : vector<16xf32>
        %parallel_loop3A_3309 = arith.constant 5 : i32
        %parallel_loop3A_3310 = arith.constant 0 : i32
        %parallel_loop3A_3311 = arith.constant 0 : i32
        %parallel_loop3A_3312 = arith.constant 0 : i32
        %parallel_loop3A_3313 = tpu.memref_slice %arg10[%parallel_loop3A_2069, %parallel_loop3A_3310, %parallel_loop3A_3311, %parallel_loop3A_3312] : memref<2x8x8x256xf32, #tpu.memory_space<vmem>> -> memref<1x8x8x256xf32, #tpu.memory_space<vmem>>
        %parallel_loop3A_3314 = tpu.memref_squeeze %parallel_loop3A_3313 : memref<1x8x8x256xf32, #tpu.memory_space<vmem>> -> memref<8x8x256xf32, #tpu.memory_space<vmem>>
        %parallel_loop3A_3315 = arith.index_cast %parallel_loop3A_3164 : i32 to index
        %parallel_loop3A_3316 = arith.index_cast %parallel_loop3A_3309 : i32 to index
        %parallel_loop3A_3317 = arith.index_cast %parallel_loop3A_3168 : i32 to index
        %parallel_loop3A_3318 = tpu.vector_load %parallel_loop3A_3314[%parallel_loop3A_3315, %parallel_loop3A_3316, %parallel_loop3A_3317] {strides = array<i32>} : memref<8x8x256xf32, #tpu.memory_space<vmem>>, vector<1x1x16xf32>,
        %parallel_loop3A_3319 = vector.shape_cast %parallel_loop3A_3318 : vector<1x1x16xf32> to vector<16xf32>
        %parallel_loop3A_3320 = vector.shape_cast %parallel_loop3A_3308 : vector<16xf32> to vector<1x1x16xf32>
        tpu.vector_store %parallel_loop3A_3314[%parallel_loop3A_3315, %parallel_loop3A_3316, %parallel_loop3A_3317], %parallel_loop3A_3320 {strides = array<i32>} : memref<8x8x256xf32, #tpu.memory_space<vmem>>, vector<1x1x16xf32>,
        %parallel_loop3A_3321 = arith.constant 6 : i32
        %parallel_loop3A_3322 = arith.constant 0 : i32
        %parallel_loop3A_3323 = arith.constant 0 : i32
        %parallel_loop3A_3324 = arith.constant 0 : i32
        %parallel_loop3A_3325 = tpu.memref_slice %arg8[%parallel_loop3A_2068, %parallel_loop3A_3322, %parallel_loop3A_3323, %parallel_loop3A_3324] : memref<4x8x8x256xf32, #tpu.memory_space<vmem>> -> memref<1x8x8x256xf32, #tpu.memory_space<vmem>>
        %parallel_loop3A_3326 = tpu.memref_squeeze %parallel_loop3A_3325 : memref<1x8x8x256xf32, #tpu.memory_space<vmem>> -> memref<8x8x256xf32, #tpu.memory_space<vmem>>
        %parallel_loop3A_3327 = arith.index_cast %parallel_loop3A_3321 : i32 to index
        %parallel_loop3A_3328 = arith.index_cast %parallel_loop3A_3164 : i32 to index
        %parallel_loop3A_3329 = arith.index_cast %parallel_loop3A_3168 : i32 to index
        %parallel_loop3A_3330 = tpu.vector_load %parallel_loop3A_3326[%parallel_loop3A_3327, %parallel_loop3A_3328, %parallel_loop3A_3329] {strides = array<i32>} : memref<8x8x256xf32, #tpu.memory_space<vmem>>, vector<1x1x16xf32>,
        %parallel_loop3A_3331 = vector.shape_cast %parallel_loop3A_3330 : vector<1x1x16xf32> to vector<16xf32>
        %parallel_loop3A_3332 = arith.addf %parallel_loop3A_3331, %parallel_loop3A_3176 : vector<16xf32>
        %parallel_loop3A_3333 = arith.constant 6 : i32
        %parallel_loop3A_3334 = arith.constant 0 : i32
        %parallel_loop3A_3335 = arith.constant 0 : i32
        %parallel_loop3A_3336 = arith.constant 0 : i32
        %parallel_loop3A_3337 = tpu.memref_slice %arg10[%parallel_loop3A_2069, %parallel_loop3A_3334, %parallel_loop3A_3335, %parallel_loop3A_3336] : memref<2x8x8x256xf32, #tpu.memory_space<vmem>> -> memref<1x8x8x256xf32, #tpu.memory_space<vmem>>
        %parallel_loop3A_3338 = tpu.memref_squeeze %parallel_loop3A_3337 : memref<1x8x8x256xf32, #tpu.memory_space<vmem>> -> memref<8x8x256xf32, #tpu.memory_space<vmem>>
        %parallel_loop3A_3339 = arith.index_cast %parallel_loop3A_3164 : i32 to index
        %parallel_loop3A_3340 = arith.index_cast %parallel_loop3A_3333 : i32 to index
        %parallel_loop3A_3341 = arith.index_cast %parallel_loop3A_3168 : i32 to index
        %parallel_loop3A_3342 = tpu.vector_load %parallel_loop3A_3338[%parallel_loop3A_3339, %parallel_loop3A_3340, %parallel_loop3A_3341] {strides = array<i32>} : memref<8x8x256xf32, #tpu.memory_space<vmem>>, vector<1x1x16xf32>,
        %parallel_loop3A_3343 = vector.shape_cast %parallel_loop3A_3342 : vector<1x1x16xf32> to vector<16xf32>
        %parallel_loop3A_3344 = vector.shape_cast %parallel_loop3A_3332 : vector<16xf32> to vector<1x1x16xf32>
        tpu.vector_store %parallel_loop3A_3338[%parallel_loop3A_3339, %parallel_loop3A_3340, %parallel_loop3A_3341], %parallel_loop3A_3344 {strides = array<i32>} : memref<8x8x256xf32, #tpu.memory_space<vmem>>, vector<1x1x16xf32>,
        %parallel_loop3A_3345 = arith.constant 7 : i32
        %parallel_loop3A_3346 = arith.constant 0 : i32
        %parallel_loop3A_3347 = arith.constant 0 : i32
        %parallel_loop3A_3348 = arith.constant 0 : i32
        %parallel_loop3A_3349 = tpu.memref_slice %arg8[%parallel_loop3A_2068, %parallel_loop3A_3346, %parallel_loop3A_3347, %parallel_loop3A_3348] : memref<4x8x8x256xf32, #tpu.memory_space<vmem>> -> memref<1x8x8x256xf32, #tpu.memory_space<vmem>>
        %parallel_loop3A_3350 = tpu.memref_squeeze %parallel_loop3A_3349 : memref<1x8x8x256xf32, #tpu.memory_space<vmem>> -> memref<8x8x256xf32, #tpu.memory_space<vmem>>
        %parallel_loop3A_3351 = arith.index_cast %parallel_loop3A_3345 : i32 to index
        %parallel_loop3A_3352 = arith.index_cast %parallel_loop3A_3164 : i32 to index
        %parallel_loop3A_3353 = arith.index_cast %parallel_loop3A_3168 : i32 to index
        %parallel_loop3A_3354 = tpu.vector_load %parallel_loop3A_3350[%parallel_loop3A_3351, %parallel_loop3A_3352, %parallel_loop3A_3353] {strides = array<i32>} : memref<8x8x256xf32, #tpu.memory_space<vmem>>, vector<1x1x16xf32>,
        %parallel_loop3A_3355 = vector.shape_cast %parallel_loop3A_3354 : vector<1x1x16xf32> to vector<16xf32>
        %parallel_loop3A_3356 = arith.addf %parallel_loop3A_3355, %parallel_loop3A_3176 : vector<16xf32>
        %parallel_loop3A_3357 = arith.constant 7 : i32
        %parallel_loop3A_3358 = arith.constant 0 : i32
        %parallel_loop3A_3359 = arith.constant 0 : i32
        %parallel_loop3A_3360 = arith.constant 0 : i32
        %parallel_loop3A_3361 = tpu.memref_slice %arg10[%parallel_loop3A_2069, %parallel_loop3A_3358, %parallel_loop3A_3359, %parallel_loop3A_3360] : memref<2x8x8x256xf32, #tpu.memory_space<vmem>> -> memref<1x8x8x256xf32, #tpu.memory_space<vmem>>
        %parallel_loop3A_3362 = tpu.memref_squeeze %parallel_loop3A_3361 : memref<1x8x8x256xf32, #tpu.memory_space<vmem>> -> memref<8x8x256xf32, #tpu.memory_space<vmem>>
        %parallel_loop3A_3363 = arith.index_cast %parallel_loop3A_3164 : i32 to index
        %parallel_loop3A_3364 = arith.index_cast %parallel_loop3A_3357 : i32 to index
        %parallel_loop3A_3365 = arith.index_cast %parallel_loop3A_3168 : i32 to index
        %parallel_loop3A_3366 = tpu.vector_load %parallel_loop3A_3362[%parallel_loop3A_3363, %parallel_loop3A_3364, %parallel_loop3A_3365] {strides = array<i32>} : memref<8x8x256xf32, #tpu.memory_space<vmem>>, vector<1x1x16xf32>,
        %parallel_loop3A_3367 = vector.shape_cast %parallel_loop3A_3366 : vector<1x1x16xf32> to vector<16xf32>
        %parallel_loop3A_3368 = vector.shape_cast %parallel_loop3A_3356 : vector<16xf32> to vector<1x1x16xf32>
        tpu.vector_store %parallel_loop3A_3362[%parallel_loop3A_3363, %parallel_loop3A_3364, %parallel_loop3A_3365], %parallel_loop3A_3368 {strides = array<i32>} : memref<8x8x256xf32, #tpu.memory_space<vmem>>, vector<1x1x16xf32>,
      } {sc.loop_unroll_factor = 2 : i64, sc.parallel_access}
      %mul3A_2070 = arith.constant 16 : i32
      %mul3A_2071 = arith.muli %mul3A_2070, %add3A_1897 : i32
      %add3A_2072 = arith.addi %arg1, %mul3A_2071 : i32
      %jit3A_2073 = arith.constant 48 : i32
      %div3A_2074 = arith.divsi %add3A_2072, %jit3A_2073 : i32
      %sign3A_2075 = arith.constant 0 : i32
      %sign3A_2076 = arith.cmpi sgt, %add3A_2072, %sign3A_2075 : i32
      %sign3A_2077 = arith.extui %sign3A_2076 : i1 to i32
      %sign3A_2078 = arith.constant 0 : i32
      %sign3A_2079 = arith.cmpi slt, %add3A_2072, %sign3A_2078 : i32
      %sign3A_2080 = arith.extui %sign3A_2079 : i1 to i32
      %sign3A_2081 = arith.subi %sign3A_2077, %sign3A_2080 : i32
      %sign3A_2082 = arith.constant 0 : i32
      %sign3A_2083 = arith.cmpi sgt, %jit3A_2073, %sign3A_2082 : i32
      %sign3A_2084 = arith.extui %sign3A_2083 : i1 to i32
      %sign3A_2085 = arith.constant 0 : i32
      %sign3A_2086 = arith.cmpi slt, %jit3A_2073, %sign3A_2085 : i32
      %sign3A_2087 = arith.extui %sign3A_2086 : i1 to i32
      %sign3A_2088 = arith.subi %sign3A_2084, %sign3A_2087 : i32
      %ne3A_2089 = arith.cmpi ne, %sign3A_2081, %sign3A_2088 : i32
      %rem3A_2090 = arith.remsi %add3A_2072, %jit3A_2073 : i32
      %ne3A_2091 = arith.constant 0 : i32
      %ne3A_2092 = arith.cmpi ne, %rem3A_2090, %ne3A_2091 : i32
      %and3A_2093 = arith.andi %ne3A_2089, %ne3A_2092 : i1
      %sub3A_2094 = arith.constant 1 : i32
      %sub3A_2095 = arith.subi %div3A_2074, %sub3A_2094 : i32
      %select_n3A_2096 = arith.select %and3A_2093, %sub3A_2095, %div3A_2074 : i32
      %mul3A_2097 = arith.constant 48 : i32
      %mul3A_2098 = arith.muli %select_n3A_2096, %mul3A_2097 : i32
      %sub3A_2099 = arith.subi %add3A_2072, %mul3A_2098 : i32
      %jit3A_2100 = arith.constant 3 : i32
      %div3A_2101 = arith.divsi %sub3A_2099, %jit3A_2100 : i32
      %sign3A_2102 = arith.constant 0 : i32
      %sign3A_2103 = arith.cmpi sgt, %sub3A_2099, %sign3A_2102 : i32
      %sign3A_2104 = arith.extui %sign3A_2103 : i1 to i32
      %sign3A_2105 = arith.constant 0 : i32
      %sign3A_2106 = arith.cmpi slt, %sub3A_2099, %sign3A_2105 : i32
      %sign3A_2107 = arith.extui %sign3A_2106 : i1 to i32
      %sign3A_2108 = arith.subi %sign3A_2104, %sign3A_2107 : i32
      %sign3A_2109 = arith.constant 0 : i32
      %sign3A_2110 = arith.cmpi sgt, %jit3A_2100, %sign3A_2109 : i32
      %sign3A_2111 = arith.extui %sign3A_2110 : i1 to i32
      %sign3A_2112 = arith.constant 0 : i32
      %sign3A_2113 = arith.cmpi slt, %jit3A_2100, %sign3A_2112 : i32
      %sign3A_2114 = arith.extui %sign3A_2113 : i1 to i32
      %sign3A_2115 = arith.subi %sign3A_2111, %sign3A_2114 : i32
      %ne3A_2116 = arith.cmpi ne, %sign3A_2108, %sign3A_2115 : i32
      %rem3A_2117 = arith.remsi %sub3A_2099, %jit3A_2100 : i32
      %ne3A_2118 = arith.constant 0 : i32
      %ne3A_2119 = arith.cmpi ne, %rem3A_2117, %ne3A_2118 : i32
      %and3A_2120 = arith.andi %ne3A_2116, %ne3A_2119 : i1
      %sub3A_2121 = arith.constant 1 : i32
      %sub3A_2122 = arith.subi %div3A_2101, %sub3A_2121 : i32
      %select_n3A_2123 = arith.select %and3A_2120, %sub3A_2122, %div3A_2101 : i32
      %mul3A_2124 = arith.constant 3 : i32
      %mul3A_2125 = arith.muli %select_n3A_2123, %mul3A_2124 : i32
      %sub3A_2126 = arith.subi %sub3A_2099, %mul3A_2125 : i32
      %mul3A_2127 = arith.constant 36 : i32
      %mul3A_2128 = arith.muli %arg0, %mul3A_2127 : i32
      %add3A_2129 = arith.addi %mul3A_2128, %select_n3A_2096 : i32
      %mul3A_2130 = arith.constant 8 : i32
      %mul3A_2131 = arith.muli %mul3A_2130, %add3A_2129 : i32
      %add3A_2132 = arith.constant 1 : i32
      %add3A_2133 = arith.addi %mul3A_2131, %add3A_2132 : i32
      %mul3A_2134 = arith.constant 8 : i32
      %mul3A_2135 = arith.muli %mul3A_2134, %select_n3A_2123 : i32
      %mul3A_2136 = arith.constant 256 : i32
      %mul3A_2137 = arith.muli %mul3A_2136, %sub3A_2126 : i32
      %dma_start3A_2138 = arith.constant 1 : i32
      %dma_start3A_2139 = arith.constant 1 : i32
      %dma_start3A_2140 = arith.constant 0 : i32
      %dma_start3A_2141 = arith.constant 0 : i32
      %dma_start3A_2142 = arith.constant 0 : i32
      %dma_start3A_2143 = tpu.memref_slice %arg10[%dma_start3A_2138, %dma_start3A_2140, %dma_start3A_2141, %dma_start3A_2142] : memref<2x8x8x256xf32, #tpu.memory_space<vmem>> -> memref<1x8x8x256xf32, #tpu.memory_space<vmem>>
      %dma_start3A_2144 = tpu.memref_squeeze %dma_start3A_2143 : memref<1x8x8x256xf32, #tpu.memory_space<vmem>> -> memref<8x8x256xf32, #tpu.memory_space<vmem>>
      %dma_start3A_2145 = tpu.memref_slice %arg5[%add3A_2133, %mul3A_2135, %mul3A_2137] : memref<577x128x768xf32, #tpu.memory_space<hbm>> -> memref<8x8x256xf32, #tpu.memory_space<hbm>>
      %dma_start3A_2146 = tpu.memref_slice %arg14[%dma_start3A_2139] : memref<2x!tpu.dma_semaphore, #tpu.memory_space<semaphore_mem>> -> memref<1x!tpu.dma_semaphore, #tpu.memory_space<semaphore_mem>>
      %dma_start3A_2147 = tpu.memref_squeeze %dma_start3A_2146 : memref<1x!tpu.dma_semaphore, #tpu.memory_space<semaphore_mem>> -> memref<!tpu.dma_semaphore, #tpu.memory_space<semaphore_mem>>
      %dma_start3A_2148 = tpu.memref_slice %arg5[%add3A_2133, %mul3A_2135, %mul3A_2137] : memref<577x128x768xf32, #tpu.memory_space<hbm>> -> memref<8x8x256xf32, #tpu.memory_space<hbm>>
      %dma_start3A_2149 = arith.constant 0 : i32
      %dma_start3A_2150 = arith.constant 0 : i32
      %dma_start3A_2151 = arith.constant 0 : i32
      %dma_start3A_2152 = tpu.memref_slice %arg10[%dma_start3A_2138, %dma_start3A_2149, %dma_start3A_2150, %dma_start3A_2151] : memref<2x8x8x256xf32, #tpu.memory_space<vmem>> -> memref<1x8x8x256xf32, #tpu.memory_space<vmem>>
      %dma_start3A_2153 = tpu.memref_squeeze %dma_start3A_2152 : memref<1x8x8x256xf32, #tpu.memory_space<vmem>> -> memref<8x8x256xf32, #tpu.memory_space<vmem>>
      tpu.enqueue_dma source(%dma_start3A_2153 : memref<8x8x256xf32, #tpu.memory_space<vmem>>) target(%dma_start3A_2148 : memref<8x8x256xf32, #tpu.memory_space<hbm>>) target_semaphore(%dma_start3A_2147 : memref<!tpu.dma_semaphore, #tpu.memory_space<semaphore_mem>>)
      %add3A_2154 = arith.constant 4 : i32
      %add3A_2155 = arith.addi %add3A_1897, %add3A_2154 : i32
      %min3A_2156 = arith.constant 107 : i32
      %min3A_2157 = arith.minsi %add3A_2155, %min3A_2156 : i32
      %mul3A_2158 = arith.constant 16 : i32
      %mul3A_2159 = arith.muli %mul3A_2158, %min3A_2157 : i32
      %add3A_2160 = arith.addi %arg1, %mul3A_2159 : i32
      %jit3A_2161 = arith.constant 48 : i32
      %div3A_2162 = arith.divsi %add3A_2160, %jit3A_2161 : i32
      %sign3A_2163 = arith.constant 0 : i32
      %sign3A_2164 = arith.cmpi sgt, %add3A_2160, %sign3A_2163 : i32
      %sign3A_2165 = arith.extui %sign3A_2164 : i1 to i32
      %sign3A_2166 = arith.constant 0 : i32
      %sign3A_2167 = arith.cmpi slt, %add3A_2160, %sign3A_2166 : i32
      %sign3A_2168 = arith.extui %sign3A_2167 : i1 to i32
      %sign3A_2169 = arith.subi %sign3A_2165, %sign3A_2168 : i32
      %sign3A_2170 = arith.constant 0 : i32
      %sign3A_2171 = arith.cmpi sgt, %jit3A_2161, %sign3A_2170 : i32
      %sign3A_2172 = arith.extui %sign3A_2171 : i1 to i32
      %sign3A_2173 = arith.constant 0 : i32
      %sign3A_2174 = arith.cmpi slt, %jit3A_2161, %sign3A_2173 : i32
      %sign3A_2175 = arith.extui %sign3A_2174 : i1 to i32
      %sign3A_2176 = arith.subi %sign3A_2172, %sign3A_2175 : i32
      %ne3A_2177 = arith.cmpi ne, %sign3A_2169, %sign3A_2176 : i32
      %rem3A_2178 = arith.remsi %add3A_2160, %jit3A_2161 : i32
      %ne3A_2179 = arith.constant 0 : i32
      %ne3A_2180 = arith.cmpi ne, %rem3A_2178, %ne3A_2179 : i32
      %and3A_2181 = arith.andi %ne3A_2177, %ne3A_2180 : i1
      %sub3A_2182 = arith.constant 1 : i32
      %sub3A_2183 = arith.subi %div3A_2162, %sub3A_2182 : i32
      %select_n3A_2184 = arith.select %and3A_2181, %sub3A_2183, %div3A_2162 : i32
      %mul3A_2185 = arith.constant 48 : i32
      %mul3A_2186 = arith.muli %select_n3A_2184, %mul3A_2185 : i32
      %sub3A_2187 = arith.subi %add3A_2160, %mul3A_2186 : i32
      %jit3A_2188 = arith.constant 3 : i32
      %div3A_2189 = arith.divsi %sub3A_2187, %jit3A_2188 : i32
      %sign3A_2190 = arith.constant 0 : i32
      %sign3A_2191 = arith.cmpi sgt, %sub3A_2187, %sign3A_2190 : i32
      %sign3A_2192 = arith.extui %sign3A_2191 : i1 to i32
      %sign3A_2193 = arith.constant 0 : i32
      %sign3A_2194 = arith.cmpi slt, %sub3A_2187, %sign3A_2193 : i32
      %sign3A_2195 = arith.extui %sign3A_2194 : i1 to i32
      %sign3A_2196 = arith.subi %sign3A_2192, %sign3A_2195 : i32
      %sign3A_2197 = arith.constant 0 : i32
      %sign3A_2198 = arith.cmpi sgt, %jit3A_2188, %sign3A_2197 : i32
      %sign3A_2199 = arith.extui %sign3A_2198 : i1 to i32
      %sign3A_2200 = arith.constant 0 : i32
      %sign3A_2201 = arith.cmpi slt, %jit3A_2188, %sign3A_2200 : i32
      %sign3A_2202 = arith.extui %sign3A_2201 : i1 to i32
      %sign3A_2203 = arith.subi %sign3A_2199, %sign3A_2202 : i32
      %ne3A_2204 = arith.cmpi ne, %sign3A_2196, %sign3A_2203 : i32
      %rem3A_2205 = arith.remsi %sub3A_2187, %jit3A_2188 : i32
      %ne3A_2206 = arith.constant 0 : i32
      %ne3A_2207 = arith.cmpi ne, %rem3A_2205, %ne3A_2206 : i32
      %and3A_2208 = arith.andi %ne3A_2204, %ne3A_2207 : i1
      %sub3A_2209 = arith.constant 1 : i32
      %sub3A_2210 = arith.subi %div3A_2189, %sub3A_2209 : i32
      %select_n3A_2211 = arith.select %and3A_2208, %sub3A_2210, %div3A_2189 : i32
      %mul3A_2212 = arith.constant 3 : i32
      %mul3A_2213 = arith.muli %select_n3A_2211, %mul3A_2212 : i32
      %sub3A_2214 = arith.subi %sub3A_2187, %mul3A_2213 : i32
      %mul3A_2215 = arith.constant 36 : i32
      %mul3A_2216 = arith.muli %arg0, %mul3A_2215 : i32
      %add3A_2217 = arith.addi %mul3A_2216, %select_n3A_2184 : i32
      %mul3A_2218 = arith.constant 8 : i32
      %mul3A_2219 = arith.muli %mul3A_2218, %select_n3A_2211 : i32
      %mul3A_2220 = arith.constant 8 : i32
      %mul3A_2221 = arith.muli %mul3A_2220, %add3A_2217 : i32
      %mul3A_2222 = arith.constant 256 : i32
      %mul3A_2223 = arith.muli %mul3A_2222, %sub3A_2214 : i32
      %dma_start3A_2224 = arith.constant 1 : i32
      %dma_start3A_2225 = arith.constant 1 : i32
      %dma_start3A_2226 = arith.constant 0 : i32
      %dma_start3A_2227 = arith.constant 0 : i32
      %dma_start3A_2228 = arith.constant 0 : i32
      %dma_start3A_2229 = tpu.memref_slice %arg8[%dma_start3A_2224, %dma_start3A_2226, %dma_start3A_2227, %dma_start3A_2228] : memref<4x8x8x256xf32, #tpu.memory_space<vmem>> -> memref<1x8x8x256xf32, #tpu.memory_space<vmem>>
      %dma_start3A_2230 = tpu.memref_squeeze %dma_start3A_2229 : memref<1x8x8x256xf32, #tpu.memory_space<vmem>> -> memref<8x8x256xf32, #tpu.memory_space<vmem>>
      %dma_start3A_2231 = tpu.memref_slice %arg2[%mul3A_2219, %mul3A_2221, %mul3A_2223] : memref<128x576x768xf32, #tpu.memory_space<hbm>> -> memref<8x8x256xf32, #tpu.memory_space<hbm>>
      %dma_start3A_2232 = tpu.memref_slice %arg12[%dma_start3A_2225] : memref<4x!tpu.dma_semaphore, #tpu.memory_space<semaphore_mem>> -> memref<1x!tpu.dma_semaphore, #tpu.memory_space<semaphore_mem>>
      %dma_start3A_2233 = tpu.memref_squeeze %dma_start3A_2232 : memref<1x!tpu.dma_semaphore, #tpu.memory_space<semaphore_mem>> -> memref<!tpu.dma_semaphore, #tpu.memory_space<semaphore_mem>>
      %dma_start3A_2234 = arith.constant 0 : i32
      %dma_start3A_2235 = arith.constant 0 : i32
      %dma_start3A_2236 = arith.constant 0 : i32
      %dma_start3A_2237 = tpu.memref_slice %arg8[%dma_start3A_2224, %dma_start3A_2234, %dma_start3A_2235, %dma_start3A_2236] : memref<4x8x8x256xf32, #tpu.memory_space<vmem>> -> memref<1x8x8x256xf32, #tpu.memory_space<vmem>>
      %dma_start3A_2238 = tpu.memref_squeeze %dma_start3A_2237 : memref<1x8x8x256xf32, #tpu.memory_space<vmem>> -> memref<8x8x256xf32, #tpu.memory_space<vmem>>
      %dma_start3A_2239 = tpu.memref_slice %arg2[%mul3A_2219, %mul3A_2221, %mul3A_2223] : memref<128x576x768xf32, #tpu.memory_space<hbm>> -> memref<8x8x256xf32, #tpu.memory_space<hbm>>
      tpu.enqueue_dma source(%dma_start3A_2239 : memref<8x8x256xf32, #tpu.memory_space<hbm>>) target(%dma_start3A_2238 : memref<8x8x256xf32, #tpu.memory_space<vmem>>) target_semaphore(%dma_start3A_2233 : memref<!tpu.dma_semaphore, #tpu.memory_space<semaphore_mem>>)
      %mul3A_2240 = arith.constant 16 : i32
      %mul3A_2241 = arith.muli %mul3A_2240, %min3A_2157 : i32
      %add3A_2242 = arith.addi %arg1, %mul3A_2241 : i32
      %jit3A_2243 = arith.constant 48 : i32
      %div3A_2244 = arith.divsi %add3A_2242, %jit3A_2243 : i32
      %sign3A_2245 = arith.constant 0 : i32
      %sign3A_2246 = arith.cmpi sgt, %add3A_2242, %sign3A_2245 : i32
      %sign3A_2247 = arith.extui %sign3A_2246 : i1 to i32
      %sign3A_2248 = arith.constant 0 : i32
      %sign3A_2249 = arith.cmpi slt, %add3A_2242, %sign3A_2248 : i32
      %sign3A_2250 = arith.extui %sign3A_2249 : i1 to i32
      %sign3A_2251 = arith.subi %sign3A_2247, %sign3A_2250 : i32
      %sign3A_2252 = arith.constant 0 : i32
      %sign3A_2253 = arith.cmpi sgt, %jit3A_2243, %sign3A_2252 : i32
      %sign3A_2254 = arith.extui %sign3A_2253 : i1 to i32
      %sign3A_2255 = arith.constant 0 : i32
      %sign3A_2256 = arith.cmpi slt, %jit3A_2243, %sign3A_2255 : i32
      %sign3A_2257 = arith.extui %sign3A_2256 : i1 to i32
      %sign3A_2258 = arith.subi %sign3A_2254, %sign3A_2257 : i32
      %ne3A_2259 = arith.cmpi ne, %sign3A_2251, %sign3A_2258 : i32
      %rem3A_2260 = arith.remsi %add3A_2242, %jit3A_2243 : i32
      %ne3A_2261 = arith.constant 0 : i32
      %ne3A_2262 = arith.cmpi ne, %rem3A_2260, %ne3A_2261 : i32
      %and3A_2263 = arith.andi %ne3A_2259, %ne3A_2262 : i1
      %sub3A_2264 = arith.constant 1 : i32
      %sub3A_2265 = arith.subi %div3A_2244, %sub3A_2264 : i32
      %select_n3A_2266 = arith.select %and3A_2263, %sub3A_2265, %div3A_2244 : i32
      %mul3A_2267 = arith.constant 48 : i32
      %mul3A_2268 = arith.muli %select_n3A_2266, %mul3A_2267 : i32
      %sub3A_2269 = arith.subi %add3A_2242, %mul3A_2268 : i32
      %jit3A_2270 = arith.constant 3 : i32
      %div3A_2271 = arith.divsi %sub3A_2269, %jit3A_2270 : i32
      %sign3A_2272 = arith.constant 0 : i32
      %sign3A_2273 = arith.cmpi sgt, %sub3A_2269, %sign3A_2272 : i32
      %sign3A_2274 = arith.extui %sign3A_2273 : i1 to i32
      %sign3A_2275 = arith.constant 0 : i32
      %sign3A_2276 = arith.cmpi slt, %sub3A_2269, %sign3A_2275 : i32
      %sign3A_2277 = arith.extui %sign3A_2276 : i1 to i32
      %sign3A_2278 = arith.subi %sign3A_2274, %sign3A_2277 : i32
      %sign3A_2279 = arith.constant 0 : i32
      %sign3A_2280 = arith.cmpi sgt, %jit3A_2270, %sign3A_2279 : i32
      %sign3A_2281 = arith.extui %sign3A_2280 : i1 to i32
      %sign3A_2282 = arith.constant 0 : i32
      %sign3A_2283 = arith.cmpi slt, %jit3A_2270, %sign3A_2282 : i32
      %sign3A_2284 = arith.extui %sign3A_2283 : i1 to i32
      %sign3A_2285 = arith.subi %sign3A_2281, %sign3A_2284 : i32
      %ne3A_2286 = arith.cmpi ne, %sign3A_2278, %sign3A_2285 : i32
      %rem3A_2287 = arith.remsi %sub3A_2269, %jit3A_2270 : i32
      %ne3A_2288 = arith.constant 0 : i32
      %ne3A_2289 = arith.cmpi ne, %rem3A_2287, %ne3A_2288 : i32
      %and3A_2290 = arith.andi %ne3A_2286, %ne3A_2289 : i1
      %sub3A_2291 = arith.constant 1 : i32
      %sub3A_2292 = arith.subi %div3A_2271, %sub3A_2291 : i32
      %select_n3A_2293 = arith.select %and3A_2290, %sub3A_2292, %div3A_2271 : i32
      %mul3A_2294 = arith.constant 3 : i32
      %mul3A_2295 = arith.muli %select_n3A_2293, %mul3A_2294 : i32
      %sub3A_2296 = arith.subi %sub3A_2269, %mul3A_2295 : i32
      %mul3A_2297 = arith.constant 36 : i32
      %mul3A_2298 = arith.muli %arg0, %mul3A_2297 : i32
      %add3A_2299 = arith.addi %mul3A_2298, %select_n3A_2266 : i32
      %mul3A_2300 = arith.constant 8 : i32
      %mul3A_2301 = arith.muli %mul3A_2300, %select_n3A_2266 : i32
      %mul3A_2302 = arith.constant 256 : i32
      %mul3A_2303 = arith.muli %mul3A_2302, %sub3A_2296 : i32
      %dma_start3A_2304 = arith.constant 1 : i32
      %dma_start3A_2305 = arith.constant 1 : i32
      %dma_start3A_2306 = arith.constant 0 : i32
      %dma_start3A_2307 = arith.constant 0 : i32
      %dma_start3A_2308 = tpu.memref_slice %arg9[%dma_start3A_2304, %dma_start3A_2306, %dma_start3A_2307] : memref<4x8x256xf32, #tpu.memory_space<vmem>> -> memref<1x8x256xf32, #tpu.memory_space<vmem>>
      %dma_start3A_2309 = tpu.memref_squeeze %dma_start3A_2308 : memref<1x8x256xf32, #tpu.memory_space<vmem>> -> memref<8x256xf32, #tpu.memory_space<vmem>>
      %dma_start3A_2310 = tpu.memref_slice %arg11[%mul3A_2301, %mul3A_2303] : memref<288x768xf32, #tpu.memory_space<vmem_shared>> -> memref<8x256xf32, #tpu.memory_space<vmem_shared>>
      %dma_start3A_2311 = tpu.memref_slice %arg13[%dma_start3A_2305] : memref<4x!tpu.dma_semaphore, #tpu.memory_space<semaphore_mem>> -> memref<1x!tpu.dma_semaphore, #tpu.memory_space<semaphore_mem>>
      %dma_start3A_2312 = tpu.memref_squeeze %dma_start3A_2311 : memref<1x!tpu.dma_semaphore, #tpu.memory_space<semaphore_mem>> -> memref<!tpu.dma_semaphore, #tpu.memory_space<semaphore_mem>>
      %dma_start3A_2313 = arith.constant 0 : i32
      %dma_start3A_2314 = arith.constant 0 : i32
      %dma_start3A_2315 = tpu.memref_slice %arg9[%dma_start3A_2304, %dma_start3A_2313, %dma_start3A_2314] : memref<4x8x256xf32, #tpu.memory_space<vmem>> -> memref<1x8x256xf32, #tpu.memory_space<vmem>>
      %dma_start3A_2316 = tpu.memref_squeeze %dma_start3A_2315 : memref<1x8x256xf32, #tpu.memory_space<vmem>> -> memref<8x256xf32, #tpu.memory_space<vmem>>
      %dma_start3A_2317 = tpu.memref_slice %arg11[%mul3A_2301, %mul3A_2303] : memref<288x768xf32, #tpu.memory_space<vmem_shared>> -> memref<8x256xf32, #tpu.memory_space<vmem_shared>>
      tpu.enqueue_dma source(%dma_start3A_2317 : memref<8x256xf32, #tpu.memory_space<vmem_shared>>) target(%dma_start3A_2316 : memref<8x256xf32, #tpu.memory_space<vmem>>) target_semaphore(%dma_start3A_2312 : memref<!tpu.dma_semaphore, #tpu.memory_space<semaphore_mem>>)
      %add3A_2318 = arith.constant 2 : i32
      %add3A_2319 = arith.addi %add3A_1475, %add3A_2318 : i32
      %mul3A_2320 = arith.constant 16 : i32
      %mul3A_2321 = arith.muli %mul3A_2320, %add3A_2319 : i32
      %add3A_2322 = arith.addi %arg1, %mul3A_2321 : i32
      %jit3A_2323 = arith.constant 48 : i32
      %div3A_2324 = arith.divsi %add3A_2322, %jit3A_2323 : i32
      %sign3A_2325 = arith.constant 0 : i32
      %sign3A_2326 = arith.cmpi sgt, %add3A_2322, %sign3A_2325 : i32
      %sign3A_2327 = arith.extui %sign3A_2326 : i1 to i32
      %sign3A_2328 = arith.constant 0 : i32
      %sign3A_2329 = arith.cmpi slt, %add3A_2322, %sign3A_2328 : i32
      %sign3A_2330 = arith.extui %sign3A_2329 : i1 to i32
      %sign3A_2331 = arith.subi %sign3A_2327, %sign3A_2330 : i32
      %sign3A_2332 = arith.constant 0 : i32
      %sign3A_2333 = arith.cmpi sgt, %jit3A_2323, %sign3A_2332 : i32
      %sign3A_2334 = arith.extui %sign3A_2333 : i1 to i32
      %sign3A_2335 = arith.constant 0 : i32
      %sign3A_2336 = arith.cmpi slt, %jit3A_2323, %sign3A_2335 : i32
      %sign3A_2337 = arith.extui %sign3A_2336 : i1 to i32
      %sign3A_2338 = arith.subi %sign3A_2334, %sign3A_2337 : i32
      %ne3A_2339 = arith.cmpi ne, %sign3A_2331, %sign3A_2338 : i32
      %rem3A_2340 = arith.remsi %add3A_2322, %jit3A_2323 : i32
      %ne3A_2341 = arith.constant 0 : i32
      %ne3A_2342 = arith.cmpi ne, %rem3A_2340, %ne3A_2341 : i32
      %and3A_2343 = arith.andi %ne3A_2339, %ne3A_2342 : i1
      %sub3A_2344 = arith.constant 1 : i32
      %sub3A_2345 = arith.subi %div3A_2324, %sub3A_2344 : i32
      %select_n3A_2346 = arith.select %and3A_2343, %sub3A_2345, %div3A_2324 : i32
      %mul3A_2347 = arith.constant 48 : i32
      %mul3A_2348 = arith.muli %select_n3A_2346, %mul3A_2347 : i32
      %sub3A_2349 = arith.subi %add3A_2322, %mul3A_2348 : i32
      %jit3A_2350 = arith.constant 3 : i32
      %div3A_2351 = arith.divsi %sub3A_2349, %jit3A_2350 : i32
      %sign3A_2352 = arith.constant 0 : i32
      %sign3A_2353 = arith.cmpi sgt, %sub3A_2349, %sign3A_2352 : i32
      %sign3A_2354 = arith.extui %sign3A_2353 : i1 to i32
      %sign3A_2355 = arith.constant 0 : i32
      %sign3A_2356 = arith.cmpi slt, %sub3A_2349, %sign3A_2355 : i32
      %sign3A_2357 = arith.extui %sign3A_2356 : i1 to i32
      %sign3A_2358 = arith.subi %sign3A_2354, %sign3A_2357 : i32
      %sign3A_2359 = arith.constant 0 : i32
      %sign3A_2360 = arith.cmpi sgt, %jit3A_2350, %sign3A_2359 : i32
      %sign3A_2361 = arith.extui %sign3A_2360 : i1 to i32
      %sign3A_2362 = arith.constant 0 : i32
      %sign3A_2363 = arith.cmpi slt, %jit3A_2350, %sign3A_2362 : i32
      %sign3A_2364 = arith.extui %sign3A_2363 : i1 to i32
      %sign3A_2365 = arith.subi %sign3A_2361, %sign3A_2364 : i32
      %ne3A_2366 = arith.cmpi ne, %sign3A_2358, %sign3A_2365 : i32
      %rem3A_2367 = arith.remsi %sub3A_2349, %jit3A_2350 : i32
      %ne3A_2368 = arith.constant 0 : i32
      %ne3A_2369 = arith.cmpi ne, %rem3A_2367, %ne3A_2368 : i32
      %and3A_2370 = arith.andi %ne3A_2366, %ne3A_2369 : i1
      %sub3A_2371 = arith.constant 1 : i32
      %sub3A_2372 = arith.subi %div3A_2351, %sub3A_2371 : i32
      %select_n3A_2373 = arith.select %and3A_2370, %sub3A_2372, %div3A_2351 : i32
      %mul3A_2374 = arith.constant 3 : i32
      %mul3A_2375 = arith.muli %select_n3A_2373, %mul3A_2374 : i32
      %sub3A_2376 = arith.subi %sub3A_2349, %mul3A_2375 : i32
      %mul3A_2377 = arith.constant 36 : i32
      %mul3A_2378 = arith.muli %arg0, %mul3A_2377 : i32
      %add3A_2379 = arith.addi %mul3A_2378, %select_n3A_2346 : i32
      %mul3A_2380 = arith.constant 8 : i32
      %mul3A_2381 = arith.muli %mul3A_2380, %select_n3A_2373 : i32
      %mul3A_2382 = arith.constant 8 : i32
      %mul3A_2383 = arith.muli %mul3A_2382, %add3A_2379 : i32
      %mul3A_2384 = arith.constant 256 : i32
      %mul3A_2385 = arith.muli %mul3A_2384, %sub3A_2376 : i32
      %dma_wait3A_2386 = arith.constant 2 : i32
      %dma_wait3A_2387 = arith.constant 2 : i32
      %dma_wait3A_2388 = arith.constant 0 : i32
      %dma_wait3A_2389 = arith.constant 0 : i32
      %dma_wait3A_2390 = arith.constant 0 : i32
      %dma_wait3A_2391 = tpu.memref_slice %arg8[%dma_wait3A_2386, %dma_wait3A_2388, %dma_wait3A_2389, %dma_wait3A_2390] : memref<4x8x8x256xf32, #tpu.memory_space<vmem>> -> memref<1x8x8x256xf32, #tpu.memory_space<vmem>>
      %dma_wait3A_2392 = tpu.memref_squeeze %dma_wait3A_2391 : memref<1x8x8x256xf32, #tpu.memory_space<vmem>> -> memref<8x8x256xf32, #tpu.memory_space<vmem>>
      %dma_wait3A_2393 = tpu.memref_slice %arg2[%mul3A_2381, %mul3A_2383, %mul3A_2385] : memref<128x576x768xf32, #tpu.memory_space<hbm>> -> memref<8x8x256xf32, #tpu.memory_space<hbm>>
      %dma_wait3A_2394 = tpu.memref_slice %arg12[%dma_wait3A_2387] : memref<4x!tpu.dma_semaphore, #tpu.memory_space<semaphore_mem>> -> memref<1x!tpu.dma_semaphore, #tpu.memory_space<semaphore_mem>>
      %dma_wait3A_2395 = tpu.memref_squeeze %dma_wait3A_2394 : memref<1x!tpu.dma_semaphore, #tpu.memory_space<semaphore_mem>> -> memref<!tpu.dma_semaphore, #tpu.memory_space<semaphore_mem>>
      %dma_wait3A_2396 = arith.constant 0 : i32
      %dma_wait3A_2397 = arith.constant 0 : i32
      %dma_wait3A_2398 = arith.constant 0 : i32
      %dma_wait3A_2399 = tpu.memref_slice %arg8[%dma_wait3A_2386, %dma_wait3A_2396, %dma_wait3A_2397, %dma_wait3A_2398] : memref<4x8x8x256xf32, #tpu.memory_space<vmem>> -> memref<1x8x8x256xf32, #tpu.memory_space<vmem>>
      %dma_wait3A_2400 = tpu.memref_squeeze %dma_wait3A_2399 : memref<1x8x8x256xf32, #tpu.memory_space<vmem>> -> memref<8x8x256xf32, #tpu.memory_space<vmem>>
      %dma_wait3A_2401 = tpu.memref_slice %arg2[%mul3A_2381, %mul3A_2383, %mul3A_2385] : memref<128x576x768xf32, #tpu.memory_space<hbm>> -> memref<8x8x256xf32, #tpu.memory_space<hbm>>
      tpu.wait_dma2 semaphore(%dma_wait3A_2395 : memref<!tpu.dma_semaphore, #tpu.memory_space<semaphore_mem>>) src(%dma_wait3A_2401 : memref<8x8x256xf32, #tpu.memory_space<hbm>>) dst(%dma_wait3A_2400 : memref<8x8x256xf32, #tpu.memory_space<vmem>>)
      %mul3A_2402 = arith.constant 16 : i32
      %mul3A_2403 = arith.muli %mul3A_2402, %add3A_2319 : i32
      %add3A_2404 = arith.addi %arg1, %mul3A_2403 : i32
      %jit3A_2405 = arith.constant 48 : i32
      %div3A_2406 = arith.divsi %add3A_2404, %jit3A_2405 : i32
      %sign3A_2407 = arith.constant 0 : i32
      %sign3A_2408 = arith.cmpi sgt, %add3A_2404, %sign3A_2407 : i32
      %sign3A_2409 = arith.extui %sign3A_2408 : i1 to i32
      %sign3A_2410 = arith.constant 0 : i32
      %sign3A_2411 = arith.cmpi slt, %add3A_2404, %sign3A_2410 : i32
      %sign3A_2412 = arith.extui %sign3A_2411 : i1 to i32
      %sign3A_2413 = arith.subi %sign3A_2409, %sign3A_2412 : i32
      %sign3A_2414 = arith.constant 0 : i32
      %sign3A_2415 = arith.cmpi sgt, %jit3A_2405, %sign3A_2414 : i32
      %sign3A_2416 = arith.extui %sign3A_2415 : i1 to i32
      %sign3A_2417 = arith.constant 0 : i32
      %sign3A_2418 = arith.cmpi slt, %jit3A_2405, %sign3A_2417 : i32
      %sign3A_2419 = arith.extui %sign3A_2418 : i1 to i32
      %sign3A_2420 = arith.subi %sign3A_2416, %sign3A_2419 : i32
      %ne3A_2421 = arith.cmpi ne, %sign3A_2413, %sign3A_2420 : i32
      %rem3A_2422 = arith.remsi %add3A_2404, %jit3A_2405 : i32
      %ne3A_2423 = arith.constant 0 : i32
      %ne3A_2424 = arith.cmpi ne, %rem3A_2422, %ne3A_2423 : i32
      %and3A_2425 = arith.andi %ne3A_2421, %ne3A_2424 : i1
      %sub3A_2426 = arith.constant 1 : i32
      %sub3A_2427 = arith.subi %div3A_2406, %sub3A_2426 : i32
      %select_n3A_2428 = arith.select %and3A_2425, %sub3A_2427, %div3A_2406 : i32
      %mul3A_2429 = arith.constant 48 : i32
      %mul3A_2430 = arith.muli %select_n3A_2428, %mul3A_2429 : i32
      %sub3A_2431 = arith.subi %add3A_2404, %mul3A_2430 : i32
      %jit3A_2432 = arith.constant 3 : i32
      %div3A_2433 = arith.divsi %sub3A_2431, %jit3A_2432 : i32
      %sign3A_2434 = arith.constant 0 : i32
      %sign3A_2435 = arith.cmpi sgt, %sub3A_2431, %sign3A_2434 : i32
      %sign3A_2436 = arith.extui %sign3A_2435 : i1 to i32
      %sign3A_2437 = arith.constant 0 : i32
      %sign3A_2438 = arith.cmpi slt, %sub3A_2431, %sign3A_2437 : i32
      %sign3A_2439 = arith.extui %sign3A_2438 : i1 to i32
      %sign3A_2440 = arith.subi %sign3A_2436, %sign3A_2439 : i32
      %sign3A_2441 = arith.constant 0 : i32
      %sign3A_2442 = arith.cmpi sgt, %jit3A_2432, %sign3A_2441 : i32
      %sign3A_2443 = arith.extui %sign3A_2442 : i1 to i32
      %sign3A_2444 = arith.constant 0 : i32
      %sign3A_2445 = arith.cmpi slt, %jit3A_2432, %sign3A_2444 : i32
      %sign3A_2446 = arith.extui %sign3A_2445 : i1 to i32
      %sign3A_2447 = arith.subi %sign3A_2443, %sign3A_2446 : i32
      %ne3A_2448 = arith.cmpi ne, %sign3A_2440, %sign3A_2447 : i32
      %rem3A_2449 = arith.remsi %sub3A_2431, %jit3A_2432 : i32
      %ne3A_2450 = arith.constant 0 : i32
      %ne3A_2451 = arith.cmpi ne, %rem3A_2449, %ne3A_2450 : i32
      %and3A_2452 = arith.andi %ne3A_2448, %ne3A_2451 : i1
      %sub3A_2453 = arith.constant 1 : i32
      %sub3A_2454 = arith.subi %div3A_2433, %sub3A_2453 : i32
      %select_n3A_2455 = arith.select %and3A_2452, %sub3A_2454, %div3A_2433 : i32
      %mul3A_2456 = arith.constant 3 : i32
      %mul3A_2457 = arith.muli %select_n3A_2455, %mul3A_2456 : i32
      %sub3A_2458 = arith.subi %sub3A_2431, %mul3A_2457 : i32
      %mul3A_2459 = arith.constant 36 : i32
      %mul3A_2460 = arith.muli %arg0, %mul3A_2459 : i32
      %add3A_2461 = arith.addi %mul3A_2460, %select_n3A_2428 : i32
      %mul3A_2462 = arith.constant 8 : i32
      %mul3A_2463 = arith.muli %mul3A_2462, %select_n3A_2428 : i32
      %mul3A_2464 = arith.constant 256 : i32
      %mul3A_2465 = arith.muli %mul3A_2464, %sub3A_2458 : i32
      %dma_wait3A_2466 = arith.constant 2 : i32
      %dma_wait3A_2467 = arith.constant 2 : i32
      %dma_wait3A_2468 = arith.constant 0 : i32
      %dma_wait3A_2469 = arith.constant 0 : i32
      %dma_wait3A_2470 = tpu.memref_slice %arg9[%dma_wait3A_2466, %dma_wait3A_2468, %dma_wait3A_2469] : memref<4x8x256xf32, #tpu.memory_space<vmem>> -> memref<1x8x256xf32, #tpu.memory_space<vmem>>
      %dma_wait3A_2471 = tpu.memref_squeeze %dma_wait3A_2470 : memref<1x8x256xf32, #tpu.memory_space<vmem>> -> memref<8x256xf32, #tpu.memory_space<vmem>>
      %dma_wait3A_2472 = tpu.memref_slice %arg11[%mul3A_2463, %mul3A_2465] : memref<288x768xf32, #tpu.memory_space<vmem_shared>> -> memref<8x256xf32, #tpu.memory_space<vmem_shared>>
      %dma_wait3A_2473 = tpu.memref_slice %arg13[%dma_wait3A_2467] : memref<4x!tpu.dma_semaphore, #tpu.memory_space<semaphore_mem>> -> memref<1x!tpu.dma_semaphore, #tpu.memory_space<semaphore_mem>>
      %dma_wait3A_2474 = tpu.memref_squeeze %dma_wait3A_2473 : memref<1x!tpu.dma_semaphore, #tpu.memory_space<semaphore_mem>> -> memref<!tpu.dma_semaphore, #tpu.memory_space<semaphore_mem>>
      %dma_wait3A_2475 = arith.constant 0 : i32
      %dma_wait3A_2476 = arith.constant 0 : i32
      %dma_wait3A_2477 = tpu.memref_slice %arg9[%dma_wait3A_2466, %dma_wait3A_2475, %dma_wait3A_2476] : memref<4x8x256xf32, #tpu.memory_space<vmem>> -> memref<1x8x256xf32, #tpu.memory_space<vmem>>
      %dma_wait3A_2478 = tpu.memref_squeeze %dma_wait3A_2477 : memref<1x8x256xf32, #tpu.memory_space<vmem>> -> memref<8x256xf32, #tpu.memory_space<vmem>>
      %dma_wait3A_2479 = tpu.memref_slice %arg11[%mul3A_2463, %mul3A_2465] : memref<288x768xf32, #tpu.memory_space<vmem_shared>> -> memref<8x256xf32, #tpu.memory_space<vmem_shared>>
      tpu.wait_dma2 semaphore(%dma_wait3A_2474 : memref<!tpu.dma_semaphore, #tpu.memory_space<semaphore_mem>>) src(%dma_wait3A_2479 : memref<8x256xf32, #tpu.memory_space<vmem_shared>>) dst(%dma_wait3A_2478 : memref<8x256xf32, #tpu.memory_space<vmem>>)
      %ge3A_2480 = arith.constant 2 : i32
      %ge3A_2481 = arith.cmpi sge, %add3A_2319, %ge3A_2480 : i32
      %convert_element_type3A_2482 = arith.extui %ge3A_2481 : i1 to i32
      %cond3A_2483 = arith.constant 0 : i32
      %cond3A_2484 = arith.constant 0 : i32
      %cond3A_2485 = arith.cmpi ne, %convert_element_type3A_2482, %cond3A_2484 : i32
      scf.if %cond3A_2485 {
        %mul3A_3162 = arith.constant 16 : i32
        %mul3A_3163 = arith.muli %mul3A_3162, %add3A_2319 : i32
        %add3A_3164 = arith.addi %arg1, %mul3A_3163 : i32
        %jit3A_3165 = arith.constant 48 : i32
        %div3A_3166 = arith.divsi %add3A_3164, %jit3A_3165 : i32
        %sign3A_3167 = arith.constant 0 : i32
        %sign3A_3168 = arith.cmpi sgt, %add3A_3164, %sign3A_3167 : i32
        %sign3A_3169 = arith.extui %sign3A_3168 : i1 to i32
        %sign3A_3170 = arith.constant 0 : i32
        %sign3A_3171 = arith.cmpi slt, %add3A_3164, %sign3A_3170 : i32
        %sign3A_3172 = arith.extui %sign3A_3171 : i1 to i32
        %sign3A_3173 = arith.subi %sign3A_3169, %sign3A_3172 : i32
        %sign3A_3174 = arith.constant 0 : i32
        %sign3A_3175 = arith.cmpi sgt, %jit3A_3165, %sign3A_3174 : i32
        %sign3A_3176 = arith.extui %sign3A_3175 : i1 to i32
        %sign3A_3177 = arith.constant 0 : i32
        %sign3A_3178 = arith.cmpi slt, %jit3A_3165, %sign3A_3177 : i32
        %sign3A_3179 = arith.extui %sign3A_3178 : i1 to i32
        %sign3A_3180 = arith.subi %sign3A_3176, %sign3A_3179 : i32
        %ne3A_3181 = arith.cmpi ne, %sign3A_3173, %sign3A_3180 : i32
        %rem3A_3182 = arith.remsi %add3A_3164, %jit3A_3165 : i32
        %ne3A_3183 = arith.constant 0 : i32
        %ne3A_3184 = arith.cmpi ne, %rem3A_3182, %ne3A_3183 : i32
        %and3A_3185 = arith.andi %ne3A_3181, %ne3A_3184 : i1
        %sub3A_3186 = arith.constant 1 : i32
        %sub3A_3187 = arith.subi %div3A_3166, %sub3A_3186 : i32
        %select_n3A_3188 = arith.select %and3A_3185, %sub3A_3187, %div3A_3166 : i32
        %mul3A_3189 = arith.constant 48 : i32
        %mul3A_3190 = arith.muli %select_n3A_3188, %mul3A_3189 : i32
        %sub3A_3191 = arith.subi %add3A_3164, %mul3A_3190 : i32
        %jit3A_3192 = arith.constant 3 : i32
        %div3A_3193 = arith.divsi %sub3A_3191, %jit3A_3192 : i32
        %sign3A_3194 = arith.constant 0 : i32
        %sign3A_3195 = arith.cmpi sgt, %sub3A_3191, %sign3A_3194 : i32
        %sign3A_3196 = arith.extui %sign3A_3195 : i1 to i32
        %sign3A_3197 = arith.constant 0 : i32
        %sign3A_3198 = arith.cmpi slt, %sub3A_3191, %sign3A_3197 : i32
        %sign3A_3199 = arith.extui %sign3A_3198 : i1 to i32
        %sign3A_3200 = arith.subi %sign3A_3196, %sign3A_3199 : i32
        %sign3A_3201 = arith.constant 0 : i32
        %sign3A_3202 = arith.cmpi sgt, %jit3A_3192, %sign3A_3201 : i32
        %sign3A_3203 = arith.extui %sign3A_3202 : i1 to i32
        %sign3A_3204 = arith.constant 0 : i32
        %sign3A_3205 = arith.cmpi slt, %jit3A_3192, %sign3A_3204 : i32
        %sign3A_3206 = arith.extui %sign3A_3205 : i1 to i32
        %sign3A_3207 = arith.subi %sign3A_3203, %sign3A_3206 : i32
        %ne3A_3208 = arith.cmpi ne, %sign3A_3200, %sign3A_3207 : i32
        %rem3A_3209 = arith.remsi %sub3A_3191, %jit3A_3192 : i32
        %ne3A_3210 = arith.constant 0 : i32
        %ne3A_3211 = arith.cmpi ne, %rem3A_3209, %ne3A_3210 : i32
        %and3A_3212 = arith.andi %ne3A_3208, %ne3A_3211 : i1
        %sub3A_3213 = arith.constant 1 : i32
        %sub3A_3214 = arith.subi %div3A_3193, %sub3A_3213 : i32
        %select_n3A_3215 = arith.select %and3A_3212, %sub3A_3214, %div3A_3193 : i32
        %mul3A_3216 = arith.constant 3 : i32
        %mul3A_3217 = arith.muli %select_n3A_3215, %mul3A_3216 : i32
        %sub3A_3218 = arith.subi %sub3A_3191, %mul3A_3217 : i32
        %mul3A_3219 = arith.constant 36 : i32
        %mul3A_3220 = arith.muli %arg0, %mul3A_3219 : i32
        %add3A_3221 = arith.addi %mul3A_3220, %select_n3A_3188 : i32
        %mul3A_3222 = arith.constant 8 : i32
        %mul3A_3223 = arith.muli %mul3A_3222, %add3A_3221 : i32
        %add3A_3224 = arith.constant 1 : i32
        %add3A_3225 = arith.addi %mul3A_3223, %add3A_3224 : i32
        %mul3A_3226 = arith.constant 8 : i32
        %mul3A_3227 = arith.muli %mul3A_3226, %select_n3A_3215 : i32
        %mul3A_3228 = arith.constant 256 : i32
        %mul3A_3229 = arith.muli %mul3A_3228, %sub3A_3218 : i32
        %dma_wait3A_3230 = arith.constant 0 : i32
        %dma_wait3A_3231 = arith.constant 0 : i32
        %dma_wait3A_3232 = arith.constant 0 : i32
        %dma_wait3A_3233 = arith.constant 0 : i32
        %dma_wait3A_3234 = tpu.memref_slice %arg10[%cond3A_2483, %dma_wait3A_3231, %dma_wait3A_3232, %dma_wait3A_3233] : memref<2x8x8x256xf32, #tpu.memory_space<vmem>> -> memref<1x8x8x256xf32, #tpu.memory_space<vmem>>
        %dma_wait3A_3235 = tpu.memref_squeeze %dma_wait3A_3234 : memref<1x8x8x256xf32, #tpu.memory_space<vmem>> -> memref<8x8x256xf32, #tpu.memory_space<vmem>>
        %dma_wait3A_3236 = tpu.memref_slice %arg5[%add3A_3225, %mul3A_3227, %mul3A_3229] : memref<577x128x768xf32, #tpu.memory_space<hbm>> -> memref<8x8x256xf32, #tpu.memory_space<hbm>>
        %dma_wait3A_3237 = tpu.memref_slice %arg14[%dma_wait3A_3230] : memref<2x!tpu.dma_semaphore, #tpu.memory_space<semaphore_mem>> -> memref<1x!tpu.dma_semaphore, #tpu.memory_space<semaphore_mem>>
        %dma_wait3A_3238 = tpu.memref_squeeze %dma_wait3A_3237 : memref<1x!tpu.dma_semaphore, #tpu.memory_space<semaphore_mem>> -> memref<!tpu.dma_semaphore, #tpu.memory_space<semaphore_mem>>
        %dma_wait3A_3239 = tpu.memref_slice %arg5[%add3A_3225, %mul3A_3227, %mul3A_3229] : memref<577x128x768xf32, #tpu.memory_space<hbm>> -> memref<8x8x256xf32, #tpu.memory_space<hbm>>
        %dma_wait3A_3240 = arith.constant 0 : i32
        %dma_wait3A_3241 = arith.constant 0 : i32
        %dma_wait3A_3242 = arith.constant 0 : i32
        %dma_wait3A_3243 = tpu.memref_slice %arg10[%cond3A_2483, %dma_wait3A_3240, %dma_wait3A_3241, %dma_wait3A_3242] : memref<2x8x8x256xf32, #tpu.memory_space<vmem>> -> memref<1x8x8x256xf32, #tpu.memory_space<vmem>>
        %dma_wait3A_3244 = tpu.memref_squeeze %dma_wait3A_3243 : memref<1x8x8x256xf32, #tpu.memory_space<vmem>> -> memref<8x8x256xf32, #tpu.memory_space<vmem>>
        tpu.wait_dma2 semaphore(%dma_wait3A_3238 : memref<!tpu.dma_semaphore, #tpu.memory_space<semaphore_mem>>) src(%dma_wait3A_3244 : memref<8x8x256xf32, #tpu.memory_space<vmem>>) dst(%dma_wait3A_3239 : memref<8x8x256xf32, #tpu.memory_space<hbm>>)
      } else {
      }
      %parallel_loop3A_2486 = arith.constant 0 : i32
      %parallel_loop3A_2487 = arith.constant 128 : i32
      %parallel_loop3A_2488 = arith.constant 1 : i32
      %parallel_loop3A_2489 = arith.constant 2 : i32
      %parallel_loop3A_2490 = arith.constant 2 : i32
      %parallel_loop3A_2491 = arith.constant 0 : i32
      scf.for %parallel_loop3A_3162 = %parallel_loop3A_2486 to %parallel_loop3A_2487 step %parallel_loop3A_2488  : i32 {
        %parallel_loop3A_3163 = arith.constant 4 : i32
        %parallel_loop3A_3164 = arith.shrsi %parallel_loop3A_3162, %parallel_loop3A_3163 : i32
        %parallel_loop3A_3165 = arith.constant 15 : i32
        %parallel_loop3A_3166 = arith.andi %parallel_loop3A_3162, %parallel_loop3A_3165 : i32
        %parallel_loop3A_3167 = arith.constant 16 : i32
        %parallel_loop3A_3168 = arith.muli %parallel_loop3A_3166, %parallel_loop3A_3167 : i32
        %parallel_loop3A_3169 = arith.constant 0 : i32
        %parallel_loop3A_3170 = arith.constant 0 : i32
        %parallel_loop3A_3171 = tpu.memref_slice %arg9[%parallel_loop3A_2489, %parallel_loop3A_3169, %parallel_loop3A_3170] : memref<4x8x256xf32, #tpu.memory_space<vmem>> -> memref<1x8x256xf32, #tpu.memory_space<vmem>>
        %parallel_loop3A_3172 = tpu.memref_squeeze %parallel_loop3A_3171 : memref<1x8x256xf32, #tpu.memory_space<vmem>> -> memref<8x256xf32, #tpu.memory_space<vmem>>
        %parallel_loop3A_3173 = arith.index_cast %parallel_loop3A_3164 : i32 to index
        %parallel_loop3A_3174 = arith.index_cast %parallel_loop3A_3168 : i32 to index
        %parallel_loop3A_3175 = tpu.vector_load %parallel_loop3A_3172[%parallel_loop3A_3173, %parallel_loop3A_3174] {strides = array<i32>} : memref<8x256xf32, #tpu.memory_space<vmem>>, vector<1x16xf32>,
        %parallel_loop3A_3176 = vector.shape_cast %parallel_loop3A_3175 : vector<1x16xf32> to vector<16xf32>
        %parallel_loop3A_3177 = arith.constant 0 : i32
        %parallel_loop3A_3178 = arith.constant 0 : i32
        %parallel_loop3A_3179 = arith.constant 0 : i32
        %parallel_loop3A_3180 = arith.constant 0 : i32
        %parallel_loop3A_3181 = tpu.memref_slice %arg8[%parallel_loop3A_2490, %parallel_loop3A_3178, %parallel_loop3A_3179, %parallel_loop3A_3180] : memref<4x8x8x256xf32, #tpu.memory_space<vmem>> -> memref<1x8x8x256xf32, #tpu.memory_space<vmem>>
        %parallel_loop3A_3182 = tpu.memref_squeeze %parallel_loop3A_3181 : memref<1x8x8x256xf32, #tpu.memory_space<vmem>> -> memref<8x8x256xf32, #tpu.memory_space<vmem>>
        %parallel_loop3A_3183 = arith.index_cast %parallel_loop3A_3177 : i32 to index
        %parallel_loop3A_3184 = arith.index_cast %parallel_loop3A_3164 : i32 to index
        %parallel_loop3A_3185 = arith.index_cast %parallel_loop3A_3168 : i32 to index
        %parallel_loop3A_3186 = tpu.vector_load %parallel_loop3A_3182[%parallel_loop3A_3183, %parallel_loop3A_3184, %parallel_loop3A_3185] {strides = array<i32>} : memref<8x8x256xf32, #tpu.memory_space<vmem>>, vector<1x1x16xf32>,
        %parallel_loop3A_3187 = vector.shape_cast %parallel_loop3A_3186 : vector<1x1x16xf32> to vector<16xf32>
        %parallel_loop3A_3188 = arith.addf %parallel_loop3A_3187, %parallel_loop3A_3176 : vector<16xf32>
        %parallel_loop3A_3189 = arith.constant 0 : i32
        %parallel_loop3A_3190 = arith.constant 0 : i32
        %parallel_loop3A_3191 = arith.constant 0 : i32
        %parallel_loop3A_3192 = arith.constant 0 : i32
        %parallel_loop3A_3193 = tpu.memref_slice %arg10[%parallel_loop3A_2491, %parallel_loop3A_3190, %parallel_loop3A_3191, %parallel_loop3A_3192] : memref<2x8x8x256xf32, #tpu.memory_space<vmem>> -> memref<1x8x8x256xf32, #tpu.memory_space<vmem>>
        %parallel_loop3A_3194 = tpu.memref_squeeze %parallel_loop3A_3193 : memref<1x8x8x256xf32, #tpu.memory_space<vmem>> -> memref<8x8x256xf32, #tpu.memory_space<vmem>>
        %parallel_loop3A_3195 = arith.index_cast %parallel_loop3A_3164 : i32 to index
        %parallel_loop3A_3196 = arith.index_cast %parallel_loop3A_3189 : i32 to index
        %parallel_loop3A_3197 = arith.index_cast %parallel_loop3A_3168 : i32 to index
        %parallel_loop3A_3198 = tpu.vector_load %parallel_loop3A_3194[%parallel_loop3A_3195, %parallel_loop3A_3196, %parallel_loop3A_3197] {strides = array<i32>} : memref<8x8x256xf32, #tpu.memory_space<vmem>>, vector<1x1x16xf32>,
        %parallel_loop3A_3199 = vector.shape_cast %parallel_loop3A_3198 : vector<1x1x16xf32> to vector<16xf32>
        %parallel_loop3A_3200 = vector.shape_cast %parallel_loop3A_3188 : vector<16xf32> to vector<1x1x16xf32>
        tpu.vector_store %parallel_loop3A_3194[%parallel_loop3A_3195, %parallel_loop3A_3196, %parallel_loop3A_3197], %parallel_loop3A_3200 {strides = array<i32>} : memref<8x8x256xf32, #tpu.memory_space<vmem>>, vector<1x1x16xf32>,
        %parallel_loop3A_3201 = arith.constant 1 : i32
        %parallel_loop3A_3202 = arith.constant 0 : i32
        %parallel_loop3A_3203 = arith.constant 0 : i32
        %parallel_loop3A_3204 = arith.constant 0 : i32
        %parallel_loop3A_3205 = tpu.memref_slice %arg8[%parallel_loop3A_2490, %parallel_loop3A_3202, %parallel_loop3A_3203, %parallel_loop3A_3204] : memref<4x8x8x256xf32, #tpu.memory_space<vmem>> -> memref<1x8x8x256xf32, #tpu.memory_space<vmem>>
        %parallel_loop3A_3206 = tpu.memref_squeeze %parallel_loop3A_3205 : memref<1x8x8x256xf32, #tpu.memory_space<vmem>> -> memref<8x8x256xf32, #tpu.memory_space<vmem>>
        %parallel_loop3A_3207 = arith.index_cast %parallel_loop3A_3201 : i32 to index
        %parallel_loop3A_3208 = arith.index_cast %parallel_loop3A_3164 : i32 to index
        %parallel_loop3A_3209 = arith.index_cast %parallel_loop3A_3168 : i32 to index
        %parallel_loop3A_3210 = tpu.vector_load %parallel_loop3A_3206[%parallel_loop3A_3207, %parallel_loop3A_3208, %parallel_loop3A_3209] {strides = array<i32>} : memref<8x8x256xf32, #tpu.memory_space<vmem>>, vector<1x1x16xf32>,
        %parallel_loop3A_3211 = vector.shape_cast %parallel_loop3A_3210 : vector<1x1x16xf32> to vector<16xf32>
        %parallel_loop3A_3212 = arith.addf %parallel_loop3A_3211, %parallel_loop3A_3176 : vector<16xf32>
        %parallel_loop3A_3213 = arith.constant 1 : i32
        %parallel_loop3A_3214 = arith.constant 0 : i32
        %parallel_loop3A_3215 = arith.constant 0 : i32
        %parallel_loop3A_3216 = arith.constant 0 : i32
        %parallel_loop3A_3217 = tpu.memref_slice %arg10[%parallel_loop3A_2491, %parallel_loop3A_3214, %parallel_loop3A_3215, %parallel_loop3A_3216] : memref<2x8x8x256xf32, #tpu.memory_space<vmem>> -> memref<1x8x8x256xf32, #tpu.memory_space<vmem>>
        %parallel_loop3A_3218 = tpu.memref_squeeze %parallel_loop3A_3217 : memref<1x8x8x256xf32, #tpu.memory_space<vmem>> -> memref<8x8x256xf32, #tpu.memory_space<vmem>>
        %parallel_loop3A_3219 = arith.index_cast %parallel_loop3A_3164 : i32 to index
        %parallel_loop3A_3220 = arith.index_cast %parallel_loop3A_3213 : i32 to index
        %parallel_loop3A_3221 = arith.index_cast %parallel_loop3A_3168 : i32 to index
        %parallel_loop3A_3222 = tpu.vector_load %parallel_loop3A_3218[%parallel_loop3A_3219, %parallel_loop3A_3220, %parallel_loop3A_3221] {strides = array<i32>} : memref<8x8x256xf32, #tpu.memory_space<vmem>>, vector<1x1x16xf32>,
        %parallel_loop3A_3223 = vector.shape_cast %parallel_loop3A_3222 : vector<1x1x16xf32> to vector<16xf32>
        %parallel_loop3A_3224 = vector.shape_cast %parallel_loop3A_3212 : vector<16xf32> to vector<1x1x16xf32>
        tpu.vector_store %parallel_loop3A_3218[%parallel_loop3A_3219, %parallel_loop3A_3220, %parallel_loop3A_3221], %parallel_loop3A_3224 {strides = array<i32>} : memref<8x8x256xf32, #tpu.memory_space<vmem>>, vector<1x1x16xf32>,
        %parallel_loop3A_3225 = arith.constant 2 : i32
        %parallel_loop3A_3226 = arith.constant 0 : i32
        %parallel_loop3A_3227 = arith.constant 0 : i32
        %parallel_loop3A_3228 = arith.constant 0 : i32
        %parallel_loop3A_3229 = tpu.memref_slice %arg8[%parallel_loop3A_2490, %parallel_loop3A_3226, %parallel_loop3A_3227, %parallel_loop3A_3228] : memref<4x8x8x256xf32, #tpu.memory_space<vmem>> -> memref<1x8x8x256xf32, #tpu.memory_space<vmem>>
        %parallel_loop3A_3230 = tpu.memref_squeeze %parallel_loop3A_3229 : memref<1x8x8x256xf32, #tpu.memory_space<vmem>> -> memref<8x8x256xf32, #tpu.memory_space<vmem>>
        %parallel_loop3A_3231 = arith.index_cast %parallel_loop3A_3225 : i32 to index
        %parallel_loop3A_3232 = arith.index_cast %parallel_loop3A_3164 : i32 to index
        %parallel_loop3A_3233 = arith.index_cast %parallel_loop3A_3168 : i32 to index
        %parallel_loop3A_3234 = tpu.vector_load %parallel_loop3A_3230[%parallel_loop3A_3231, %parallel_loop3A_3232, %parallel_loop3A_3233] {strides = array<i32>} : memref<8x8x256xf32, #tpu.memory_space<vmem>>, vector<1x1x16xf32>,
        %parallel_loop3A_3235 = vector.shape_cast %parallel_loop3A_3234 : vector<1x1x16xf32> to vector<16xf32>
        %parallel_loop3A_3236 = arith.addf %parallel_loop3A_3235, %parallel_loop3A_3176 : vector<16xf32>
        %parallel_loop3A_3237 = arith.constant 2 : i32
        %parallel_loop3A_3238 = arith.constant 0 : i32
        %parallel_loop3A_3239 = arith.constant 0 : i32
        %parallel_loop3A_3240 = arith.constant 0 : i32
        %parallel_loop3A_3241 = tpu.memref_slice %arg10[%parallel_loop3A_2491, %parallel_loop3A_3238, %parallel_loop3A_3239, %parallel_loop3A_3240] : memref<2x8x8x256xf32, #tpu.memory_space<vmem>> -> memref<1x8x8x256xf32, #tpu.memory_space<vmem>>
        %parallel_loop3A_3242 = tpu.memref_squeeze %parallel_loop3A_3241 : memref<1x8x8x256xf32, #tpu.memory_space<vmem>> -> memref<8x8x256xf32, #tpu.memory_space<vmem>>
        %parallel_loop3A_3243 = arith.index_cast %parallel_loop3A_3164 : i32 to index
        %parallel_loop3A_3244 = arith.index_cast %parallel_loop3A_3237 : i32 to index
        %parallel_loop3A_3245 = arith.index_cast %parallel_loop3A_3168 : i32 to index
        %parallel_loop3A_3246 = tpu.vector_load %parallel_loop3A_3242[%parallel_loop3A_3243, %parallel_loop3A_3244, %parallel_loop3A_3245] {strides = array<i32>} : memref<8x8x256xf32, #tpu.memory_space<vmem>>, vector<1x1x16xf32>,
        %parallel_loop3A_3247 = vector.shape_cast %parallel_loop3A_3246 : vector<1x1x16xf32> to vector<16xf32>
        %parallel_loop3A_3248 = vector.shape_cast %parallel_loop3A_3236 : vector<16xf32> to vector<1x1x16xf32>
        tpu.vector_store %parallel_loop3A_3242[%parallel_loop3A_3243, %parallel_loop3A_3244, %parallel_loop3A_3245], %parallel_loop3A_3248 {strides = array<i32>} : memref<8x8x256xf32, #tpu.memory_space<vmem>>, vector<1x1x16xf32>,
        %parallel_loop3A_3249 = arith.constant 3 : i32
        %parallel_loop3A_3250 = arith.constant 0 : i32
        %parallel_loop3A_3251 = arith.constant 0 : i32
        %parallel_loop3A_3252 = arith.constant 0 : i32
        %parallel_loop3A_3253 = tpu.memref_slice %arg8[%parallel_loop3A_2490, %parallel_loop3A_3250, %parallel_loop3A_3251, %parallel_loop3A_3252] : memref<4x8x8x256xf32, #tpu.memory_space<vmem>> -> memref<1x8x8x256xf32, #tpu.memory_space<vmem>>
        %parallel_loop3A_3254 = tpu.memref_squeeze %parallel_loop3A_3253 : memref<1x8x8x256xf32, #tpu.memory_space<vmem>> -> memref<8x8x256xf32, #tpu.memory_space<vmem>>
        %parallel_loop3A_3255 = arith.index_cast %parallel_loop3A_3249 : i32 to index
        %parallel_loop3A_3256 = arith.index_cast %parallel_loop3A_3164 : i32 to index
        %parallel_loop3A_3257 = arith.index_cast %parallel_loop3A_3168 : i32 to index
        %parallel_loop3A_3258 = tpu.vector_load %parallel_loop3A_3254[%parallel_loop3A_3255, %parallel_loop3A_3256, %parallel_loop3A_3257] {strides = array<i32>} : memref<8x8x256xf32, #tpu.memory_space<vmem>>, vector<1x1x16xf32>,
        %parallel_loop3A_3259 = vector.shape_cast %parallel_loop3A_3258 : vector<1x1x16xf32> to vector<16xf32>
        %parallel_loop3A_3260 = arith.addf %parallel_loop3A_3259, %parallel_loop3A_3176 : vector<16xf32>
        %parallel_loop3A_3261 = arith.constant 3 : i32
        %parallel_loop3A_3262 = arith.constant 0 : i32
        %parallel_loop3A_3263 = arith.constant 0 : i32
        %parallel_loop3A_3264 = arith.constant 0 : i32
        %parallel_loop3A_3265 = tpu.memref_slice %arg10[%parallel_loop3A_2491, %parallel_loop3A_3262, %parallel_loop3A_3263, %parallel_loop3A_3264] : memref<2x8x8x256xf32, #tpu.memory_space<vmem>> -> memref<1x8x8x256xf32, #tpu.memory_space<vmem>>
        %parallel_loop3A_3266 = tpu.memref_squeeze %parallel_loop3A_3265 : memref<1x8x8x256xf32, #tpu.memory_space<vmem>> -> memref<8x8x256xf32, #tpu.memory_space<vmem>>
        %parallel_loop3A_3267 = arith.index_cast %parallel_loop3A_3164 : i32 to index
        %parallel_loop3A_3268 = arith.index_cast %parallel_loop3A_3261 : i32 to index
        %parallel_loop3A_3269 = arith.index_cast %parallel_loop3A_3168 : i32 to index
        %parallel_loop3A_3270 = tpu.vector_load %parallel_loop3A_3266[%parallel_loop3A_3267, %parallel_loop3A_3268, %parallel_loop3A_3269] {strides = array<i32>} : memref<8x8x256xf32, #tpu.memory_space<vmem>>, vector<1x1x16xf32>,
        %parallel_loop3A_3271 = vector.shape_cast %parallel_loop3A_3270 : vector<1x1x16xf32> to vector<16xf32>
        %parallel_loop3A_3272 = vector.shape_cast %parallel_loop3A_3260 : vector<16xf32> to vector<1x1x16xf32>
        tpu.vector_store %parallel_loop3A_3266[%parallel_loop3A_3267, %parallel_loop3A_3268, %parallel_loop3A_3269], %parallel_loop3A_3272 {strides = array<i32>} : memref<8x8x256xf32, #tpu.memory_space<vmem>>, vector<1x1x16xf32>,
        %parallel_loop3A_3273 = arith.constant 4 : i32
        %parallel_loop3A_3274 = arith.constant 0 : i32
        %parallel_loop3A_3275 = arith.constant 0 : i32
        %parallel_loop3A_3276 = arith.constant 0 : i32
        %parallel_loop3A_3277 = tpu.memref_slice %arg8[%parallel_loop3A_2490, %parallel_loop3A_3274, %parallel_loop3A_3275, %parallel_loop3A_3276] : memref<4x8x8x256xf32, #tpu.memory_space<vmem>> -> memref<1x8x8x256xf32, #tpu.memory_space<vmem>>
        %parallel_loop3A_3278 = tpu.memref_squeeze %parallel_loop3A_3277 : memref<1x8x8x256xf32, #tpu.memory_space<vmem>> -> memref<8x8x256xf32, #tpu.memory_space<vmem>>
        %parallel_loop3A_3279 = arith.index_cast %parallel_loop3A_3273 : i32 to index
        %parallel_loop3A_3280 = arith.index_cast %parallel_loop3A_3164 : i32 to index
        %parallel_loop3A_3281 = arith.index_cast %parallel_loop3A_3168 : i32 to index
        %parallel_loop3A_3282 = tpu.vector_load %parallel_loop3A_3278[%parallel_loop3A_3279, %parallel_loop3A_3280, %parallel_loop3A_3281] {strides = array<i32>} : memref<8x8x256xf32, #tpu.memory_space<vmem>>, vector<1x1x16xf32>,
        %parallel_loop3A_3283 = vector.shape_cast %parallel_loop3A_3282 : vector<1x1x16xf32> to vector<16xf32>
        %parallel_loop3A_3284 = arith.addf %parallel_loop3A_3283, %parallel_loop3A_3176 : vector<16xf32>
        %parallel_loop3A_3285 = arith.constant 4 : i32
        %parallel_loop3A_3286 = arith.constant 0 : i32
        %parallel_loop3A_3287 = arith.constant 0 : i32
        %parallel_loop3A_3288 = arith.constant 0 : i32
        %parallel_loop3A_3289 = tpu.memref_slice %arg10[%parallel_loop3A_2491, %parallel_loop3A_3286, %parallel_loop3A_3287, %parallel_loop3A_3288] : memref<2x8x8x256xf32, #tpu.memory_space<vmem>> -> memref<1x8x8x256xf32, #tpu.memory_space<vmem>>
        %parallel_loop3A_3290 = tpu.memref_squeeze %parallel_loop3A_3289 : memref<1x8x8x256xf32, #tpu.memory_space<vmem>> -> memref<8x8x256xf32, #tpu.memory_space<vmem>>
        %parallel_loop3A_3291 = arith.index_cast %parallel_loop3A_3164 : i32 to index
        %parallel_loop3A_3292 = arith.index_cast %parallel_loop3A_3285 : i32 to index
        %parallel_loop3A_3293 = arith.index_cast %parallel_loop3A_3168 : i32 to index
        %parallel_loop3A_3294 = tpu.vector_load %parallel_loop3A_3290[%parallel_loop3A_3291, %parallel_loop3A_3292, %parallel_loop3A_3293] {strides = array<i32>} : memref<8x8x256xf32, #tpu.memory_space<vmem>>, vector<1x1x16xf32>,
        %parallel_loop3A_3295 = vector.shape_cast %parallel_loop3A_3294 : vector<1x1x16xf32> to vector<16xf32>
        %parallel_loop3A_3296 = vector.shape_cast %parallel_loop3A_3284 : vector<16xf32> to vector<1x1x16xf32>
        tpu.vector_store %parallel_loop3A_3290[%parallel_loop3A_3291, %parallel_loop3A_3292, %parallel_loop3A_3293], %parallel_loop3A_3296 {strides = array<i32>} : memref<8x8x256xf32, #tpu.memory_space<vmem>>, vector<1x1x16xf32>,
        %parallel_loop3A_3297 = arith.constant 5 : i32
        %parallel_loop3A_3298 = arith.constant 0 : i32
        %parallel_loop3A_3299 = arith.constant 0 : i32
        %parallel_loop3A_3300 = arith.constant 0 : i32
        %parallel_loop3A_3301 = tpu.memref_slice %arg8[%parallel_loop3A_2490, %parallel_loop3A_3298, %parallel_loop3A_3299, %parallel_loop3A_3300] : memref<4x8x8x256xf32, #tpu.memory_space<vmem>> -> memref<1x8x8x256xf32, #tpu.memory_space<vmem>>
        %parallel_loop3A_3302 = tpu.memref_squeeze %parallel_loop3A_3301 : memref<1x8x8x256xf32, #tpu.memory_space<vmem>> -> memref<8x8x256xf32, #tpu.memory_space<vmem>>
        %parallel_loop3A_3303 = arith.index_cast %parallel_loop3A_3297 : i32 to index
        %parallel_loop3A_3304 = arith.index_cast %parallel_loop3A_3164 : i32 to index
        %parallel_loop3A_3305 = arith.index_cast %parallel_loop3A_3168 : i32 to index
        %parallel_loop3A_3306 = tpu.vector_load %parallel_loop3A_3302[%parallel_loop3A_3303, %parallel_loop3A_3304, %parallel_loop3A_3305] {strides = array<i32>} : memref<8x8x256xf32, #tpu.memory_space<vmem>>, vector<1x1x16xf32>,
        %parallel_loop3A_3307 = vector.shape_cast %parallel_loop3A_3306 : vector<1x1x16xf32> to vector<16xf32>
        %parallel_loop3A_3308 = arith.addf %parallel_loop3A_3307, %parallel_loop3A_3176 : vector<16xf32>
        %parallel_loop3A_3309 = arith.constant 5 : i32
        %parallel_loop3A_3310 = arith.constant 0 : i32
        %parallel_loop3A_3311 = arith.constant 0 : i32
        %parallel_loop3A_3312 = arith.constant 0 : i32
        %parallel_loop3A_3313 = tpu.memref_slice %arg10[%parallel_loop3A_2491, %parallel_loop3A_3310, %parallel_loop3A_3311, %parallel_loop3A_3312] : memref<2x8x8x256xf32, #tpu.memory_space<vmem>> -> memref<1x8x8x256xf32, #tpu.memory_space<vmem>>
        %parallel_loop3A_3314 = tpu.memref_squeeze %parallel_loop3A_3313 : memref<1x8x8x256xf32, #tpu.memory_space<vmem>> -> memref<8x8x256xf32, #tpu.memory_space<vmem>>
        %parallel_loop3A_3315 = arith.index_cast %parallel_loop3A_3164 : i32 to index
        %parallel_loop3A_3316 = arith.index_cast %parallel_loop3A_3309 : i32 to index
        %parallel_loop3A_3317 = arith.index_cast %parallel_loop3A_3168 : i32 to index
        %parallel_loop3A_3318 = tpu.vector_load %parallel_loop3A_3314[%parallel_loop3A_3315, %parallel_loop3A_3316, %parallel_loop3A_3317] {strides = array<i32>} : memref<8x8x256xf32, #tpu.memory_space<vmem>>, vector<1x1x16xf32>,
        %parallel_loop3A_3319 = vector.shape_cast %parallel_loop3A_3318 : vector<1x1x16xf32> to vector<16xf32>
        %parallel_loop3A_3320 = vector.shape_cast %parallel_loop3A_3308 : vector<16xf32> to vector<1x1x16xf32>
        tpu.vector_store %parallel_loop3A_3314[%parallel_loop3A_3315, %parallel_loop3A_3316, %parallel_loop3A_3317], %parallel_loop3A_3320 {strides = array<i32>} : memref<8x8x256xf32, #tpu.memory_space<vmem>>, vector<1x1x16xf32>,
        %parallel_loop3A_3321 = arith.constant 6 : i32
        %parallel_loop3A_3322 = arith.constant 0 : i32
        %parallel_loop3A_3323 = arith.constant 0 : i32
        %parallel_loop3A_3324 = arith.constant 0 : i32
        %parallel_loop3A_3325 = tpu.memref_slice %arg8[%parallel_loop3A_2490, %parallel_loop3A_3322, %parallel_loop3A_3323, %parallel_loop3A_3324] : memref<4x8x8x256xf32, #tpu.memory_space<vmem>> -> memref<1x8x8x256xf32, #tpu.memory_space<vmem>>
        %parallel_loop3A_3326 = tpu.memref_squeeze %parallel_loop3A_3325 : memref<1x8x8x256xf32, #tpu.memory_space<vmem>> -> memref<8x8x256xf32, #tpu.memory_space<vmem>>
        %parallel_loop3A_3327 = arith.index_cast %parallel_loop3A_3321 : i32 to index
        %parallel_loop3A_3328 = arith.index_cast %parallel_loop3A_3164 : i32 to index
        %parallel_loop3A_3329 = arith.index_cast %parallel_loop3A_3168 : i32 to index
        %parallel_loop3A_3330 = tpu.vector_load %parallel_loop3A_3326[%parallel_loop3A_3327, %parallel_loop3A_3328, %parallel_loop3A_3329] {strides = array<i32>} : memref<8x8x256xf32, #tpu.memory_space<vmem>>, vector<1x1x16xf32>,
        %parallel_loop3A_3331 = vector.shape_cast %parallel_loop3A_3330 : vector<1x1x16xf32> to vector<16xf32>
        %parallel_loop3A_3332 = arith.addf %parallel_loop3A_3331, %parallel_loop3A_3176 : vector<16xf32>
        %parallel_loop3A_3333 = arith.constant 6 : i32
        %parallel_loop3A_3334 = arith.constant 0 : i32
        %parallel_loop3A_3335 = arith.constant 0 : i32
        %parallel_loop3A_3336 = arith.constant 0 : i32
        %parallel_loop3A_3337 = tpu.memref_slice %arg10[%parallel_loop3A_2491, %parallel_loop3A_3334, %parallel_loop3A_3335, %parallel_loop3A_3336] : memref<2x8x8x256xf32, #tpu.memory_space<vmem>> -> memref<1x8x8x256xf32, #tpu.memory_space<vmem>>
        %parallel_loop3A_3338 = tpu.memref_squeeze %parallel_loop3A_3337 : memref<1x8x8x256xf32, #tpu.memory_space<vmem>> -> memref<8x8x256xf32, #tpu.memory_space<vmem>>
        %parallel_loop3A_3339 = arith.index_cast %parallel_loop3A_3164 : i32 to index
        %parallel_loop3A_3340 = arith.index_cast %parallel_loop3A_3333 : i32 to index
        %parallel_loop3A_3341 = arith.index_cast %parallel_loop3A_3168 : i32 to index
        %parallel_loop3A_3342 = tpu.vector_load %parallel_loop3A_3338[%parallel_loop3A_3339, %parallel_loop3A_3340, %parallel_loop3A_3341] {strides = array<i32>} : memref<8x8x256xf32, #tpu.memory_space<vmem>>, vector<1x1x16xf32>,
        %parallel_loop3A_3343 = vector.shape_cast %parallel_loop3A_3342 : vector<1x1x16xf32> to vector<16xf32>
        %parallel_loop3A_3344 = vector.shape_cast %parallel_loop3A_3332 : vector<16xf32> to vector<1x1x16xf32>
        tpu.vector_store %parallel_loop3A_3338[%parallel_loop3A_3339, %parallel_loop3A_3340, %parallel_loop3A_3341], %parallel_loop3A_3344 {strides = array<i32>} : memref<8x8x256xf32, #tpu.memory_space<vmem>>, vector<1x1x16xf32>,
        %parallel_loop3A_3345 = arith.constant 7 : i32
        %parallel_loop3A_3346 = arith.constant 0 : i32
        %parallel_loop3A_3347 = arith.constant 0 : i32
        %parallel_loop3A_3348 = arith.constant 0 : i32
        %parallel_loop3A_3349 = tpu.memref_slice %arg8[%parallel_loop3A_2490, %parallel_loop3A_3346, %parallel_loop3A_3347, %parallel_loop3A_3348] : memref<4x8x8x256xf32, #tpu.memory_space<vmem>> -> memref<1x8x8x256xf32, #tpu.memory_space<vmem>>
        %parallel_loop3A_3350 = tpu.memref_squeeze %parallel_loop3A_3349 : memref<1x8x8x256xf32, #tpu.memory_space<vmem>> -> memref<8x8x256xf32, #tpu.memory_space<vmem>>
        %parallel_loop3A_3351 = arith.index_cast %parallel_loop3A_3345 : i32 to index
        %parallel_loop3A_3352 = arith.index_cast %parallel_loop3A_3164 : i32 to index
        %parallel_loop3A_3353 = arith.index_cast %parallel_loop3A_3168 : i32 to index
        %parallel_loop3A_3354 = tpu.vector_load %parallel_loop3A_3350[%parallel_loop3A_3351, %parallel_loop3A_3352, %parallel_loop3A_3353] {strides = array<i32>} : memref<8x8x256xf32, #tpu.memory_space<vmem>>, vector<1x1x16xf32>,
        %parallel_loop3A_3355 = vector.shape_cast %parallel_loop3A_3354 : vector<1x1x16xf32> to vector<16xf32>
        %parallel_loop3A_3356 = arith.addf %parallel_loop3A_3355, %parallel_loop3A_3176 : vector<16xf32>
        %parallel_loop3A_3357 = arith.constant 7 : i32
        %parallel_loop3A_3358 = arith.constant 0 : i32
        %parallel_loop3A_3359 = arith.constant 0 : i32
        %parallel_loop3A_3360 = arith.constant 0 : i32
        %parallel_loop3A_3361 = tpu.memref_slice %arg10[%parallel_loop3A_2491, %parallel_loop3A_3358, %parallel_loop3A_3359, %parallel_loop3A_3360] : memref<2x8x8x256xf32, #tpu.memory_space<vmem>> -> memref<1x8x8x256xf32, #tpu.memory_space<vmem>>
        %parallel_loop3A_3362 = tpu.memref_squeeze %parallel_loop3A_3361 : memref<1x8x8x256xf32, #tpu.memory_space<vmem>> -> memref<8x8x256xf32, #tpu.memory_space<vmem>>
        %parallel_loop3A_3363 = arith.index_cast %parallel_loop3A_3164 : i32 to index
        %parallel_loop3A_3364 = arith.index_cast %parallel_loop3A_3357 : i32 to index
        %parallel_loop3A_3365 = arith.index_cast %parallel_loop3A_3168 : i32 to index
        %parallel_loop3A_3366 = tpu.vector_load %parallel_loop3A_3362[%parallel_loop3A_3363, %parallel_loop3A_3364, %parallel_loop3A_3365] {strides = array<i32>} : memref<8x8x256xf32, #tpu.memory_space<vmem>>, vector<1x1x16xf32>,
        %parallel_loop3A_3367 = vector.shape_cast %parallel_loop3A_3366 : vector<1x1x16xf32> to vector<16xf32>
        %parallel_loop3A_3368 = vector.shape_cast %parallel_loop3A_3356 : vector<16xf32> to vector<1x1x16xf32>
        tpu.vector_store %parallel_loop3A_3362[%parallel_loop3A_3363, %parallel_loop3A_3364, %parallel_loop3A_3365], %parallel_loop3A_3368 {strides = array<i32>} : memref<8x8x256xf32, #tpu.memory_space<vmem>>, vector<1x1x16xf32>,
      } {sc.loop_unroll_factor = 2 : i64, sc.parallel_access}
      %mul3A_2492 = arith.constant 16 : i32
      %mul3A_2493 = arith.muli %mul3A_2492, %add3A_2319 : i32
      %add3A_2494 = arith.addi %arg1, %mul3A_2493 : i32
      %jit3A_2495 = arith.constant 48 : i32
      %div3A_2496 = arith.divsi %add3A_2494, %jit3A_2495 : i32
      %sign3A_2497 = arith.constant 0 : i32
      %sign3A_2498 = arith.cmpi sgt, %add3A_2494, %sign3A_2497 : i32
      %sign3A_2499 = arith.extui %sign3A_2498 : i1 to i32
      %sign3A_2500 = arith.constant 0 : i32
      %sign3A_2501 = arith.cmpi slt, %add3A_2494, %sign3A_2500 : i32
      %sign3A_2502 = arith.extui %sign3A_2501 : i1 to i32
      %sign3A_2503 = arith.subi %sign3A_2499, %sign3A_2502 : i32
      %sign3A_2504 = arith.constant 0 : i32
      %sign3A_2505 = arith.cmpi sgt, %jit3A_2495, %sign3A_2504 : i32
      %sign3A_2506 = arith.extui %sign3A_2505 : i1 to i32
      %sign3A_2507 = arith.constant 0 : i32
      %sign3A_2508 = arith.cmpi slt, %jit3A_2495, %sign3A_2507 : i32
      %sign3A_2509 = arith.extui %sign3A_2508 : i1 to i32
      %sign3A_2510 = arith.subi %sign3A_2506, %sign3A_2509 : i32
      %ne3A_2511 = arith.cmpi ne, %sign3A_2503, %sign3A_2510 : i32
      %rem3A_2512 = arith.remsi %add3A_2494, %jit3A_2495 : i32
      %ne3A_2513 = arith.constant 0 : i32
      %ne3A_2514 = arith.cmpi ne, %rem3A_2512, %ne3A_2513 : i32
      %and3A_2515 = arith.andi %ne3A_2511, %ne3A_2514 : i1
      %sub3A_2516 = arith.constant 1 : i32
      %sub3A_2517 = arith.subi %div3A_2496, %sub3A_2516 : i32
      %select_n3A_2518 = arith.select %and3A_2515, %sub3A_2517, %div3A_2496 : i32
      %mul3A_2519 = arith.constant 48 : i32
      %mul3A_2520 = arith.muli %select_n3A_2518, %mul3A_2519 : i32
      %sub3A_2521 = arith.subi %add3A_2494, %mul3A_2520 : i32
      %jit3A_2522 = arith.constant 3 : i32
      %div3A_2523 = arith.divsi %sub3A_2521, %jit3A_2522 : i32
      %sign3A_2524 = arith.constant 0 : i32
      %sign3A_2525 = arith.cmpi sgt, %sub3A_2521, %sign3A_2524 : i32
      %sign3A_2526 = arith.extui %sign3A_2525 : i1 to i32
      %sign3A_2527 = arith.constant 0 : i32
      %sign3A_2528 = arith.cmpi slt, %sub3A_2521, %sign3A_2527 : i32
      %sign3A_2529 = arith.extui %sign3A_2528 : i1 to i32
      %sign3A_2530 = arith.subi %sign3A_2526, %sign3A_2529 : i32
      %sign3A_2531 = arith.constant 0 : i32
      %sign3A_2532 = arith.cmpi sgt, %jit3A_2522, %sign3A_2531 : i32
      %sign3A_2533 = arith.extui %sign3A_2532 : i1 to i32
      %sign3A_2534 = arith.constant 0 : i32
      %sign3A_2535 = arith.cmpi slt, %jit3A_2522, %sign3A_2534 : i32
      %sign3A_2536 = arith.extui %sign3A_2535 : i1 to i32
      %sign3A_2537 = arith.subi %sign3A_2533, %sign3A_2536 : i32
      %ne3A_2538 = arith.cmpi ne, %sign3A_2530, %sign3A_2537 : i32
      %rem3A_2539 = arith.remsi %sub3A_2521, %jit3A_2522 : i32
      %ne3A_2540 = arith.constant 0 : i32
      %ne3A_2541 = arith.cmpi ne, %rem3A_2539, %ne3A_2540 : i32
      %and3A_2542 = arith.andi %ne3A_2538, %ne3A_2541 : i1
      %sub3A_2543 = arith.constant 1 : i32
      %sub3A_2544 = arith.subi %div3A_2523, %sub3A_2543 : i32
      %select_n3A_2545 = arith.select %and3A_2542, %sub3A_2544, %div3A_2523 : i32
      %mul3A_2546 = arith.constant 3 : i32
      %mul3A_2547 = arith.muli %select_n3A_2545, %mul3A_2546 : i32
      %sub3A_2548 = arith.subi %sub3A_2521, %mul3A_2547 : i32
      %mul3A_2549 = arith.constant 36 : i32
      %mul3A_2550 = arith.muli %arg0, %mul3A_2549 : i32
      %add3A_2551 = arith.addi %mul3A_2550, %select_n3A_2518 : i32
      %mul3A_2552 = arith.constant 8 : i32
      %mul3A_2553 = arith.muli %mul3A_2552, %add3A_2551 : i32
      %add3A_2554 = arith.constant 1 : i32
      %add3A_2555 = arith.addi %mul3A_2553, %add3A_2554 : i32
      %mul3A_2556 = arith.constant 8 : i32
      %mul3A_2557 = arith.muli %mul3A_2556, %select_n3A_2545 : i32
      %mul3A_2558 = arith.constant 256 : i32
      %mul3A_2559 = arith.muli %mul3A_2558, %sub3A_2548 : i32
      %dma_start3A_2560 = arith.constant 0 : i32
      %dma_start3A_2561 = arith.constant 0 : i32
      %dma_start3A_2562 = arith.constant 0 : i32
      %dma_start3A_2563 = arith.constant 0 : i32
      %dma_start3A_2564 = arith.constant 0 : i32
      %dma_start3A_2565 = tpu.memref_slice %arg10[%dma_start3A_2560, %dma_start3A_2562, %dma_start3A_2563, %dma_start3A_2564] : memref<2x8x8x256xf32, #tpu.memory_space<vmem>> -> memref<1x8x8x256xf32, #tpu.memory_space<vmem>>
      %dma_start3A_2566 = tpu.memref_squeeze %dma_start3A_2565 : memref<1x8x8x256xf32, #tpu.memory_space<vmem>> -> memref<8x8x256xf32, #tpu.memory_space<vmem>>
      %dma_start3A_2567 = tpu.memref_slice %arg5[%add3A_2555, %mul3A_2557, %mul3A_2559] : memref<577x128x768xf32, #tpu.memory_space<hbm>> -> memref<8x8x256xf32, #tpu.memory_space<hbm>>
      %dma_start3A_2568 = tpu.memref_slice %arg14[%dma_start3A_2561] : memref<2x!tpu.dma_semaphore, #tpu.memory_space<semaphore_mem>> -> memref<1x!tpu.dma_semaphore, #tpu.memory_space<semaphore_mem>>
      %dma_start3A_2569 = tpu.memref_squeeze %dma_start3A_2568 : memref<1x!tpu.dma_semaphore, #tpu.memory_space<semaphore_mem>> -> memref<!tpu.dma_semaphore, #tpu.memory_space<semaphore_mem>>
      %dma_start3A_2570 = tpu.memref_slice %arg5[%add3A_2555, %mul3A_2557, %mul3A_2559] : memref<577x128x768xf32, #tpu.memory_space<hbm>> -> memref<8x8x256xf32, #tpu.memory_space<hbm>>
      %dma_start3A_2571 = arith.constant 0 : i32
      %dma_start3A_2572 = arith.constant 0 : i32
      %dma_start3A_2573 = arith.constant 0 : i32
      %dma_start3A_2574 = tpu.memref_slice %arg10[%dma_start3A_2560, %dma_start3A_2571, %dma_start3A_2572, %dma_start3A_2573] : memref<2x8x8x256xf32, #tpu.memory_space<vmem>> -> memref<1x8x8x256xf32, #tpu.memory_space<vmem>>
      %dma_start3A_2575 = tpu.memref_squeeze %dma_start3A_2574 : memref<1x8x8x256xf32, #tpu.memory_space<vmem>> -> memref<8x8x256xf32, #tpu.memory_space<vmem>>
      tpu.enqueue_dma source(%dma_start3A_2575 : memref<8x8x256xf32, #tpu.memory_space<vmem>>) target(%dma_start3A_2570 : memref<8x8x256xf32, #tpu.memory_space<hbm>>) target_semaphore(%dma_start3A_2569 : memref<!tpu.dma_semaphore, #tpu.memory_space<semaphore_mem>>)
      %add3A_2576 = arith.constant 4 : i32
      %add3A_2577 = arith.addi %add3A_2319, %add3A_2576 : i32
      %min3A_2578 = arith.constant 107 : i32
      %min3A_2579 = arith.minsi %add3A_2577, %min3A_2578 : i32
      %mul3A_2580 = arith.constant 16 : i32
      %mul3A_2581 = arith.muli %mul3A_2580, %min3A_2579 : i32
      %add3A_2582 = arith.addi %arg1, %mul3A_2581 : i32
      %jit3A_2583 = arith.constant 48 : i32
      %div3A_2584 = arith.divsi %add3A_2582, %jit3A_2583 : i32
      %sign3A_2585 = arith.constant 0 : i32
      %sign3A_2586 = arith.cmpi sgt, %add3A_2582, %sign3A_2585 : i32
      %sign3A_2587 = arith.extui %sign3A_2586 : i1 to i32
      %sign3A_2588 = arith.constant 0 : i32
      %sign3A_2589 = arith.cmpi slt, %add3A_2582, %sign3A_2588 : i32
      %sign3A_2590 = arith.extui %sign3A_2589 : i1 to i32
      %sign3A_2591 = arith.subi %sign3A_2587, %sign3A_2590 : i32
      %sign3A_2592 = arith.constant 0 : i32
      %sign3A_2593 = arith.cmpi sgt, %jit3A_2583, %sign3A_2592 : i32
      %sign3A_2594 = arith.extui %sign3A_2593 : i1 to i32
      %sign3A_2595 = arith.constant 0 : i32
      %sign3A_2596 = arith.cmpi slt, %jit3A_2583, %sign3A_2595 : i32
      %sign3A_2597 = arith.extui %sign3A_2596 : i1 to i32
      %sign3A_2598 = arith.subi %sign3A_2594, %sign3A_2597 : i32
      %ne3A_2599 = arith.cmpi ne, %sign3A_2591, %sign3A_2598 : i32
      %rem3A_2600 = arith.remsi %add3A_2582, %jit3A_2583 : i32
      %ne3A_2601 = arith.constant 0 : i32
      %ne3A_2602 = arith.cmpi ne, %rem3A_2600, %ne3A_2601 : i32
      %and3A_2603 = arith.andi %ne3A_2599, %ne3A_2602 : i1
      %sub3A_2604 = arith.constant 1 : i32
      %sub3A_2605 = arith.subi %div3A_2584, %sub3A_2604 : i32
      %select_n3A_2606 = arith.select %and3A_2603, %sub3A_2605, %div3A_2584 : i32
      %mul3A_2607 = arith.constant 48 : i32
      %mul3A_2608 = arith.muli %select_n3A_2606, %mul3A_2607 : i32
      %sub3A_2609 = arith.subi %add3A_2582, %mul3A_2608 : i32
      %jit3A_2610 = arith.constant 3 : i32
      %div3A_2611 = arith.divsi %sub3A_2609, %jit3A_2610 : i32
      %sign3A_2612 = arith.constant 0 : i32
      %sign3A_2613 = arith.cmpi sgt, %sub3A_2609, %sign3A_2612 : i32
      %sign3A_2614 = arith.extui %sign3A_2613 : i1 to i32
      %sign3A_2615 = arith.constant 0 : i32
      %sign3A_2616 = arith.cmpi slt, %sub3A_2609, %sign3A_2615 : i32
      %sign3A_2617 = arith.extui %sign3A_2616 : i1 to i32
      %sign3A_2618 = arith.subi %sign3A_2614, %sign3A_2617 : i32
      %sign3A_2619 = arith.constant 0 : i32
      %sign3A_2620 = arith.cmpi sgt, %jit3A_2610, %sign3A_2619 : i32
      %sign3A_2621 = arith.extui %sign3A_2620 : i1 to i32
      %sign3A_2622 = arith.constant 0 : i32
      %sign3A_2623 = arith.cmpi slt, %jit3A_2610, %sign3A_2622 : i32
      %sign3A_2624 = arith.extui %sign3A_2623 : i1 to i32
      %sign3A_2625 = arith.subi %sign3A_2621, %sign3A_2624 : i32
      %ne3A_2626 = arith.cmpi ne, %sign3A_2618, %sign3A_2625 : i32
      %rem3A_2627 = arith.remsi %sub3A_2609, %jit3A_2610 : i32
      %ne3A_2628 = arith.constant 0 : i32
      %ne3A_2629 = arith.cmpi ne, %rem3A_2627, %ne3A_2628 : i32
      %and3A_2630 = arith.andi %ne3A_2626, %ne3A_2629 : i1
      %sub3A_2631 = arith.constant 1 : i32
      %sub3A_2632 = arith.subi %div3A_2611, %sub3A_2631 : i32
      %select_n3A_2633 = arith.select %and3A_2630, %sub3A_2632, %div3A_2611 : i32
      %mul3A_2634 = arith.constant 3 : i32
      %mul3A_2635 = arith.muli %select_n3A_2633, %mul3A_2634 : i32
      %sub3A_2636 = arith.subi %sub3A_2609, %mul3A_2635 : i32
      %mul3A_2637 = arith.constant 36 : i32
      %mul3A_2638 = arith.muli %arg0, %mul3A_2637 : i32
      %add3A_2639 = arith.addi %mul3A_2638, %select_n3A_2606 : i32
      %mul3A_2640 = arith.constant 8 : i32
      %mul3A_2641 = arith.muli %mul3A_2640, %select_n3A_2633 : i32
      %mul3A_2642 = arith.constant 8 : i32
      %mul3A_2643 = arith.muli %mul3A_2642, %add3A_2639 : i32
      %mul3A_2644 = arith.constant 256 : i32
      %mul3A_2645 = arith.muli %mul3A_2644, %sub3A_2636 : i32
      %dma_start3A_2646 = arith.constant 2 : i32
      %dma_start3A_2647 = arith.constant 2 : i32
      %dma_start3A_2648 = arith.constant 0 : i32
      %dma_start3A_2649 = arith.constant 0 : i32
      %dma_start3A_2650 = arith.constant 0 : i32
      %dma_start3A_2651 = tpu.memref_slice %arg8[%dma_start3A_2646, %dma_start3A_2648, %dma_start3A_2649, %dma_start3A_2650] : memref<4x8x8x256xf32, #tpu.memory_space<vmem>> -> memref<1x8x8x256xf32, #tpu.memory_space<vmem>>
      %dma_start3A_2652 = tpu.memref_squeeze %dma_start3A_2651 : memref<1x8x8x256xf32, #tpu.memory_space<vmem>> -> memref<8x8x256xf32, #tpu.memory_space<vmem>>
      %dma_start3A_2653 = tpu.memref_slice %arg2[%mul3A_2641, %mul3A_2643, %mul3A_2645] : memref<128x576x768xf32, #tpu.memory_space<hbm>> -> memref<8x8x256xf32, #tpu.memory_space<hbm>>
      %dma_start3A_2654 = tpu.memref_slice %arg12[%dma_start3A_2647] : memref<4x!tpu.dma_semaphore, #tpu.memory_space<semaphore_mem>> -> memref<1x!tpu.dma_semaphore, #tpu.memory_space<semaphore_mem>>
      %dma_start3A_2655 = tpu.memref_squeeze %dma_start3A_2654 : memref<1x!tpu.dma_semaphore, #tpu.memory_space<semaphore_mem>> -> memref<!tpu.dma_semaphore, #tpu.memory_space<semaphore_mem>>
      %dma_start3A_2656 = arith.constant 0 : i32
      %dma_start3A_2657 = arith.constant 0 : i32
      %dma_start3A_2658 = arith.constant 0 : i32
      %dma_start3A_2659 = tpu.memref_slice %arg8[%dma_start3A_2646, %dma_start3A_2656, %dma_start3A_2657, %dma_start3A_2658] : memref<4x8x8x256xf32, #tpu.memory_space<vmem>> -> memref<1x8x8x256xf32, #tpu.memory_space<vmem>>
      %dma_start3A_2660 = tpu.memref_squeeze %dma_start3A_2659 : memref<1x8x8x256xf32, #tpu.memory_space<vmem>> -> memref<8x8x256xf32, #tpu.memory_space<vmem>>
      %dma_start3A_2661 = tpu.memref_slice %arg2[%mul3A_2641, %mul3A_2643, %mul3A_2645] : memref<128x576x768xf32, #tpu.memory_space<hbm>> -> memref<8x8x256xf32, #tpu.memory_space<hbm>>
      tpu.enqueue_dma source(%dma_start3A_2661 : memref<8x8x256xf32, #tpu.memory_space<hbm>>) target(%dma_start3A_2660 : memref<8x8x256xf32, #tpu.memory_space<vmem>>) target_semaphore(%dma_start3A_2655 : memref<!tpu.dma_semaphore, #tpu.memory_space<semaphore_mem>>)
      %mul3A_2662 = arith.constant 16 : i32
      %mul3A_2663 = arith.muli %mul3A_2662, %min3A_2579 : i32
      %add3A_2664 = arith.addi %arg1, %mul3A_2663 : i32
      %jit3A_2665 = arith.constant 48 : i32
      %div3A_2666 = arith.divsi %add3A_2664, %jit3A_2665 : i32
      %sign3A_2667 = arith.constant 0 : i32
      %sign3A_2668 = arith.cmpi sgt, %add3A_2664, %sign3A_2667 : i32
      %sign3A_2669 = arith.extui %sign3A_2668 : i1 to i32
      %sign3A_2670 = arith.constant 0 : i32
      %sign3A_2671 = arith.cmpi slt, %add3A_2664, %sign3A_2670 : i32
      %sign3A_2672 = arith.extui %sign3A_2671 : i1 to i32
      %sign3A_2673 = arith.subi %sign3A_2669, %sign3A_2672 : i32
      %sign3A_2674 = arith.constant 0 : i32
      %sign3A_2675 = arith.cmpi sgt, %jit3A_2665, %sign3A_2674 : i32
      %sign3A_2676 = arith.extui %sign3A_2675 : i1 to i32
      %sign3A_2677 = arith.constant 0 : i32
      %sign3A_2678 = arith.cmpi slt, %jit3A_2665, %sign3A_2677 : i32
      %sign3A_2679 = arith.extui %sign3A_2678 : i1 to i32
      %sign3A_2680 = arith.subi %sign3A_2676, %sign3A_2679 : i32
      %ne3A_2681 = arith.cmpi ne, %sign3A_2673, %sign3A_2680 : i32
      %rem3A_2682 = arith.remsi %add3A_2664, %jit3A_2665 : i32
      %ne3A_2683 = arith.constant 0 : i32
      %ne3A_2684 = arith.cmpi ne, %rem3A_2682, %ne3A_2683 : i32
      %and3A_2685 = arith.andi %ne3A_2681, %ne3A_2684 : i1
      %sub3A_2686 = arith.constant 1 : i32
      %sub3A_2687 = arith.subi %div3A_2666, %sub3A_2686 : i32
      %select_n3A_2688 = arith.select %and3A_2685, %sub3A_2687, %div3A_2666 : i32
      %mul3A_2689 = arith.constant 48 : i32
      %mul3A_2690 = arith.muli %select_n3A_2688, %mul3A_2689 : i32
      %sub3A_2691 = arith.subi %add3A_2664, %mul3A_2690 : i32
      %jit3A_2692 = arith.constant 3 : i32
      %div3A_2693 = arith.divsi %sub3A_2691, %jit3A_2692 : i32
      %sign3A_2694 = arith.constant 0 : i32
      %sign3A_2695 = arith.cmpi sgt, %sub3A_2691, %sign3A_2694 : i32
      %sign3A_2696 = arith.extui %sign3A_2695 : i1 to i32
      %sign3A_2697 = arith.constant 0 : i32
      %sign3A_2698 = arith.cmpi slt, %sub3A_2691, %sign3A_2697 : i32
      %sign3A_2699 = arith.extui %sign3A_2698 : i1 to i32
      %sign3A_2700 = arith.subi %sign3A_2696, %sign3A_2699 : i32
      %sign3A_2701 = arith.constant 0 : i32
      %sign3A_2702 = arith.cmpi sgt, %jit3A_2692, %sign3A_2701 : i32
      %sign3A_2703 = arith.extui %sign3A_2702 : i1 to i32
      %sign3A_2704 = arith.constant 0 : i32
      %sign3A_2705 = arith.cmpi slt, %jit3A_2692, %sign3A_2704 : i32
      %sign3A_2706 = arith.extui %sign3A_2705 : i1 to i32
      %sign3A_2707 = arith.subi %sign3A_2703, %sign3A_2706 : i32
      %ne3A_2708 = arith.cmpi ne, %sign3A_2700, %sign3A_2707 : i32
      %rem3A_2709 = arith.remsi %sub3A_2691, %jit3A_2692 : i32
      %ne3A_2710 = arith.constant 0 : i32
      %ne3A_2711 = arith.cmpi ne, %rem3A_2709, %ne3A_2710 : i32
      %and3A_2712 = arith.andi %ne3A_2708, %ne3A_2711 : i1
      %sub3A_2713 = arith.constant 1 : i32
      %sub3A_2714 = arith.subi %div3A_2693, %sub3A_2713 : i32
      %select_n3A_2715 = arith.select %and3A_2712, %sub3A_2714, %div3A_2693 : i32
      %mul3A_2716 = arith.constant 3 : i32
      %mul3A_2717 = arith.muli %select_n3A_2715, %mul3A_2716 : i32
      %sub3A_2718 = arith.subi %sub3A_2691, %mul3A_2717 : i32
      %mul3A_2719 = arith.constant 36 : i32
      %mul3A_2720 = arith.muli %arg0, %mul3A_2719 : i32
      %add3A_2721 = arith.addi %mul3A_2720, %select_n3A_2688 : i32
      %mul3A_2722 = arith.constant 8 : i32
      %mul3A_2723 = arith.muli %mul3A_2722, %select_n3A_2688 : i32
      %mul3A_2724 = arith.constant 256 : i32
      %mul3A_2725 = arith.muli %mul3A_2724, %sub3A_2718 : i32
      %dma_start3A_2726 = arith.constant 2 : i32
      %dma_start3A_2727 = arith.constant 2 : i32
      %dma_start3A_2728 = arith.constant 0 : i32
      %dma_start3A_2729 = arith.constant 0 : i32
      %dma_start3A_2730 = tpu.memref_slice %arg9[%dma_start3A_2726, %dma_start3A_2728, %dma_start3A_2729] : memref<4x8x256xf32, #tpu.memory_space<vmem>> -> memref<1x8x256xf32, #tpu.memory_space<vmem>>
      %dma_start3A_2731 = tpu.memref_squeeze %dma_start3A_2730 : memref<1x8x256xf32, #tpu.memory_space<vmem>> -> memref<8x256xf32, #tpu.memory_space<vmem>>
      %dma_start3A_2732 = tpu.memref_slice %arg11[%mul3A_2723, %mul3A_2725] : memref<288x768xf32, #tpu.memory_space<vmem_shared>> -> memref<8x256xf32, #tpu.memory_space<vmem_shared>>
      %dma_start3A_2733 = tpu.memref_slice %arg13[%dma_start3A_2727] : memref<4x!tpu.dma_semaphore, #tpu.memory_space<semaphore_mem>> -> memref<1x!tpu.dma_semaphore, #tpu.memory_space<semaphore_mem>>
      %dma_start3A_2734 = tpu.memref_squeeze %dma_start3A_2733 : memref<1x!tpu.dma_semaphore, #tpu.memory_space<semaphore_mem>> -> memref<!tpu.dma_semaphore, #tpu.memory_space<semaphore_mem>>
      %dma_start3A_2735 = arith.constant 0 : i32
      %dma_start3A_2736 = arith.constant 0 : i32
      %dma_start3A_2737 = tpu.memref_slice %arg9[%dma_start3A_2726, %dma_start3A_2735, %dma_start3A_2736] : memref<4x8x256xf32, #tpu.memory_space<vmem>> -> memref<1x8x256xf32, #tpu.memory_space<vmem>>
      %dma_start3A_2738 = tpu.memref_squeeze %dma_start3A_2737 : memref<1x8x256xf32, #tpu.memory_space<vmem>> -> memref<8x256xf32, #tpu.memory_space<vmem>>
      %dma_start3A_2739 = tpu.memref_slice %arg11[%mul3A_2723, %mul3A_2725] : memref<288x768xf32, #tpu.memory_space<vmem_shared>> -> memref<8x256xf32, #tpu.memory_space<vmem_shared>>
      tpu.enqueue_dma source(%dma_start3A_2739 : memref<8x256xf32, #tpu.memory_space<vmem_shared>>) target(%dma_start3A_2738 : memref<8x256xf32, #tpu.memory_space<vmem>>) target_semaphore(%dma_start3A_2734 : memref<!tpu.dma_semaphore, #tpu.memory_space<semaphore_mem>>)
      %add3A_2740 = arith.constant 3 : i32
      %add3A_2741 = arith.addi %add3A_1475, %add3A_2740 : i32
      %mul3A_2742 = arith.constant 16 : i32
      %mul3A_2743 = arith.muli %mul3A_2742, %add3A_2741 : i32
      %add3A_2744 = arith.addi %arg1, %mul3A_2743 : i32
      %jit3A_2745 = arith.constant 48 : i32
      %div3A_2746 = arith.divsi %add3A_2744, %jit3A_2745 : i32
      %sign3A_2747 = arith.constant 0 : i32
      %sign3A_2748 = arith.cmpi sgt, %add3A_2744, %sign3A_2747 : i32
      %sign3A_2749 = arith.extui %sign3A_2748 : i1 to i32
      %sign3A_2750 = arith.constant 0 : i32
      %sign3A_2751 = arith.cmpi slt, %add3A_2744, %sign3A_2750 : i32
      %sign3A_2752 = arith.extui %sign3A_2751 : i1 to i32
      %sign3A_2753 = arith.subi %sign3A_2749, %sign3A_2752 : i32
      %sign3A_2754 = arith.constant 0 : i32
      %sign3A_2755 = arith.cmpi sgt, %jit3A_2745, %sign3A_2754 : i32
      %sign3A_2756 = arith.extui %sign3A_2755 : i1 to i32
      %sign3A_2757 = arith.constant 0 : i32
      %sign3A_2758 = arith.cmpi slt, %jit3A_2745, %sign3A_2757 : i32
      %sign3A_2759 = arith.extui %sign3A_2758 : i1 to i32
      %sign3A_2760 = arith.subi %sign3A_2756, %sign3A_2759 : i32
      %ne3A_2761 = arith.cmpi ne, %sign3A_2753, %sign3A_2760 : i32
      %rem3A_2762 = arith.remsi %add3A_2744, %jit3A_2745 : i32
      %ne3A_2763 = arith.constant 0 : i32
      %ne3A_2764 = arith.cmpi ne, %rem3A_2762, %ne3A_2763 : i32
      %and3A_2765 = arith.andi %ne3A_2761, %ne3A_2764 : i1
      %sub3A_2766 = arith.constant 1 : i32
      %sub3A_2767 = arith.subi %div3A_2746, %sub3A_2766 : i32
      %select_n3A_2768 = arith.select %and3A_2765, %sub3A_2767, %div3A_2746 : i32
      %mul3A_2769 = arith.constant 48 : i32
      %mul3A_2770 = arith.muli %select_n3A_2768, %mul3A_2769 : i32
      %sub3A_2771 = arith.subi %add3A_2744, %mul3A_2770 : i32
      %jit3A_2772 = arith.constant 3 : i32
      %div3A_2773 = arith.divsi %sub3A_2771, %jit3A_2772 : i32
      %sign3A_2774 = arith.constant 0 : i32
      %sign3A_2775 = arith.cmpi sgt, %sub3A_2771, %sign3A_2774 : i32
      %sign3A_2776 = arith.extui %sign3A_2775 : i1 to i32
      %sign3A_2777 = arith.constant 0 : i32
      %sign3A_2778 = arith.cmpi slt, %sub3A_2771, %sign3A_2777 : i32
      %sign3A_2779 = arith.extui %sign3A_2778 : i1 to i32
      %sign3A_2780 = arith.subi %sign3A_2776, %sign3A_2779 : i32
      %sign3A_2781 = arith.constant 0 : i32
      %sign3A_2782 = arith.cmpi sgt, %jit3A_2772, %sign3A_2781 : i32
      %sign3A_2783 = arith.extui %sign3A_2782 : i1 to i32
      %sign3A_2784 = arith.constant 0 : i32
      %sign3A_2785 = arith.cmpi slt, %jit3A_2772, %sign3A_2784 : i32
      %sign3A_2786 = arith.extui %sign3A_2785 : i1 to i32
      %sign3A_2787 = arith.subi %sign3A_2783, %sign3A_2786 : i32
      %ne3A_2788 = arith.cmpi ne, %sign3A_2780, %sign3A_2787 : i32
      %rem3A_2789 = arith.remsi %sub3A_2771, %jit3A_2772 : i32
      %ne3A_2790 = arith.constant 0 : i32
      %ne3A_2791 = arith.cmpi ne, %rem3A_2789, %ne3A_2790 : i32
      %and3A_2792 = arith.andi %ne3A_2788, %ne3A_2791 : i1
      %sub3A_2793 = arith.constant 1 : i32
      %sub3A_2794 = arith.subi %div3A_2773, %sub3A_2793 : i32
      %select_n3A_2795 = arith.select %and3A_2792, %sub3A_2794, %div3A_2773 : i32
      %mul3A_2796 = arith.constant 3 : i32
      %mul3A_2797 = arith.muli %select_n3A_2795, %mul3A_2796 : i32
      %sub3A_2798 = arith.subi %sub3A_2771, %mul3A_2797 : i32
      %mul3A_2799 = arith.constant 36 : i32
      %mul3A_2800 = arith.muli %arg0, %mul3A_2799 : i32
      %add3A_2801 = arith.addi %mul3A_2800, %select_n3A_2768 : i32
      %mul3A_2802 = arith.constant 8 : i32
      %mul3A_2803 = arith.muli %mul3A_2802, %select_n3A_2795 : i32
      %mul3A_2804 = arith.constant 8 : i32
      %mul3A_2805 = arith.muli %mul3A_2804, %add3A_2801 : i32
      %mul3A_2806 = arith.constant 256 : i32
      %mul3A_2807 = arith.muli %mul3A_2806, %sub3A_2798 : i32
      %dma_wait3A_2808 = arith.constant 3 : i32
      %dma_wait3A_2809 = arith.constant 3 : i32
      %dma_wait3A_2810 = arith.constant 0 : i32
      %dma_wait3A_2811 = arith.constant 0 : i32
      %dma_wait3A_2812 = arith.constant 0 : i32
      %dma_wait3A_2813 = tpu.memref_slice %arg8[%dma_wait3A_2808, %dma_wait3A_2810, %dma_wait3A_2811, %dma_wait3A_2812] : memref<4x8x8x256xf32, #tpu.memory_space<vmem>> -> memref<1x8x8x256xf32, #tpu.memory_space<vmem>>
      %dma_wait3A_2814 = tpu.memref_squeeze %dma_wait3A_2813 : memref<1x8x8x256xf32, #tpu.memory_space<vmem>> -> memref<8x8x256xf32, #tpu.memory_space<vmem>>
      %dma_wait3A_2815 = tpu.memref_slice %arg2[%mul3A_2803, %mul3A_2805, %mul3A_2807] : memref<128x576x768xf32, #tpu.memory_space<hbm>> -> memref<8x8x256xf32, #tpu.memory_space<hbm>>
      %dma_wait3A_2816 = tpu.memref_slice %arg12[%dma_wait3A_2809] : memref<4x!tpu.dma_semaphore, #tpu.memory_space<semaphore_mem>> -> memref<1x!tpu.dma_semaphore, #tpu.memory_space<semaphore_mem>>
      %dma_wait3A_2817 = tpu.memref_squeeze %dma_wait3A_2816 : memref<1x!tpu.dma_semaphore, #tpu.memory_space<semaphore_mem>> -> memref<!tpu.dma_semaphore, #tpu.memory_space<semaphore_mem>>
      %dma_wait3A_2818 = arith.constant 0 : i32
      %dma_wait3A_2819 = arith.constant 0 : i32
      %dma_wait3A_2820 = arith.constant 0 : i32
      %dma_wait3A_2821 = tpu.memref_slice %arg8[%dma_wait3A_2808, %dma_wait3A_2818, %dma_wait3A_2819, %dma_wait3A_2820] : memref<4x8x8x256xf32, #tpu.memory_space<vmem>> -> memref<1x8x8x256xf32, #tpu.memory_space<vmem>>
      %dma_wait3A_2822 = tpu.memref_squeeze %dma_wait3A_2821 : memref<1x8x8x256xf32, #tpu.memory_space<vmem>> -> memref<8x8x256xf32, #tpu.memory_space<vmem>>
      %dma_wait3A_2823 = tpu.memref_slice %arg2[%mul3A_2803, %mul3A_2805, %mul3A_2807] : memref<128x576x768xf32, #tpu.memory_space<hbm>> -> memref<8x8x256xf32, #tpu.memory_space<hbm>>
      tpu.wait_dma2 semaphore(%dma_wait3A_2817 : memref<!tpu.dma_semaphore, #tpu.memory_space<semaphore_mem>>) src(%dma_wait3A_2823 : memref<8x8x256xf32, #tpu.memory_space<hbm>>) dst(%dma_wait3A_2822 : memref<8x8x256xf32, #tpu.memory_space<vmem>>)
      %mul3A_2824 = arith.constant 16 : i32
      %mul3A_2825 = arith.muli %mul3A_2824, %add3A_2741 : i32
      %add3A_2826 = arith.addi %arg1, %mul3A_2825 : i32
      %jit3A_2827 = arith.constant 48 : i32
      %div3A_2828 = arith.divsi %add3A_2826, %jit3A_2827 : i32
      %sign3A_2829 = arith.constant 0 : i32
      %sign3A_2830 = arith.cmpi sgt, %add3A_2826, %sign3A_2829 : i32
      %sign3A_2831 = arith.extui %sign3A_2830 : i1 to i32
      %sign3A_2832 = arith.constant 0 : i32
      %sign3A_2833 = arith.cmpi slt, %add3A_2826, %sign3A_2832 : i32
      %sign3A_2834 = arith.extui %sign3A_2833 : i1 to i32
      %sign3A_2835 = arith.subi %sign3A_2831, %sign3A_2834 : i32
      %sign3A_2836 = arith.constant 0 : i32
      %sign3A_2837 = arith.cmpi sgt, %jit3A_2827, %sign3A_2836 : i32
      %sign3A_2838 = arith.extui %sign3A_2837 : i1 to i32
      %sign3A_2839 = arith.constant 0 : i32
      %sign3A_2840 = arith.cmpi slt, %jit3A_2827, %sign3A_2839 : i32
      %sign3A_2841 = arith.extui %sign3A_2840 : i1 to i32
      %sign3A_2842 = arith.subi %sign3A_2838, %sign3A_2841 : i32
      %ne3A_2843 = arith.cmpi ne, %sign3A_2835, %sign3A_2842 : i32
      %rem3A_2844 = arith.remsi %add3A_2826, %jit3A_2827 : i32
      %ne3A_2845 = arith.constant 0 : i32
      %ne3A_2846 = arith.cmpi ne, %rem3A_2844, %ne3A_2845 : i32
      %and3A_2847 = arith.andi %ne3A_2843, %ne3A_2846 : i1
      %sub3A_2848 = arith.constant 1 : i32
      %sub3A_2849 = arith.subi %div3A_2828, %sub3A_2848 : i32
      %select_n3A_2850 = arith.select %and3A_2847, %sub3A_2849, %div3A_2828 : i32
      %mul3A_2851 = arith.constant 48 : i32
      %mul3A_2852 = arith.muli %select_n3A_2850, %mul3A_2851 : i32
      %sub3A_2853 = arith.subi %add3A_2826, %mul3A_2852 : i32
      %jit3A_2854 = arith.constant 3 : i32
      %div3A_2855 = arith.divsi %sub3A_2853, %jit3A_2854 : i32
      %sign3A_2856 = arith.constant 0 : i32
      %sign3A_2857 = arith.cmpi sgt, %sub3A_2853, %sign3A_2856 : i32
      %sign3A_2858 = arith.extui %sign3A_2857 : i1 to i32
      %sign3A_2859 = arith.constant 0 : i32
      %sign3A_2860 = arith.cmpi slt, %sub3A_2853, %sign3A_2859 : i32
      %sign3A_2861 = arith.extui %sign3A_2860 : i1 to i32
      %sign3A_2862 = arith.subi %sign3A_2858, %sign3A_2861 : i32
      %sign3A_2863 = arith.constant 0 : i32
      %sign3A_2864 = arith.cmpi sgt, %jit3A_2854, %sign3A_2863 : i32
      %sign3A_2865 = arith.extui %sign3A_2864 : i1 to i32
      %sign3A_2866 = arith.constant 0 : i32
      %sign3A_2867 = arith.cmpi slt, %jit3A_2854, %sign3A_2866 : i32
      %sign3A_2868 = arith.extui %sign3A_2867 : i1 to i32
      %sign3A_2869 = arith.subi %sign3A_2865, %sign3A_2868 : i32
      %ne3A_2870 = arith.cmpi ne, %sign3A_2862, %sign3A_2869 : i32
      %rem3A_2871 = arith.remsi %sub3A_2853, %jit3A_2854 : i32
      %ne3A_2872 = arith.constant 0 : i32
      %ne3A_2873 = arith.cmpi ne, %rem3A_2871, %ne3A_2872 : i32
      %and3A_2874 = arith.andi %ne3A_2870, %ne3A_2873 : i1
      %sub3A_2875 = arith.constant 1 : i32
      %sub3A_2876 = arith.subi %div3A_2855, %sub3A_2875 : i32
      %select_n3A_2877 = arith.select %and3A_2874, %sub3A_2876, %div3A_2855 : i32
      %mul3A_2878 = arith.constant 3 : i32
      %mul3A_2879 = arith.muli %select_n3A_2877, %mul3A_2878 : i32
      %sub3A_2880 = arith.subi %sub3A_2853, %mul3A_2879 : i32
      %mul3A_2881 = arith.constant 36 : i32
      %mul3A_2882 = arith.muli %arg0, %mul3A_2881 : i32
      %add3A_2883 = arith.addi %mul3A_2882, %select_n3A_2850 : i32
      %mul3A_2884 = arith.constant 8 : i32
      %mul3A_2885 = arith.muli %mul3A_2884, %select_n3A_2850 : i32
      %mul3A_2886 = arith.constant 256 : i32
      %mul3A_2887 = arith.muli %mul3A_2886, %sub3A_2880 : i32
      %dma_wait3A_2888 = arith.constant 3 : i32
      %dma_wait3A_2889 = arith.constant 3 : i32
      %dma_wait3A_2890 = arith.constant 0 : i32
      %dma_wait3A_2891 = arith.constant 0 : i32
      %dma_wait3A_2892 = tpu.memref_slice %arg9[%dma_wait3A_2888, %dma_wait3A_2890, %dma_wait3A_2891] : memref<4x8x256xf32, #tpu.memory_space<vmem>> -> memref<1x8x256xf32, #tpu.memory_space<vmem>>
      %dma_wait3A_2893 = tpu.memref_squeeze %dma_wait3A_2892 : memref<1x8x256xf32, #tpu.memory_space<vmem>> -> memref<8x256xf32, #tpu.memory_space<vmem>>
      %dma_wait3A_2894 = tpu.memref_slice %arg11[%mul3A_2885, %mul3A_2887] : memref<288x768xf32, #tpu.memory_space<vmem_shared>> -> memref<8x256xf32, #tpu.memory_space<vmem_shared>>
      %dma_wait3A_2895 = tpu.memref_slice %arg13[%dma_wait3A_2889] : memref<4x!tpu.dma_semaphore, #tpu.memory_space<semaphore_mem>> -> memref<1x!tpu.dma_semaphore, #tpu.memory_space<semaphore_mem>>
      %dma_wait3A_2896 = tpu.memref_squeeze %dma_wait3A_2895 : memref<1x!tpu.dma_semaphore, #tpu.memory_space<semaphore_mem>> -> memref<!tpu.dma_semaphore, #tpu.memory_space<semaphore_mem>>
      %dma_wait3A_2897 = arith.constant 0 : i32
      %dma_wait3A_2898 = arith.constant 0 : i32
      %dma_wait3A_2899 = tpu.memref_slice %arg9[%dma_wait3A_2888, %dma_wait3A_2897, %dma_wait3A_2898] : memref<4x8x256xf32, #tpu.memory_space<vmem>> -> memref<1x8x256xf32, #tpu.memory_space<vmem>>
      %dma_wait3A_2900 = tpu.memref_squeeze %dma_wait3A_2899 : memref<1x8x256xf32, #tpu.memory_space<vmem>> -> memref<8x256xf32, #tpu.memory_space<vmem>>
      %dma_wait3A_2901 = tpu.memref_slice %arg11[%mul3A_2885, %mul3A_2887] : memref<288x768xf32, #tpu.memory_space<vmem_shared>> -> memref<8x256xf32, #tpu.memory_space<vmem_shared>>
      tpu.wait_dma2 semaphore(%dma_wait3A_2896 : memref<!tpu.dma_semaphore, #tpu.memory_space<semaphore_mem>>) src(%dma_wait3A_2901 : memref<8x256xf32, #tpu.memory_space<vmem_shared>>) dst(%dma_wait3A_2900 : memref<8x256xf32, #tpu.memory_space<vmem>>)
      %ge3A_2902 = arith.constant 2 : i32
      %ge3A_2903 = arith.cmpi sge, %add3A_2741, %ge3A_2902 : i32
      %convert_element_type3A_2904 = arith.extui %ge3A_2903 : i1 to i32
      %cond3A_2905 = arith.constant 1 : i32
      %cond3A_2906 = arith.constant 0 : i32
      %cond3A_2907 = arith.cmpi ne, %convert_element_type3A_2904, %cond3A_2906 : i32
      scf.if %cond3A_2907 {
        %mul3A_3162 = arith.constant 16 : i32
        %mul3A_3163 = arith.muli %mul3A_3162, %add3A_2741 : i32
        %add3A_3164 = arith.addi %arg1, %mul3A_3163 : i32
        %jit3A_3165 = arith.constant 48 : i32
        %div3A_3166 = arith.divsi %add3A_3164, %jit3A_3165 : i32
        %sign3A_3167 = arith.constant 0 : i32
        %sign3A_3168 = arith.cmpi sgt, %add3A_3164, %sign3A_3167 : i32
        %sign3A_3169 = arith.extui %sign3A_3168 : i1 to i32
        %sign3A_3170 = arith.constant 0 : i32
        %sign3A_3171 = arith.cmpi slt, %add3A_3164, %sign3A_3170 : i32
        %sign3A_3172 = arith.extui %sign3A_3171 : i1 to i32
        %sign3A_3173 = arith.subi %sign3A_3169, %sign3A_3172 : i32
        %sign3A_3174 = arith.constant 0 : i32
        %sign3A_3175 = arith.cmpi sgt, %jit3A_3165, %sign3A_3174 : i32
        %sign3A_3176 = arith.extui %sign3A_3175 : i1 to i32
        %sign3A_3177 = arith.constant 0 : i32
        %sign3A_3178 = arith.cmpi slt, %jit3A_3165, %sign3A_3177 : i32
        %sign3A_3179 = arith.extui %sign3A_3178 : i1 to i32
        %sign3A_3180 = arith.subi %sign3A_3176, %sign3A_3179 : i32
        %ne3A_3181 = arith.cmpi ne, %sign3A_3173, %sign3A_3180 : i32
        %rem3A_3182 = arith.remsi %add3A_3164, %jit3A_3165 : i32
        %ne3A_3183 = arith.constant 0 : i32
        %ne3A_3184 = arith.cmpi ne, %rem3A_3182, %ne3A_3183 : i32
        %and3A_3185 = arith.andi %ne3A_3181, %ne3A_3184 : i1
        %sub3A_3186 = arith.constant 1 : i32
        %sub3A_3187 = arith.subi %div3A_3166, %sub3A_3186 : i32
        %select_n3A_3188 = arith.select %and3A_3185, %sub3A_3187, %div3A_3166 : i32
        %mul3A_3189 = arith.constant 48 : i32
        %mul3A_3190 = arith.muli %select_n3A_3188, %mul3A_3189 : i32
        %sub3A_3191 = arith.subi %add3A_3164, %mul3A_3190 : i32
        %jit3A_3192 = arith.constant 3 : i32
        %div3A_3193 = arith.divsi %sub3A_3191, %jit3A_3192 : i32
        %sign3A_3194 = arith.constant 0 : i32
        %sign3A_3195 = arith.cmpi sgt, %sub3A_3191, %sign3A_3194 : i32
        %sign3A_3196 = arith.extui %sign3A_3195 : i1 to i32
        %sign3A_3197 = arith.constant 0 : i32
        %sign3A_3198 = arith.cmpi slt, %sub3A_3191, %sign3A_3197 : i32
        %sign3A_3199 = arith.extui %sign3A_3198 : i1 to i32
        %sign3A_3200 = arith.subi %sign3A_3196, %sign3A_3199 : i32
        %sign3A_3201 = arith.constant 0 : i32
        %sign3A_3202 = arith.cmpi sgt, %jit3A_3192, %sign3A_3201 : i32
        %sign3A_3203 = arith.extui %sign3A_3202 : i1 to i32
        %sign3A_3204 = arith.constant 0 : i32
        %sign3A_3205 = arith.cmpi slt, %jit3A_3192, %sign3A_3204 : i32
        %sign3A_3206 = arith.extui %sign3A_3205 : i1 to i32
        %sign3A_3207 = arith.subi %sign3A_3203, %sign3A_3206 : i32
        %ne3A_3208 = arith.cmpi ne, %sign3A_3200, %sign3A_3207 : i32
        %rem3A_3209 = arith.remsi %sub3A_3191, %jit3A_3192 : i32
        %ne3A_3210 = arith.constant 0 : i32
        %ne3A_3211 = arith.cmpi ne, %rem3A_3209, %ne3A_3210 : i32
        %and3A_3212 = arith.andi %ne3A_3208, %ne3A_3211 : i1
        %sub3A_3213 = arith.constant 1 : i32
        %sub3A_3214 = arith.subi %div3A_3193, %sub3A_3213 : i32
        %select_n3A_3215 = arith.select %and3A_3212, %sub3A_3214, %div3A_3193 : i32
        %mul3A_3216 = arith.constant 3 : i32
        %mul3A_3217 = arith.muli %select_n3A_3215, %mul3A_3216 : i32
        %sub3A_3218 = arith.subi %sub3A_3191, %mul3A_3217 : i32
        %mul3A_3219 = arith.constant 36 : i32
        %mul3A_3220 = arith.muli %arg0, %mul3A_3219 : i32
        %add3A_3221 = arith.addi %mul3A_3220, %select_n3A_3188 : i32
        %mul3A_3222 = arith.constant 8 : i32
        %mul3A_3223 = arith.muli %mul3A_3222, %add3A_3221 : i32
        %add3A_3224 = arith.constant 1 : i32
        %add3A_3225 = arith.addi %mul3A_3223, %add3A_3224 : i32
        %mul3A_3226 = arith.constant 8 : i32
        %mul3A_3227 = arith.muli %mul3A_3226, %select_n3A_3215 : i32
        %mul3A_3228 = arith.constant 256 : i32
        %mul3A_3229 = arith.muli %mul3A_3228, %sub3A_3218 : i32
        %dma_wait3A_3230 = arith.constant 1 : i32
        %dma_wait3A_3231 = arith.constant 0 : i32
        %dma_wait3A_3232 = arith.constant 0 : i32
        %dma_wait3A_3233 = arith.constant 0 : i32
        %dma_wait3A_3234 = tpu.memref_slice %arg10[%cond3A_2905, %dma_wait3A_3231, %dma_wait3A_3232, %dma_wait3A_3233] : memref<2x8x8x256xf32, #tpu.memory_space<vmem>> -> memref<1x8x8x256xf32, #tpu.memory_space<vmem>>
        %dma_wait3A_3235 = tpu.memref_squeeze %dma_wait3A_3234 : memref<1x8x8x256xf32, #tpu.memory_space<vmem>> -> memref<8x8x256xf32, #tpu.memory_space<vmem>>
        %dma_wait3A_3236 = tpu.memref_slice %arg5[%add3A_3225, %mul3A_3227, %mul3A_3229] : memref<577x128x768xf32, #tpu.memory_space<hbm>> -> memref<8x8x256xf32, #tpu.memory_space<hbm>>
        %dma_wait3A_3237 = tpu.memref_slice %arg14[%dma_wait3A_3230] : memref<2x!tpu.dma_semaphore, #tpu.memory_space<semaphore_mem>> -> memref<1x!tpu.dma_semaphore, #tpu.memory_space<semaphore_mem>>
        %dma_wait3A_3238 = tpu.memref_squeeze %dma_wait3A_3237 : memref<1x!tpu.dma_semaphore, #tpu.memory_space<semaphore_mem>> -> memref<!tpu.dma_semaphore, #tpu.memory_space<semaphore_mem>>
        %dma_wait3A_3239 = tpu.memref_slice %arg5[%add3A_3225, %mul3A_3227, %mul3A_3229] : memref<577x128x768xf32, #tpu.memory_space<hbm>> -> memref<8x8x256xf32, #tpu.memory_space<hbm>>
        %dma_wait3A_3240 = arith.constant 0 : i32
        %dma_wait3A_3241 = arith.constant 0 : i32
        %dma_wait3A_3242 = arith.constant 0 : i32
        %dma_wait3A_3243 = tpu.memref_slice %arg10[%cond3A_2905, %dma_wait3A_3240, %dma_wait3A_3241, %dma_wait3A_3242] : memref<2x8x8x256xf32, #tpu.memory_space<vmem>> -> memref<1x8x8x256xf32, #tpu.memory_space<vmem>>
        %dma_wait3A_3244 = tpu.memref_squeeze %dma_wait3A_3243 : memref<1x8x8x256xf32, #tpu.memory_space<vmem>> -> memref<8x8x256xf32, #tpu.memory_space<vmem>>
        tpu.wait_dma2 semaphore(%dma_wait3A_3238 : memref<!tpu.dma_semaphore, #tpu.memory_space<semaphore_mem>>) src(%dma_wait3A_3244 : memref<8x8x256xf32, #tpu.memory_space<vmem>>) dst(%dma_wait3A_3239 : memref<8x8x256xf32, #tpu.memory_space<hbm>>)
      } else {
      }
      %parallel_loop3A_2908 = arith.constant 0 : i32
      %parallel_loop3A_2909 = arith.constant 128 : i32
      %parallel_loop3A_2910 = arith.constant 1 : i32
      %parallel_loop3A_2911 = arith.constant 3 : i32
      %parallel_loop3A_2912 = arith.constant 3 : i32
      %parallel_loop3A_2913 = arith.constant 1 : i32
      scf.for %parallel_loop3A_3162 = %parallel_loop3A_2908 to %parallel_loop3A_2909 step %parallel_loop3A_2910  : i32 {
        %parallel_loop3A_3163 = arith.constant 4 : i32
        %parallel_loop3A_3164 = arith.shrsi %parallel_loop3A_3162, %parallel_loop3A_3163 : i32
        %parallel_loop3A_3165 = arith.constant 15 : i32
        %parallel_loop3A_3166 = arith.andi %parallel_loop3A_3162, %parallel_loop3A_3165 : i32
        %parallel_loop3A_3167 = arith.constant 16 : i32
        %parallel_loop3A_3168 = arith.muli %parallel_loop3A_3166, %parallel_loop3A_3167 : i32
        %parallel_loop3A_3169 = arith.constant 0 : i32
        %parallel_loop3A_3170 = arith.constant 0 : i32
        %parallel_loop3A_3171 = tpu.memref_slice %arg9[%parallel_loop3A_2911, %parallel_loop3A_3169, %parallel_loop3A_3170] : memref<4x8x256xf32, #tpu.memory_space<vmem>> -> memref<1x8x256xf32, #tpu.memory_space<vmem>>
        %parallel_loop3A_3172 = tpu.memref_squeeze %parallel_loop3A_3171 : memref<1x8x256xf32, #tpu.memory_space<vmem>> -> memref<8x256xf32, #tpu.memory_space<vmem>>
        %parallel_loop3A_3173 = arith.index_cast %parallel_loop3A_3164 : i32 to index
        %parallel_loop3A_3174 = arith.index_cast %parallel_loop3A_3168 : i32 to index
        %parallel_loop3A_3175 = tpu.vector_load %parallel_loop3A_3172[%parallel_loop3A_3173, %parallel_loop3A_3174] {strides = array<i32>} : memref<8x256xf32, #tpu.memory_space<vmem>>, vector<1x16xf32>,
        %parallel_loop3A_3176 = vector.shape_cast %parallel_loop3A_3175 : vector<1x16xf32> to vector<16xf32>
        %parallel_loop3A_3177 = arith.constant 0 : i32
        %parallel_loop3A_3178 = arith.constant 0 : i32
        %parallel_loop3A_3179 = arith.constant 0 : i32
        %parallel_loop3A_3180 = arith.constant 0 : i32
        %parallel_loop3A_3181 = tpu.memref_slice %arg8[%parallel_loop3A_2912, %parallel_loop3A_3178, %parallel_loop3A_3179, %parallel_loop3A_3180] : memref<4x8x8x256xf32, #tpu.memory_space<vmem>> -> memref<1x8x8x256xf32, #tpu.memory_space<vmem>>
        %parallel_loop3A_3182 = tpu.memref_squeeze %parallel_loop3A_3181 : memref<1x8x8x256xf32, #tpu.memory_space<vmem>> -> memref<8x8x256xf32, #tpu.memory_space<vmem>>
        %parallel_loop3A_3183 = arith.index_cast %parallel_loop3A_3177 : i32 to index
        %parallel_loop3A_3184 = arith.index_cast %parallel_loop3A_3164 : i32 to index
        %parallel_loop3A_3185 = arith.index_cast %parallel_loop3A_3168 : i32 to index
        %parallel_loop3A_3186 = tpu.vector_load %parallel_loop3A_3182[%parallel_loop3A_3183, %parallel_loop3A_3184, %parallel_loop3A_3185] {strides = array<i32>} : memref<8x8x256xf32, #tpu.memory_space<vmem>>, vector<1x1x16xf32>,
        %parallel_loop3A_3187 = vector.shape_cast %parallel_loop3A_3186 : vector<1x1x16xf32> to vector<16xf32>
        %parallel_loop3A_3188 = arith.addf %parallel_loop3A_3187, %parallel_loop3A_3176 : vector<16xf32>
        %parallel_loop3A_3189 = arith.constant 0 : i32
        %parallel_loop3A_3190 = arith.constant 0 : i32
        %parallel_loop3A_3191 = arith.constant 0 : i32
        %parallel_loop3A_3192 = arith.constant 0 : i32
        %parallel_loop3A_3193 = tpu.memref_slice %arg10[%parallel_loop3A_2913, %parallel_loop3A_3190, %parallel_loop3A_3191, %parallel_loop3A_3192] : memref<2x8x8x256xf32, #tpu.memory_space<vmem>> -> memref<1x8x8x256xf32, #tpu.memory_space<vmem>>
        %parallel_loop3A_3194 = tpu.memref_squeeze %parallel_loop3A_3193 : memref<1x8x8x256xf32, #tpu.memory_space<vmem>> -> memref<8x8x256xf32, #tpu.memory_space<vmem>>
        %parallel_loop3A_3195 = arith.index_cast %parallel_loop3A_3164 : i32 to index
        %parallel_loop3A_3196 = arith.index_cast %parallel_loop3A_3189 : i32 to index
        %parallel_loop3A_3197 = arith.index_cast %parallel_loop3A_3168 : i32 to index
        %parallel_loop3A_3198 = tpu.vector_load %parallel_loop3A_3194[%parallel_loop3A_3195, %parallel_loop3A_3196, %parallel_loop3A_3197] {strides = array<i32>} : memref<8x8x256xf32, #tpu.memory_space<vmem>>, vector<1x1x16xf32>,
        %parallel_loop3A_3199 = vector.shape_cast %parallel_loop3A_3198 : vector<1x1x16xf32> to vector<16xf32>
        %parallel_loop3A_3200 = vector.shape_cast %parallel_loop3A_3188 : vector<16xf32> to vector<1x1x16xf32>
        tpu.vector_store %parallel_loop3A_3194[%parallel_loop3A_3195, %parallel_loop3A_3196, %parallel_loop3A_3197], %parallel_loop3A_3200 {strides = array<i32>} : memref<8x8x256xf32, #tpu.memory_space<vmem>>, vector<1x1x16xf32>,
        %parallel_loop3A_3201 = arith.constant 1 : i32
        %parallel_loop3A_3202 = arith.constant 0 : i32
        %parallel_loop3A_3203 = arith.constant 0 : i32
        %parallel_loop3A_3204 = arith.constant 0 : i32
        %parallel_loop3A_3205 = tpu.memref_slice %arg8[%parallel_loop3A_2912, %parallel_loop3A_3202, %parallel_loop3A_3203, %parallel_loop3A_3204] : memref<4x8x8x256xf32, #tpu.memory_space<vmem>> -> memref<1x8x8x256xf32, #tpu.memory_space<vmem>>
        %parallel_loop3A_3206 = tpu.memref_squeeze %parallel_loop3A_3205 : memref<1x8x8x256xf32, #tpu.memory_space<vmem>> -> memref<8x8x256xf32, #tpu.memory_space<vmem>>
        %parallel_loop3A_3207 = arith.index_cast %parallel_loop3A_3201 : i32 to index
        %parallel_loop3A_3208 = arith.index_cast %parallel_loop3A_3164 : i32 to index
        %parallel_loop3A_3209 = arith.index_cast %parallel_loop3A_3168 : i32 to index
        %parallel_loop3A_3210 = tpu.vector_load %parallel_loop3A_3206[%parallel_loop3A_3207, %parallel_loop3A_3208, %parallel_loop3A_3209] {strides = array<i32>} : memref<8x8x256xf32, #tpu.memory_space<vmem>>, vector<1x1x16xf32>,
        %parallel_loop3A_3211 = vector.shape_cast %parallel_loop3A_3210 : vector<1x1x16xf32> to vector<16xf32>
        %parallel_loop3A_3212 = arith.addf %parallel_loop3A_3211, %parallel_loop3A_3176 : vector<16xf32>
        %parallel_loop3A_3213 = arith.constant 1 : i32
        %parallel_loop3A_3214 = arith.constant 0 : i32
        %parallel_loop3A_3215 = arith.constant 0 : i32
        %parallel_loop3A_3216 = arith.constant 0 : i32
        %parallel_loop3A_3217 = tpu.memref_slice %arg10[%parallel_loop3A_2913, %parallel_loop3A_3214, %parallel_loop3A_3215, %parallel_loop3A_3216] : memref<2x8x8x256xf32, #tpu.memory_space<vmem>> -> memref<1x8x8x256xf32, #tpu.memory_space<vmem>>
        %parallel_loop3A_3218 = tpu.memref_squeeze %parallel_loop3A_3217 : memref<1x8x8x256xf32, #tpu.memory_space<vmem>> -> memref<8x8x256xf32, #tpu.memory_space<vmem>>
        %parallel_loop3A_3219 = arith.index_cast %parallel_loop3A_3164 : i32 to index
        %parallel_loop3A_3220 = arith.index_cast %parallel_loop3A_3213 : i32 to index
        %parallel_loop3A_3221 = arith.index_cast %parallel_loop3A_3168 : i32 to index
        %parallel_loop3A_3222 = tpu.vector_load %parallel_loop3A_3218[%parallel_loop3A_3219, %parallel_loop3A_3220, %parallel_loop3A_3221] {strides = array<i32>} : memref<8x8x256xf32, #tpu.memory_space<vmem>>, vector<1x1x16xf32>,
        %parallel_loop3A_3223 = vector.shape_cast %parallel_loop3A_3222 : vector<1x1x16xf32> to vector<16xf32>
        %parallel_loop3A_3224 = vector.shape_cast %parallel_loop3A_3212 : vector<16xf32> to vector<1x1x16xf32>
        tpu.vector_store %parallel_loop3A_3218[%parallel_loop3A_3219, %parallel_loop3A_3220, %parallel_loop3A_3221], %parallel_loop3A_3224 {strides = array<i32>} : memref<8x8x256xf32, #tpu.memory_space<vmem>>, vector<1x1x16xf32>,
        %parallel_loop3A_3225 = arith.constant 2 : i32
        %parallel_loop3A_3226 = arith.constant 0 : i32
        %parallel_loop3A_3227 = arith.constant 0 : i32
        %parallel_loop3A_3228 = arith.constant 0 : i32
        %parallel_loop3A_3229 = tpu.memref_slice %arg8[%parallel_loop3A_2912, %parallel_loop3A_3226, %parallel_loop3A_3227, %parallel_loop3A_3228] : memref<4x8x8x256xf32, #tpu.memory_space<vmem>> -> memref<1x8x8x256xf32, #tpu.memory_space<vmem>>
        %parallel_loop3A_3230 = tpu.memref_squeeze %parallel_loop3A_3229 : memref<1x8x8x256xf32, #tpu.memory_space<vmem>> -> memref<8x8x256xf32, #tpu.memory_space<vmem>>
        %parallel_loop3A_3231 = arith.index_cast %parallel_loop3A_3225 : i32 to index
        %parallel_loop3A_3232 = arith.index_cast %parallel_loop3A_3164 : i32 to index
        %parallel_loop3A_3233 = arith.index_cast %parallel_loop3A_3168 : i32 to index
        %parallel_loop3A_3234 = tpu.vector_load %parallel_loop3A_3230[%parallel_loop3A_3231, %parallel_loop3A_3232, %parallel_loop3A_3233] {strides = array<i32>} : memref<8x8x256xf32, #tpu.memory_space<vmem>>, vector<1x1x16xf32>,
        %parallel_loop3A_3235 = vector.shape_cast %parallel_loop3A_3234 : vector<1x1x16xf32> to vector<16xf32>
        %parallel_loop3A_3236 = arith.addf %parallel_loop3A_3235, %parallel_loop3A_3176 : vector<16xf32>
        %parallel_loop3A_3237 = arith.constant 2 : i32
        %parallel_loop3A_3238 = arith.constant 0 : i32
        %parallel_loop3A_3239 = arith.constant 0 : i32
        %parallel_loop3A_3240 = arith.constant 0 : i32
        %parallel_loop3A_3241 = tpu.memref_slice %arg10[%parallel_loop3A_2913, %parallel_loop3A_3238, %parallel_loop3A_3239, %parallel_loop3A_3240] : memref<2x8x8x256xf32, #tpu.memory_space<vmem>> -> memref<1x8x8x256xf32, #tpu.memory_space<vmem>>
        %parallel_loop3A_3242 = tpu.memref_squeeze %parallel_loop3A_3241 : memref<1x8x8x256xf32, #tpu.memory_space<vmem>> -> memref<8x8x256xf32, #tpu.memory_space<vmem>>
        %parallel_loop3A_3243 = arith.index_cast %parallel_loop3A_3164 : i32 to index
        %parallel_loop3A_3244 = arith.index_cast %parallel_loop3A_3237 : i32 to index
        %parallel_loop3A_3245 = arith.index_cast %parallel_loop3A_3168 : i32 to index
        %parallel_loop3A_3246 = tpu.vector_load %parallel_loop3A_3242[%parallel_loop3A_3243, %parallel_loop3A_3244, %parallel_loop3A_3245] {strides = array<i32>} : memref<8x8x256xf32, #tpu.memory_space<vmem>>, vector<1x1x16xf32>,
        %parallel_loop3A_3247 = vector.shape_cast %parallel_loop3A_3246 : vector<1x1x16xf32> to vector<16xf32>
        %parallel_loop3A_3248 = vector.shape_cast %parallel_loop3A_3236 : vector<16xf32> to vector<1x1x16xf32>
        tpu.vector_store %parallel_loop3A_3242[%parallel_loop3A_3243, %parallel_loop3A_3244, %parallel_loop3A_3245], %parallel_loop3A_3248 {strides = array<i32>} : memref<8x8x256xf32, #tpu.memory_space<vmem>>, vector<1x1x16xf32>,
        %parallel_loop3A_3249 = arith.constant 3 : i32
        %parallel_loop3A_3250 = arith.constant 0 : i32
        %parallel_loop3A_3251 = arith.constant 0 : i32
        %parallel_loop3A_3252 = arith.constant 0 : i32
        %parallel_loop3A_3253 = tpu.memref_slice %arg8[%parallel_loop3A_2912, %parallel_loop3A_3250, %parallel_loop3A_3251, %parallel_loop3A_3252] : memref<4x8x8x256xf32, #tpu.memory_space<vmem>> -> memref<1x8x8x256xf32, #tpu.memory_space<vmem>>
        %parallel_loop3A_3254 = tpu.memref_squeeze %parallel_loop3A_3253 : memref<1x8x8x256xf32, #tpu.memory_space<vmem>> -> memref<8x8x256xf32, #tpu.memory_space<vmem>>
        %parallel_loop3A_3255 = arith.index_cast %parallel_loop3A_3249 : i32 to index
        %parallel_loop3A_3256 = arith.index_cast %parallel_loop3A_3164 : i32 to index
        %parallel_loop3A_3257 = arith.index_cast %parallel_loop3A_3168 : i32 to index
        %parallel_loop3A_3258 = tpu.vector_load %parallel_loop3A_3254[%parallel_loop3A_3255, %parallel_loop3A_3256, %parallel_loop3A_3257] {strides = array<i32>} : memref<8x8x256xf32, #tpu.memory_space<vmem>>, vector<1x1x16xf32>,
        %parallel_loop3A_3259 = vector.shape_cast %parallel_loop3A_3258 : vector<1x1x16xf32> to vector<16xf32>
        %parallel_loop3A_3260 = arith.addf %parallel_loop3A_3259, %parallel_loop3A_3176 : vector<16xf32>
        %parallel_loop3A_3261 = arith.constant 3 : i32
        %parallel_loop3A_3262 = arith.constant 0 : i32
        %parallel_loop3A_3263 = arith.constant 0 : i32
        %parallel_loop3A_3264 = arith.constant 0 : i32
        %parallel_loop3A_3265 = tpu.memref_slice %arg10[%parallel_loop3A_2913, %parallel_loop3A_3262, %parallel_loop3A_3263, %parallel_loop3A_3264] : memref<2x8x8x256xf32, #tpu.memory_space<vmem>> -> memref<1x8x8x256xf32, #tpu.memory_space<vmem>>
        %parallel_loop3A_3266 = tpu.memref_squeeze %parallel_loop3A_3265 : memref<1x8x8x256xf32, #tpu.memory_space<vmem>> -> memref<8x8x256xf32, #tpu.memory_space<vmem>>
        %parallel_loop3A_3267 = arith.index_cast %parallel_loop3A_3164 : i32 to index
        %parallel_loop3A_3268 = arith.index_cast %parallel_loop3A_3261 : i32 to index
        %parallel_loop3A_3269 = arith.index_cast %parallel_loop3A_3168 : i32 to index
        %parallel_loop3A_3270 = tpu.vector_load %parallel_loop3A_3266[%parallel_loop3A_3267, %parallel_loop3A_3268, %parallel_loop3A_3269] {strides = array<i32>} : memref<8x8x256xf32, #tpu.memory_space<vmem>>, vector<1x1x16xf32>,
        %parallel_loop3A_3271 = vector.shape_cast %parallel_loop3A_3270 : vector<1x1x16xf32> to vector<16xf32>
        %parallel_loop3A_3272 = vector.shape_cast %parallel_loop3A_3260 : vector<16xf32> to vector<1x1x16xf32>
        tpu.vector_store %parallel_loop3A_3266[%parallel_loop3A_3267, %parallel_loop3A_3268, %parallel_loop3A_3269], %parallel_loop3A_3272 {strides = array<i32>} : memref<8x8x256xf32, #tpu.memory_space<vmem>>, vector<1x1x16xf32>,
        %parallel_loop3A_3273 = arith.constant 4 : i32
        %parallel_loop3A_3274 = arith.constant 0 : i32
        %parallel_loop3A_3275 = arith.constant 0 : i32
        %parallel_loop3A_3276 = arith.constant 0 : i32
        %parallel_loop3A_3277 = tpu.memref_slice %arg8[%parallel_loop3A_2912, %parallel_loop3A_3274, %parallel_loop3A_3275, %parallel_loop3A_3276] : memref<4x8x8x256xf32, #tpu.memory_space<vmem>> -> memref<1x8x8x256xf32, #tpu.memory_space<vmem>>
        %parallel_loop3A_3278 = tpu.memref_squeeze %parallel_loop3A_3277 : memref<1x8x8x256xf32, #tpu.memory_space<vmem>> -> memref<8x8x256xf32, #tpu.memory_space<vmem>>
        %parallel_loop3A_3279 = arith.index_cast %parallel_loop3A_3273 : i32 to index
        %parallel_loop3A_3280 = arith.index_cast %parallel_loop3A_3164 : i32 to index
        %parallel_loop3A_3281 = arith.index_cast %parallel_loop3A_3168 : i32 to index
        %parallel_loop3A_3282 = tpu.vector_load %parallel_loop3A_3278[%parallel_loop3A_3279, %parallel_loop3A_3280, %parallel_loop3A_3281] {strides = array<i32>} : memref<8x8x256xf32, #tpu.memory_space<vmem>>, vector<1x1x16xf32>,
        %parallel_loop3A_3283 = vector.shape_cast %parallel_loop3A_3282 : vector<1x1x16xf32> to vector<16xf32>
        %parallel_loop3A_3284 = arith.addf %parallel_loop3A_3283, %parallel_loop3A_3176 : vector<16xf32>
        %parallel_loop3A_3285 = arith.constant 4 : i32
        %parallel_loop3A_3286 = arith.constant 0 : i32
        %parallel_loop3A_3287 = arith.constant 0 : i32
        %parallel_loop3A_3288 = arith.constant 0 : i32
        %parallel_loop3A_3289 = tpu.memref_slice %arg10[%parallel_loop3A_2913, %parallel_loop3A_3286, %parallel_loop3A_3287, %parallel_loop3A_3288] : memref<2x8x8x256xf32, #tpu.memory_space<vmem>> -> memref<1x8x8x256xf32, #tpu.memory_space<vmem>>
        %parallel_loop3A_3290 = tpu.memref_squeeze %parallel_loop3A_3289 : memref<1x8x8x256xf32, #tpu.memory_space<vmem>> -> memref<8x8x256xf32, #tpu.memory_space<vmem>>
        %parallel_loop3A_3291 = arith.index_cast %parallel_loop3A_3164 : i32 to index
        %parallel_loop3A_3292 = arith.index_cast %parallel_loop3A_3285 : i32 to index
        %parallel_loop3A_3293 = arith.index_cast %parallel_loop3A_3168 : i32 to index
        %parallel_loop3A_3294 = tpu.vector_load %parallel_loop3A_3290[%parallel_loop3A_3291, %parallel_loop3A_3292, %parallel_loop3A_3293] {strides = array<i32>} : memref<8x8x256xf32, #tpu.memory_space<vmem>>, vector<1x1x16xf32>,
        %parallel_loop3A_3295 = vector.shape_cast %parallel_loop3A_3294 : vector<1x1x16xf32> to vector<16xf32>
        %parallel_loop3A_3296 = vector.shape_cast %parallel_loop3A_3284 : vector<16xf32> to vector<1x1x16xf32>
        tpu.vector_store %parallel_loop3A_3290[%parallel_loop3A_3291, %parallel_loop3A_3292, %parallel_loop3A_3293], %parallel_loop3A_3296 {strides = array<i32>} : memref<8x8x256xf32, #tpu.memory_space<vmem>>, vector<1x1x16xf32>,
        %parallel_loop3A_3297 = arith.constant 5 : i32
        %parallel_loop3A_3298 = arith.constant 0 : i32
        %parallel_loop3A_3299 = arith.constant 0 : i32
        %parallel_loop3A_3300 = arith.constant 0 : i32
        %parallel_loop3A_3301 = tpu.memref_slice %arg8[%parallel_loop3A_2912, %parallel_loop3A_3298, %parallel_loop3A_3299, %parallel_loop3A_3300] : memref<4x8x8x256xf32, #tpu.memory_space<vmem>> -> memref<1x8x8x256xf32, #tpu.memory_space<vmem>>
        %parallel_loop3A_3302 = tpu.memref_squeeze %parallel_loop3A_3301 : memref<1x8x8x256xf32, #tpu.memory_space<vmem>> -> memref<8x8x256xf32, #tpu.memory_space<vmem>>
        %parallel_loop3A_3303 = arith.index_cast %parallel_loop3A_3297 : i32 to index
        %parallel_loop3A_3304 = arith.index_cast %parallel_loop3A_3164 : i32 to index
        %parallel_loop3A_3305 = arith.index_cast %parallel_loop3A_3168 : i32 to index
        %parallel_loop3A_3306 = tpu.vector_load %parallel_loop3A_3302[%parallel_loop3A_3303, %parallel_loop3A_3304, %parallel_loop3A_3305] {strides = array<i32>} : memref<8x8x256xf32, #tpu.memory_space<vmem>>, vector<1x1x16xf32>,
        %parallel_loop3A_3307 = vector.shape_cast %parallel_loop3A_3306 : vector<1x1x16xf32> to vector<16xf32>
        %parallel_loop3A_3308 = arith.addf %parallel_loop3A_3307, %parallel_loop3A_3176 : vector<16xf32>
        %parallel_loop3A_3309 = arith.constant 5 : i32
        %parallel_loop3A_3310 = arith.constant 0 : i32
        %parallel_loop3A_3311 = arith.constant 0 : i32
        %parallel_loop3A_3312 = arith.constant 0 : i32
        %parallel_loop3A_3313 = tpu.memref_slice %arg10[%parallel_loop3A_2913, %parallel_loop3A_3310, %parallel_loop3A_3311, %parallel_loop3A_3312] : memref<2x8x8x256xf32, #tpu.memory_space<vmem>> -> memref<1x8x8x256xf32, #tpu.memory_space<vmem>>
        %parallel_loop3A_3314 = tpu.memref_squeeze %parallel_loop3A_3313 : memref<1x8x8x256xf32, #tpu.memory_space<vmem>> -> memref<8x8x256xf32, #tpu.memory_space<vmem>>
        %parallel_loop3A_3315 = arith.index_cast %parallel_loop3A_3164 : i32 to index
        %parallel_loop3A_3316 = arith.index_cast %parallel_loop3A_3309 : i32 to index
        %parallel_loop3A_3317 = arith.index_cast %parallel_loop3A_3168 : i32 to index
        %parallel_loop3A_3318 = tpu.vector_load %parallel_loop3A_3314[%parallel_loop3A_3315, %parallel_loop3A_3316, %parallel_loop3A_3317] {strides = array<i32>} : memref<8x8x256xf32, #tpu.memory_space<vmem>>, vector<1x1x16xf32>,
        %parallel_loop3A_3319 = vector.shape_cast %parallel_loop3A_3318 : vector<1x1x16xf32> to vector<16xf32>
        %parallel_loop3A_3320 = vector.shape_cast %parallel_loop3A_3308 : vector<16xf32> to vector<1x1x16xf32>
        tpu.vector_store %parallel_loop3A_3314[%parallel_loop3A_3315, %parallel_loop3A_3316, %parallel_loop3A_3317], %parallel_loop3A_3320 {strides = array<i32>} : memref<8x8x256xf32, #tpu.memory_space<vmem>>, vector<1x1x16xf32>,
        %parallel_loop3A_3321 = arith.constant 6 : i32
        %parallel_loop3A_3322 = arith.constant 0 : i32
        %parallel_loop3A_3323 = arith.constant 0 : i32
        %parallel_loop3A_3324 = arith.constant 0 : i32
        %parallel_loop3A_3325 = tpu.memref_slice %arg8[%parallel_loop3A_2912, %parallel_loop3A_3322, %parallel_loop3A_3323, %parallel_loop3A_3324] : memref<4x8x8x256xf32, #tpu.memory_space<vmem>> -> memref<1x8x8x256xf32, #tpu.memory_space<vmem>>
        %parallel_loop3A_3326 = tpu.memref_squeeze %parallel_loop3A_3325 : memref<1x8x8x256xf32, #tpu.memory_space<vmem>> -> memref<8x8x256xf32, #tpu.memory_space<vmem>>
        %parallel_loop3A_3327 = arith.index_cast %parallel_loop3A_3321 : i32 to index
        %parallel_loop3A_3328 = arith.index_cast %parallel_loop3A_3164 : i32 to index
        %parallel_loop3A_3329 = arith.index_cast %parallel_loop3A_3168 : i32 to index
        %parallel_loop3A_3330 = tpu.vector_load %parallel_loop3A_3326[%parallel_loop3A_3327, %parallel_loop3A_3328, %parallel_loop3A_3329] {strides = array<i32>} : memref<8x8x256xf32, #tpu.memory_space<vmem>>, vector<1x1x16xf32>,
        %parallel_loop3A_3331 = vector.shape_cast %parallel_loop3A_3330 : vector<1x1x16xf32> to vector<16xf32>
        %parallel_loop3A_3332 = arith.addf %parallel_loop3A_3331, %parallel_loop3A_3176 : vector<16xf32>
        %parallel_loop3A_3333 = arith.constant 6 : i32
        %parallel_loop3A_3334 = arith.constant 0 : i32
        %parallel_loop3A_3335 = arith.constant 0 : i32
        %parallel_loop3A_3336 = arith.constant 0 : i32
        %parallel_loop3A_3337 = tpu.memref_slice %arg10[%parallel_loop3A_2913, %parallel_loop3A_3334, %parallel_loop3A_3335, %parallel_loop3A_3336] : memref<2x8x8x256xf32, #tpu.memory_space<vmem>> -> memref<1x8x8x256xf32, #tpu.memory_space<vmem>>
        %parallel_loop3A_3338 = tpu.memref_squeeze %parallel_loop3A_3337 : memref<1x8x8x256xf32, #tpu.memory_space<vmem>> -> memref<8x8x256xf32, #tpu.memory_space<vmem>>
        %parallel_loop3A_3339 = arith.index_cast %parallel_loop3A_3164 : i32 to index
        %parallel_loop3A_3340 = arith.index_cast %parallel_loop3A_3333 : i32 to index
        %parallel_loop3A_3341 = arith.index_cast %parallel_loop3A_3168 : i32 to index
        %parallel_loop3A_3342 = tpu.vector_load %parallel_loop3A_3338[%parallel_loop3A_3339, %parallel_loop3A_3340, %parallel_loop3A_3341] {strides = array<i32>} : memref<8x8x256xf32, #tpu.memory_space<vmem>>, vector<1x1x16xf32>,
        %parallel_loop3A_3343 = vector.shape_cast %parallel_loop3A_3342 : vector<1x1x16xf32> to vector<16xf32>
        %parallel_loop3A_3344 = vector.shape_cast %parallel_loop3A_3332 : vector<16xf32> to vector<1x1x16xf32>
        tpu.vector_store %parallel_loop3A_3338[%parallel_loop3A_3339, %parallel_loop3A_3340, %parallel_loop3A_3341], %parallel_loop3A_3344 {strides = array<i32>} : memref<8x8x256xf32, #tpu.memory_space<vmem>>, vector<1x1x16xf32>,
        %parallel_loop3A_3345 = arith.constant 7 : i32
        %parallel_loop3A_3346 = arith.constant 0 : i32
        %parallel_loop3A_3347 = arith.constant 0 : i32
        %parallel_loop3A_3348 = arith.constant 0 : i32
        %parallel_loop3A_3349 = tpu.memref_slice %arg8[%parallel_loop3A_2912, %parallel_loop3A_3346, %parallel_loop3A_3347, %parallel_loop3A_3348] : memref<4x8x8x256xf32, #tpu.memory_space<vmem>> -> memref<1x8x8x256xf32, #tpu.memory_space<vmem>>
        %parallel_loop3A_3350 = tpu.memref_squeeze %parallel_loop3A_3349 : memref<1x8x8x256xf32, #tpu.memory_space<vmem>> -> memref<8x8x256xf32, #tpu.memory_space<vmem>>
        %parallel_loop3A_3351 = arith.index_cast %parallel_loop3A_3345 : i32 to index
        %parallel_loop3A_3352 = arith.index_cast %parallel_loop3A_3164 : i32 to index
        %parallel_loop3A_3353 = arith.index_cast %parallel_loop3A_3168 : i32 to index
        %parallel_loop3A_3354 = tpu.vector_load %parallel_loop3A_3350[%parallel_loop3A_3351, %parallel_loop3A_3352, %parallel_loop3A_3353] {strides = array<i32>} : memref<8x8x256xf32, #tpu.memory_space<vmem>>, vector<1x1x16xf32>,
        %parallel_loop3A_3355 = vector.shape_cast %parallel_loop3A_3354 : vector<1x1x16xf32> to vector<16xf32>
        %parallel_loop3A_3356 = arith.addf %parallel_loop3A_3355, %parallel_loop3A_3176 : vector<16xf32>
        %parallel_loop3A_3357 = arith.constant 7 : i32
        %parallel_loop3A_3358 = arith.constant 0 : i32
        %parallel_loop3A_3359 = arith.constant 0 : i32
        %parallel_loop3A_3360 = arith.constant 0 : i32
        %parallel_loop3A_3361 = tpu.memref_slice %arg10[%parallel_loop3A_2913, %parallel_loop3A_3358, %parallel_loop3A_3359, %parallel_loop3A_3360] : memref<2x8x8x256xf32, #tpu.memory_space<vmem>> -> memref<1x8x8x256xf32, #tpu.memory_space<vmem>>
        %parallel_loop3A_3362 = tpu.memref_squeeze %parallel_loop3A_3361 : memref<1x8x8x256xf32, #tpu.memory_space<vmem>> -> memref<8x8x256xf32, #tpu.memory_space<vmem>>
        %parallel_loop3A_3363 = arith.index_cast %parallel_loop3A_3164 : i32 to index
        %parallel_loop3A_3364 = arith.index_cast %parallel_loop3A_3357 : i32 to index
        %parallel_loop3A_3365 = arith.index_cast %parallel_loop3A_3168 : i32 to index
        %parallel_loop3A_3366 = tpu.vector_load %parallel_loop3A_3362[%parallel_loop3A_3363, %parallel_loop3A_3364, %parallel_loop3A_3365] {strides = array<i32>} : memref<8x8x256xf32, #tpu.memory_space<vmem>>, vector<1x1x16xf32>,
        %parallel_loop3A_3367 = vector.shape_cast %parallel_loop3A_3366 : vector<1x1x16xf32> to vector<16xf32>
        %parallel_loop3A_3368 = vector.shape_cast %parallel_loop3A_3356 : vector<16xf32> to vector<1x1x16xf32>
        tpu.vector_store %parallel_loop3A_3362[%parallel_loop3A_3363, %parallel_loop3A_3364, %parallel_loop3A_3365], %parallel_loop3A_3368 {strides = array<i32>} : memref<8x8x256xf32, #tpu.memory_space<vmem>>, vector<1x1x16xf32>,
      } {sc.loop_unroll_factor = 2 : i64, sc.parallel_access}
      %mul3A_2914 = arith.constant 16 : i32
      %mul3A_2915 = arith.muli %mul3A_2914, %add3A_2741 : i32
      %add3A_2916 = arith.addi %arg1, %mul3A_2915 : i32
      %jit3A_2917 = arith.constant 48 : i32
      %div3A_2918 = arith.divsi %add3A_2916, %jit3A_2917 : i32
      %sign3A_2919 = arith.constant 0 : i32
      %sign3A_2920 = arith.cmpi sgt, %add3A_2916, %sign3A_2919 : i32
      %sign3A_2921 = arith.extui %sign3A_2920 : i1 to i32
      %sign3A_2922 = arith.constant 0 : i32
      %sign3A_2923 = arith.cmpi slt, %add3A_2916, %sign3A_2922 : i32
      %sign3A_2924 = arith.extui %sign3A_2923 : i1 to i32
      %sign3A_2925 = arith.subi %sign3A_2921, %sign3A_2924 : i32
      %sign3A_2926 = arith.constant 0 : i32
      %sign3A_2927 = arith.cmpi sgt, %jit3A_2917, %sign3A_2926 : i32
      %sign3A_2928 = arith.extui %sign3A_2927 : i1 to i32
      %sign3A_2929 = arith.constant 0 : i32
      %sign3A_2930 = arith.cmpi slt, %jit3A_2917, %sign3A_2929 : i32
      %sign3A_2931 = arith.extui %sign3A_2930 : i1 to i32
      %sign3A_2932 = arith.subi %sign3A_2928, %sign3A_2931 : i32
      %ne3A_2933 = arith.cmpi ne, %sign3A_2925, %sign3A_2932 : i32
      %rem3A_2934 = arith.remsi %add3A_2916, %jit3A_2917 : i32
      %ne3A_2935 = arith.constant 0 : i32
      %ne3A_2936 = arith.cmpi ne, %rem3A_2934, %ne3A_2935 : i32
      %and3A_2937 = arith.andi %ne3A_2933, %ne3A_2936 : i1
      %sub3A_2938 = arith.constant 1 : i32
      %sub3A_2939 = arith.subi %div3A_2918, %sub3A_2938 : i32
      %select_n3A_2940 = arith.select %and3A_2937, %sub3A_2939, %div3A_2918 : i32
      %mul3A_2941 = arith.constant 48 : i32
      %mul3A_2942 = arith.muli %select_n3A_2940, %mul3A_2941 : i32
      %sub3A_2943 = arith.subi %add3A_2916, %mul3A_2942 : i32
      %jit3A_2944 = arith.constant 3 : i32
      %div3A_2945 = arith.divsi %sub3A_2943, %jit3A_2944 : i32
      %sign3A_2946 = arith.constant 0 : i32
      %sign3A_2947 = arith.cmpi sgt, %sub3A_2943, %sign3A_2946 : i32
      %sign3A_2948 = arith.extui %sign3A_2947 : i1 to i32
      %sign3A_2949 = arith.constant 0 : i32
      %sign3A_2950 = arith.cmpi slt, %sub3A_2943, %sign3A_2949 : i32
      %sign3A_2951 = arith.extui %sign3A_2950 : i1 to i32
      %sign3A_2952 = arith.subi %sign3A_2948, %sign3A_2951 : i32
      %sign3A_2953 = arith.constant 0 : i32
      %sign3A_2954 = arith.cmpi sgt, %jit3A_2944, %sign3A_2953 : i32
      %sign3A_2955 = arith.extui %sign3A_2954 : i1 to i32
      %sign3A_2956 = arith.constant 0 : i32
      %sign3A_2957 = arith.cmpi slt, %jit3A_2944, %sign3A_2956 : i32
      %sign3A_2958 = arith.extui %sign3A_2957 : i1 to i32
      %sign3A_2959 = arith.subi %sign3A_2955, %sign3A_2958 : i32
      %ne3A_2960 = arith.cmpi ne, %sign3A_2952, %sign3A_2959 : i32
      %rem3A_2961 = arith.remsi %sub3A_2943, %jit3A_2944 : i32
      %ne3A_2962 = arith.constant 0 : i32
      %ne3A_2963 = arith.cmpi ne, %rem3A_2961, %ne3A_2962 : i32
      %and3A_2964 = arith.andi %ne3A_2960, %ne3A_2963 : i1
      %sub3A_2965 = arith.constant 1 : i32
      %sub3A_2966 = arith.subi %div3A_2945, %sub3A_2965 : i32
      %select_n3A_2967 = arith.select %and3A_2964, %sub3A_2966, %div3A_2945 : i32
      %mul3A_2968 = arith.constant 3 : i32
      %mul3A_2969 = arith.muli %select_n3A_2967, %mul3A_2968 : i32
      %sub3A_2970 = arith.subi %sub3A_2943, %mul3A_2969 : i32
      %mul3A_2971 = arith.constant 36 : i32
      %mul3A_2972 = arith.muli %arg0, %mul3A_2971 : i32
      %add3A_2973 = arith.addi %mul3A_2972, %select_n3A_2940 : i32
      %mul3A_2974 = arith.constant 8 : i32
      %mul3A_2975 = arith.muli %mul3A_2974, %add3A_2973 : i32
      %add3A_2976 = arith.constant 1 : i32
      %add3A_2977 = arith.addi %mul3A_2975, %add3A_2976 : i32
      %mul3A_2978 = arith.constant 8 : i32
      %mul3A_2979 = arith.muli %mul3A_2978, %select_n3A_2967 : i32
      %mul3A_2980 = arith.constant 256 : i32
      %mul3A_2981 = arith.muli %mul3A_2980, %sub3A_2970 : i32
      %dma_start3A_2982 = arith.constant 1 : i32
      %dma_start3A_2983 = arith.constant 1 : i32
      %dma_start3A_2984 = arith.constant 0 : i32
      %dma_start3A_2985 = arith.constant 0 : i32
      %dma_start3A_2986 = arith.constant 0 : i32
      %dma_start3A_2987 = tpu.memref_slice %arg10[%dma_start3A_2982, %dma_start3A_2984, %dma_start3A_2985, %dma_start3A_2986] : memref<2x8x8x256xf32, #tpu.memory_space<vmem>> -> memref<1x8x8x256xf32, #tpu.memory_space<vmem>>
      %dma_start3A_2988 = tpu.memref_squeeze %dma_start3A_2987 : memref<1x8x8x256xf32, #tpu.memory_space<vmem>> -> memref<8x8x256xf32, #tpu.memory_space<vmem>>
      %dma_start3A_2989 = tpu.memref_slice %arg5[%add3A_2977, %mul3A_2979, %mul3A_2981] : memref<577x128x768xf32, #tpu.memory_space<hbm>> -> memref<8x8x256xf32, #tpu.memory_space<hbm>>
      %dma_start3A_2990 = tpu.memref_slice %arg14[%dma_start3A_2983] : memref<2x!tpu.dma_semaphore, #tpu.memory_space<semaphore_mem>> -> memref<1x!tpu.dma_semaphore, #tpu.memory_space<semaphore_mem>>
      %dma_start3A_2991 = tpu.memref_squeeze %dma_start3A_2990 : memref<1x!tpu.dma_semaphore, #tpu.memory_space<semaphore_mem>> -> memref<!tpu.dma_semaphore, #tpu.memory_space<semaphore_mem>>
      %dma_start3A_2992 = tpu.memref_slice %arg5[%add3A_2977, %mul3A_2979, %mul3A_2981] : memref<577x128x768xf32, #tpu.memory_space<hbm>> -> memref<8x8x256xf32, #tpu.memory_space<hbm>>
      %dma_start3A_2993 = arith.constant 0 : i32
      %dma_start3A_2994 = arith.constant 0 : i32
      %dma_start3A_2995 = arith.constant 0 : i32
      %dma_start3A_2996 = tpu.memref_slice %arg10[%dma_start3A_2982, %dma_start3A_2993, %dma_start3A_2994, %dma_start3A_2995] : memref<2x8x8x256xf32, #tpu.memory_space<vmem>> -> memref<1x8x8x256xf32, #tpu.memory_space<vmem>>
      %dma_start3A_2997 = tpu.memref_squeeze %dma_start3A_2996 : memref<1x8x8x256xf32, #tpu.memory_space<vmem>> -> memref<8x8x256xf32, #tpu.memory_space<vmem>>
      tpu.enqueue_dma source(%dma_start3A_2997 : memref<8x8x256xf32, #tpu.memory_space<vmem>>) target(%dma_start3A_2992 : memref<8x8x256xf32, #tpu.memory_space<hbm>>) target_semaphore(%dma_start3A_2991 : memref<!tpu.dma_semaphore, #tpu.memory_space<semaphore_mem>>)
      %add3A_2998 = arith.constant 4 : i32
      %add3A_2999 = arith.addi %add3A_2741, %add3A_2998 : i32
      %min3A_3000 = arith.constant 107 : i32
      %min3A_3001 = arith.minsi %add3A_2999, %min3A_3000 : i32
      %mul3A_3002 = arith.constant 16 : i32
      %mul3A_3003 = arith.muli %mul3A_3002, %min3A_3001 : i32
      %add3A_3004 = arith.addi %arg1, %mul3A_3003 : i32
      %jit3A_3005 = arith.constant 48 : i32
      %div3A_3006 = arith.divsi %add3A_3004, %jit3A_3005 : i32
      %sign3A_3007 = arith.constant 0 : i32
      %sign3A_3008 = arith.cmpi sgt, %add3A_3004, %sign3A_3007 : i32
      %sign3A_3009 = arith.extui %sign3A_3008 : i1 to i32
      %sign3A_3010 = arith.constant 0 : i32
      %sign3A_3011 = arith.cmpi slt, %add3A_3004, %sign3A_3010 : i32
      %sign3A_3012 = arith.extui %sign3A_3011 : i1 to i32
      %sign3A_3013 = arith.subi %sign3A_3009, %sign3A_3012 : i32
      %sign3A_3014 = arith.constant 0 : i32
      %sign3A_3015 = arith.cmpi sgt, %jit3A_3005, %sign3A_3014 : i32
      %sign3A_3016 = arith.extui %sign3A_3015 : i1 to i32
      %sign3A_3017 = arith.constant 0 : i32
      %sign3A_3018 = arith.cmpi slt, %jit3A_3005, %sign3A_3017 : i32
      %sign3A_3019 = arith.extui %sign3A_3018 : i1 to i32
      %sign3A_3020 = arith.subi %sign3A_3016, %sign3A_3019 : i32
      %ne3A_3021 = arith.cmpi ne, %sign3A_3013, %sign3A_3020 : i32
      %rem3A_3022 = arith.remsi %add3A_3004, %jit3A_3005 : i32
      %ne3A_3023 = arith.constant 0 : i32
      %ne3A_3024 = arith.cmpi ne, %rem3A_3022, %ne3A_3023 : i32
      %and3A_3025 = arith.andi %ne3A_3021, %ne3A_3024 : i1
      %sub3A_3026 = arith.constant 1 : i32
      %sub3A_3027 = arith.subi %div3A_3006, %sub3A_3026 : i32
      %select_n3A_3028 = arith.select %and3A_3025, %sub3A_3027, %div3A_3006 : i32
      %mul3A_3029 = arith.constant 48 : i32
      %mul3A_3030 = arith.muli %select_n3A_3028, %mul3A_3029 : i32
      %sub3A_3031 = arith.subi %add3A_3004, %mul3A_3030 : i32
      %jit3A_3032 = arith.constant 3 : i32
      %div3A_3033 = arith.divsi %sub3A_3031, %jit3A_3032 : i32
      %sign3A_3034 = arith.constant 0 : i32
      %sign3A_3035 = arith.cmpi sgt, %sub3A_3031, %sign3A_3034 : i32
      %sign3A_3036 = arith.extui %sign3A_3035 : i1 to i32
      %sign3A_3037 = arith.constant 0 : i32
      %sign3A_3038 = arith.cmpi slt, %sub3A_3031, %sign3A_3037 : i32
      %sign3A_3039 = arith.extui %sign3A_3038 : i1 to i32
      %sign3A_3040 = arith.subi %sign3A_3036, %sign3A_3039 : i32
      %sign3A_3041 = arith.constant 0 : i32
      %sign3A_3042 = arith.cmpi sgt, %jit3A_3032, %sign3A_3041 : i32
      %sign3A_3043 = arith.extui %sign3A_3042 : i1 to i32
      %sign3A_3044 = arith.constant 0 : i32
      %sign3A_3045 = arith.cmpi slt, %jit3A_3032, %sign3A_3044 : i32
      %sign3A_3046 = arith.extui %sign3A_3045 : i1 to i32
      %sign3A_3047 = arith.subi %sign3A_3043, %sign3A_3046 : i32
      %ne3A_3048 = arith.cmpi ne, %sign3A_3040, %sign3A_3047 : i32
      %rem3A_3049 = arith.remsi %sub3A_3031, %jit3A_3032 : i32
      %ne3A_3050 = arith.constant 0 : i32
      %ne3A_3051 = arith.cmpi ne, %rem3A_3049, %ne3A_3050 : i32
      %and3A_3052 = arith.andi %ne3A_3048, %ne3A_3051 : i1
      %sub3A_3053 = arith.constant 1 : i32
      %sub3A_3054 = arith.subi %div3A_3033, %sub3A_3053 : i32
      %select_n3A_3055 = arith.select %and3A_3052, %sub3A_3054, %div3A_3033 : i32
      %mul3A_3056 = arith.constant 3 : i32
      %mul3A_3057 = arith.muli %select_n3A_3055, %mul3A_3056 : i32
      %sub3A_3058 = arith.subi %sub3A_3031, %mul3A_3057 : i32
      %mul3A_3059 = arith.constant 36 : i32
      %mul3A_3060 = arith.muli %arg0, %mul3A_3059 : i32
      %add3A_3061 = arith.addi %mul3A_3060, %select_n3A_3028 : i32
      %mul3A_3062 = arith.constant 8 : i32
      %mul3A_3063 = arith.muli %mul3A_3062, %select_n3A_3055 : i32
      %mul3A_3064 = arith.constant 8 : i32
      %mul3A_3065 = arith.muli %mul3A_3064, %add3A_3061 : i32
      %mul3A_3066 = arith.constant 256 : i32
      %mul3A_3067 = arith.muli %mul3A_3066, %sub3A_3058 : i32
      %dma_start3A_3068 = arith.constant 3 : i32
      %dma_start3A_3069 = arith.constant 3 : i32
      %dma_start3A_3070 = arith.constant 0 : i32
      %dma_start3A_3071 = arith.constant 0 : i32
      %dma_start3A_3072 = arith.constant 0 : i32
      %dma_start3A_3073 = tpu.memref_slice %arg8[%dma_start3A_3068, %dma_start3A_3070, %dma_start3A_3071, %dma_start3A_3072] : memref<4x8x8x256xf32, #tpu.memory_space<vmem>> -> memref<1x8x8x256xf32, #tpu.memory_space<vmem>>
      %dma_start3A_3074 = tpu.memref_squeeze %dma_start3A_3073 : memref<1x8x8x256xf32, #tpu.memory_space<vmem>> -> memref<8x8x256xf32, #tpu.memory_space<vmem>>
      %dma_start3A_3075 = tpu.memref_slice %arg2[%mul3A_3063, %mul3A_3065, %mul3A_3067] : memref<128x576x768xf32, #tpu.memory_space<hbm>> -> memref<8x8x256xf32, #tpu.memory_space<hbm>>
      %dma_start3A_3076 = tpu.memref_slice %arg12[%dma_start3A_3069] : memref<4x!tpu.dma_semaphore, #tpu.memory_space<semaphore_mem>> -> memref<1x!tpu.dma_semaphore, #tpu.memory_space<semaphore_mem>>
      %dma_start3A_3077 = tpu.memref_squeeze %dma_start3A_3076 : memref<1x!tpu.dma_semaphore, #tpu.memory_space<semaphore_mem>> -> memref<!tpu.dma_semaphore, #tpu.memory_space<semaphore_mem>>
      %dma_start3A_3078 = arith.constant 0 : i32
      %dma_start3A_3079 = arith.constant 0 : i32
      %dma_start3A_3080 = arith.constant 0 : i32
      %dma_start3A_3081 = tpu.memref_slice %arg8[%dma_start3A_3068, %dma_start3A_3078, %dma_start3A_3079, %dma_start3A_3080] : memref<4x8x8x256xf32, #tpu.memory_space<vmem>> -> memref<1x8x8x256xf32, #tpu.memory_space<vmem>>
      %dma_start3A_3082 = tpu.memref_squeeze %dma_start3A_3081 : memref<1x8x8x256xf32, #tpu.memory_space<vmem>> -> memref<8x8x256xf32, #tpu.memory_space<vmem>>
      %dma_start3A_3083 = tpu.memref_slice %arg2[%mul3A_3063, %mul3A_3065, %mul3A_3067] : memref<128x576x768xf32, #tpu.memory_space<hbm>> -> memref<8x8x256xf32, #tpu.memory_space<hbm>>
      tpu.enqueue_dma source(%dma_start3A_3083 : memref<8x8x256xf32, #tpu.memory_space<hbm>>) target(%dma_start3A_3082 : memref<8x8x256xf32, #tpu.memory_space<vmem>>) target_semaphore(%dma_start3A_3077 : memref<!tpu.dma_semaphore, #tpu.memory_space<semaphore_mem>>)
      %mul3A_3084 = arith.constant 16 : i32
      %mul3A_3085 = arith.muli %mul3A_3084, %min3A_3001 : i32
      %add3A_3086 = arith.addi %arg1, %mul3A_3085 : i32
      %jit3A_3087 = arith.constant 48 : i32
      %div3A_3088 = arith.divsi %add3A_3086, %jit3A_3087 : i32
      %sign3A_3089 = arith.constant 0 : i32
      %sign3A_3090 = arith.cmpi sgt, %add3A_3086, %sign3A_3089 : i32
      %sign3A_3091 = arith.extui %sign3A_3090 : i1 to i32
      %sign3A_3092 = arith.constant 0 : i32
      %sign3A_3093 = arith.cmpi slt, %add3A_3086, %sign3A_3092 : i32
      %sign3A_3094 = arith.extui %sign3A_3093 : i1 to i32
      %sign3A_3095 = arith.subi %sign3A_3091, %sign3A_3094 : i32
      %sign3A_3096 = arith.constant 0 : i32
      %sign3A_3097 = arith.cmpi sgt, %jit3A_3087, %sign3A_3096 : i32
      %sign3A_3098 = arith.extui %sign3A_3097 : i1 to i32
      %sign3A_3099 = arith.constant 0 : i32
      %sign3A_3100 = arith.cmpi slt, %jit3A_3087, %sign3A_3099 : i32
      %sign3A_3101 = arith.extui %sign3A_3100 : i1 to i32
      %sign3A_3102 = arith.subi %sign3A_3098, %sign3A_3101 : i32
      %ne3A_3103 = arith.cmpi ne, %sign3A_3095, %sign3A_3102 : i32
      %rem3A_3104 = arith.remsi %add3A_3086, %jit3A_3087 : i32
      %ne3A_3105 = arith.constant 0 : i32
      %ne3A_3106 = arith.cmpi ne, %rem3A_3104, %ne3A_3105 : i32
      %and3A_3107 = arith.andi %ne3A_3103, %ne3A_3106 : i1
      %sub3A_3108 = arith.constant 1 : i32
      %sub3A_3109 = arith.subi %div3A_3088, %sub3A_3108 : i32
      %select_n3A_3110 = arith.select %and3A_3107, %sub3A_3109, %div3A_3088 : i32
      %mul3A_3111 = arith.constant 48 : i32
      %mul3A_3112 = arith.muli %select_n3A_3110, %mul3A_3111 : i32
      %sub3A_3113 = arith.subi %add3A_3086, %mul3A_3112 : i32
      %jit3A_3114 = arith.constant 3 : i32
      %div3A_3115 = arith.divsi %sub3A_3113, %jit3A_3114 : i32
      %sign3A_3116 = arith.constant 0 : i32
      %sign3A_3117 = arith.cmpi sgt, %sub3A_3113, %sign3A_3116 : i32
      %sign3A_3118 = arith.extui %sign3A_3117 : i1 to i32
      %sign3A_3119 = arith.constant 0 : i32
      %sign3A_3120 = arith.cmpi slt, %sub3A_3113, %sign3A_3119 : i32
      %sign3A_3121 = arith.extui %sign3A_3120 : i1 to i32
      %sign3A_3122 = arith.subi %sign3A_3118, %sign3A_3121 : i32
      %sign3A_3123 = arith.constant 0 : i32
      %sign3A_3124 = arith.cmpi sgt, %jit3A_3114, %sign3A_3123 : i32
      %sign3A_3125 = arith.extui %sign3A_3124 : i1 to i32
      %sign3A_3126 = arith.constant 0 : i32
      %sign3A_3127 = arith.cmpi slt, %jit3A_3114, %sign3A_3126 : i32
      %sign3A_3128 = arith.extui %sign3A_3127 : i1 to i32
      %sign3A_3129 = arith.subi %sign3A_3125, %sign3A_3128 : i32
      %ne3A_3130 = arith.cmpi ne, %sign3A_3122, %sign3A_3129 : i32
      %rem3A_3131 = arith.remsi %sub3A_3113, %jit3A_3114 : i32
      %ne3A_3132 = arith.constant 0 : i32
      %ne3A_3133 = arith.cmpi ne, %rem3A_3131, %ne3A_3132 : i32
      %and3A_3134 = arith.andi %ne3A_3130, %ne3A_3133 : i1
      %sub3A_3135 = arith.constant 1 : i32
      %sub3A_3136 = arith.subi %div3A_3115, %sub3A_3135 : i32
      %select_n3A_3137 = arith.select %and3A_3134, %sub3A_3136, %div3A_3115 : i32
      %mul3A_3138 = arith.constant 3 : i32
      %mul3A_3139 = arith.muli %select_n3A_3137, %mul3A_3138 : i32
      %sub3A_3140 = arith.subi %sub3A_3113, %mul3A_3139 : i32
      %mul3A_3141 = arith.constant 36 : i32
      %mul3A_3142 = arith.muli %arg0, %mul3A_3141 : i32
      %add3A_3143 = arith.addi %mul3A_3142, %select_n3A_3110 : i32
      %mul3A_3144 = arith.constant 8 : i32
      %mul3A_3145 = arith.muli %mul3A_3144, %select_n3A_3110 : i32
      %mul3A_3146 = arith.constant 256 : i32
      %mul3A_3147 = arith.muli %mul3A_3146, %sub3A_3140 : i32
      %dma_start3A_3148 = arith.constant 3 : i32
      %dma_start3A_3149 = arith.constant 3 : i32
      %dma_start3A_3150 = arith.constant 0 : i32
      %dma_start3A_3151 = arith.constant 0 : i32
      %dma_start3A_3152 = tpu.memref_slice %arg9[%dma_start3A_3148, %dma_start3A_3150, %dma_start3A_3151] : memref<4x8x256xf32, #tpu.memory_space<vmem>> -> memref<1x8x256xf32, #tpu.memory_space<vmem>>
      %dma_start3A_3153 = tpu.memref_squeeze %dma_start3A_3152 : memref<1x8x256xf32, #tpu.memory_space<vmem>> -> memref<8x256xf32, #tpu.memory_space<vmem>>
      %dma_start3A_3154 = tpu.memref_slice %arg11[%mul3A_3145, %mul3A_3147] : memref<288x768xf32, #tpu.memory_space<vmem_shared>> -> memref<8x256xf32, #tpu.memory_space<vmem_shared>>
      %dma_start3A_3155 = tpu.memref_slice %arg13[%dma_start3A_3149] : memref<4x!tpu.dma_semaphore, #tpu.memory_space<semaphore_mem>> -> memref<1x!tpu.dma_semaphore, #tpu.memory_space<semaphore_mem>>
      %dma_start3A_3156 = tpu.memref_squeeze %dma_start3A_3155 : memref<1x!tpu.dma_semaphore, #tpu.memory_space<semaphore_mem>> -> memref<!tpu.dma_semaphore, #tpu.memory_space<semaphore_mem>>
      %dma_start3A_3157 = arith.constant 0 : i32
      %dma_start3A_3158 = arith.constant 0 : i32
      %dma_start3A_3159 = tpu.memref_slice %arg9[%dma_start3A_3148, %dma_start3A_3157, %dma_start3A_3158] : memref<4x8x256xf32, #tpu.memory_space<vmem>> -> memref<1x8x256xf32, #tpu.memory_space<vmem>>
      %dma_start3A_3160 = tpu.memref_squeeze %dma_start3A_3159 : memref<1x8x256xf32, #tpu.memory_space<vmem>> -> memref<8x256xf32, #tpu.memory_space<vmem>>
      %dma_start3A_3161 = tpu.memref_slice %arg11[%mul3A_3145, %mul3A_3147] : memref<288x768xf32, #tpu.memory_space<vmem_shared>> -> memref<8x256xf32, #tpu.memory_space<vmem_shared>>
      tpu.enqueue_dma source(%dma_start3A_3161 : memref<8x256xf32, #tpu.memory_space<vmem_shared>>) target(%dma_start3A_3160 : memref<8x256xf32, #tpu.memory_space<vmem>>) target_semaphore(%dma_start3A_3156 : memref<!tpu.dma_semaphore, #tpu.memory_space<semaphore_mem>>)
    }
    %scan3A_673 = arith.constant 27 : i32
    %add3A_674 = arith.constant 1712 : i32
    %add3A_675 = arith.addi %arg1, %add3A_674 : i32
    %jit3A_676 = arith.constant 48 : i32
    %div3A_677 = arith.divsi %add3A_675, %jit3A_676 : i32
    %sign3A_678 = arith.constant 0 : i32
    %sign3A_679 = arith.cmpi sgt, %add3A_675, %sign3A_678 : i32
    %sign3A_680 = arith.extui %sign3A_679 : i1 to i32
    %sign3A_681 = arith.constant 0 : i32
    %sign3A_682 = arith.cmpi slt, %add3A_675, %sign3A_681 : i32
    %sign3A_683 = arith.extui %sign3A_682 : i1 to i32
    %sign3A_684 = arith.subi %sign3A_680, %sign3A_683 : i32
    %sign3A_685 = arith.constant 0 : i32
    %sign3A_686 = arith.cmpi sgt, %jit3A_676, %sign3A_685 : i32
    %sign3A_687 = arith.extui %sign3A_686 : i1 to i32
    %sign3A_688 = arith.constant 0 : i32
    %sign3A_689 = arith.cmpi slt, %jit3A_676, %sign3A_688 : i32
    %sign3A_690 = arith.extui %sign3A_689 : i1 to i32
    %sign3A_691 = arith.subi %sign3A_687, %sign3A_690 : i32
    %ne3A_692 = arith.cmpi ne, %sign3A_684, %sign3A_691 : i32
    %rem3A_693 = arith.remsi %add3A_675, %jit3A_676 : i32
    %ne3A_694 = arith.constant 0 : i32
    %ne3A_695 = arith.cmpi ne, %rem3A_693, %ne3A_694 : i32
    %and3A_696 = arith.andi %ne3A_692, %ne3A_695 : i1
    %sub3A_697 = arith.constant 1 : i32
    %sub3A_698 = arith.subi %div3A_677, %sub3A_697 : i32
    %select_n3A_699 = arith.select %and3A_696, %sub3A_698, %div3A_677 : i32
    %mul3A_700 = arith.constant 48 : i32
    %mul3A_701 = arith.muli %select_n3A_699, %mul3A_700 : i32
    %sub3A_702 = arith.subi %add3A_675, %mul3A_701 : i32
    %jit3A_703 = arith.constant 3 : i32
    %div3A_704 = arith.divsi %sub3A_702, %jit3A_703 : i32
    %sign3A_705 = arith.constant 0 : i32
    %sign3A_706 = arith.cmpi sgt, %sub3A_702, %sign3A_705 : i32
    %sign3A_707 = arith.extui %sign3A_706 : i1 to i32
    %sign3A_708 = arith.constant 0 : i32
    %sign3A_709 = arith.cmpi slt, %sub3A_702, %sign3A_708 : i32
    %sign3A_710 = arith.extui %sign3A_709 : i1 to i32
    %sign3A_711 = arith.subi %sign3A_707, %sign3A_710 : i32
    %sign3A_712 = arith.constant 0 : i32
    %sign3A_713 = arith.cmpi sgt, %jit3A_703, %sign3A_712 : i32
    %sign3A_714 = arith.extui %sign3A_713 : i1 to i32
    %sign3A_715 = arith.constant 0 : i32
    %sign3A_716 = arith.cmpi slt, %jit3A_703, %sign3A_715 : i32
    %sign3A_717 = arith.extui %sign3A_716 : i1 to i32
    %sign3A_718 = arith.subi %sign3A_714, %sign3A_717 : i32
    %ne3A_719 = arith.cmpi ne, %sign3A_711, %sign3A_718 : i32
    %rem3A_720 = arith.remsi %sub3A_702, %jit3A_703 : i32
    %ne3A_721 = arith.constant 0 : i32
    %ne3A_722 = arith.cmpi ne, %rem3A_720, %ne3A_721 : i32
    %and3A_723 = arith.andi %ne3A_719, %ne3A_722 : i1
    %sub3A_724 = arith.constant 1 : i32
    %sub3A_725 = arith.subi %div3A_704, %sub3A_724 : i32
    %select_n3A_726 = arith.select %and3A_723, %sub3A_725, %div3A_704 : i32
    %mul3A_727 = arith.constant 3 : i32
    %mul3A_728 = arith.muli %select_n3A_726, %mul3A_727 : i32
    %sub3A_729 = arith.subi %sub3A_702, %mul3A_728 : i32
    %mul3A_730 = arith.constant 36 : i32
    %mul3A_731 = arith.muli %arg0, %mul3A_730 : i32
    %add3A_732 = arith.addi %mul3A_731, %select_n3A_699 : i32
    %mul3A_733 = arith.constant 8 : i32
    %mul3A_734 = arith.muli %mul3A_733, %select_n3A_726 : i32
    %mul3A_735 = arith.constant 8 : i32
    %mul3A_736 = arith.muli %mul3A_735, %add3A_732 : i32
    %mul3A_737 = arith.constant 256 : i32
    %mul3A_738 = arith.muli %mul3A_737, %sub3A_729 : i32
    %dma_wait3A = arith.constant 0 : i32
    %dma_wait3A_739 = arith.constant 0 : i32
    %dma_wait3A_740 = arith.constant 0 : i32
    %dma_wait3A_741 = arith.constant 0 : i32
    %dma_wait3A_742 = arith.constant 0 : i32
    %dma_wait3A_743 = tpu.memref_slice %arg8[%dma_wait3A, %dma_wait3A_740, %dma_wait3A_741, %dma_wait3A_742] : memref<4x8x8x256xf32, #tpu.memory_space<vmem>> -> memref<1x8x8x256xf32, #tpu.memory_space<vmem>>
    %dma_wait3A_744 = tpu.memref_squeeze %dma_wait3A_743 : memref<1x8x8x256xf32, #tpu.memory_space<vmem>> -> memref<8x8x256xf32, #tpu.memory_space<vmem>>
    %dma_wait3A_745 = tpu.memref_slice %arg2[%mul3A_734, %mul3A_736, %mul3A_738] : memref<128x576x768xf32, #tpu.memory_space<hbm>> -> memref<8x8x256xf32, #tpu.memory_space<hbm>>
    %dma_wait3A_746 = tpu.memref_slice %arg12[%dma_wait3A_739] : memref<4x!tpu.dma_semaphore, #tpu.memory_space<semaphore_mem>> -> memref<1x!tpu.dma_semaphore, #tpu.memory_space<semaphore_mem>>
    %dma_wait3A_747 = tpu.memref_squeeze %dma_wait3A_746 : memref<1x!tpu.dma_semaphore, #tpu.memory_space<semaphore_mem>> -> memref<!tpu.dma_semaphore, #tpu.memory_space<semaphore_mem>>
    %dma_wait3A_748 = arith.constant 0 : i32
    %dma_wait3A_749 = arith.constant 0 : i32
    %dma_wait3A_750 = arith.constant 0 : i32
    %dma_wait3A_751 = tpu.memref_slice %arg8[%dma_wait3A, %dma_wait3A_748, %dma_wait3A_749, %dma_wait3A_750] : memref<4x8x8x256xf32, #tpu.memory_space<vmem>> -> memref<1x8x8x256xf32, #tpu.memory_space<vmem>>
    %dma_wait3A_752 = tpu.memref_squeeze %dma_wait3A_751 : memref<1x8x8x256xf32, #tpu.memory_space<vmem>> -> memref<8x8x256xf32, #tpu.memory_space<vmem>>
    %dma_wait3A_753 = tpu.memref_slice %arg2[%mul3A_734, %mul3A_736, %mul3A_738] : memref<128x576x768xf32, #tpu.memory_space<hbm>> -> memref<8x8x256xf32, #tpu.memory_space<hbm>>
    tpu.wait_dma2 semaphore(%dma_wait3A_747 : memref<!tpu.dma_semaphore, #tpu.memory_space<semaphore_mem>>) src(%dma_wait3A_753 : memref<8x8x256xf32, #tpu.memory_space<hbm>>) dst(%dma_wait3A_752 : memref<8x8x256xf32, #tpu.memory_space<vmem>>)
    %add3A_754 = arith.constant 1712 : i32
    %add3A_755 = arith.addi %arg1, %add3A_754 : i32
    %jit3A_756 = arith.constant 48 : i32
    %div3A_757 = arith.divsi %add3A_755, %jit3A_756 : i32
    %sign3A_758 = arith.constant 0 : i32
    %sign3A_759 = arith.cmpi sgt, %add3A_755, %sign3A_758 : i32
    %sign3A_760 = arith.extui %sign3A_759 : i1 to i32
    %sign3A_761 = arith.constant 0 : i32
    %sign3A_762 = arith.cmpi slt, %add3A_755, %sign3A_761 : i32
    %sign3A_763 = arith.extui %sign3A_762 : i1 to i32
    %sign3A_764 = arith.subi %sign3A_760, %sign3A_763 : i32
    %sign3A_765 = arith.constant 0 : i32
    %sign3A_766 = arith.cmpi sgt, %jit3A_756, %sign3A_765 : i32
    %sign3A_767 = arith.extui %sign3A_766 : i1 to i32
    %sign3A_768 = arith.constant 0 : i32
    %sign3A_769 = arith.cmpi slt, %jit3A_756, %sign3A_768 : i32
    %sign3A_770 = arith.extui %sign3A_769 : i1 to i32
    %sign3A_771 = arith.subi %sign3A_767, %sign3A_770 : i32
    %ne3A_772 = arith.cmpi ne, %sign3A_764, %sign3A_771 : i32
    %rem3A_773 = arith.remsi %add3A_755, %jit3A_756 : i32
    %ne3A_774 = arith.constant 0 : i32
    %ne3A_775 = arith.cmpi ne, %rem3A_773, %ne3A_774 : i32
    %and3A_776 = arith.andi %ne3A_772, %ne3A_775 : i1
    %sub3A_777 = arith.constant 1 : i32
    %sub3A_778 = arith.subi %div3A_757, %sub3A_777 : i32
    %select_n3A_779 = arith.select %and3A_776, %sub3A_778, %div3A_757 : i32
    %mul3A_780 = arith.constant 48 : i32
    %mul3A_781 = arith.muli %select_n3A_779, %mul3A_780 : i32
    %sub3A_782 = arith.subi %add3A_755, %mul3A_781 : i32
    %jit3A_783 = arith.constant 3 : i32
    %div3A_784 = arith.divsi %sub3A_782, %jit3A_783 : i32
    %sign3A_785 = arith.constant 0 : i32
    %sign3A_786 = arith.cmpi sgt, %sub3A_782, %sign3A_785 : i32
    %sign3A_787 = arith.extui %sign3A_786 : i1 to i32
    %sign3A_788 = arith.constant 0 : i32
    %sign3A_789 = arith.cmpi slt, %sub3A_782, %sign3A_788 : i32
    %sign3A_790 = arith.extui %sign3A_789 : i1 to i32
    %sign3A_791 = arith.subi %sign3A_787, %sign3A_790 : i32
    %sign3A_792 = arith.constant 0 : i32
    %sign3A_793 = arith.cmpi sgt, %jit3A_783, %sign3A_792 : i32
    %sign3A_794 = arith.extui %sign3A_793 : i1 to i32
    %sign3A_795 = arith.constant 0 : i32
    %sign3A_796 = arith.cmpi slt, %jit3A_783, %sign3A_795 : i32
    %sign3A_797 = arith.extui %sign3A_796 : i1 to i32
    %sign3A_798 = arith.subi %sign3A_794, %sign3A_797 : i32
    %ne3A_799 = arith.cmpi ne, %sign3A_791, %sign3A_798 : i32
    %rem3A_800 = arith.remsi %sub3A_782, %jit3A_783 : i32
    %ne3A_801 = arith.constant 0 : i32
    %ne3A_802 = arith.cmpi ne, %rem3A_800, %ne3A_801 : i32
    %and3A_803 = arith.andi %ne3A_799, %ne3A_802 : i1
    %sub3A_804 = arith.constant 1 : i32
    %sub3A_805 = arith.subi %div3A_784, %sub3A_804 : i32
    %select_n3A_806 = arith.select %and3A_803, %sub3A_805, %div3A_784 : i32
    %mul3A_807 = arith.constant 3 : i32
    %mul3A_808 = arith.muli %select_n3A_806, %mul3A_807 : i32
    %sub3A_809 = arith.subi %sub3A_782, %mul3A_808 : i32
    %mul3A_810 = arith.constant 36 : i32
    %mul3A_811 = arith.muli %arg0, %mul3A_810 : i32
    %add3A_812 = arith.addi %mul3A_811, %select_n3A_779 : i32
    %mul3A_813 = arith.constant 8 : i32
    %mul3A_814 = arith.muli %mul3A_813, %select_n3A_779 : i32
    %mul3A_815 = arith.constant 256 : i32
    %mul3A_816 = arith.muli %mul3A_815, %sub3A_809 : i32
    %dma_wait3A_817 = arith.constant 0 : i32
    %dma_wait3A_818 = arith.constant 0 : i32
    %dma_wait3A_819 = arith.constant 0 : i32
    %dma_wait3A_820 = arith.constant 0 : i32
    %dma_wait3A_821 = tpu.memref_slice %arg9[%dma_wait3A_817, %dma_wait3A_819, %dma_wait3A_820] : memref<4x8x256xf32, #tpu.memory_space<vmem>> -> memref<1x8x256xf32, #tpu.memory_space<vmem>>
    %dma_wait3A_822 = tpu.memref_squeeze %dma_wait3A_821 : memref<1x8x256xf32, #tpu.memory_space<vmem>> -> memref<8x256xf32, #tpu.memory_space<vmem>>
    %dma_wait3A_823 = tpu.memref_slice %arg11[%mul3A_814, %mul3A_816] : memref<288x768xf32, #tpu.memory_space<vmem_shared>> -> memref<8x256xf32, #tpu.memory_space<vmem_shared>>
    %dma_wait3A_824 = tpu.memref_slice %arg13[%dma_wait3A_818] : memref<4x!tpu.dma_semaphore, #tpu.memory_space<semaphore_mem>> -> memref<1x!tpu.dma_semaphore, #tpu.memory_space<semaphore_mem>>
    %dma_wait3A_825 = tpu.memref_squeeze %dma_wait3A_824 : memref<1x!tpu.dma_semaphore, #tpu.memory_space<semaphore_mem>> -> memref<!tpu.dma_semaphore, #tpu.memory_space<semaphore_mem>>
    %dma_wait3A_826 = arith.constant 0 : i32
    %dma_wait3A_827 = arith.constant 0 : i32
    %dma_wait3A_828 = tpu.memref_slice %arg9[%dma_wait3A_817, %dma_wait3A_826, %dma_wait3A_827] : memref<4x8x256xf32, #tpu.memory_space<vmem>> -> memref<1x8x256xf32, #tpu.memory_space<vmem>>
    %dma_wait3A_829 = tpu.memref_squeeze %dma_wait3A_828 : memref<1x8x256xf32, #tpu.memory_space<vmem>> -> memref<8x256xf32, #tpu.memory_space<vmem>>
    %dma_wait3A_830 = tpu.memref_slice %arg11[%mul3A_814, %mul3A_816] : memref<288x768xf32, #tpu.memory_space<vmem_shared>> -> memref<8x256xf32, #tpu.memory_space<vmem_shared>>
    tpu.wait_dma2 semaphore(%dma_wait3A_825 : memref<!tpu.dma_semaphore, #tpu.memory_space<semaphore_mem>>) src(%dma_wait3A_830 : memref<8x256xf32, #tpu.memory_space<vmem_shared>>) dst(%dma_wait3A_829 : memref<8x256xf32, #tpu.memory_space<vmem>>)
    %add3A_831 = arith.constant 1712 : i32
    %add3A_832 = arith.addi %arg1, %add3A_831 : i32
    %jit3A_833 = arith.constant 48 : i32
    %div3A_834 = arith.divsi %add3A_832, %jit3A_833 : i32
    %sign3A_835 = arith.constant 0 : i32
    %sign3A_836 = arith.cmpi sgt, %add3A_832, %sign3A_835 : i32
    %sign3A_837 = arith.extui %sign3A_836 : i1 to i32
    %sign3A_838 = arith.constant 0 : i32
    %sign3A_839 = arith.cmpi slt, %add3A_832, %sign3A_838 : i32
    %sign3A_840 = arith.extui %sign3A_839 : i1 to i32
    %sign3A_841 = arith.subi %sign3A_837, %sign3A_840 : i32
    %sign3A_842 = arith.constant 0 : i32
    %sign3A_843 = arith.cmpi sgt, %jit3A_833, %sign3A_842 : i32
    %sign3A_844 = arith.extui %sign3A_843 : i1 to i32
    %sign3A_845 = arith.constant 0 : i32
    %sign3A_846 = arith.cmpi slt, %jit3A_833, %sign3A_845 : i32
    %sign3A_847 = arith.extui %sign3A_846 : i1 to i32
    %sign3A_848 = arith.subi %sign3A_844, %sign3A_847 : i32
    %ne3A_849 = arith.cmpi ne, %sign3A_841, %sign3A_848 : i32
    %rem3A_850 = arith.remsi %add3A_832, %jit3A_833 : i32
    %ne3A_851 = arith.constant 0 : i32
    %ne3A_852 = arith.cmpi ne, %rem3A_850, %ne3A_851 : i32
    %and3A_853 = arith.andi %ne3A_849, %ne3A_852 : i1
    %sub3A_854 = arith.constant 1 : i32
    %sub3A_855 = arith.subi %div3A_834, %sub3A_854 : i32
    %select_n3A_856 = arith.select %and3A_853, %sub3A_855, %div3A_834 : i32
    %mul3A_857 = arith.constant 48 : i32
    %mul3A_858 = arith.muli %select_n3A_856, %mul3A_857 : i32
    %sub3A_859 = arith.subi %add3A_832, %mul3A_858 : i32
    %jit3A_860 = arith.constant 3 : i32
    %div3A_861 = arith.divsi %sub3A_859, %jit3A_860 : i32
    %sign3A_862 = arith.constant 0 : i32
    %sign3A_863 = arith.cmpi sgt, %sub3A_859, %sign3A_862 : i32
    %sign3A_864 = arith.extui %sign3A_863 : i1 to i32
    %sign3A_865 = arith.constant 0 : i32
    %sign3A_866 = arith.cmpi slt, %sub3A_859, %sign3A_865 : i32
    %sign3A_867 = arith.extui %sign3A_866 : i1 to i32
    %sign3A_868 = arith.subi %sign3A_864, %sign3A_867 : i32
    %sign3A_869 = arith.constant 0 : i32
    %sign3A_870 = arith.cmpi sgt, %jit3A_860, %sign3A_869 : i32
    %sign3A_871 = arith.extui %sign3A_870 : i1 to i32
    %sign3A_872 = arith.constant 0 : i32
    %sign3A_873 = arith.cmpi slt, %jit3A_860, %sign3A_872 : i32
    %sign3A_874 = arith.extui %sign3A_873 : i1 to i32
    %sign3A_875 = arith.subi %sign3A_871, %sign3A_874 : i32
    %ne3A_876 = arith.cmpi ne, %sign3A_868, %sign3A_875 : i32
    %rem3A_877 = arith.remsi %sub3A_859, %jit3A_860 : i32
    %ne3A_878 = arith.constant 0 : i32
    %ne3A_879 = arith.cmpi ne, %rem3A_877, %ne3A_878 : i32
    %and3A_880 = arith.andi %ne3A_876, %ne3A_879 : i1
    %sub3A_881 = arith.constant 1 : i32
    %sub3A_882 = arith.subi %div3A_861, %sub3A_881 : i32
    %select_n3A_883 = arith.select %and3A_880, %sub3A_882, %div3A_861 : i32
    %mul3A_884 = arith.constant 3 : i32
    %mul3A_885 = arith.muli %select_n3A_883, %mul3A_884 : i32
    %sub3A_886 = arith.subi %sub3A_859, %mul3A_885 : i32
    %mul3A_887 = arith.constant 36 : i32
    %mul3A_888 = arith.muli %arg0, %mul3A_887 : i32
    %add3A_889 = arith.addi %mul3A_888, %select_n3A_856 : i32
    %mul3A_890 = arith.constant 8 : i32
    %mul3A_891 = arith.muli %mul3A_890, %select_n3A_883 : i32
    %mul3A_892 = arith.constant 8 : i32
    %mul3A_893 = arith.muli %mul3A_892, %add3A_889 : i32
    %mul3A_894 = arith.constant 256 : i32
    %mul3A_895 = arith.muli %mul3A_894, %sub3A_886 : i32
    %dma_wait3A_896 = arith.constant 1 : i32
    %dma_wait3A_897 = arith.constant 1 : i32
    %dma_wait3A_898 = arith.constant 0 : i32
    %dma_wait3A_899 = arith.constant 0 : i32
    %dma_wait3A_900 = arith.constant 0 : i32
    %dma_wait3A_901 = tpu.memref_slice %arg8[%dma_wait3A_896, %dma_wait3A_898, %dma_wait3A_899, %dma_wait3A_900] : memref<4x8x8x256xf32, #tpu.memory_space<vmem>> -> memref<1x8x8x256xf32, #tpu.memory_space<vmem>>
    %dma_wait3A_902 = tpu.memref_squeeze %dma_wait3A_901 : memref<1x8x8x256xf32, #tpu.memory_space<vmem>> -> memref<8x8x256xf32, #tpu.memory_space<vmem>>
    %dma_wait3A_903 = tpu.memref_slice %arg2[%mul3A_891, %mul3A_893, %mul3A_895] : memref<128x576x768xf32, #tpu.memory_space<hbm>> -> memref<8x8x256xf32, #tpu.memory_space<hbm>>
    %dma_wait3A_904 = tpu.memref_slice %arg12[%dma_wait3A_897] : memref<4x!tpu.dma_semaphore, #tpu.memory_space<semaphore_mem>> -> memref<1x!tpu.dma_semaphore, #tpu.memory_space<semaphore_mem>>
    %dma_wait3A_905 = tpu.memref_squeeze %dma_wait3A_904 : memref<1x!tpu.dma_semaphore, #tpu.memory_space<semaphore_mem>> -> memref<!tpu.dma_semaphore, #tpu.memory_space<semaphore_mem>>
    %dma_wait3A_906 = arith.constant 0 : i32
    %dma_wait3A_907 = arith.constant 0 : i32
    %dma_wait3A_908 = arith.constant 0 : i32
    %dma_wait3A_909 = tpu.memref_slice %arg8[%dma_wait3A_896, %dma_wait3A_906, %dma_wait3A_907, %dma_wait3A_908] : memref<4x8x8x256xf32, #tpu.memory_space<vmem>> -> memref<1x8x8x256xf32, #tpu.memory_space<vmem>>
    %dma_wait3A_910 = tpu.memref_squeeze %dma_wait3A_909 : memref<1x8x8x256xf32, #tpu.memory_space<vmem>> -> memref<8x8x256xf32, #tpu.memory_space<vmem>>
    %dma_wait3A_911 = tpu.memref_slice %arg2[%mul3A_891, %mul3A_893, %mul3A_895] : memref<128x576x768xf32, #tpu.memory_space<hbm>> -> memref<8x8x256xf32, #tpu.memory_space<hbm>>
    tpu.wait_dma2 semaphore(%dma_wait3A_905 : memref<!tpu.dma_semaphore, #tpu.memory_space<semaphore_mem>>) src(%dma_wait3A_911 : memref<8x8x256xf32, #tpu.memory_space<hbm>>) dst(%dma_wait3A_910 : memref<8x8x256xf32, #tpu.memory_space<vmem>>)
    %add3A_912 = arith.constant 1712 : i32
    %add3A_913 = arith.addi %arg1, %add3A_912 : i32
    %jit3A_914 = arith.constant 48 : i32
    %div3A_915 = arith.divsi %add3A_913, %jit3A_914 : i32
    %sign3A_916 = arith.constant 0 : i32
    %sign3A_917 = arith.cmpi sgt, %add3A_913, %sign3A_916 : i32
    %sign3A_918 = arith.extui %sign3A_917 : i1 to i32
    %sign3A_919 = arith.constant 0 : i32
    %sign3A_920 = arith.cmpi slt, %add3A_913, %sign3A_919 : i32
    %sign3A_921 = arith.extui %sign3A_920 : i1 to i32
    %sign3A_922 = arith.subi %sign3A_918, %sign3A_921 : i32
    %sign3A_923 = arith.constant 0 : i32
    %sign3A_924 = arith.cmpi sgt, %jit3A_914, %sign3A_923 : i32
    %sign3A_925 = arith.extui %sign3A_924 : i1 to i32
    %sign3A_926 = arith.constant 0 : i32
    %sign3A_927 = arith.cmpi slt, %jit3A_914, %sign3A_926 : i32
    %sign3A_928 = arith.extui %sign3A_927 : i1 to i32
    %sign3A_929 = arith.subi %sign3A_925, %sign3A_928 : i32
    %ne3A_930 = arith.cmpi ne, %sign3A_922, %sign3A_929 : i32
    %rem3A_931 = arith.remsi %add3A_913, %jit3A_914 : i32
    %ne3A_932 = arith.constant 0 : i32
    %ne3A_933 = arith.cmpi ne, %rem3A_931, %ne3A_932 : i32
    %and3A_934 = arith.andi %ne3A_930, %ne3A_933 : i1
    %sub3A_935 = arith.constant 1 : i32
    %sub3A_936 = arith.subi %div3A_915, %sub3A_935 : i32
    %select_n3A_937 = arith.select %and3A_934, %sub3A_936, %div3A_915 : i32
    %mul3A_938 = arith.constant 48 : i32
    %mul3A_939 = arith.muli %select_n3A_937, %mul3A_938 : i32
    %sub3A_940 = arith.subi %add3A_913, %mul3A_939 : i32
    %jit3A_941 = arith.constant 3 : i32
    %div3A_942 = arith.divsi %sub3A_940, %jit3A_941 : i32
    %sign3A_943 = arith.constant 0 : i32
    %sign3A_944 = arith.cmpi sgt, %sub3A_940, %sign3A_943 : i32
    %sign3A_945 = arith.extui %sign3A_944 : i1 to i32
    %sign3A_946 = arith.constant 0 : i32
    %sign3A_947 = arith.cmpi slt, %sub3A_940, %sign3A_946 : i32
    %sign3A_948 = arith.extui %sign3A_947 : i1 to i32
    %sign3A_949 = arith.subi %sign3A_945, %sign3A_948 : i32
    %sign3A_950 = arith.constant 0 : i32
    %sign3A_951 = arith.cmpi sgt, %jit3A_941, %sign3A_950 : i32
    %sign3A_952 = arith.extui %sign3A_951 : i1 to i32
    %sign3A_953 = arith.constant 0 : i32
    %sign3A_954 = arith.cmpi slt, %jit3A_941, %sign3A_953 : i32
    %sign3A_955 = arith.extui %sign3A_954 : i1 to i32
    %sign3A_956 = arith.subi %sign3A_952, %sign3A_955 : i32
    %ne3A_957 = arith.cmpi ne, %sign3A_949, %sign3A_956 : i32
    %rem3A_958 = arith.remsi %sub3A_940, %jit3A_941 : i32
    %ne3A_959 = arith.constant 0 : i32
    %ne3A_960 = arith.cmpi ne, %rem3A_958, %ne3A_959 : i32
    %and3A_961 = arith.andi %ne3A_957, %ne3A_960 : i1
    %sub3A_962 = arith.constant 1 : i32
    %sub3A_963 = arith.subi %div3A_942, %sub3A_962 : i32
    %select_n3A_964 = arith.select %and3A_961, %sub3A_963, %div3A_942 : i32
    %mul3A_965 = arith.constant 3 : i32
    %mul3A_966 = arith.muli %select_n3A_964, %mul3A_965 : i32
    %sub3A_967 = arith.subi %sub3A_940, %mul3A_966 : i32
    %mul3A_968 = arith.constant 36 : i32
    %mul3A_969 = arith.muli %arg0, %mul3A_968 : i32
    %add3A_970 = arith.addi %mul3A_969, %select_n3A_937 : i32
    %mul3A_971 = arith.constant 8 : i32
    %mul3A_972 = arith.muli %mul3A_971, %select_n3A_937 : i32
    %mul3A_973 = arith.constant 256 : i32
    %mul3A_974 = arith.muli %mul3A_973, %sub3A_967 : i32
    %dma_wait3A_975 = arith.constant 1 : i32
    %dma_wait3A_976 = arith.constant 1 : i32
    %dma_wait3A_977 = arith.constant 0 : i32
    %dma_wait3A_978 = arith.constant 0 : i32
    %dma_wait3A_979 = tpu.memref_slice %arg9[%dma_wait3A_975, %dma_wait3A_977, %dma_wait3A_978] : memref<4x8x256xf32, #tpu.memory_space<vmem>> -> memref<1x8x256xf32, #tpu.memory_space<vmem>>
    %dma_wait3A_980 = tpu.memref_squeeze %dma_wait3A_979 : memref<1x8x256xf32, #tpu.memory_space<vmem>> -> memref<8x256xf32, #tpu.memory_space<vmem>>
    %dma_wait3A_981 = tpu.memref_slice %arg11[%mul3A_972, %mul3A_974] : memref<288x768xf32, #tpu.memory_space<vmem_shared>> -> memref<8x256xf32, #tpu.memory_space<vmem_shared>>
    %dma_wait3A_982 = tpu.memref_slice %arg13[%dma_wait3A_976] : memref<4x!tpu.dma_semaphore, #tpu.memory_space<semaphore_mem>> -> memref<1x!tpu.dma_semaphore, #tpu.memory_space<semaphore_mem>>
    %dma_wait3A_983 = tpu.memref_squeeze %dma_wait3A_982 : memref<1x!tpu.dma_semaphore, #tpu.memory_space<semaphore_mem>> -> memref<!tpu.dma_semaphore, #tpu.memory_space<semaphore_mem>>
    %dma_wait3A_984 = arith.constant 0 : i32
    %dma_wait3A_985 = arith.constant 0 : i32
    %dma_wait3A_986 = tpu.memref_slice %arg9[%dma_wait3A_975, %dma_wait3A_984, %dma_wait3A_985] : memref<4x8x256xf32, #tpu.memory_space<vmem>> -> memref<1x8x256xf32, #tpu.memory_space<vmem>>
    %dma_wait3A_987 = tpu.memref_squeeze %dma_wait3A_986 : memref<1x8x256xf32, #tpu.memory_space<vmem>> -> memref<8x256xf32, #tpu.memory_space<vmem>>
    %dma_wait3A_988 = tpu.memref_slice %arg11[%mul3A_972, %mul3A_974] : memref<288x768xf32, #tpu.memory_space<vmem_shared>> -> memref<8x256xf32, #tpu.memory_space<vmem_shared>>
    tpu.wait_dma2 semaphore(%dma_wait3A_983 : memref<!tpu.dma_semaphore, #tpu.memory_space<semaphore_mem>>) src(%dma_wait3A_988 : memref<8x256xf32, #tpu.memory_space<vmem_shared>>) dst(%dma_wait3A_987 : memref<8x256xf32, #tpu.memory_space<vmem>>)
    %add3A_989 = arith.constant 1712 : i32
    %add3A_990 = arith.addi %arg1, %add3A_989 : i32
    %jit3A_991 = arith.constant 48 : i32
    %div3A_992 = arith.divsi %add3A_990, %jit3A_991 : i32
    %sign3A_993 = arith.constant 0 : i32
    %sign3A_994 = arith.cmpi sgt, %add3A_990, %sign3A_993 : i32
    %sign3A_995 = arith.extui %sign3A_994 : i1 to i32
    %sign3A_996 = arith.constant 0 : i32
    %sign3A_997 = arith.cmpi slt, %add3A_990, %sign3A_996 : i32
    %sign3A_998 = arith.extui %sign3A_997 : i1 to i32
    %sign3A_999 = arith.subi %sign3A_995, %sign3A_998 : i32
    %sign3A_1000 = arith.constant 0 : i32
    %sign3A_1001 = arith.cmpi sgt, %jit3A_991, %sign3A_1000 : i32
    %sign3A_1002 = arith.extui %sign3A_1001 : i1 to i32
    %sign3A_1003 = arith.constant 0 : i32
    %sign3A_1004 = arith.cmpi slt, %jit3A_991, %sign3A_1003 : i32
    %sign3A_1005 = arith.extui %sign3A_1004 : i1 to i32
    %sign3A_1006 = arith.subi %sign3A_1002, %sign3A_1005 : i32
    %ne3A_1007 = arith.cmpi ne, %sign3A_999, %sign3A_1006 : i32
    %rem3A_1008 = arith.remsi %add3A_990, %jit3A_991 : i32
    %ne3A_1009 = arith.constant 0 : i32
    %ne3A_1010 = arith.cmpi ne, %rem3A_1008, %ne3A_1009 : i32
    %and3A_1011 = arith.andi %ne3A_1007, %ne3A_1010 : i1
    %sub3A_1012 = arith.constant 1 : i32
    %sub3A_1013 = arith.subi %div3A_992, %sub3A_1012 : i32
    %select_n3A_1014 = arith.select %and3A_1011, %sub3A_1013, %div3A_992 : i32
    %mul3A_1015 = arith.constant 48 : i32
    %mul3A_1016 = arith.muli %select_n3A_1014, %mul3A_1015 : i32
    %sub3A_1017 = arith.subi %add3A_990, %mul3A_1016 : i32
    %jit3A_1018 = arith.constant 3 : i32
    %div3A_1019 = arith.divsi %sub3A_1017, %jit3A_1018 : i32
    %sign3A_1020 = arith.constant 0 : i32
    %sign3A_1021 = arith.cmpi sgt, %sub3A_1017, %sign3A_1020 : i32
    %sign3A_1022 = arith.extui %sign3A_1021 : i1 to i32
    %sign3A_1023 = arith.constant 0 : i32
    %sign3A_1024 = arith.cmpi slt, %sub3A_1017, %sign3A_1023 : i32
    %sign3A_1025 = arith.extui %sign3A_1024 : i1 to i32
    %sign3A_1026 = arith.subi %sign3A_1022, %sign3A_1025 : i32
    %sign3A_1027 = arith.constant 0 : i32
    %sign3A_1028 = arith.cmpi sgt, %jit3A_1018, %sign3A_1027 : i32
    %sign3A_1029 = arith.extui %sign3A_1028 : i1 to i32
    %sign3A_1030 = arith.constant 0 : i32
    %sign3A_1031 = arith.cmpi slt, %jit3A_1018, %sign3A_1030 : i32
    %sign3A_1032 = arith.extui %sign3A_1031 : i1 to i32
    %sign3A_1033 = arith.subi %sign3A_1029, %sign3A_1032 : i32
    %ne3A_1034 = arith.cmpi ne, %sign3A_1026, %sign3A_1033 : i32
    %rem3A_1035 = arith.remsi %sub3A_1017, %jit3A_1018 : i32
    %ne3A_1036 = arith.constant 0 : i32
    %ne3A_1037 = arith.cmpi ne, %rem3A_1035, %ne3A_1036 : i32
    %and3A_1038 = arith.andi %ne3A_1034, %ne3A_1037 : i1
    %sub3A_1039 = arith.constant 1 : i32
    %sub3A_1040 = arith.subi %div3A_1019, %sub3A_1039 : i32
    %select_n3A_1041 = arith.select %and3A_1038, %sub3A_1040, %div3A_1019 : i32
    %mul3A_1042 = arith.constant 3 : i32
    %mul3A_1043 = arith.muli %select_n3A_1041, %mul3A_1042 : i32
    %sub3A_1044 = arith.subi %sub3A_1017, %mul3A_1043 : i32
    %mul3A_1045 = arith.constant 36 : i32
    %mul3A_1046 = arith.muli %arg0, %mul3A_1045 : i32
    %add3A_1047 = arith.addi %mul3A_1046, %select_n3A_1014 : i32
    %mul3A_1048 = arith.constant 8 : i32
    %mul3A_1049 = arith.muli %mul3A_1048, %select_n3A_1041 : i32
    %mul3A_1050 = arith.constant 8 : i32
    %mul3A_1051 = arith.muli %mul3A_1050, %add3A_1047 : i32
    %mul3A_1052 = arith.constant 256 : i32
    %mul3A_1053 = arith.muli %mul3A_1052, %sub3A_1044 : i32
    %dma_wait3A_1054 = arith.constant 2 : i32
    %dma_wait3A_1055 = arith.constant 2 : i32
    %dma_wait3A_1056 = arith.constant 0 : i32
    %dma_wait3A_1057 = arith.constant 0 : i32
    %dma_wait3A_1058 = arith.constant 0 : i32
    %dma_wait3A_1059 = tpu.memref_slice %arg8[%dma_wait3A_1054, %dma_wait3A_1056, %dma_wait3A_1057, %dma_wait3A_1058] : memref<4x8x8x256xf32, #tpu.memory_space<vmem>> -> memref<1x8x8x256xf32, #tpu.memory_space<vmem>>
    %dma_wait3A_1060 = tpu.memref_squeeze %dma_wait3A_1059 : memref<1x8x8x256xf32, #tpu.memory_space<vmem>> -> memref<8x8x256xf32, #tpu.memory_space<vmem>>
    %dma_wait3A_1061 = tpu.memref_slice %arg2[%mul3A_1049, %mul3A_1051, %mul3A_1053] : memref<128x576x768xf32, #tpu.memory_space<hbm>> -> memref<8x8x256xf32, #tpu.memory_space<hbm>>
    %dma_wait3A_1062 = tpu.memref_slice %arg12[%dma_wait3A_1055] : memref<4x!tpu.dma_semaphore, #tpu.memory_space<semaphore_mem>> -> memref<1x!tpu.dma_semaphore, #tpu.memory_space<semaphore_mem>>
    %dma_wait3A_1063 = tpu.memref_squeeze %dma_wait3A_1062 : memref<1x!tpu.dma_semaphore, #tpu.memory_space<semaphore_mem>> -> memref<!tpu.dma_semaphore, #tpu.memory_space<semaphore_mem>>
    %dma_wait3A_1064 = arith.constant 0 : i32
    %dma_wait3A_1065 = arith.constant 0 : i32
    %dma_wait3A_1066 = arith.constant 0 : i32
    %dma_wait3A_1067 = tpu.memref_slice %arg8[%dma_wait3A_1054, %dma_wait3A_1064, %dma_wait3A_1065, %dma_wait3A_1066] : memref<4x8x8x256xf32, #tpu.memory_space<vmem>> -> memref<1x8x8x256xf32, #tpu.memory_space<vmem>>
    %dma_wait3A_1068 = tpu.memref_squeeze %dma_wait3A_1067 : memref<1x8x8x256xf32, #tpu.memory_space<vmem>> -> memref<8x8x256xf32, #tpu.memory_space<vmem>>
    %dma_wait3A_1069 = tpu.memref_slice %arg2[%mul3A_1049, %mul3A_1051, %mul3A_1053] : memref<128x576x768xf32, #tpu.memory_space<hbm>> -> memref<8x8x256xf32, #tpu.memory_space<hbm>>
    tpu.wait_dma2 semaphore(%dma_wait3A_1063 : memref<!tpu.dma_semaphore, #tpu.memory_space<semaphore_mem>>) src(%dma_wait3A_1069 : memref<8x8x256xf32, #tpu.memory_space<hbm>>) dst(%dma_wait3A_1068 : memref<8x8x256xf32, #tpu.memory_space<vmem>>)
    %add3A_1070 = arith.constant 1712 : i32
    %add3A_1071 = arith.addi %arg1, %add3A_1070 : i32
    %jit3A_1072 = arith.constant 48 : i32
    %div3A_1073 = arith.divsi %add3A_1071, %jit3A_1072 : i32
    %sign3A_1074 = arith.constant 0 : i32
    %sign3A_1075 = arith.cmpi sgt, %add3A_1071, %sign3A_1074 : i32
    %sign3A_1076 = arith.extui %sign3A_1075 : i1 to i32
    %sign3A_1077 = arith.constant 0 : i32
    %sign3A_1078 = arith.cmpi slt, %add3A_1071, %sign3A_1077 : i32
    %sign3A_1079 = arith.extui %sign3A_1078 : i1 to i32
    %sign3A_1080 = arith.subi %sign3A_1076, %sign3A_1079 : i32
    %sign3A_1081 = arith.constant 0 : i32
    %sign3A_1082 = arith.cmpi sgt, %jit3A_1072, %sign3A_1081 : i32
    %sign3A_1083 = arith.extui %sign3A_1082 : i1 to i32
    %sign3A_1084 = arith.constant 0 : i32
    %sign3A_1085 = arith.cmpi slt, %jit3A_1072, %sign3A_1084 : i32
    %sign3A_1086 = arith.extui %sign3A_1085 : i1 to i32
    %sign3A_1087 = arith.subi %sign3A_1083, %sign3A_1086 : i32
    %ne3A_1088 = arith.cmpi ne, %sign3A_1080, %sign3A_1087 : i32
    %rem3A_1089 = arith.remsi %add3A_1071, %jit3A_1072 : i32
    %ne3A_1090 = arith.constant 0 : i32
    %ne3A_1091 = arith.cmpi ne, %rem3A_1089, %ne3A_1090 : i32
    %and3A_1092 = arith.andi %ne3A_1088, %ne3A_1091 : i1
    %sub3A_1093 = arith.constant 1 : i32
    %sub3A_1094 = arith.subi %div3A_1073, %sub3A_1093 : i32
    %select_n3A_1095 = arith.select %and3A_1092, %sub3A_1094, %div3A_1073 : i32
    %mul3A_1096 = arith.constant 48 : i32
    %mul3A_1097 = arith.muli %select_n3A_1095, %mul3A_1096 : i32
    %sub3A_1098 = arith.subi %add3A_1071, %mul3A_1097 : i32
    %jit3A_1099 = arith.constant 3 : i32
    %div3A_1100 = arith.divsi %sub3A_1098, %jit3A_1099 : i32
    %sign3A_1101 = arith.constant 0 : i32
    %sign3A_1102 = arith.cmpi sgt, %sub3A_1098, %sign3A_1101 : i32
    %sign3A_1103 = arith.extui %sign3A_1102 : i1 to i32
    %sign3A_1104 = arith.constant 0 : i32
    %sign3A_1105 = arith.cmpi slt, %sub3A_1098, %sign3A_1104 : i32
    %sign3A_1106 = arith.extui %sign3A_1105 : i1 to i32
    %sign3A_1107 = arith.subi %sign3A_1103, %sign3A_1106 : i32
    %sign3A_1108 = arith.constant 0 : i32
    %sign3A_1109 = arith.cmpi sgt, %jit3A_1099, %sign3A_1108 : i32
    %sign3A_1110 = arith.extui %sign3A_1109 : i1 to i32
    %sign3A_1111 = arith.constant 0 : i32
    %sign3A_1112 = arith.cmpi slt, %jit3A_1099, %sign3A_1111 : i32
    %sign3A_1113 = arith.extui %sign3A_1112 : i1 to i32
    %sign3A_1114 = arith.subi %sign3A_1110, %sign3A_1113 : i32
    %ne3A_1115 = arith.cmpi ne, %sign3A_1107, %sign3A_1114 : i32
    %rem3A_1116 = arith.remsi %sub3A_1098, %jit3A_1099 : i32
    %ne3A_1117 = arith.constant 0 : i32
    %ne3A_1118 = arith.cmpi ne, %rem3A_1116, %ne3A_1117 : i32
    %and3A_1119 = arith.andi %ne3A_1115, %ne3A_1118 : i1
    %sub3A_1120 = arith.constant 1 : i32
    %sub3A_1121 = arith.subi %div3A_1100, %sub3A_1120 : i32
    %select_n3A_1122 = arith.select %and3A_1119, %sub3A_1121, %div3A_1100 : i32
    %mul3A_1123 = arith.constant 3 : i32
    %mul3A_1124 = arith.muli %select_n3A_1122, %mul3A_1123 : i32
    %sub3A_1125 = arith.subi %sub3A_1098, %mul3A_1124 : i32
    %mul3A_1126 = arith.constant 36 : i32
    %mul3A_1127 = arith.muli %arg0, %mul3A_1126 : i32
    %add3A_1128 = arith.addi %mul3A_1127, %select_n3A_1095 : i32
    %mul3A_1129 = arith.constant 8 : i32
    %mul3A_1130 = arith.muli %mul3A_1129, %select_n3A_1095 : i32
    %mul3A_1131 = arith.constant 256 : i32
    %mul3A_1132 = arith.muli %mul3A_1131, %sub3A_1125 : i32
    %dma_wait3A_1133 = arith.constant 2 : i32
    %dma_wait3A_1134 = arith.constant 2 : i32
    %dma_wait3A_1135 = arith.constant 0 : i32
    %dma_wait3A_1136 = arith.constant 0 : i32
    %dma_wait3A_1137 = tpu.memref_slice %arg9[%dma_wait3A_1133, %dma_wait3A_1135, %dma_wait3A_1136] : memref<4x8x256xf32, #tpu.memory_space<vmem>> -> memref<1x8x256xf32, #tpu.memory_space<vmem>>
    %dma_wait3A_1138 = tpu.memref_squeeze %dma_wait3A_1137 : memref<1x8x256xf32, #tpu.memory_space<vmem>> -> memref<8x256xf32, #tpu.memory_space<vmem>>
    %dma_wait3A_1139 = tpu.memref_slice %arg11[%mul3A_1130, %mul3A_1132] : memref<288x768xf32, #tpu.memory_space<vmem_shared>> -> memref<8x256xf32, #tpu.memory_space<vmem_shared>>
    %dma_wait3A_1140 = tpu.memref_slice %arg13[%dma_wait3A_1134] : memref<4x!tpu.dma_semaphore, #tpu.memory_space<semaphore_mem>> -> memref<1x!tpu.dma_semaphore, #tpu.memory_space<semaphore_mem>>
    %dma_wait3A_1141 = tpu.memref_squeeze %dma_wait3A_1140 : memref<1x!tpu.dma_semaphore, #tpu.memory_space<semaphore_mem>> -> memref<!tpu.dma_semaphore, #tpu.memory_space<semaphore_mem>>
    %dma_wait3A_1142 = arith.constant 0 : i32
    %dma_wait3A_1143 = arith.constant 0 : i32
    %dma_wait3A_1144 = tpu.memref_slice %arg9[%dma_wait3A_1133, %dma_wait3A_1142, %dma_wait3A_1143] : memref<4x8x256xf32, #tpu.memory_space<vmem>> -> memref<1x8x256xf32, #tpu.memory_space<vmem>>
    %dma_wait3A_1145 = tpu.memref_squeeze %dma_wait3A_1144 : memref<1x8x256xf32, #tpu.memory_space<vmem>> -> memref<8x256xf32, #tpu.memory_space<vmem>>
    %dma_wait3A_1146 = tpu.memref_slice %arg11[%mul3A_1130, %mul3A_1132] : memref<288x768xf32, #tpu.memory_space<vmem_shared>> -> memref<8x256xf32, #tpu.memory_space<vmem_shared>>
    tpu.wait_dma2 semaphore(%dma_wait3A_1141 : memref<!tpu.dma_semaphore, #tpu.memory_space<semaphore_mem>>) src(%dma_wait3A_1146 : memref<8x256xf32, #tpu.memory_space<vmem_shared>>) dst(%dma_wait3A_1145 : memref<8x256xf32, #tpu.memory_space<vmem>>)
    %add3A_1147 = arith.constant 1712 : i32
    %add3A_1148 = arith.addi %arg1, %add3A_1147 : i32
    %jit3A_1149 = arith.constant 48 : i32
    %div3A_1150 = arith.divsi %add3A_1148, %jit3A_1149 : i32
    %sign3A_1151 = arith.constant 0 : i32
    %sign3A_1152 = arith.cmpi sgt, %add3A_1148, %sign3A_1151 : i32
    %sign3A_1153 = arith.extui %sign3A_1152 : i1 to i32
    %sign3A_1154 = arith.constant 0 : i32
    %sign3A_1155 = arith.cmpi slt, %add3A_1148, %sign3A_1154 : i32
    %sign3A_1156 = arith.extui %sign3A_1155 : i1 to i32
    %sign3A_1157 = arith.subi %sign3A_1153, %sign3A_1156 : i32
    %sign3A_1158 = arith.constant 0 : i32
    %sign3A_1159 = arith.cmpi sgt, %jit3A_1149, %sign3A_1158 : i32
    %sign3A_1160 = arith.extui %sign3A_1159 : i1 to i32
    %sign3A_1161 = arith.constant 0 : i32
    %sign3A_1162 = arith.cmpi slt, %jit3A_1149, %sign3A_1161 : i32
    %sign3A_1163 = arith.extui %sign3A_1162 : i1 to i32
    %sign3A_1164 = arith.subi %sign3A_1160, %sign3A_1163 : i32
    %ne3A_1165 = arith.cmpi ne, %sign3A_1157, %sign3A_1164 : i32
    %rem3A_1166 = arith.remsi %add3A_1148, %jit3A_1149 : i32
    %ne3A_1167 = arith.constant 0 : i32
    %ne3A_1168 = arith.cmpi ne, %rem3A_1166, %ne3A_1167 : i32
    %and3A_1169 = arith.andi %ne3A_1165, %ne3A_1168 : i1
    %sub3A_1170 = arith.constant 1 : i32
    %sub3A_1171 = arith.subi %div3A_1150, %sub3A_1170 : i32
    %select_n3A_1172 = arith.select %and3A_1169, %sub3A_1171, %div3A_1150 : i32
    %mul3A_1173 = arith.constant 48 : i32
    %mul3A_1174 = arith.muli %select_n3A_1172, %mul3A_1173 : i32
    %sub3A_1175 = arith.subi %add3A_1148, %mul3A_1174 : i32
    %jit3A_1176 = arith.constant 3 : i32
    %div3A_1177 = arith.divsi %sub3A_1175, %jit3A_1176 : i32
    %sign3A_1178 = arith.constant 0 : i32
    %sign3A_1179 = arith.cmpi sgt, %sub3A_1175, %sign3A_1178 : i32
    %sign3A_1180 = arith.extui %sign3A_1179 : i1 to i32
    %sign3A_1181 = arith.constant 0 : i32
    %sign3A_1182 = arith.cmpi slt, %sub3A_1175, %sign3A_1181 : i32
    %sign3A_1183 = arith.extui %sign3A_1182 : i1 to i32
    %sign3A_1184 = arith.subi %sign3A_1180, %sign3A_1183 : i32
    %sign3A_1185 = arith.constant 0 : i32
    %sign3A_1186 = arith.cmpi sgt, %jit3A_1176, %sign3A_1185 : i32
    %sign3A_1187 = arith.extui %sign3A_1186 : i1 to i32
    %sign3A_1188 = arith.constant 0 : i32
    %sign3A_1189 = arith.cmpi slt, %jit3A_1176, %sign3A_1188 : i32
    %sign3A_1190 = arith.extui %sign3A_1189 : i1 to i32
    %sign3A_1191 = arith.subi %sign3A_1187, %sign3A_1190 : i32
    %ne3A_1192 = arith.cmpi ne, %sign3A_1184, %sign3A_1191 : i32
    %rem3A_1193 = arith.remsi %sub3A_1175, %jit3A_1176 : i32
    %ne3A_1194 = arith.constant 0 : i32
    %ne3A_1195 = arith.cmpi ne, %rem3A_1193, %ne3A_1194 : i32
    %and3A_1196 = arith.andi %ne3A_1192, %ne3A_1195 : i1
    %sub3A_1197 = arith.constant 1 : i32
    %sub3A_1198 = arith.subi %div3A_1177, %sub3A_1197 : i32
    %select_n3A_1199 = arith.select %and3A_1196, %sub3A_1198, %div3A_1177 : i32
    %mul3A_1200 = arith.constant 3 : i32
    %mul3A_1201 = arith.muli %select_n3A_1199, %mul3A_1200 : i32
    %sub3A_1202 = arith.subi %sub3A_1175, %mul3A_1201 : i32
    %mul3A_1203 = arith.constant 36 : i32
    %mul3A_1204 = arith.muli %arg0, %mul3A_1203 : i32
    %add3A_1205 = arith.addi %mul3A_1204, %select_n3A_1172 : i32
    %mul3A_1206 = arith.constant 8 : i32
    %mul3A_1207 = arith.muli %mul3A_1206, %select_n3A_1199 : i32
    %mul3A_1208 = arith.constant 8 : i32
    %mul3A_1209 = arith.muli %mul3A_1208, %add3A_1205 : i32
    %mul3A_1210 = arith.constant 256 : i32
    %mul3A_1211 = arith.muli %mul3A_1210, %sub3A_1202 : i32
    %dma_wait3A_1212 = arith.constant 3 : i32
    %dma_wait3A_1213 = arith.constant 3 : i32
    %dma_wait3A_1214 = arith.constant 0 : i32
    %dma_wait3A_1215 = arith.constant 0 : i32
    %dma_wait3A_1216 = arith.constant 0 : i32
    %dma_wait3A_1217 = tpu.memref_slice %arg8[%dma_wait3A_1212, %dma_wait3A_1214, %dma_wait3A_1215, %dma_wait3A_1216] : memref<4x8x8x256xf32, #tpu.memory_space<vmem>> -> memref<1x8x8x256xf32, #tpu.memory_space<vmem>>
    %dma_wait3A_1218 = tpu.memref_squeeze %dma_wait3A_1217 : memref<1x8x8x256xf32, #tpu.memory_space<vmem>> -> memref<8x8x256xf32, #tpu.memory_space<vmem>>
    %dma_wait3A_1219 = tpu.memref_slice %arg2[%mul3A_1207, %mul3A_1209, %mul3A_1211] : memref<128x576x768xf32, #tpu.memory_space<hbm>> -> memref<8x8x256xf32, #tpu.memory_space<hbm>>
    %dma_wait3A_1220 = tpu.memref_slice %arg12[%dma_wait3A_1213] : memref<4x!tpu.dma_semaphore, #tpu.memory_space<semaphore_mem>> -> memref<1x!tpu.dma_semaphore, #tpu.memory_space<semaphore_mem>>
    %dma_wait3A_1221 = tpu.memref_squeeze %dma_wait3A_1220 : memref<1x!tpu.dma_semaphore, #tpu.memory_space<semaphore_mem>> -> memref<!tpu.dma_semaphore, #tpu.memory_space<semaphore_mem>>
    %dma_wait3A_1222 = arith.constant 0 : i32
    %dma_wait3A_1223 = arith.constant 0 : i32
    %dma_wait3A_1224 = arith.constant 0 : i32
    %dma_wait3A_1225 = tpu.memref_slice %arg8[%dma_wait3A_1212, %dma_wait3A_1222, %dma_wait3A_1223, %dma_wait3A_1224] : memref<4x8x8x256xf32, #tpu.memory_space<vmem>> -> memref<1x8x8x256xf32, #tpu.memory_space<vmem>>
    %dma_wait3A_1226 = tpu.memref_squeeze %dma_wait3A_1225 : memref<1x8x8x256xf32, #tpu.memory_space<vmem>> -> memref<8x8x256xf32, #tpu.memory_space<vmem>>
    %dma_wait3A_1227 = tpu.memref_slice %arg2[%mul3A_1207, %mul3A_1209, %mul3A_1211] : memref<128x576x768xf32, #tpu.memory_space<hbm>> -> memref<8x8x256xf32, #tpu.memory_space<hbm>>
    tpu.wait_dma2 semaphore(%dma_wait3A_1221 : memref<!tpu.dma_semaphore, #tpu.memory_space<semaphore_mem>>) src(%dma_wait3A_1227 : memref<8x8x256xf32, #tpu.memory_space<hbm>>) dst(%dma_wait3A_1226 : memref<8x8x256xf32, #tpu.memory_space<vmem>>)
    %add3A_1228 = arith.constant 1712 : i32
    %add3A_1229 = arith.addi %arg1, %add3A_1228 : i32
    %jit3A_1230 = arith.constant 48 : i32
    %div3A_1231 = arith.divsi %add3A_1229, %jit3A_1230 : i32
    %sign3A_1232 = arith.constant 0 : i32
    %sign3A_1233 = arith.cmpi sgt, %add3A_1229, %sign3A_1232 : i32
    %sign3A_1234 = arith.extui %sign3A_1233 : i1 to i32
    %sign3A_1235 = arith.constant 0 : i32
    %sign3A_1236 = arith.cmpi slt, %add3A_1229, %sign3A_1235 : i32
    %sign3A_1237 = arith.extui %sign3A_1236 : i1 to i32
    %sign3A_1238 = arith.subi %sign3A_1234, %sign3A_1237 : i32
    %sign3A_1239 = arith.constant 0 : i32
    %sign3A_1240 = arith.cmpi sgt, %jit3A_1230, %sign3A_1239 : i32
    %sign3A_1241 = arith.extui %sign3A_1240 : i1 to i32
    %sign3A_1242 = arith.constant 0 : i32
    %sign3A_1243 = arith.cmpi slt, %jit3A_1230, %sign3A_1242 : i32
    %sign3A_1244 = arith.extui %sign3A_1243 : i1 to i32
    %sign3A_1245 = arith.subi %sign3A_1241, %sign3A_1244 : i32
    %ne3A_1246 = arith.cmpi ne, %sign3A_1238, %sign3A_1245 : i32
    %rem3A_1247 = arith.remsi %add3A_1229, %jit3A_1230 : i32
    %ne3A_1248 = arith.constant 0 : i32
    %ne3A_1249 = arith.cmpi ne, %rem3A_1247, %ne3A_1248 : i32
    %and3A_1250 = arith.andi %ne3A_1246, %ne3A_1249 : i1
    %sub3A_1251 = arith.constant 1 : i32
    %sub3A_1252 = arith.subi %div3A_1231, %sub3A_1251 : i32
    %select_n3A_1253 = arith.select %and3A_1250, %sub3A_1252, %div3A_1231 : i32
    %mul3A_1254 = arith.constant 48 : i32
    %mul3A_1255 = arith.muli %select_n3A_1253, %mul3A_1254 : i32
    %sub3A_1256 = arith.subi %add3A_1229, %mul3A_1255 : i32
    %jit3A_1257 = arith.constant 3 : i32
    %div3A_1258 = arith.divsi %sub3A_1256, %jit3A_1257 : i32
    %sign3A_1259 = arith.constant 0 : i32
    %sign3A_1260 = arith.cmpi sgt, %sub3A_1256, %sign3A_1259 : i32
    %sign3A_1261 = arith.extui %sign3A_1260 : i1 to i32
    %sign3A_1262 = arith.constant 0 : i32
    %sign3A_1263 = arith.cmpi slt, %sub3A_1256, %sign3A_1262 : i32
    %sign3A_1264 = arith.extui %sign3A_1263 : i1 to i32
    %sign3A_1265 = arith.subi %sign3A_1261, %sign3A_1264 : i32
    %sign3A_1266 = arith.constant 0 : i32
    %sign3A_1267 = arith.cmpi sgt, %jit3A_1257, %sign3A_1266 : i32
    %sign3A_1268 = arith.extui %sign3A_1267 : i1 to i32
    %sign3A_1269 = arith.constant 0 : i32
    %sign3A_1270 = arith.cmpi slt, %jit3A_1257, %sign3A_1269 : i32
    %sign3A_1271 = arith.extui %sign3A_1270 : i1 to i32
    %sign3A_1272 = arith.subi %sign3A_1268, %sign3A_1271 : i32
    %ne3A_1273 = arith.cmpi ne, %sign3A_1265, %sign3A_1272 : i32
    %rem3A_1274 = arith.remsi %sub3A_1256, %jit3A_1257 : i32
    %ne3A_1275 = arith.constant 0 : i32
    %ne3A_1276 = arith.cmpi ne, %rem3A_1274, %ne3A_1275 : i32
    %and3A_1277 = arith.andi %ne3A_1273, %ne3A_1276 : i1
    %sub3A_1278 = arith.constant 1 : i32
    %sub3A_1279 = arith.subi %div3A_1258, %sub3A_1278 : i32
    %select_n3A_1280 = arith.select %and3A_1277, %sub3A_1279, %div3A_1258 : i32
    %mul3A_1281 = arith.constant 3 : i32
    %mul3A_1282 = arith.muli %select_n3A_1280, %mul3A_1281 : i32
    %sub3A_1283 = arith.subi %sub3A_1256, %mul3A_1282 : i32
    %mul3A_1284 = arith.constant 36 : i32
    %mul3A_1285 = arith.muli %arg0, %mul3A_1284 : i32
    %add3A_1286 = arith.addi %mul3A_1285, %select_n3A_1253 : i32
    %mul3A_1287 = arith.constant 8 : i32
    %mul3A_1288 = arith.muli %mul3A_1287, %select_n3A_1253 : i32
    %mul3A_1289 = arith.constant 256 : i32
    %mul3A_1290 = arith.muli %mul3A_1289, %sub3A_1283 : i32
    %dma_wait3A_1291 = arith.constant 3 : i32
    %dma_wait3A_1292 = arith.constant 3 : i32
    %dma_wait3A_1293 = arith.constant 0 : i32
    %dma_wait3A_1294 = arith.constant 0 : i32
    %dma_wait3A_1295 = tpu.memref_slice %arg9[%dma_wait3A_1291, %dma_wait3A_1293, %dma_wait3A_1294] : memref<4x8x256xf32, #tpu.memory_space<vmem>> -> memref<1x8x256xf32, #tpu.memory_space<vmem>>
    %dma_wait3A_1296 = tpu.memref_squeeze %dma_wait3A_1295 : memref<1x8x256xf32, #tpu.memory_space<vmem>> -> memref<8x256xf32, #tpu.memory_space<vmem>>
    %dma_wait3A_1297 = tpu.memref_slice %arg11[%mul3A_1288, %mul3A_1290] : memref<288x768xf32, #tpu.memory_space<vmem_shared>> -> memref<8x256xf32, #tpu.memory_space<vmem_shared>>
    %dma_wait3A_1298 = tpu.memref_slice %arg13[%dma_wait3A_1292] : memref<4x!tpu.dma_semaphore, #tpu.memory_space<semaphore_mem>> -> memref<1x!tpu.dma_semaphore, #tpu.memory_space<semaphore_mem>>
    %dma_wait3A_1299 = tpu.memref_squeeze %dma_wait3A_1298 : memref<1x!tpu.dma_semaphore, #tpu.memory_space<semaphore_mem>> -> memref<!tpu.dma_semaphore, #tpu.memory_space<semaphore_mem>>
    %dma_wait3A_1300 = arith.constant 0 : i32
    %dma_wait3A_1301 = arith.constant 0 : i32
    %dma_wait3A_1302 = tpu.memref_slice %arg9[%dma_wait3A_1291, %dma_wait3A_1300, %dma_wait3A_1301] : memref<4x8x256xf32, #tpu.memory_space<vmem>> -> memref<1x8x256xf32, #tpu.memory_space<vmem>>
    %dma_wait3A_1303 = tpu.memref_squeeze %dma_wait3A_1302 : memref<1x8x256xf32, #tpu.memory_space<vmem>> -> memref<8x256xf32, #tpu.memory_space<vmem>>
    %dma_wait3A_1304 = tpu.memref_slice %arg11[%mul3A_1288, %mul3A_1290] : memref<288x768xf32, #tpu.memory_space<vmem_shared>> -> memref<8x256xf32, #tpu.memory_space<vmem_shared>>
    tpu.wait_dma2 semaphore(%dma_wait3A_1299 : memref<!tpu.dma_semaphore, #tpu.memory_space<semaphore_mem>>) src(%dma_wait3A_1304 : memref<8x256xf32, #tpu.memory_space<vmem_shared>>) dst(%dma_wait3A_1303 : memref<8x256xf32, #tpu.memory_space<vmem>>)
    %add3A_1305 = arith.constant 1696 : i32
    %add3A_1306 = arith.addi %arg1, %add3A_1305 : i32
    %jit3A_1307 = arith.constant 48 : i32
    %div3A_1308 = arith.divsi %add3A_1306, %jit3A_1307 : i32
    %sign3A_1309 = arith.constant 0 : i32
    %sign3A_1310 = arith.cmpi sgt, %add3A_1306, %sign3A_1309 : i32
    %sign3A_1311 = arith.extui %sign3A_1310 : i1 to i32
    %sign3A_1312 = arith.constant 0 : i32
    %sign3A_1313 = arith.cmpi slt, %add3A_1306, %sign3A_1312 : i32
    %sign3A_1314 = arith.extui %sign3A_1313 : i1 to i32
    %sign3A_1315 = arith.subi %sign3A_1311, %sign3A_1314 : i32
    %sign3A_1316 = arith.constant 0 : i32
    %sign3A_1317 = arith.cmpi sgt, %jit3A_1307, %sign3A_1316 : i32
    %sign3A_1318 = arith.extui %sign3A_1317 : i1 to i32
    %sign3A_1319 = arith.constant 0 : i32
    %sign3A_1320 = arith.cmpi slt, %jit3A_1307, %sign3A_1319 : i32
    %sign3A_1321 = arith.extui %sign3A_1320 : i1 to i32
    %sign3A_1322 = arith.subi %sign3A_1318, %sign3A_1321 : i32
    %ne3A_1323 = arith.cmpi ne, %sign3A_1315, %sign3A_1322 : i32
    %rem3A_1324 = arith.remsi %add3A_1306, %jit3A_1307 : i32
    %ne3A_1325 = arith.constant 0 : i32
    %ne3A_1326 = arith.cmpi ne, %rem3A_1324, %ne3A_1325 : i32
    %and3A_1327 = arith.andi %ne3A_1323, %ne3A_1326 : i1
    %sub3A_1328 = arith.constant 1 : i32
    %sub3A_1329 = arith.subi %div3A_1308, %sub3A_1328 : i32
    %select_n3A_1330 = arith.select %and3A_1327, %sub3A_1329, %div3A_1308 : i32
    %mul3A_1331 = arith.constant 48 : i32
    %mul3A_1332 = arith.muli %select_n3A_1330, %mul3A_1331 : i32
    %sub3A_1333 = arith.subi %add3A_1306, %mul3A_1332 : i32
    %jit3A_1334 = arith.constant 3 : i32
    %div3A_1335 = arith.divsi %sub3A_1333, %jit3A_1334 : i32
    %sign3A_1336 = arith.constant 0 : i32
    %sign3A_1337 = arith.cmpi sgt, %sub3A_1333, %sign3A_1336 : i32
    %sign3A_1338 = arith.extui %sign3A_1337 : i1 to i32
    %sign3A_1339 = arith.constant 0 : i32
    %sign3A_1340 = arith.cmpi slt, %sub3A_1333, %sign3A_1339 : i32
    %sign3A_1341 = arith.extui %sign3A_1340 : i1 to i32
    %sign3A_1342 = arith.subi %sign3A_1338, %sign3A_1341 : i32
    %sign3A_1343 = arith.constant 0 : i32
    %sign3A_1344 = arith.cmpi sgt, %jit3A_1334, %sign3A_1343 : i32
    %sign3A_1345 = arith.extui %sign3A_1344 : i1 to i32
    %sign3A_1346 = arith.constant 0 : i32
    %sign3A_1347 = arith.cmpi slt, %jit3A_1334, %sign3A_1346 : i32
    %sign3A_1348 = arith.extui %sign3A_1347 : i1 to i32
    %sign3A_1349 = arith.subi %sign3A_1345, %sign3A_1348 : i32
    %ne3A_1350 = arith.cmpi ne, %sign3A_1342, %sign3A_1349 : i32
    %rem3A_1351 = arith.remsi %sub3A_1333, %jit3A_1334 : i32
    %ne3A_1352 = arith.constant 0 : i32
    %ne3A_1353 = arith.cmpi ne, %rem3A_1351, %ne3A_1352 : i32
    %and3A_1354 = arith.andi %ne3A_1350, %ne3A_1353 : i1
    %sub3A_1355 = arith.constant 1 : i32
    %sub3A_1356 = arith.subi %div3A_1335, %sub3A_1355 : i32
    %select_n3A_1357 = arith.select %and3A_1354, %sub3A_1356, %div3A_1335 : i32
    %mul3A_1358 = arith.constant 3 : i32
    %mul3A_1359 = arith.muli %select_n3A_1357, %mul3A_1358 : i32
    %sub3A_1360 = arith.subi %sub3A_1333, %mul3A_1359 : i32
    %mul3A_1361 = arith.constant 36 : i32
    %mul3A_1362 = arith.muli %arg0, %mul3A_1361 : i32
    %add3A_1363 = arith.addi %mul3A_1362, %select_n3A_1330 : i32
    %mul3A_1364 = arith.constant 8 : i32
    %mul3A_1365 = arith.muli %mul3A_1364, %add3A_1363 : i32
    %add3A_1366 = arith.constant 1 : i32
    %add3A_1367 = arith.addi %mul3A_1365, %add3A_1366 : i32
    %mul3A_1368 = arith.constant 8 : i32
    %mul3A_1369 = arith.muli %mul3A_1368, %select_n3A_1357 : i32
    %mul3A_1370 = arith.constant 256 : i32
    %mul3A_1371 = arith.muli %mul3A_1370, %sub3A_1360 : i32
    %dma_wait3A_1372 = arith.constant 0 : i32
    %dma_wait3A_1373 = arith.constant 0 : i32
    %dma_wait3A_1374 = arith.constant 0 : i32
    %dma_wait3A_1375 = arith.constant 0 : i32
    %dma_wait3A_1376 = arith.constant 0 : i32
    %dma_wait3A_1377 = tpu.memref_slice %arg10[%dma_wait3A_1372, %dma_wait3A_1374, %dma_wait3A_1375, %dma_wait3A_1376] : memref<2x8x8x256xf32, #tpu.memory_space<vmem>> -> memref<1x8x8x256xf32, #tpu.memory_space<vmem>>
    %dma_wait3A_1378 = tpu.memref_squeeze %dma_wait3A_1377 : memref<1x8x8x256xf32, #tpu.memory_space<vmem>> -> memref<8x8x256xf32, #tpu.memory_space<vmem>>
    %dma_wait3A_1379 = tpu.memref_slice %arg5[%add3A_1367, %mul3A_1369, %mul3A_1371] : memref<577x128x768xf32, #tpu.memory_space<hbm>> -> memref<8x8x256xf32, #tpu.memory_space<hbm>>
    %dma_wait3A_1380 = tpu.memref_slice %arg14[%dma_wait3A_1373] : memref<2x!tpu.dma_semaphore, #tpu.memory_space<semaphore_mem>> -> memref<1x!tpu.dma_semaphore, #tpu.memory_space<semaphore_mem>>
    %dma_wait3A_1381 = tpu.memref_squeeze %dma_wait3A_1380 : memref<1x!tpu.dma_semaphore, #tpu.memory_space<semaphore_mem>> -> memref<!tpu.dma_semaphore, #tpu.memory_space<semaphore_mem>>
    %dma_wait3A_1382 = tpu.memref_slice %arg5[%add3A_1367, %mul3A_1369, %mul3A_1371] : memref<577x128x768xf32, #tpu.memory_space<hbm>> -> memref<8x8x256xf32, #tpu.memory_space<hbm>>
    %dma_wait3A_1383 = arith.constant 0 : i32
    %dma_wait3A_1384 = arith.constant 0 : i32
    %dma_wait3A_1385 = arith.constant 0 : i32
    %dma_wait3A_1386 = tpu.memref_slice %arg10[%dma_wait3A_1372, %dma_wait3A_1383, %dma_wait3A_1384, %dma_wait3A_1385] : memref<2x8x8x256xf32, #tpu.memory_space<vmem>> -> memref<1x8x8x256xf32, #tpu.memory_space<vmem>>
    %dma_wait3A_1387 = tpu.memref_squeeze %dma_wait3A_1386 : memref<1x8x8x256xf32, #tpu.memory_space<vmem>> -> memref<8x8x256xf32, #tpu.memory_space<vmem>>
    tpu.wait_dma2 semaphore(%dma_wait3A_1381 : memref<!tpu.dma_semaphore, #tpu.memory_space<semaphore_mem>>) src(%dma_wait3A_1387 : memref<8x8x256xf32, #tpu.memory_space<vmem>>) dst(%dma_wait3A_1382 : memref<8x8x256xf32, #tpu.memory_space<hbm>>)
    %add3A_1388 = arith.constant 1712 : i32
    %add3A_1389 = arith.addi %arg1, %add3A_1388 : i32
    %jit3A_1390 = arith.constant 48 : i32
    %div3A_1391 = arith.divsi %add3A_1389, %jit3A_1390 : i32
    %sign3A_1392 = arith.constant 0 : i32
    %sign3A_1393 = arith.cmpi sgt, %add3A_1389, %sign3A_1392 : i32
    %sign3A_1394 = arith.extui %sign3A_1393 : i1 to i32
    %sign3A_1395 = arith.constant 0 : i32
    %sign3A_1396 = arith.cmpi slt, %add3A_1389, %sign3A_1395 : i32
    %sign3A_1397 = arith.extui %sign3A_1396 : i1 to i32
    %sign3A_1398 = arith.subi %sign3A_1394, %sign3A_1397 : i32
    %sign3A_1399 = arith.constant 0 : i32
    %sign3A_1400 = arith.cmpi sgt, %jit3A_1390, %sign3A_1399 : i32
    %sign3A_1401 = arith.extui %sign3A_1400 : i1 to i32
    %sign3A_1402 = arith.constant 0 : i32
    %sign3A_1403 = arith.cmpi slt, %jit3A_1390, %sign3A_1402 : i32
    %sign3A_1404 = arith.extui %sign3A_1403 : i1 to i32
    %sign3A_1405 = arith.subi %sign3A_1401, %sign3A_1404 : i32
    %ne3A_1406 = arith.cmpi ne, %sign3A_1398, %sign3A_1405 : i32
    %rem3A_1407 = arith.remsi %add3A_1389, %jit3A_1390 : i32
    %ne3A_1408 = arith.constant 0 : i32
    %ne3A_1409 = arith.cmpi ne, %rem3A_1407, %ne3A_1408 : i32
    %and3A_1410 = arith.andi %ne3A_1406, %ne3A_1409 : i1
    %sub3A_1411 = arith.constant 1 : i32
    %sub3A_1412 = arith.subi %div3A_1391, %sub3A_1411 : i32
    %select_n3A_1413 = arith.select %and3A_1410, %sub3A_1412, %div3A_1391 : i32
    %mul3A_1414 = arith.constant 48 : i32
    %mul3A_1415 = arith.muli %select_n3A_1413, %mul3A_1414 : i32
    %sub3A_1416 = arith.subi %add3A_1389, %mul3A_1415 : i32
    %jit3A_1417 = arith.constant 3 : i32
    %div3A_1418 = arith.divsi %sub3A_1416, %jit3A_1417 : i32
    %sign3A_1419 = arith.constant 0 : i32
    %sign3A_1420 = arith.cmpi sgt, %sub3A_1416, %sign3A_1419 : i32
    %sign3A_1421 = arith.extui %sign3A_1420 : i1 to i32
    %sign3A_1422 = arith.constant 0 : i32
    %sign3A_1423 = arith.cmpi slt, %sub3A_1416, %sign3A_1422 : i32
    %sign3A_1424 = arith.extui %sign3A_1423 : i1 to i32
    %sign3A_1425 = arith.subi %sign3A_1421, %sign3A_1424 : i32
    %sign3A_1426 = arith.constant 0 : i32
    %sign3A_1427 = arith.cmpi sgt, %jit3A_1417, %sign3A_1426 : i32
    %sign3A_1428 = arith.extui %sign3A_1427 : i1 to i32
    %sign3A_1429 = arith.constant 0 : i32
    %sign3A_1430 = arith.cmpi slt, %jit3A_1417, %sign3A_1429 : i32
    %sign3A_1431 = arith.extui %sign3A_1430 : i1 to i32
    %sign3A_1432 = arith.subi %sign3A_1428, %sign3A_1431 : i32
    %ne3A_1433 = arith.cmpi ne, %sign3A_1425, %sign3A_1432 : i32
    %rem3A_1434 = arith.remsi %sub3A_1416, %jit3A_1417 : i32
    %ne3A_1435 = arith.constant 0 : i32
    %ne3A_1436 = arith.cmpi ne, %rem3A_1434, %ne3A_1435 : i32
    %and3A_1437 = arith.andi %ne3A_1433, %ne3A_1436 : i1
    %sub3A_1438 = arith.constant 1 : i32
    %sub3A_1439 = arith.subi %div3A_1418, %sub3A_1438 : i32
    %select_n3A_1440 = arith.select %and3A_1437, %sub3A_1439, %div3A_1418 : i32
    %mul3A_1441 = arith.constant 3 : i32
    %mul3A_1442 = arith.muli %select_n3A_1440, %mul3A_1441 : i32
    %sub3A_1443 = arith.subi %sub3A_1416, %mul3A_1442 : i32
    %mul3A_1444 = arith.constant 36 : i32
    %mul3A_1445 = arith.muli %arg0, %mul3A_1444 : i32
    %add3A_1446 = arith.addi %mul3A_1445, %select_n3A_1413 : i32
    %mul3A_1447 = arith.constant 8 : i32
    %mul3A_1448 = arith.muli %mul3A_1447, %add3A_1446 : i32
    %add3A_1449 = arith.constant 1 : i32
    %add3A_1450 = arith.addi %mul3A_1448, %add3A_1449 : i32
    %mul3A_1451 = arith.constant 8 : i32
    %mul3A_1452 = arith.muli %mul3A_1451, %select_n3A_1440 : i32
    %mul3A_1453 = arith.constant 256 : i32
    %mul3A_1454 = arith.muli %mul3A_1453, %sub3A_1443 : i32
    %dma_wait3A_1455 = arith.constant 1 : i32
    %dma_wait3A_1456 = arith.constant 1 : i32
    %dma_wait3A_1457 = arith.constant 0 : i32
    %dma_wait3A_1458 = arith.constant 0 : i32
    %dma_wait3A_1459 = arith.constant 0 : i32
    %dma_wait3A_1460 = tpu.memref_slice %arg10[%dma_wait3A_1455, %dma_wait3A_1457, %dma_wait3A_1458, %dma_wait3A_1459] : memref<2x8x8x256xf32, #tpu.memory_space<vmem>> -> memref<1x8x8x256xf32, #tpu.memory_space<vmem>>
    %dma_wait3A_1461 = tpu.memref_squeeze %dma_wait3A_1460 : memref<1x8x8x256xf32, #tpu.memory_space<vmem>> -> memref<8x8x256xf32, #tpu.memory_space<vmem>>
    %dma_wait3A_1462 = tpu.memref_slice %arg5[%add3A_1450, %mul3A_1452, %mul3A_1454] : memref<577x128x768xf32, #tpu.memory_space<hbm>> -> memref<8x8x256xf32, #tpu.memory_space<hbm>>
    %dma_wait3A_1463 = tpu.memref_slice %arg14[%dma_wait3A_1456] : memref<2x!tpu.dma_semaphore, #tpu.memory_space<semaphore_mem>> -> memref<1x!tpu.dma_semaphore, #tpu.memory_space<semaphore_mem>>
    %dma_wait3A_1464 = tpu.memref_squeeze %dma_wait3A_1463 : memref<1x!tpu.dma_semaphore, #tpu.memory_space<semaphore_mem>> -> memref<!tpu.dma_semaphore, #tpu.memory_space<semaphore_mem>>
    %dma_wait3A_1465 = tpu.memref_slice %arg5[%add3A_1450, %mul3A_1452, %mul3A_1454] : memref<577x128x768xf32, #tpu.memory_space<hbm>> -> memref<8x8x256xf32, #tpu.memory_space<hbm>>
    %dma_wait3A_1466 = arith.constant 0 : i32
    %dma_wait3A_1467 = arith.constant 0 : i32
    %dma_wait3A_1468 = arith.constant 0 : i32
    %dma_wait3A_1469 = tpu.memref_slice %arg10[%dma_wait3A_1455, %dma_wait3A_1466, %dma_wait3A_1467, %dma_wait3A_1468] : memref<2x8x8x256xf32, #tpu.memory_space<vmem>> -> memref<1x8x8x256xf32, #tpu.memory_space<vmem>>
    %dma_wait3A_1470 = tpu.memref_squeeze %dma_wait3A_1469 : memref<1x8x8x256xf32, #tpu.memory_space<vmem>> -> memref<8x8x256xf32, #tpu.memory_space<vmem>>
    tpu.wait_dma2 semaphore(%dma_wait3A_1464 : memref<!tpu.dma_semaphore, #tpu.memory_space<semaphore_mem>>) src(%dma_wait3A_1470 : memref<8x8x256xf32, #tpu.memory_space<vmem>>) dst(%dma_wait3A_1465 : memref<8x8x256xf32, #tpu.memory_space<hbm>>)
    return
  }
}

</mosaic_0001>

<sc_bundles>
// kernel: kernel.3.cloned.1.call-start
scs
__scs_entry_jumppad:
0x0: {  	(pc) =	sbr.rel $0x88, $3  }
0x1: {  	(tag) =	ssettag $0x0;
	lr =	simm.s32 $0x1  }
0x2: {  	[smem:$0x3F9E] =	sst lr;
	_ =	strace $0xD0000000  }
0x3: {  	_ = 	snop  }
0x4: {  	_ = 	snop  }
0x5: {  	_ = 	snop  }
0x6: {  	_ = 	snop  }
0x7: {  	_ = 	snop  }
__scs_overlays_trampoline_lowered:
0x8: {  	[smem:$0x3FAD] =	sst s0  }
0x9: {  	[smem:$0x3FAE] =	sst s1  }
0xa: {  	[smem:$0x3FAF] =	sst s2  }
0xb: {  	[smem:$0x3FB0] =	sst s3  }
0xc: {  	[smem:$0x3FB1] =	sst s4  }
0xd: {  	[smem:$0x3FB2] =	sst s5  }
0xe: {  	[smem:$0x3FB3] =	sst s6  }
0xf: {  	[smem:$0x3FB4] =	sst s7  }
0x10: {  	[smem:$0x3FB5] =	sst s8  }
0x11: {  	[smem:$0x3FB6] =	sst s9;
	s0 =	simm.s32 @!p0 $0x0  }
0x12: {  	s1 =	sld [smem:$0x3F9C];
	s0 =	simm.s32 @p0 $0x1  }
0x13: {  	[smem:$0x3FB7] =	sst s0;
	s0 =	simm.s32 @!p1 $0x0  }
0x14: {  	s2 =	sld [smem:$0x3F9B];
	s0 =	simm.s32 @p1 $0x1  }
0x15: {  	[smem:$0x3FB8] =	sst s0;
	s0 =	simm.s32 @!p2 $0x0  }
0x16: {  	s3 =	sld [smem:$0x3FDB];
	s0 =	simm.s32 @p2 $0x1  }
0x17: {  	s4 =	simm.s32 $0x1BF5;
	[smem:$0x3FBA] =	sst s0  }
0x18: {  	s0 =	sld [smem:$0x3F9D];
	_ =	swait.ge [sflag:s4], $0x0  }
0x19: {  	s7 =	sld [smem:$0x3F9E]  }
0x1a: {  	s8 =	sadd.s32 $0xFFFFE003, lr  }
0x1b: {  	s9 =	sadd.s32 $0xFFFFFEF7, lr;
	s5 =	simm.s32 $0xFFFFFFFF;
	p2 =	slt.u32 s8, $0xFFFFF086  }
0x1c: {  	p1 =	slt.u32 s9, $0xF7A;
	s5 =	simm.s32 @!p2 $0x0  }
0x1d: {  	s5 =	simm.s32 @p1 $0x1;
	p0 =	seq.s32 s7, s2  }
0x1e: {  	s7 =	smul.u32 @!p0 $0xF7A, s2;
	p2 =	seq.s32 @!p0 s5, $0x0  }
0x1f: {  	s9 =	smul.u32 $0xF7A, s1;
	s8 =	simm.s32 @!p0 $0x1BF5;
	p2 =	por !p2, p0  }
0x20: {  	[sflag:s8] =	ssyncset.s32 @!p0 $0xFFFFF086;
	s6 =	sadd.s32 @!p0 s3, s7;
	s7 =	simm.s32 @!p0 $0x108  }
0x21: {  	s3 =	sadd.s32 s3, s9;
	s6 =	sadd.s32 @!p0 $0x88, s6;
	s7 =	simm.s32 @p2 $0x1082  }
0x22: {  	[simem:s7], [sflag:s8] =	dma.local @!p0 [hbm:s6], $0xF7A  }
0x23: {  	s9 =	sor.u32 $0xD0000000, s2;
	s6 =	simm.s32 $0x108;
	_ =	swait.ge @!p0 [sflag:s8], $0x0  }
0x24: {  	s3 =	sadd.s32 $0x88, s3;
	s6 =	simm.s32 @!p1 $0x1082;
	[sflag:s4] =	ssyncset.s32 $0xFFFFF086  }
0x25: {  	[simem:s6], [sflag:s4] =	dma.local [hbm:s3], $0xF7A  }
0x26: {  	[smem:$0x3F9E] =	sst s1;
	(tag) =	ssettag s2;
	_ =	strace s9  }
0x27: {  	s1 =	sld [smem:$0x3FAE]  }
0x28: {  	s2 =	sld [smem:$0x3FAF]  }
0x29: {  	s4 =	sld [smem:$0x3FB1]  }
0x2a: {  	p0 =	seq.s32 s5, $0x0;
	s5 =	sld [smem:$0x3FB2]  }
0x2b: {  	s6 =	sld [smem:$0x3FB3]  }
0x2c: {  	s7 =	sld [smem:$0x3FB4]  }
0x2d: {  	s3 =	simm.s32 $0x108;
	s8 =	sld [smem:$0x3FB5]  }
0x2e: {  	s3 =	simm.s32 @!p0 $0x1082;
	s9 =	sld [smem:$0x3FB6]  }
0x2f: {  	lr =	sadd.s32 s0, s3;
	s0 =	sld [smem:$0x3FAD]  }
0x30: {  	s3 =	sld [smem:$0x3FB0]  }
0x31: {  	[smem:$0x3FB9] =	sst s10  }
0x32: {  	s10 =	sld [smem:$0x3FB7];
	_ =	sdelay $0x3  }
0x33: {  	p0 =	seq.s32 s10, $0x1;
	s10 =	sld [smem:$0x3FB9];
	_ =	sdelay $0x3  }
0x34: {  	[smem:$0x3FB9] =	sst s10  }
0x35: {  	s10 =	sld [smem:$0x3FB8];
	_ =	sdelay $0x3  }
0x36: {  	p1 =	seq.s32 s10, $0x1;
	s10 =	sld [smem:$0x3FB9];
	_ =	sdelay $0x3  }
0x37: {  	[smem:$0x3FB9] =	sst s10  }
0x38: {  	s10 =	sld [smem:$0x3FBA]  }
0x39: {  	_ = 	snop;
	(pc) =	sbr.ind lr, $3  }
0x3a: {  	_ = 	snop  }
0x3b: {  	_ = 	snop  }
0x3c: {  	p2 =	seq.s32 s10, $0x1;
	s10 =	sld [smem:$0x3FB9]  }
0x3d: {  	_ =	shalt  }
0x3e: {  	_ =	shalt  }
0x3f: {  	_ =	shalt  }
0x40: {  	_ =	shalt  }
0x41: {  	_ =	shalt  }
0x42: {  	_ =	shalt  }
0x43: {  	_ =	shalt  }
0x44: {  	_ =	shalt  }
0x45: {  	_ =	shalt  }
0x46: {  	_ =	shalt  }
0x47: {  	_ =	shalt  }
0x48: {  	_ =	shalt  }
0x49: {  	_ =	shalt  }
0x4a: {  	_ =	shalt  }
0x4b: {  	_ =	shalt  }
0x4c: {  	_ =	shalt  }
0x4d: {  	_ =	shalt  }
0x4e: {  	_ =	shalt  }
0x4f: {  	_ =	shalt  }
0x50: {  	_ =	shalt  }
0x51: {  	_ =	shalt  }
0x52: {  	_ =	shalt  }
0x53: {  	_ =	shalt  }
0x54: {  	_ =	shalt  }
0x55: {  	_ =	shalt  }
0x56: {  	_ =	shalt  }
0x57: {  	_ =	shalt  }
0x58: {  	_ =	shalt  }
0x59: {  	_ =	shalt  }
0x5a: {  	_ =	shalt  }
0x5b: {  	_ =	shalt  }
0x5c: {  	_ =	shalt  }
0x5d: {  	_ =	shalt  }
0x5e: {  	_ =	shalt  }
0x5f: {  	_ =	shalt  }
0x60: {  	_ =	shalt  }
0x61: {  	_ =	shalt  }
0x62: {  	_ =	shalt  }
0x63: {  	_ =	shalt  }
0x64: {  	_ =	shalt  }
0x65: {  	_ =	shalt  }
0x66: {  	_ =	shalt  }
0x67: {  	_ =	shalt  }
0x68: {  	_ =	shalt  }
0x69: {  	_ =	shalt  }
0x6a: {  	_ =	shalt  }
0x6b: {  	_ =	shalt  }
0x6c: {  	_ =	shalt  }
0x6d: {  	_ =	shalt  }
0x6e: {  	_ =	shalt  }
0x6f: {  	_ =	shalt  }
0x70: {  	_ =	shalt  }
0x71: {  	_ =	shalt  }
0x72: {  	_ =	shalt  }
0x73: {  	_ =	shalt  }
0x74: {  	_ =	shalt  }
0x75: {  	_ =	shalt  }
0x76: {  	_ =	shalt  }
0x77: {  	_ =	shalt  }
0x78: {  	_ =	shalt  }
0x79: {  	_ =	shalt  }
0x7a: {  	_ =	shalt  }
0x7b: {  	_ =	shalt  }
0x7c: {  	_ =	shalt  }
0x7d: {  	_ =	shalt  }
0x7e: {  	_ =	shalt  }
0x7f: {  	_ =	shalt  }
0x80: {  	_ =	shalt  }
0x81: {  	_ =	shalt  }
0x82: {  	_ =	shalt  }
0x83: {  	_ =	shalt  }
0x84: {  	_ =	shalt  }
0x85: {  	_ =	shalt  }
0x86: {  	_ =	shalt  }
0x87: {  	_ =	shalt  }
.Lfunc_end0:
.L_simem_size_0:
called_computation_lowered:
.L_overlay_start_0:
0x88: {  	s2 =	sld [smem:$0x3FD9]  }
0x89: {  	s3 =	sld [smem:$0x3FFE];
	_ =	sdelay $0x1  }
0x8a: {  	s1 =	srdreg.scid  }
0x8b: {  	s0 =	sand.u32 $0x1, s1  }
0x8c: {  	s17 =	sshll.u32 s0, $0xA;
	s2 =	sadd.s32 s3, s2  }
0x8d: {  	s2 =	sadd.s32 s2, s17  }
0x8e: {  	[smem:$0x3FC5] =	sst s2  }
0x8f: {  	_ = 	snop  }
0x90: {  	s2 =	sld [smem:$0x3FC9]  }
0x91: {  	s18 =	sld [smem:$0x3FD0];
	(tm) =	ssettm $0x1  }
0x92: {  	s4 =	sld [smem:$0x3FFB];
	_ =	sdelay $0x3  }
0x93: {  	_ =	strace s4  }
0x94: {  	s4 =	sld [smem:$0x3FFC];
	_ =	sdelay $0x3  }
0x95: {  	_ =	strace s4  }
0x96: {  	s4 =	sld [smem:$0x3FFD];
	_ =	sdelay $0x3  }
0x97: {  	_ =	strace s4  }
0x98: {  	_ =	strace $0x8FFFFFFF  }
0x99: {  	s19 =	sld [smem:$0x3FDB];
	_ =	sdelay $0x1  }
0x9a: {  	s5 =	simm.s32 $_scs_section_size  }
0x9b: {  	s6 =	simm.s32 $_size__tile_overlayer_lowered;
	s7 =	simm.s32 $_tile_overlayer_lowered  }
0x9c: {  	s22 =	simm.s32 $0x1BFF;
	s21 =	sshll.u32 s7, $0x1;
	s4 =	sadd.s32 s5, s19  }
0x9d: {  	s8 =	simm.s32 $0x0;
	s20 =	sshll.u32 s6, $0x1;
	s6 =	sadd.s32 s21, s4  }
0x9e: {  	[timem:s8], [sflag:s22] =	dma.local [hbm:s6], s20  }
0x9f: {  	_ =	swait.ge [sflag:s22], s20  }
0xa0: {  	s5 =	ssub.s32 $0x0, s20;
	[sflag:s22] =	ssyncset.done $0x0  }
0xa1: {  	[sflag:s22] =	ssyncadd.s32 s5;
	_ =	sdelay $0x1  }
0xa2: {  	s23 =	simm.s32 $0x1B8B  }
0xa3: {  	_ =	swait.ge [sflag:s23], $0x1  }
0xa4: {  	[sflag:s23] =	ssyncset.done $0x0  }
0xa5: {  	s25 =	simm.s32 $0x1B8E;
	s24 =	sld [smem:$0x3FFE];
	[sflag:s23] =	ssyncadd.s32 $0xFFFFFFFF  }
0xa6: {  	s26 =	simm.s32 $execute0_lowered;
	[smem:$0x3FD2] =	sst s25  }
0xa7: {  	s6 =	sshll.u32 s26, $0x1;
	_ =	strace $0x80000046;
	[dreg:$0x1] =	wrdreg $0xFFFFFFFF  }
0xa8: {  	s28 =	simm.s32 $_size_execute0_lowered;
	s4 =	sadd.s32 s4, s6;
	[dreg:$0x0] =	wrdreg $0x0  }
0xa9: {  	s6 =	sshll.u32 s28, $0x1;
	[dreg:$0x2] =	wrdreg s4  }
0xaa: {  	[dreg:$0x3] =	wrdreg s6  }
0xab: {  	[dreg:$0x4] =	wrdreg $0xC0  }
0xac: {  	_ =	task [dreg:s8], $0x5FFFF  }
0xad: {  	[dreg:$0x1] =	wrdreg $0xFFFFFFFF  }
0xae: {  	[dreg:$0x0] =	wrdreg $0x60  }
0xaf: {  	[dreg:$0x2] =	wrdreg s2  }
0xb0: {  	[dreg:$0x3] =	wrdreg s24  }
0xb1: {  	[dreg:$0x4] =	wrdreg s18  }
0xb2: {  	[dreg:$0x5] =	wrdreg $0x1BB000  }
0xb3: {  	[dreg:$0x6] =	wrdreg $0x9  }
0xb4: {  	_ =	task.clear_ibuf [dreg:s8], $0x7FFFF;
	_ =	strace $0x90000046  }
0xb5: {  	s29 =	simm.s32 $0x9;
	_ =	strace $0x80000048  }
0xb6: {  	_ =	swait.ge [sflag:s29], $0x1  }
0xb7: {  	[sflag:s29] =	ssyncadd.s32 $0xFFFFFFFF  }
0xb8: {  	_ =	strace $0x90000048  }
0xb9: {  	_ =	sfence  }
0xba: {  	s30 =	sld [smem:$0x0];
	_ =	sdelay $0x2  }
0xbb: {  	s31 =	sshll.u32 s1, $0xD;
	s1 =	sshrl.u32 s1, $0x2  }
0xbc: {  	s3 =	sand.u32 $0x4000, s31;
	s1 =	sadd.s32 s1, s30  }
0xbd: {  	s0 =	sor.u32 s3, s0;
	s1 =	sshll.u32 s1, $0x11  }
0xbe: {  	s0 =	sor.u32 s1, s0  }
0xbf: {  	s0 =	sadd.s32 $0x8F2B, s0  }
0xc0: {  	[sflag:s0] =	ssyncadd.remote.s32 $0x1  }
0xc1: {  	_ =	sfence.sel $0xFFFF  }
0xc2: {  	[dreg:$0x0] =	wrdreg $0xFFFFFFFF;
	(pc) =	sbr.abs _section_cstart, $3  }
0xc3: {  	[dreg:$0x1] =	wrdreg $0xFFFFFFFF  }
0xc4: {  	_ =	task.clear_ibuf [dreg:s8], $0x2FFFF;
	_ =	strace $0x9FFFFFFF  }
0xc5: {  	(tm) =	ssettm $0x7FFFFFFF  }
tec
execute0_lowered:
.L_overlay_start_1:
0x0: {  	(tag) =	ssettag $0x1  }
0x1: {  	s13 =	rddreg [dreg:$0x0]  }
0x2: {  	s0 =	rddreg [dreg:$0x1];
	s1 =	srdreg.scid  }
0x3: {  	s14 =	rddreg [dreg:$0x2];
	s23 =	stileid.u32  }
0x4: {  	s15 =	rddreg [dreg:$0x3];
	s26 =	smul.u32 $0x6000, s23  }
0x5: {  	s2 =	simm.s32 $0x0;
	s1 =	sand.u32 $0x1, s1;
	s11 =	smul.u32 $0x56, s23  }
0x6: {  	[smem:$0x7FF] =	sst s2;
	s3 =	sor.u32 $0x10, s23;
	s21 =	smul.u32 $0x24, s1  }
0x7: {  	s4 =	sadd.s32 $0xD800, s0;
	s7 =	sor.u32 $0x20, s23;
	s9 =	smul.u32 $0x6000, s3  }
0x8: {  	s28 =	sshll.u32 s23, $0x1;
	s12 =	sshll.u32 s23, $0x6;
	s29 =	smul.u32 $0x6000, s7  }
0x9: {  	p0 =	sgt.u32 s23, $0x3;
	_ =	strace $0x80000047;
	s16 =	smul.u32 $0x56, s3  }
0xa: {  	[dreg:$0x8] =	wrdreg s4;
	s17 =	smul.u32 $0x56, s7;
	s11 =	sshrl.u32 s11, $0x8  }
0xb: {  	s6 =	ssub.s32 $0x2, s1;
	s12 =	sor.u32 $0x1C0B, s12;
	s30 =	smul.u32 $0x360000, s11  }
0xc: {  	s8 =	sshrl.u32 s6, $0x1;
	s25 =	sadd.s32 s23, s21;
	s31 =	smul.u32 $0x1FFFFD, s11  }
0xd: {  	s6 =	ssub.s32 s6, s8;
	s8 =	sor.u32 s1, s28;
	s1 =	smul.u32 $0x36000, s1  }
0xe: {  	s4 =	sshrl.u32 s26, $0x2;
	s5 =	sadd.s32 s3, s21;
	s2 =	smul.u32 $0x300, s25  }
0xf: {  	[dreg:$0xa] =	wrdreg s12;
	s10 =	sadd.s32 s7, s21;
	s5 =	smul.u32 $0x300, s5  }
0x10: {  	s9 =	sshrl.u32 s9, $0x2;
	s11 =	sshrl.u32 s29, $0x2;
	s10 =	smul.u32 $0x300, s10  }
0x11: {  	[dreg:$0x7] =	wrdreg s21;
	s8 =	smul.u32 $0x300, s8;
	s29 =	smax.u32 s6, $0x1  }
0x12: {  	[dreg:$0x16] =	wrdreg s29;
	s2 =	sadd.s32 s0, s2;
	s5 =	sadd.s32 s0, s5  }
0x13: {  	s0 =	sadd.s32 s0, s10;
	s8 =	sadd.s32 s14, s8;
	[dreg:$0x9] =	wrdreg s2  }
0x14: {  	s10 =	sshrl.u32 s17, $0x8;
	s2 =	sadd.s32 s4, s15;
	[dreg:$0xb] =	wrdreg s5  }
0x15: {  	s5 =	sadd.s32 s9, s15;
	[dreg:$0xc] =	wrdreg s0;
	s22 =	smul.u32 $0x1FFFFD, s10  }
0x16: {  	s0 =	sadd.s32 s11, s15;
	s4 =	sshrl.u32 s16, $0x8;
	s10 =	smul.u32 $0x360000, s10  }
0x17: {  	s9 =	sadd.s32 s23, s31;
	[dreg:$0xd] =	wrdreg s8;
	s19 =	smul.u32 $0x1FFFFD, s4  }
0x18: {  	s9 =	sshll.u32 s9, $0xB;
	s4 =	smul.u32 $0x360000, s4;
	s31 =	sshrl.u32 s5, $0x3  }
0x19: {  	s0 =	sshrl.u32 @!p0 s0, $0x3;
	s18 =	sadd.s32 s30, s9;
	s7 =	sadd.s32 s7, s22  }
0x1a: {  	s9 =	sadd.s32 s9, s15;
	s30 =	sshrl.u32 s2, $0x3;
	[dreg:$0x18] =	wrdreg s31  }
0x1b: {  	[dreg:$0x19] =	wrdreg s0;
	s8 =	sadd.s32 s1, s18;
	s3 =	sadd.s32 s3, s19  }
0x1c: {  	s4 =	sadd.s32 s1, s4;
	s1 =	sadd.s32 s1, s10;
	[dreg:$0xf] =	wrdreg s9  }
0x1d: {  	s7 =	sshll.u32 s7, $0xB;
	s28 =	sadd.s32 $0x1800, s9;
	[dreg:$0x17] =	wrdreg s30  }
0x1e: {  	s20 =	sshrl.u32 s8, $0x3;
	s3 =	sshll.u32 s3, $0xB;
	s1 =	sadd.s32 s7, s1  }
0x1f: {  	s24 =	sadd.s32 $0x1800, s8;
	s25 =	sadd.s32 s7, s15;
	[dreg:$0x15] =	wrdreg s28  }
0x20: {  	s12 =	sadd.s32 s13, s20;
	s4 =	sadd.s32 s3, s4;
	[dreg:$0x13] =	wrdreg s25  }
0x21: {  	s3 =	sadd.s32 s3, s15;
	s1 =	sshrl.u32 s1, $0x3;
	[dreg:$0xe] =	wrdreg s12  }
0x22: {  	s4 =	sshrl.u32 s4, $0x3;
	[dreg:$0x11] =	wrdreg s3;
	s1 =	sadd.s32 s13, s1  }
0x23: {  	s26 =	sshrl.u32 s24, $0x3;
	s4 =	sadd.s32 s13, s4;
	[dreg:$0x12] =	wrdreg s1  }
0x24: {  	s1 =	sadd.s32 s13, s26;
	[dreg:$0x10] =	wrdreg s4  }
0x25: {  	p1 =	sgt.u32 s23, $0x7;
	s2 =	simm.s32 $0x0;
	[dreg:$0x14] =	wrdreg s1  }
.LBB2_1:
0x26: {  	[dreg:$0x1a] =	wrdreg s2  }
0x27: {  	s0 =	rddreg [dreg:$0x9]  }
0x28: {  	s1 =	rddreg [dreg:$0xa]  }
0x29: {  	s25 =	rddreg [dreg:$0x17];
	s26 =	simm.s32 $0xB  }
0x2a: {  	[spmem:s25], [sflag:s1] =	dma.local [hbm:s0], $0x300  }
0x2b: {  	_ =	swait.ge [sflag:s26], $0x300  }
0x2c: {  	[sflag:s26] =	ssyncset.done $0x0;
	s28 =	rddreg [dreg:$0xb]  }
0x2d: {  	s3 =	rddreg [dreg:$0x18];
	[sflag:s26] =	ssyncadd.s32 $0xFFFFFD00  }
0x2e: {  	[spmem:s3], [sflag:s1] =	dma.local [hbm:s28], $0x300  }
0x2f: {  	_ =	swait.ge [sflag:s26], $0x300  }
0x30: {  	[sflag:s26] =	ssyncset.done $0x0;
	s0 =	rddreg [dreg:$0xc]  }
0x31: {  	s3 =	rddreg [dreg:$0x19];
	[sflag:s26] =	ssyncadd.s32 $0xFFFFFD00  }
0x32: {  	[spmem:s3], [sflag:s1] =	dma.local @!p0 [hbm:s0], $0x300  }
0x33: {  	s0 =	simm.s32 @!p0 $0xB  }
0x34: {  	_ =	swait.ge @!p0 [sflag:s0], $0x300  }
0x35: {  	[sflag:s0] =	ssyncset.done @!p0 $0x0  }
0x36: {  	[sflag:s0] =	ssyncadd.s32 @!p0 $0xFFFFFD00  }
0x37: {  	[bflag:$0x0] =	sbarrier.arrive $0xFFFF  }
0x38: {  	s8 =	simm.s32 $0x0;
	s29 =	rddreg [dreg:$0x8]  }
0x39: {  	[tilespmem:s8], [sflag:$0xB] =	stream.linear.gather [hbm4b:s29+s8], $0x300, $0x38;
	[tilespmem:$0x1F100] =	vst v63  }
0x3a: {  	s4 =	sand.u32 $0x40, s8;
	_ =	swait.ge [sflag:s26], $0x300  }
0x3b: {  	s30 =	sand.u32 $0x380, s8;
	s1 =	sor.u32 $0x30, s4;
	[sflag:s26] =	ssyncset.done $0x0  }
0x3c: {  	s2 =	sor.u32 $0x10, s4;
	s5 =	sor.u32 s1, s30;
	[sflag:s26] =	ssyncadd.s32 $0xFFFFFD00  }
0x3d: {  	s6 =	sor.u32 s2, s30;
	s3 =	sor.u32 $0x20, s4;
	v2 =	vld [tilespmem:s5+$0x0]  }
0x3e: {  	s31 =	sand.u32 $0x1C00, s8;
	s0 =	sor.u32 s3, s30;
	v0 =	vld [tilespmem:s6+$0x0]  }
0x3f: {  	s9 =	simm.s32 $0x0;
	s7 =	sor.u32 $0x300, s31;
	v1 =	vld [tilespmem:s0+$0x0]  }
0x40: {  	s5 =	simm.s32 $0x0;
	v3 =	vld [tilespmem:s8+$0x0];
	s6 =	simm.s32 $0x40;
	s8 =	simm.s32 $0x0  }
.LBB2_2:
0x41: {  	s0 =	sand.u32 $0x40, s6;
	s5 =	sadd.s32 $0x4, s5;
	s10 =	sor.u32 s1, s7  }
0x42: {  	s11 =	smov.u32 s2;
	s12 =	smov.u32 s3;
	s13 =	sand.u32 $0x380, s6  }
0x43: {  	s1 =	sor.u32 $0x30, s0;
	p2 =	slt.u32 s5, $0x2C;
	[tilespmem:s10+$0x0] =	vst v2;
	s2 =	sor.u32 $0x10, s0  }
.Ltmp0:
0x44: {  	s3 =	sor.u32 $0x20, s0;
	s10 =	sor.u32 s1, s13;
	(pc) =	sbr.rel @p2 .LBB2_2-.Ltmp0, $4  }
0x45: {  	s4 =	sor.u32 s4, s7;
	s14 =	sor.u32 s2, s13;
	s13 =	sor.u32 s3, s13;
	v4 =	vmov v0;
	v2 =	vld [tilespmem:s10+$0x0];
	v5 =	vmov v1  }
0x46: {  	s8 =	sadd.s32 $0x200, s8;
	s10 =	sor.u32 s12, s7;
	v0 =	vld [tilespmem:s14+$0x0];
	[tilespmem:s4+$0x0] =	vst v3;
	s4 =	sor.u32 s11, s7  }
0x47: {  	s9 =	sadd.s32 $0x40, s9;
	s7 =	sand.u32 $0x1C00, s8;
	v1 =	vld [tilespmem:s13+$0x0];
	[tilespmem:s4+$0x0] =	vst v4;
	s4 =	smov.u32 s0  }
0x48: {  	s6 =	sadd.s32 $0x40, s6;
	s7 =	sor.u32 $0x300, s7;
	s0 =	simm.s32 $0x0;
	v3 =	vld [tilespmem:s9+$0x0];
	[tilespmem:s10+$0x0] =	vst v5  }
0x49: {  	s1 =	sor.u32 s1, s7  }
0x4a: {  	s29 =	sor.u32 s2, s7;
	[tilespmem:s1+$0x0] =	vst v2  }
0x4b: {  	s2 =	sand.u32 $0x40, s0;
	s3 =	sor.u32 s3, s7;
	[tilespmem:s29+$0x0] =	vst v0  }
0x4c: {  	s28 =	sor.u32 s4, s7;
	s1 =	sand.u32 $0x380, s0;
	s4 =	sor.u32 $0x30, s2;
	[tilespmem:s3+$0x0] =	vst v1  }
0x4d: {  	s5 =	sor.u32 $0x10, s2;
	s30 =	sor.u32 s4, s1;
	[tilespmem:s28+$0x0] =	vst v3  }
0x4e: {  	s6 =	sor.u32 $0x20, s2;
	s31 =	sor.u32 s5, s1;
	v2 =	vld [tilespmem:s30+$0x0]  }
0x4f: {  	s7 =	simm.s32 $0x0;
	s8 =	sor.u32 s6, s1;
	v0 =	vld [tilespmem:s31+$0x0]  }
0x50: {  	s10 =	simm.s32 $0x0;
	s11 =	simm.s32 $0x0;
	s3 =	sand.u32 $0x1C00, s0;
	v1 =	vld [tilespmem:s8+$0x0]  }
0x51: {  	s12 =	smov.u32 s2;
	s9 =	sor.u32 $0x300, s3;
	v3 =	vld [tilespmem:s0+$0x0];
	s8 =	simm.s32 $0x40  }
.LBB2_4:
0x52: {  	s13 =	sand.u32 $0x40, s8;
	s7 =	sadd.s32 $0x4, s7;
	s14 =	sor.u32 s4, s9  }
0x53: {  	s15 =	smov.u32 s5;
	s16 =	smov.u32 s6;
	s17 =	sand.u32 $0x380, s8  }
0x54: {  	s4 =	sor.u32 $0x30, s13;
	p2 =	slt.u32 s7, $0x2C;
	[tilespmem:s14+$0x80] =	vst v2;
	s5 =	sor.u32 $0x10, s13  }
.Ltmp1:
0x55: {  	s6 =	sor.u32 $0x20, s13;
	s14 =	sor.u32 s4, s17;
	(pc) =	sbr.rel @p2 .LBB2_4-.Ltmp1, $4  }
0x56: {  	s12 =	sor.u32 s12, s9;
	s18 =	sor.u32 s5, s17;
	s17 =	sor.u32 s6, s17;
	v4 =	vmov v0;
	v2 =	vld [tilespmem:s14+$0x0];
	v5 =	vmov v1  }
0x57: {  	s10 =	sadd.s32 $0x200, s10;
	s14 =	sor.u32 s16, s9;
	v0 =	vld [tilespmem:s18+$0x0];
	[tilespmem:s12+$0x80] =	vst v3;
	s12 =	sor.u32 s15, s9  }
0x58: {  	s11 =	sadd.s32 $0x40, s11;
	s9 =	sand.u32 $0x1C00, s10;
	v1 =	vld [tilespmem:s17+$0x0];
	[tilespmem:s12+$0x80] =	vst v4;
	s12 =	smov.u32 s13  }
0x59: {  	s8 =	sadd.s32 $0x40, s8;
	s9 =	sor.u32 $0x300, s9;
	v3 =	vld [tilespmem:s11+$0x0];
	[tilespmem:s14+$0x80] =	vst v5  }
0x5a: {  	s4 =	sor.u32 s4, s9  }
0x5b: {  	s29 =	sor.u32 s5, s9;
	[tilespmem:s4+$0x80] =	vst v2  }
0x5c: {  	s30 =	sor.u32 s6, s9;
	[tilespmem:s29+$0x80] =	vst v0  }
0x5d: {  	s28 =	sor.u32 s12, s9;
	s4 =	sor.u32 $0x30, s2;
	[tilespmem:s30+$0x80] =	vst v1  }
0x5e: {  	s5 =	sor.u32 $0x10, s2;
	s7 =	sor.u32 s4, s1;
	[tilespmem:s28+$0x80] =	vst v3  }
0x5f: {  	s6 =	sor.u32 $0x20, s2;
	s8 =	sor.u32 s5, s1;
	v2 =	vld [tilespmem:s7+$0x0]  }
0x60: {  	s31 =	sor.u32 s6, s1;
	v0 =	vld [tilespmem:s8+$0x0]  }
0x61: {  	s9 =	sor.u32 $0x300, s3;
	v1 =	vld [tilespmem:s31+$0x0]  }
0x62: {  	s3 =	simm.s32 $0x40;
	s7 =	simm.s32 $0x0;
	v3 =	vld [tilespmem:s0+$0x0];
	s8 =	simm.s32 $0x0  }
.LBB2_6:
0x63: {  	s1 =	sand.u32 $0x40, s3;
	s7 =	sadd.s32 $0x4, s7;
	s10 =	sor.u32 s4, s9  }
0x64: {  	s11 =	smov.u32 s5;
	s12 =	smov.u32 s6;
	s13 =	sand.u32 $0x380, s3  }
0x65: {  	s4 =	sor.u32 $0x30, s1;
	p2 =	slt.u32 s7, $0x2C;
	[tilespmem:s10+$0x100] =	vst v2;
	s5 =	sor.u32 $0x10, s1  }
.Ltmp2:
0x66: {  	s6 =	sor.u32 $0x20, s1;
	s10 =	sor.u32 s4, s13;
	(pc) =	sbr.rel @p2 .LBB2_6-.Ltmp2, $4  }
0x67: {  	s2 =	sor.u32 s2, s9;
	s14 =	sor.u32 s5, s13;
	s13 =	sor.u32 s6, s13;
	v4 =	vmov v0;
	v2 =	vld [tilespmem:s10+$0x0];
	v5 =	vmov v1  }
0x68: {  	s0 =	sadd.s32 $0x200, s0;
	s10 =	sor.u32 s12, s9;
	v0 =	vld [tilespmem:s14+$0x0];
	[tilespmem:s2+$0x100] =	vst v3;
	s2 =	sor.u32 s11, s9  }
0x69: {  	s8 =	sadd.s32 $0x40, s8;
	s9 =	sand.u32 $0x1C00, s0;
	v1 =	vld [tilespmem:s13+$0x0];
	[tilespmem:s2+$0x100] =	vst v4;
	s2 =	smov.u32 s1  }
0x6a: {  	s3 =	sadd.s32 $0x40, s3;
	s9 =	sor.u32 $0x300, s9;
	s1 =	simm.s32 $0x0;
	v3 =	vld [tilespmem:s8+$0x0];
	[tilespmem:s10+$0x100] =	vst v5  }
0x6b: {  	s0 =	sor.u32 s4, s9  }
0x6c: {  	s25 =	sor.u32 s5, s9;
	[tilespmem:s0+$0x100] =	vst v2  }
0x6d: {  	s26 =	sor.u32 s6, s9;
	s28 =	sand.u32 $0x40, s1;
	[tilespmem:s25+$0x100] =	vst v0  }
0x6e: {  	s24 =	sor.u32 s2, s9;
	s29 =	sand.u32 $0x380, s1;
	s7 =	sor.u32 $0x30, s28;
	[tilespmem:s26+$0x100] =	vst v1  }
0x6f: {  	s3 =	sor.u32 $0x10, s28;
	s30 =	sor.u32 s7, s29;
	[tilespmem:s24+$0x100] =	vst v3  }
0x70: {  	s8 =	sand.u32 $0x1C00, s1;
	p2 =	por $0x0, $0x0;
	s31 =	sor.u32 s3, s29;
	v3 =	vld [tilespmem:s30+$0x0]  }
0x71: {  	s4 =	simm.s32 $0x40;
	s6 =	simm.s32 $0x40;
	s2 =	sor.u32 $0x20, s28;
	v2 =	vld [tilespmem:s31+$0x0]  }
0x72: {  	s0 =	simm.s32 $0x0;
	s5 =	sor.u32 $0x300, s8;
	s10 =	sor.u32 s2, s29;
	v0 =	vld [tilespmem:s1+$0x0]  }
0x73: {  	s8 =	sor.u32 s28, s5;
	s9 =	sor.u32 s7, s5;
	s7 =	simm.s32 $0x0;
	v1 =	vld [tilespmem:s10+$0x0]  }
.LBB2_8:
0x74: {  	s10 =	sand.u32 $0x40, s6  }
0x75: {  	s0 =	sadd.s32 $0x4, s0;
	s3 =	sor.u32 s3, s5;
	[tilespmem:s9+$0x180] =	vst v3;
	s9 =	sand.u32 $0x380, s6  }
0x76: {  	s2 =	sor.u32 s2, s5;
	s11 =	sor.u32 $0x30, s10;
	p3 =	slt.u32 s0, $0x2C;
	[tilespmem:s3+$0x180] =	vst v2  }
0x77: {  	s3 =	sor.u32 $0x10, s10;
	s12 =	sor.u32 $0x20, s10;
	s13 =	sor.u32 s11, s9;
	[tilespmem:s8+$0x180] =	vst v0;
	v0 =	vld [tilespmem:s4+$0x0]  }
.Ltmp3:
0x78: {  	s8 =	sor.u32 s3, s9;
	s9 =	sor.u32 s12, s9;
	v3 =	vld [tilespmem:s13+$0x0];
	(pc) =	sbr.rel @p3 .LBB2_8-.Ltmp3, $4  }
0x79: {  	s7 =	sadd.s32 $0x200, s7;
	v2 =	vld [tilespmem:s8+$0x0];
	[tilespmem:s2+$0x180] =	vst v1;
	s2 =	smov.u32 s12  }
0x7a: {  	s5 =	sand.u32 $0x1C00, s7;
	v1 =	vld [tilespmem:s9+$0x0]  }
0x7b: {  	s5 =	sor.u32 $0x300, s5;
	s4 =	sadd.s32 $0x40, s4  }
0x7c: {  	s6 =	sadd.s32 $0x40, s6;
	s8 =	sor.u32 s10, s5;
	s9 =	sor.u32 s11, s5  }
0x7d: {  	[tilespmem:s9+$0x180] =	vst v3  }
0x7e: {  	s0 =	sor.u32 s3, s5;
	[tilespmem:s8+$0x180] =	vst v0  }
0x7f: {  	s28 =	sor.u32 s2, s5;
	[tilespmem:s0+$0x180] =	vst v2  }
0x80: {  	s2 =	simm.s32 $0x1;
	s29 =	sand.u32 $0x3C0, s1;
	[tilespmem:s28+$0x180] =	vst v1  }
0x81: {  	s2 =	simm.s32 @!p2 $0x0;
	v3 =	vld [tilespmem:s29+$0x30]  }
0x82: {  	s2 =	sshll.u32 s2, $0x6  }
0x83: {  	s3 =	simm.s32 $0x0;
	p3 =	por $0x0, $0x0;
	s4 =	sadd.s32 $0x0, s2;
	v0 =	vld [tilespmem:s29+$0x10]  }
0x84: {  	s5 =	simm.s32 $0x0;
	v1 =	vld [tilespmem:s29+$0x20];
	s30 =	sadd.s32 $0x10, s4;
	s7 =	sadd.s32 $0x30, s4  }
0x85: {  	v2 =	vld [tilespmem:s1+$0x0];
	s6 =	sadd.s32 $0x20, s4;
	s8 =	sor.u32 $0x200, s30;
	s31 =	sor.u32 $0x200, s7  }
0x86: {  	s6 =	sor.u32 $0x200, s6;
	s7 =	sor.u32 $0x200, s4;
	s4 =	simm.s32 $0x40;
	[tilespmem:s31+$0x300] =	vst v3  }
.LBB2_10:
0x87: {  	s0 =	sand.u32 $0x3C0, s4  }
0x88: {  	s3 =	sadd.s32 $0x4, s3;
	[tilespmem:s8+$0x300] =	vst v0;
	p3 =	por !p3, !p3;
	s8 =	simm.s32 $0x1  }
0x89: {  	s8 =	simm.s32 @!p3 $0x0;
	v3 =	vld [tilespmem:s0+$0x30];
	p4 =	slt.u32 s3, $0x2C;
	[tilespmem:s6+$0x300] =	vst v1  }
.Ltmp4:
0x8a: {  	s1 =	sadd.s32 $0x200, s1;
	s6 =	sshll.u32 s8, $0x6;
	v0 =	vld [tilespmem:s0+$0x10];
	[tilespmem:s7+$0x300] =	vst v2;
	(pc) =	sbr.rel @p4 .LBB2_10-.Ltmp4, $4  }
0x8b: {  	s5 =	sadd.s32 $0x40, s5;
	s7 =	sadd.s32 s6, s1;
	v1 =	vld [tilespmem:s0+$0x20]  }
0x8c: {  	v2 =	vld [tilespmem:s5+$0x0];
	s0 =	sadd.s32 $0x10, s7;
	s6 =	sadd.s32 $0x20, s7;
	s9 =	sadd.s32 $0x30, s7  }
0x8d: {  	s8 =	sor.u32 $0x200, s0;
	s6 =	sor.u32 $0x200, s6;
	s0 =	sor.u32 $0x200, s9  }
0x8e: {  	s4 =	sadd.s32 $0x40, s4;
	s7 =	sor.u32 $0x200, s7;
	[tilespmem:s0+$0x300] =	vst v3;
	s0 =	simm.s32 $0x0  }
0x8f: {  	[tilespmem:s8+$0x300] =	vst v0  }
0x90: {  	[tilespmem:s6+$0x300] =	vst v1  }
0x91: {  	s1 =	sand.u32 $0x3C0, s0;
	[tilespmem:s7+$0x300] =	vst v2  }
0x92: {  	v3 =	vld [tilespmem:s1+$0x30]  }
0x93: {  	s3 =	sadd.s32 $0x0, s2  }
0x94: {  	s2 =	simm.s32 $0x0;
	s4 =	sadd.s32 $0x10, s3;
	v0 =	vld [tilespmem:s1+$0x10]  }
0x95: {  	s5 =	sadd.s32 $0x20, s3;
	s30 =	sadd.s32 $0x30, s3;
	s6 =	sor.u32 $0x280, s3;
	v1 =	vld [tilespmem:s1+$0x20]  }
0x96: {  	s3 =	simm.s32 $0x40;
	s8 =	sor.u32 $0x280, s4;
	s31 =	sor.u32 $0x280, s30;
	v2 =	vld [tilespmem:s0+$0x0]  }
0x97: {  	s7 =	sor.u32 $0x280, s5;
	s4 =	simm.s32 $0x0;
	s5 =	simm.s32 $0x0;
	[tilespmem:s31+$0x300] =	vst v3  }
.LBB2_12:
0x98: {  	s9 =	sand.u32 $0x3C0, s3  }
0x99: {  	s2 =	sadd.s32 $0x4, s2;
	[tilespmem:s8+$0x300] =	vst v0;
	p2 =	por !p2, !p2;
	s8 =	simm.s32 $0x1  }
0x9a: {  	s8 =	simm.s32 @!p2 $0x0;
	v3 =	vld [tilespmem:s9+$0x30];
	p4 =	slt.u32 s2, $0x2C;
	[tilespmem:s7+$0x300] =	vst v1  }
.Ltmp5:
0x9b: {  	s4 =	sadd.s32 $0x200, s4;
	s7 =	sshll.u32 s8, $0x6;
	v0 =	vld [tilespmem:s9+$0x10];
	[tilespmem:s6+$0x300] =	vst v2;
	(pc) =	sbr.rel @p4 .LBB2_12-.Ltmp5, $4  }
0x9c: {  	p3 =	por $0x0, $0x0;
	s5 =	sadd.s32 $0x40, s5;
	s6 =	sadd.s32 s7, s4;
	v1 =	vld [tilespmem:s9+$0x20]  }
0x9d: {  	v2 =	vld [tilespmem:s5+$0x0];
	s7 =	sadd.s32 $0x10, s6;
	s9 =	sadd.s32 $0x20, s6;
	s10 =	sadd.s32 $0x30, s6  }
0x9e: {  	s8 =	sor.u32 $0x280, s7;
	s7 =	sor.u32 $0x280, s9;
	s9 =	sor.u32 $0x280, s10  }
0x9f: {  	s3 =	sadd.s32 $0x40, s3;
	s6 =	sor.u32 $0x280, s6;
	[tilespmem:s9+$0x300] =	vst v3  }
0xa0: {  	[tilespmem:s8+$0x300] =	vst v0  }
0xa1: {  	[tilespmem:s7+$0x300] =	vst v1  }
0xa2: {  	s2 =	simm.s32 $0x1;
	[tilespmem:s6+$0x300] =	vst v2  }
0xa3: {  	s2 =	simm.s32 @!p3 $0x0;
	v3 =	vld [tilespmem:s1+$0x30]  }
0xa4: {  	s2 =	sshll.u32 s2, $0x6  }
0xa5: {  	s3 =	simm.s32 $0x0;
	p2 =	por $0x0, $0x0;
	s4 =	sadd.s32 $0x0, s2;
	v0 =	vld [tilespmem:s1+$0x10]  }
0xa6: {  	v1 =	vld [tilespmem:s1+$0x20];
	s5 =	sadd.s32 $0x10, s4;
	s29 =	sadd.s32 $0x20, s4;
	s30 =	sadd.s32 $0x30, s4  }
0xa7: {  	v2 =	vld [tilespmem:s0+$0x0];
	s7 =	sor.u32 $0x300, s4;
	s4 =	simm.s32 $0x40;
	s31 =	sor.u32 $0x300, s30  }
0xa8: {  	s8 =	sor.u32 $0x300, s5;
	s6 =	sor.u32 $0x300, s29;
	s5 =	simm.s32 $0x0;
	[tilespmem:s31+$0x300] =	vst v3  }
.LBB2_14:
0xa9: {  	s1 =	sand.u32 $0x3C0, s4  }
0xaa: {  	s3 =	sadd.s32 $0x4, s3;
	[tilespmem:s8+$0x300] =	vst v0;
	p2 =	por !p2, !p2;
	s8 =	simm.s32 $0x1  }
0xab: {  	s8 =	simm.s32 @!p2 $0x0;
	v3 =	vld [tilespmem:s1+$0x30];
	p4 =	slt.u32 s3, $0x2C;
	[tilespmem:s6+$0x300] =	vst v1  }
.Ltmp6:
0xac: {  	s0 =	sadd.s32 $0x200, s0;
	s6 =	sshll.u32 s8, $0x6;
	v0 =	vld [tilespmem:s1+$0x10];
	[tilespmem:s7+$0x300] =	vst v2;
	(pc) =	sbr.rel @p4 .LBB2_14-.Ltmp6, $4  }
0xad: {  	s5 =	sadd.s32 $0x40, s5;
	s7 =	sadd.s32 s6, s0;
	v1 =	vld [tilespmem:s1+$0x20]  }
0xae: {  	v2 =	vld [tilespmem:s5+$0x0];
	s1 =	sadd.s32 $0x10, s7;
	s6 =	sadd.s32 $0x20, s7;
	s9 =	sadd.s32 $0x30, s7  }
0xaf: {  	s8 =	sor.u32 $0x300, s1;
	s6 =	sor.u32 $0x300, s6;
	s1 =	sor.u32 $0x300, s9  }
0xb0: {  	s4 =	sadd.s32 $0x40, s4;
	s7 =	sor.u32 $0x300, s7;
	[tilespmem:s1+$0x300] =	vst v3;
	s1 =	simm.s32 $0x0  }
0xb1: {  	[tilespmem:s8+$0x300] =	vst v0  }
0xb2: {  	[tilespmem:s6+$0x300] =	vst v1  }
0xb3: {  	s3 =	sand.u32 $0x3C0, s1;
	[tilespmem:s7+$0x300] =	vst v2  }
0xb4: {  	v3 =	vld [tilespmem:s3+$0x30];
	_ =	sdelay $0x1  }
0xb5: {  	s0 =	simm.s32 $0x0;
	s2 =	sadd.s32 $0x0, s2;
	s5 =	sor.u32 s1, s1;
	v0 =	vld [tilespmem:s3+$0x10]  }
0xb6: {  	s4 =	sadd.s32 $0x10, s2;
	s31 =	sadd.s32 $0x20, s2;
	s2 =	sadd.s32 $0x30, s2;
	v1 =	vld [tilespmem:s3+$0x20]  }
0xb7: {  	s5 =	sor.u32 $0x380, s5;
	s6 =	sor.u32 $0x380, s4;
	s2 =	sor.u32 $0x380, s2;
	v2 =	vld [tilespmem:s1+$0x0]  }
0xb8: {  	s4 =	sor.u32 $0x380, s31;
	s3 =	simm.s32 $0x0;
	[tilespmem:s2+$0x300] =	vst v3;
	s2 =	simm.s32 $0x40  }
.LBB2_16:
0xb9: {  	s7 =	sand.u32 $0x3C0, s2  }
0xba: {  	s0 =	sadd.s32 $0x4, s0;
	[tilespmem:s6+$0x300] =	vst v0;
	p3 =	por !p3, !p3;
	s6 =	simm.s32 $0x1  }
0xbb: {  	s6 =	simm.s32 @!p3 $0x0;
	v3 =	vld [tilespmem:s7+$0x30];
	p2 =	slt.u32 s0, $0x2C;
	[tilespmem:s4+$0x300] =	vst v1  }
.Ltmp7:
0xbc: {  	s1 =	sadd.s32 $0x200, s1;
	s4 =	sshll.u32 s6, $0x6;
	v0 =	vld [tilespmem:s7+$0x10];
	[tilespmem:s5+$0x300] =	vst v2;
	(pc) =	sbr.rel @p2 .LBB2_16-.Ltmp7, $4  }
0xbd: {  	s3 =	sadd.s32 $0x40, s3;
	s5 =	sor.u32 s2, s1;
	s4 =	sadd.s32 s4, s1;
	v1 =	vld [tilespmem:s7+$0x20]  }
0xbe: {  	v2 =	vld [tilespmem:s3+$0x0];
	s6 =	sadd.s32 $0x10, s4;
	s7 =	sadd.s32 $0x20, s4;
	s8 =	sadd.s32 $0x30, s4  }
0xbf: {  	s6 =	sor.u32 $0x380, s6;
	s4 =	sor.u32 $0x380, s7;
	s7 =	sor.u32 $0x380, s8  }
0xc0: {  	s2 =	sadd.s32 $0x40, s2;
	s5 =	sor.u32 $0x380, s5;
	[tilespmem:s7+$0x300] =	vst v3  }
0xc1: {  	[tilespmem:s6+$0x300] =	vst v0  }
0xc2: {  	[tilespmem:s4+$0x300] =	vst v1  }
0xc3: {  	[tilespmem:s5+$0x300] =	vst v2  }
0xc4: {  	s0 =	simm.s32 @!p1 $0x0;
	s1 =	simm.s32 @!p1 $0x300;
	s2 =	rddreg [dreg:$0xd]  }
0xc5: {  	[hbm4b:s2+s0] =	stream.linear.scatter @!p1 [tilespmem:s1], [sflag:$0xB], $0x1800, $0x38;
	[tilespmem:$0x1F100] =	vst v63  }
0xc6: {  	s0 =	simm.s32 @!p1 $0xB  }
0xc7: {  	_ =	swait.ge @!p1 [sflag:s0], $0x1800  }
0xc8: {  	s14 =	simm.s32 $0x800;
	s15 =	simm.s32 $0x6C000;
	[sflag:s0] =	ssyncset.done @!p1 $0x0  }
0xc9: {  	s3 =	simm.s32 $0x1B00;
	s13 =	rddreg [dreg:$0xe];
	[sflag:s0] =	ssyncadd.s32 @!p1 $0xFFFFE800  }
0xca: {  	[tilespmem:s3], [sflag:$0x1] =	stream.strided.gather [hbm4b:s13+s14], $0x4000, s15, s14, $0x38;
	[tilespmem:$0x1F100] =	vst v63  }
0xcb: {  	s17 =	simm.s32 $0x11B00;
	s16 =	rddreg [dreg:$0xf]  }
0xcc: {  	[tilespmem:s17], [sflag:$0x5] =	stream.linear.gather [spmem:s16], $0x800, $0x38;
	[tilespmem:$0x1F100] =	vst v63  }
0xcd: {  	s19 =	simm.s32 $0x5B00;
	s18 =	rddreg [dreg:$0x10]  }
0xce: {  	[tilespmem:s19], [sflag:$0x2] =	stream.strided.gather [hbm4b:s18+s14], $0x4000, s15, s14, $0x38;
	[tilespmem:$0x1F100] =	vst v63  }
0xcf: {  	s21 =	simm.s32 $0x12300;
	s20 =	rddreg [dreg:$0x11]  }
0xd0: {  	[tilespmem:s21], [sflag:$0x6] =	stream.linear.gather [spmem:s20], $0x800, $0x38;
	[tilespmem:$0x1F100] =	vst v63  }
0xd1: {  	s24 =	simm.s32 $0x9B00;
	s22 =	rddreg [dreg:$0x12]  }
0xd2: {  	[tilespmem:s24], [sflag:$0x3] =	stream.strided.gather [hbm4b:s22+s14], $0x4000, s15, s14, $0x38;
	[tilespmem:$0x1F100] =	vst v63  }
0xd3: {  	s26 =	simm.s32 $0x12B00;
	s25 =	rddreg [dreg:$0x13]  }
0xd4: {  	[tilespmem:s26], [sflag:$0x7] =	stream.linear.gather [spmem:s25], $0x800, $0x38;
	[tilespmem:$0x1F100] =	vst v63  }
0xd5: {  	s29 =	simm.s32 $0xDB00;
	s28 =	rddreg [dreg:$0x14]  }
0xd6: {  	[tilespmem:s29], [sflag:$0x4] =	stream.strided.gather [hbm4b:s28+s14], $0x4000, s15, s14, $0x38;
	[tilespmem:$0x1F100] =	vst v63  }
0xd7: {  	s31 =	simm.s32 $0x13300;
	s1 =	simm.s32 $0x0;
	s30 =	rddreg [dreg:$0x15]  }
0xd8: {  	[tilespmem:s31], [sflag:$0x8] =	stream.linear.gather [spmem:s30], $0x800, $0x38;
	[tilespmem:$0x1F100] =	vst v63  }
.LBB2_18:
0xd9: {  	s0 =	simm.s32 $0x1  }
0xda: {  	_ =	swait.ge [sflag:s0], $0x4000  }
0xdb: {  	[sflag:s0] =	ssyncset.done $0x0  }
0xdc: {  	s6 =	simm.s32 $0x5;
	[sflag:s0] =	ssyncadd.s32 $0xFFFFC000  }
0xdd: {  	p2 =	seq.s32 s1, $0x0;
	s19 =	smov.u32 s1;
	_ =	swait.ge [sflag:s6], $0x800  }
0xde: {  	s7 =	simm.s32 $0x0;
	s2 =	simm.s32 $0x0;
	[sflag:s6] =	ssyncset.done $0x0  }
0xdf: {  	s30 =	sand.u32 $0x60, s2;
	s0 =	simm.s32 @!p2 $0x9;
	[sflag:s6] =	ssyncadd.s32 $0xFFFFF800  }
0xe0: {  	s2 =	sand.u32 $0x400, s2;
	s1 =	sand.u32 $0xFFFFFF80, s7;
	_ =	swait.ge @!p2 [sflag:s0], $0x4000  }
0xe1: {  	s3 =	sor.u32 s1, s2;
	s17 =	sor.u32 $0x10, s30;
	[sflag:s0] =	ssyncset.done @!p2 $0x0  }
0xe2: {  	s8 =	sor.u32 s17, s3;
	[sflag:s0] =	ssyncadd.s32 @!p2 $0xFFFFC000  }
0xe3: {  	v6 =	vld [tilespmem:s8+$0x11B00]  }
0xe4: {  	v0 =	vld [tilespmem:s8+$0x1B00];
	_ =	sdelay $0x1  }
0xe5: {  	s9 =	simm.s32 $0x0  }
0xe6: {  	s10 =	simm.s32 $0x100;
	s4 =	simm.s32 $0x20;
	s0 =	sand.u32 $0x3FFFF800, s9  }
0xe7: {  	s25 =	sand.u32 $0x60, s4;
	s11 =	sand.u32 $0x400, s10;
	s0 =	sor.u32 s2, s0  }
0xe8: {  	s6 =	simm.s32 $0x10;
	s2 =	sadd.s32 s1, s2;
	s5 =	sadd.s32 $0x13B00, s0;
	v0 =	vadd.f32 v0, v6  }
0xe9: {  	s6 =	sand.u32 $0xFFFFFF80, s6;
	s1 =	sadd.s32 $0x2300, s2;
	s22 =	sor.u32 s17, s5  }
0xea: {  	s14 =	sor.u32 $0x10, s25;
	s9 =	sor.u32 s6, s11;
	s7 =	sor.u32 s17, s1;
	[tilespmem:s22+$0x0] =	vst v0  }
0xeb: {  	s12 =	sor.u32 s14, s9;
	v1 =	vld [tilespmem:s7+$0x0]  }
0xec: {  	v7 =	vld [tilespmem:s12+$0x11B00]  }
0xed: {  	s3 =	sor.u32 s30, s3;
	v2 =	vld [tilespmem:s12+$0x1B00]  }
0xee: {  	v3 =	vld [tilespmem:s3+$0x1B00]  }
0xef: {  	s13 =	simm.s32 $0x100;
	v0 =	vld [tilespmem:s3+$0x11B00]  }
0xf0: {  	s7 =	sand.u32 $0x3FFFF800, s13;
	v1 =	vadd.f32 v1, v6  }
0xf1: {  	s15 =	sadd.s32 $0x2B00, s2;
	s7 =	sor.u32 s11, s7  }
0xf2: {  	s4 =	sadd.s32 s6, s11;
	s8 =	sor.u32 s17, s15;
	s7 =	sadd.s32 $0x13B00, s7;
	[tilespmem:s22+$0x80] =	vst v1;
	v1 =	vadd.f32 v2, v7  }
0xf3: {  	s6 =	sadd.s32 $0x2300, s4;
	s18 =	sor.u32 s14, s7;
	v2 =	vld [tilespmem:s8+$0x0]  }
0xf4: {  	s16 =	sor.u32 s14, s6;
	v3 =	vadd.f32 v3, v0;
	[tilespmem:s18+$0x0] =	vst v1  }
0xf5: {  	s31 =	sor.u32 s30, s5;
	v1 =	vld [tilespmem:s16+$0x0]  }
0xf6: {  	s1 =	sor.u32 s30, s1;
	[tilespmem:s31+$0x0] =	vst v3  }
0xf7: {  	v3 =	vld [tilespmem:s1+$0x0]  }
0xf8: {  	v2 =	vadd.f32 v2, v6  }
0xf9: {  	s20 =	sadd.s32 $0x3300, s2  }
0xfa: {  	s21 =	sor.u32 s17, s20;
	[tilespmem:s22+$0x100] =	vst v2;
	v1 =	vadd.f32 v1, v7  }
0xfb: {  	v2 =	vld [tilespmem:s21+$0x0];
	s21 =	sadd.s32 $0x2B00, s4  }
0xfc: {  	v3 =	vadd.f32 v3, v0;
	[tilespmem:s18+$0x80] =	vst v1;
	s24 =	sor.u32 s14, s21  }
0xfd: {  	s26 =	sor.u32 s25, s9;
	v4 =	vld [tilespmem:s24+$0x0]  }
0xfe: {  	s10 =	simm.s32 $0x20;
	[tilespmem:s31+$0x80] =	vst v3;
	v3 =	vld [tilespmem:s26+$0x1B00]  }
0xff: {  	s28 =	simm.s32 $0x200;
	s10 =	sand.u32 $0xFFFFFF80, s10;
	s0 =	simm.s32 $0x40;
	v1 =	vld [tilespmem:s26+$0x11B00]  }
0x100: {  	s9 =	sand.u32 $0x400, s28;
	s3 =	sor.u32 s30, s15;
	s1 =	sand.u32 $0x60, s0  }
0x101: {  	s15 =	sor.u32 s10, s9;
	s12 =	sor.u32 $0x10, s1;
	v5 =	vld [tilespmem:s3+$0x0];
	v2 =	vadd.f32 v2, v6  }
0x102: {  	s13 =	sadd.s32 $0x3B00, s2;
	s16 =	sor.u32 s12, s15;
	v4 =	vadd.f32 v4, v7  }
0x103: {  	s8 =	sor.u32 s17, s13;
	v9 =	vld [tilespmem:s16+$0x1B00];
	s3 =	sadd.s32 $0x3300, s4;
	[tilespmem:s22+$0x180] =	vst v2  }
0x104: {  	s11 =	sor.u32 s14, s3;
	v3 =	vadd.f32 v3, v1;
	v8 =	vld [tilespmem:s8+$0x0];
	[tilespmem:s18+$0x100] =	vst v4  }
0x105: {  	s8 =	sor.u32 s25, s7;
	v4 =	vld [tilespmem:s11+$0x0]  }
0x106: {  	v5 =	vadd.f32 v5, v0;
	v2 =	vld [tilespmem:s16+$0x11B00];
	[tilespmem:s8+$0x0] =	vst v3;
	s11 =	smul.u32 $0x2AAAC0, s19  }
0x107: {  	s6 =	sor.u32 s25, s6;
	[dreg:$0x1b] =	wrdreg s19  }
0x108: {  	s5 =	sor.u32 s30, s20;
	s20 =	simm.s32 $0x200;
	v10 =	vld [tilespmem:s6+$0x0];
	[tilespmem:s31+$0x100] =	vst v5;
	s28 =	sshrl.u32 s11, $0x15  }
0x109: {  	s26 =	sand.u32 $0x3FFFF800, s20;
	s24 =	sor.u32 s1, s15;
	v5 =	vld [tilespmem:s5+$0x0];
	v8 =	vadd.f32 v8, v6;
	[smem:$0x7FC] =	sst s28  }
0x10a: {  	s15 =	sor.u32 s9, s26;
	s6 =	sadd.s32 $0x4300, s2;
	v3 =	vld [tilespmem:s24+$0x11B00];
	v4 =	vadd.f32 v4, v7  }
0x10b: {  	s20 =	sadd.s32 $0x3B00, s4;
	s0 =	sor.u32 s17, s6;
	s5 =	sadd.s32 $0x13B00, s15;
	v11 =	vld [tilespmem:s24+$0x1B00];
	[tilespmem:s22+$0x200] =	vst v8;
	v8 =	vadd.f32 v9, v2  }
0x10c: {  	s16 =	sadd.s32 s10, s9;
	s10 =	sor.u32 s14, s20;
	s24 =	sor.u32 s12, s5;
	v9 =	vld [tilespmem:s0+$0x0];
	[tilespmem:s18+$0x180] =	vst v4  }
0x10d: {  	s13 =	sor.u32 s30, s13;
	s9 =	sadd.s32 $0x2300, s16;
	s19 =	sshll.u32 s19, $0x6;
	[tilespmem:s24+$0x0] =	vst v8;
	v4 =	vld [tilespmem:s10+$0x0]  }
0x10e: {  	s26 =	smul.u32 $0xFFFFFFD0, s28;
	s28 =	sor.u32 s12, s9;
	v8 =	vadd.f32 v10, v1;
	[dreg:$0x1c] =	wrdreg s19  }
0x10f: {  	s7 =	sor.u32 s25, s21;
	s21 =	sadd.s32 $0x4B00, s2;
	s11 =	sor.u32 s1, s5;
	v5 =	vadd.f32 v5, v0;
	v10 =	vld [tilespmem:s28+$0x0]  }
0x110: {  	s9 =	sor.u32 s1, s9;
	s0 =	sor.u32 s23, s19;
	s23 =	simm.s32 $0x60;
	[tilespmem:s8+$0x80] =	vst v8;
	v8 =	vadd.f32 v11, v3  }
0x111: {  	s15 =	sadd.s32 s0, s26;
	s26 =	sor.u32 s17, s21;
	s19 =	simm.s32 $0x300;
	[tilespmem:s31+$0x180] =	vst v5;
	v5 =	vld [tilespmem:s7+$0x0];
	v9 =	vadd.f32 v9, v6  }
0x112: {  	s10 =	sand.u32 $0x60, s23;
	s0 =	sshra.s32 s15, $0x1F;
	s28 =	simm.s32 $0x30;
	v11 =	vld [tilespmem:s13+$0x0];
	[tilespmem:s11+$0x0] =	vst v8;
	v4 =	vadd.f32 v4, v7  }
0x113: {  	s5 =	sand.u32 $0x400, s19;
	s19 =	sand.u32 $0xFFFFFF80, s28;
	s7 =	sadd.s32 $0x4300, s4;
	v8 =	vld [tilespmem:s9+$0x0];
	[tilespmem:s22+$0x280] =	vst v9  }
0x114: {  	s28 =	sor.u32 s14, s7;
	s9 =	sor.u32 $0x10, s10;
	v9 =	vadd.f32 v10, v2;
	v10 =	vld [tilespmem:s26+$0x0];
	s26 =	sor.u32 s19, s5;
	[tilespmem:s18+$0x200] =	vst v4  }
0x115: {  	s23 =	sadd.s32 $0x2B00, s16;
	s13 =	smul.u32 $0x55555556, s0;
	s0 =	sor.u32 s9, s26;
	v12 =	vld [tilespmem:s28+$0x0]  }
0x116: {  	[tilespmem:s24+$0x80] =	vst v9;
	s28 =	sor.u32 s12, s23;
	v4 =	vld [tilespmem:s0+$0x11B00]  }
0x117: {  	s29 =	smulhi.u32 $0x55555556, s15;
	v5 =	vadd.f32 v5, v1;
	v9 =	vld [tilespmem:s28+$0x0]  }
0x118: {  	v11 =	vadd.f32 v11, v0;
	s26 =	sor.u32 s10, s26;
	v13 =	vld [tilespmem:s0+$0x1B00]  }
0x119: {  	s3 =	sor.u32 s25, s3;
	s13 =	sadd.s32 s13, s29;
	[tilespmem:s8+$0x100] =	vst v5;
	v5 =	vld [tilespmem:s26+$0x11B00]  }
0x11a: {  	s0 =	simm.s32 $0x300;
	s28 =	sor.u32 s30, s6;
	[tilespmem:s31+$0x200] =	vst v11;
	v8 =	vadd.f32 v8, v3;
	v14 =	vld [tilespmem:s3+$0x0];
	s3 =	sadd.s32 $0x4B00, s4  }
0x11b: {  	v11 =	vld [tilespmem:s28+$0x0];
	s28 =	sand.u32 $0x3FFFF800, s0;
	s0 =	sshrl.u32 s13, $0x1F;
	[smem:$0x7FB] =	sst s3;
	v12 =	vadd.f32 v12, v7  }
0x11c: {  	s23 =	sor.u32 s1, s23;
	s6 =	sadd.s32 s0, s13;
	s28 =	sor.u32 s5, s28;
	v15 =	vld [tilespmem:s26+$0x1B00];
	[tilespmem:s11+$0x80] =	vst v8;
	v9 =	vadd.f32 v9, v2  }
0x11d: {  	s13 =	sadd.s32 s19, s5;
	s5 =	sadd.s32 $0x3300, s16;
	v10 =	vadd.f32 v10, v6;
	s26 =	sor.u32 s14, s3;
	v8 =	vld [tilespmem:s23+$0x0];
	[tilespmem:s18+$0x280] =	vst v12  }
0x11e: {  	s20 =	sor.u32 s25, s20;
	v13 =	vadd.f32 v13, v4;
	v12 =	vld [tilespmem:s26+$0x0];
	s26 =	sadd.s32 $0x13B00, s28;
	[tilespmem:s24+$0x100] =	vst v9;
	s28 =	sor.u32 s12, s5  }
0x11f: {  	s21 =	sor.u32 s30, s21;
	[tilespmem:s22+$0x300] =	vst v10;
	v14 =	vadd.f32 v14, v1;
	v9 =	vld [tilespmem:s28+$0x0];
	s28 =	sadd.s32 $0x2300, s13;
	s19 =	sor.u32 s9, s26  }
0x120: {  	s29 =	smul.u32 $0xFFFFFFFD, s6;
	s23 =	sadd.s32 $0x5300, s2;
	v10 =	vadd.f32 v11, v0;
	[tilespmem:s19+$0x0] =	vst v13;
	s3 =	sor.u32 s9, s28  }
0x121: {  	p4 =	slt.s32 s15, $0x1;
	s0 =	ssub.s32 $0x0, s15;
	s17 =	sor.u32 s17, s23;
	[tilespmem:s8+$0x180] =	vst v14;
	v14 =	vadd.f32 v15, v5;
	v13 =	vld [tilespmem:s3+$0x0]  }
0x122: {  	s4 =	sadd.s32 $0x5300, s4;
	p3 =	sne.s32 s29, s0;
	v11 =	vld [tilespmem:s17+$0x0];
	[tilespmem:s31+$0x280] =	vst v10;
	s26 =	sor.u32 s10, s26  }
0x123: {  	s0 =	simm.s32 $0x80;
	s29 =	sadd.s32 $0x2B00, s13;
	v15 =	vld [tilespmem:s20+$0x0];
	s28 =	sor.u32 s10, s28;
	[tilespmem:s26+$0x0] =	vst v14;
	v10 =	vadd.f32 v12, v7  }
0x124: {  	p3 =	por !p4, !p3;
	s17 =	sor.u32 s14, s4;
	s2 =	sor.u32 s9, s29;
	v8 =	vadd.f32 v8, v3;
	v14 =	vld [tilespmem:s28+$0x0]  }
0x125: {  	s5 =	sor.u32 s1, s5;
	p3 =	por !p3, !p3;
	s20 =	simm.s32 $0x40;
	v12 =	vld [tilespmem:s21+$0x0];
	v9 =	vadd.f32 v9, v2;
	[tilespmem:s18+$0x300] =	vst v10  }
0x126: {  	s3 =	simm.s32 $0x400;
	s14 =	sand.u32 $0xFFFFFF80, s20;
	s28 =	sadd.s32 $0x3B00, s16;
	[tilespmem:s11+$0x100] =	vst v8;
	v10 =	vld [tilespmem:s17+$0x0];
	v13 =	vadd.f32 v13, v4  }
0x127: {  	s20 =	sand.u32 $0x60, s0;
	s3 =	sand.u32 $0x400, s3;
	s21 =	sor.u32 s12, s28;
	v8 =	vld [tilespmem:s5+$0x0];
	[tilespmem:s24+$0x180] =	vst v9  }
0x128: {  	s5 =	sor.u32 s14, s3;
	v15 =	vadd.f32 v15, v1;
	s17 =	simm.s32 $0x1;
	v9 =	vld [tilespmem:s21+$0x0];
	s21 =	sor.u32 $0x10, s20;
	[tilespmem:s19+$0x80] =	vst v13  }
0x129: {  	v11 =	vadd.f32 v11, v6;
	s17 =	simm.s32 @!p3 $0x0;
	v13 =	vld [tilespmem:s2+$0x0];
	s2 =	sor.u32 s21, s5  }
0x12a: {  	s7 =	sor.u32 s25, s7;
	[tilespmem:s8+$0x200] =	vst v15;
	s6 =	ssub.s32 s6, s17;
	v6 =	vld [tilespmem:s2+$0x11B00]  }
0x12b: {  	[tilespmem:s22+$0x380] =	vst v11;
	v7 =	vadd.f32 v10, v7;
	v10 =	vld [tilespmem:s7+$0x0];
	s7 =	smul.u32 $0x1FFFFD, s6  }
0x12c: {  	v16 =	vld [tilespmem:s2+$0x1B00];
	[dreg:$0x1e] =	wrdreg s6  }
0x12d: {  	s2 =	sor.u32 s20, s5;
	v9 =	vadd.f32 v9, v2;
	[tilespmem:s18+$0x380] =	vst v7;
	s5 =	sadd.s32 s15, s7  }
0x12e: {  	v11 =	vadd.f32 v14, v5;
	v7 =	vld [tilespmem:s2+$0x11B00];
	[dreg:$0x1f] =	wrdreg s5  }
0x12f: {  	v8 =	vadd.f32 v8, v3;
	[tilespmem:s24+$0x200] =	vst v9  }
0x130: {  	s22 =	simm.s32 $0x400;
	v13 =	vadd.f32 v13, v4;
	[tilespmem:s26+$0x80] =	vst v11  }
0x131: {  	s14 =	sadd.s32 s14, s3;
	s6 =	sand.u32 $0x3FFFF800, s22;
	s18 =	sadd.s32 $0x4300, s16;
	[tilespmem:s11+$0x180] =	vst v8  }
0x132: {  	s17 =	smov.u32 s11;
	s7 =	sor.u32 s12, s18;
	v14 =	vld [tilespmem:s2+$0x1B00];
	s2 =	sor.u32 s3, s6;
	[tilespmem:s19+$0x100] =	vst v13  }
0x133: {  	s6 =	sadd.s32 $0x3300, s13;
	v9 =	vadd.f32 v16, v6;
	s3 =	sadd.s32 $0x13B00, s2;
	s11 =	sld [smem:$0x7FB]  }
0x134: {  	v15 =	vld [tilespmem:s7+$0x0];
	s7 =	sor.u32 s1, s28;
	s28 =	sadd.s32 $0x2300, s14;
	s2 =	sor.u32 s21, s3  }
0x135: {  	s22 =	smov.u32 s13;
	s5 =	sor.u32 s9, s6;
	s13 =	sor.u32 s21, s28;
	[tilespmem:s2+$0x0] =	vst v9  }
0x136: {  	v13 =	vld [tilespmem:s5+$0x0];
	s5 =	sor.u32 s25, s11;
	s11 =	smov.u32 s21;
	s21 =	sld [smem:$0x7FC]  }
0x137: {  	s15 =	sor.u32 s10, s29  }
0x138: {  	v17 =	vld [tilespmem:s15+$0x0];
	s15 =	rddreg [dreg:$0x7]  }
0x139: {  	v8 =	vadd.f32 v10, v1;
	v10 =	vld [tilespmem:s7+$0x0];
	s25 =	sor.u32 s25, s4;
	s4 =	sadd.s32 s21, s15  }
0x13a: {  	v11 =	vld [tilespmem:s13+$0x0];
	[smem:$0x7FD] =	sst s4  }
0x13b: {  	v12 =	vadd.f32 v12, v0;
	[tilespmem:s8+$0x280] =	vst v8  }
0x13c: {  	s23 =	sor.u32 s30, s23;
	s29 =	simm.s32 $0x8;
	v14 =	vadd.f32 v14, v7;
	v9 =	vld [tilespmem:s5+$0x0];
	[dreg:$0x5] =	wrdreg s31  }
0x13d: {  	s30 =	sor.u32 s10, s6;
	s7 =	smov.u32 s8;
	v15 =	vadd.f32 v15, v2;
	s21 =	sor.u32 s20, s3;
	[tilespmem:s31+$0x300] =	vst v12  }
0x13e: {  	s28 =	sor.u32 s20, s28;
	s13 =	smov.u32 s26;
	s15 =	sor.u32 s1, s18;
	[tilespmem:s21+$0x0] =	vst v14  }
0x13f: {  	s18 =	smov.u32 s12;
	s12 =	smov.u32 s1;
	s3 =	simm.s32 $0x500;
	[tilespmem:s24+$0x280] =	vst v15  }
0x140: {  	s31 =	smov.u32 s9;
	s9 =	sadd.s32 $0x4B00, s16;
	s26 =	rddreg [dreg:$0x1b]  }
0x141: {  	s8 =	smov.u32 s10;
	s4 =	sor.u32 s1, s9;
	v12 =	vld [tilespmem:s28+$0x0];
	s28 =	sshll.u32 s26, $0x2  }
0x142: {  	v13 =	vadd.f32 v13, v4;
	v14 =	vadd.f32 v17, v5;
	v8 =	vld [tilespmem:s23+$0x0];
	s6 =	sor.u32 s18, s9;
	s23 =	smov.u32 s24;
	[dreg:$0x1d] =	wrdreg s28  }
.LBB2_19:
0x143: {  	[dreg:$0x6] =	wrdreg s4;
	s29 =	sadd.s32 $0x2, s29;
	s0 =	sadd.s32 $0x20, s0  }
0x144: {  	s10 =	smov.u32 s18;
	s18 =	sadd.s32 $0x3B00, s22;
	s28 =	smov.u32 s23  }
0x145: {  	s9 =	smov.u32 s19;
	s19 =	smov.u32 s2;
	s23 =	sadd.s32 $0x2B00, s14  }
0x146: {  	s1 =	smov.u32 s17;
	s26 =	smov.u32 s25;
	s2 =	sand.u32 $0x60, s0  }
0x147: {  	[tilespmem:s13+$0x100] =	vst v14;
	v14 =	vld [tilespmem:s6+$0x0];
	s5 =	sshll.u32 s29, $0x3;
	s4 =	sor.u32 s31, s18;
	s25 =	sor.u32 s20, s23;
	v10 =	vadd.f32 v10, v3  }
0x148: {  	[tilespmem:s9+$0x180] =	vst v13;
	p3 =	slt.u32 s29, $0x7E;
	v15 =	vld [tilespmem:s30+$0x0];
	s30 =	sand.u32 $0x400, s3;
	s5 =	sand.u32 $0xFFFFFF80, s5;
	v11 =	vadd.f32 v11, v6  }
0x149: {  	v13 =	vld [tilespmem:s4+$0x0];
	s6 =	sor.u32 $0x10, s2;
	s4 =	smov.u32 s11;
	s11 =	sor.u32 s11, s23;
	[tilespmem:s17+$0x200] =	vst v10  }
0x14a: {  	s3 =	sadd.s32 $0x100, s3;
	v9 =	vadd.f32 v9, v1;
	s24 =	sor.u32 s5, s30;
	[tilespmem:s19+$0x80] =	vst v11;
	s17 =	sor.u32 s8, s18;
	v10 =	vld [tilespmem:s15+$0x0]  }
0x14b: {  	v8 =	vadd.f32 v8, v0;
	v0 =	vmovc v1;
	v1 =	vmovc v3;
	v3 =	vmov v5;
	v5 =	vmov v7;
	s18 =	rddreg [dreg:$0x5];
	s15 =	sor.u32 s2, s24;
	s24 =	sor.u32 s6, s24;
	v11 =	vld [tilespmem:s11+$0x0]  }
0x14c: {  	v7 =	vadd.f32 v12, v5;
	s11 =	smov.u32 s7;
	[tilespmem:s7+$0x300] =	vst v9;
	s7 =	smov.u32 s8;
	s8 =	smov.u32 s14;
	v9 =	vld [tilespmem:s24+$0x11B00]  }
0x14d: {  	v12 =	vadd.f32 v14, v2;
	[tilespmem:s18+$0x380] =	vst v8;
	s14 =	sshll.u32 s29, $0x7;
	s23 =	smov.u32 s11;
	v8 =	vld [tilespmem:s24+$0x1B00];
	s24 =	sadd.s32 $0x5300, s16  }
0x14e: {  	[tilespmem:s21+$0x80] =	vst v7;
	v14 =	vadd.f32 v15, v3;
	s16 =	smov.u32 s22;
	s22 =	sand.u32 $0x3FFFF800, s14;
	s14 =	sadd.s32 s5, s30  }
0x14f: {  	[dreg:$0x5] =	wrdreg s23;
	v7 =	vld [tilespmem:s15+$0x11B00];
	s23 =	sor.u32 s12, s24;
	[tilespmem:s28+$0x300] =	vst v12;
	s11 =	sor.u32 s10, s24  }
0x150: {  	v13 =	vadd.f32 v13, v4;
	s10 =	smov.u32 s7;
	s18 =	sadd.s32 $0x4300, s16;
	s7 =	smov.u32 s20;
	[tilespmem:s13+$0x180] =	vst v14;
	v12 =	vld [tilespmem:s11+$0x0]  }
0x151: {  	s20 =	smov.u32 s2;
	s24 =	sor.u32 s31, s18;
	s11 =	sor.u32 s30, s22;
	v14 =	vld [tilespmem:s15+$0x1B00];
	v10 =	vadd.f32 v10, v1  }
0x152: {  	[tilespmem:s9+$0x200] =	vst v13;
	s22 =	smov.u32 s8;
	s15 =	sor.u32 s10, s18;
	s12 =	sadd.s32 $0x13B00, s11;
	v11 =	vadd.f32 v11, v6  }
0x153: {  	s18 =	sadd.s32 $0x3300, s8;
	v13 =	vld [tilespmem:s24+$0x0];
	s8 =	sadd.s32 $0x2300, s14;
	s24 =	sor.u32 s20, s12;
	[tilespmem:s1+$0x280] =	vst v10  }
0x154: {  	s2 =	sor.u32 s6, s12;
	s12 =	sor.u32 s20, s8;
	v8 =	vadd.f32 v8, v9;
	[tilespmem:s19+$0x100] =	vst v11;
	v15 =	vld [tilespmem:s25+$0x0];
	s25 =	sor.u32 s4, s18  }
0x155: {  	s11 =	sor.u32 s6, s8;
	s8 =	smov.u32 s7;
	s30 =	sor.u32 s7, s18;
	v16 =	vld [tilespmem:s25+$0x0]  }
.Ltmp8:
0x156: {  	s7 =	smov.u32 s1;
	v10 =	vld [tilespmem:s17+$0x0];
	s18 =	smov.u32 s31;
	[tilespmem:s2+$0x0] =	vst v8;
	v8 =	vadd.f32 v12, v2;
	v12 =	vadd.f32 v14, v7;
	(pc) =	sbr.rel @p3 .LBB2_19-.Ltmp8, $4  }
0x157: {  	s31 =	smov.u32 s4;
	s17 =	smov.u32 s13;
	v2 =	vmov v4;
	s25 =	rddreg [dreg:$0x6];
	v11 =	vld [tilespmem:s11+$0x0]  }
0x158: {  	s13 =	smov.u32 s21;
	s21 =	smov.u32 s24;
	v4 =	vmov v6;
	v6 =	vmov v9;
	s11 =	smov.u32 s6;
	v17 =	vadd.f32 v13, v2;
	v9 =	vld [tilespmem:s25+$0x0];
	[tilespmem:s24+$0x0] =	vst v12  }
0x159: {  	s25 =	smov.u32 s23;
	s23 =	smov.u32 s9;
	[tilespmem:s28+$0x380] =	vst v8;
	s28 =	sadd.s32 $0x4B00, s16;
	v8 =	vld [tilespmem:s26+$0x0]  }
0x15a: {  	v12 =	vld [tilespmem:s12+$0x0];
	s12 =	smov.u32 s10;
	s4 =	sor.u32 s10, s28;
	[tilespmem:s9+$0x280] =	vst v17;
	s6 =	sor.u32 s18, s28;
	v14 =	vadd.f32 v15, v5;
	v13 =	vadd.f32 v16, v4  }
0x15b: {  	_ =	sdelay $0x1  }
0x15c: {  	v11 =	vadd.f32 v11, v6  }
0x15d: {  	s0 =	sadd.s32 $0x2B00, s14  }
0x15e: {  	s3 =	sor.u32 s11, s0;
	[tilespmem:s2+$0x80] =	vst v11;
	v11 =	vadd.f32 v12, v7  }
0x15f: {  	v12 =	vld [tilespmem:s3+$0x0]  }
0x160: {  	s0 =	sor.u32 s20, s0;
	[tilespmem:s21+$0x80] =	vst v11  }
0x161: {  	v11 =	vld [tilespmem:s0+$0x0];
	_ =	sdelay $0x2  }
0x162: {  	[tilespmem:s13+$0x100] =	vst v14;
	v12 =	vadd.f32 v12, v6  }
0x163: {  	s26 =	sadd.s32 $0x3300, s14;
	v14 =	vld [tilespmem:s30+$0x0]  }
0x164: {  	s28 =	sor.u32 s11, s26;
	[tilespmem:s2+$0x100] =	vst v12;
	v11 =	vadd.f32 v11, v7  }
0x165: {  	v12 =	vld [tilespmem:s28+$0x0]  }
0x166: {  	s0 =	sor.u32 s20, s26;
	[tilespmem:s21+$0x100] =	vst v11  }
0x167: {  	s1 =	sadd.s32 $0x3B00, s22;
	v11 =	vld [tilespmem:s0+$0x0]  }
0x168: {  	[tilespmem:s19+$0x180] =	vst v13;
	s5 =	sor.u32 s31, s1;
	v14 =	vadd.f32 v14, v5  }
0x169: {  	v13 =	vld [tilespmem:s5+$0x0]  }
0x16a: {  	[tilespmem:s13+$0x180] =	vst v14;
	s0 =	sor.u32 s8, s1;
	v12 =	vadd.f32 v12, v6  }
0x16b: {  	s9 =	sadd.s32 $0x3B00, s14;
	v14 =	vld [tilespmem:s0+$0x0]  }
0x16c: {  	s5 =	sor.u32 s11, s9;
	[tilespmem:s2+$0x180] =	vst v12;
	v11 =	vadd.f32 v11, v7  }
0x16d: {  	v10 =	vadd.f32 v10, v3;
	v12 =	vld [tilespmem:s5+$0x0]  }
0x16e: {  	s10 =	sor.u32 s20, s9;
	v13 =	vadd.f32 v13, v4;
	[tilespmem:s21+$0x180] =	vst v11  }
0x16f: {  	[tilespmem:s17+$0x200] =	vst v10;
	v11 =	vld [tilespmem:s10+$0x0]  }
0x170: {  	s24 =	sadd.s32 $0x4300, s22;
	[tilespmem:s19+$0x200] =	vst v13;
	v13 =	vadd.f32 v14, v5  }
0x171: {  	s26 =	sor.u32 s31, s24;
	v14 =	vld [tilespmem:s15+$0x0]  }
0x172: {  	v10 =	vld [tilespmem:s26+$0x0];
	s0 =	sor.u32 s8, s24;
	[tilespmem:s13+$0x200] =	vst v13;
	v12 =	vadd.f32 v12, v6  }
0x173: {  	s28 =	sadd.s32 $0x4300, s14;
	v13 =	vld [tilespmem:s0+$0x0]  }
0x174: {  	s1 =	sor.u32 s11, s28;
	[tilespmem:s2+$0x200] =	vst v12;
	v11 =	vadd.f32 v11, v7  }
0x175: {  	v12 =	vld [tilespmem:s1+$0x0]  }
0x176: {  	v15 =	vld [tilespmem:s6+$0x0];
	s3 =	sor.u32 s20, s28;
	v14 =	vadd.f32 v14, v3;
	[tilespmem:s21+$0x200] =	vst v11  }
0x177: {  	v10 =	vadd.f32 v10, v4;
	v11 =	vld [tilespmem:s3+$0x0]  }
0x178: {  	[tilespmem:s17+$0x280] =	vst v14;
	v13 =	vadd.f32 v13, v5  }
0x179: {  	[tilespmem:s19+$0x280] =	vst v10;
	s5 =	sadd.s32 $0x4B00, s22;
	v14 =	vld [tilespmem:s4+$0x0]  }
0x17a: {  	s0 =	sor.u32 s8, s5;
	[tilespmem:s13+$0x280] =	vst v13;
	v10 =	vadd.f32 v12, v6  }
0x17b: {  	s9 =	sadd.s32 $0x4B00, s14;
	s6 =	sor.u32 s31, s5;
	v13 =	vadd.f32 v15, v2;
	v15 =	vld [tilespmem:s0+$0x0]  }
0x17c: {  	s10 =	sor.u32 s11, s9;
	v12 =	vld [tilespmem:s6+$0x0];
	[tilespmem:s2+$0x280] =	vst v10;
	v10 =	vadd.f32 v11, v7  }
0x17d: {  	[tilespmem:s23+$0x300] =	vst v13;
	v11 =	vld [tilespmem:s10+$0x0]  }
0x17e: {  	s15 =	sor.u32 s20, s9;
	v13 =	vadd.f32 v14, v3;
	[tilespmem:s21+$0x280] =	vst v10  }
0x17f: {  	v9 =	vadd.f32 v9, v1;
	v10 =	vld [tilespmem:s15+$0x0]  }
0x180: {  	[tilespmem:s17+$0x300] =	vst v13;
	v13 =	vadd.f32 v15, v5  }
0x181: {  	s16 =	sadd.s32 $0x5300, s16;
	[tilespmem:s7+$0x300] =	vst v9;
	v12 =	vadd.f32 v12, v4  }
0x182: {  	s18 =	sor.u32 s18, s16;
	[tilespmem:s13+$0x300] =	vst v13;
	v11 =	vadd.f32 v11, v6  }
0x183: {  	s24 =	sadd.s32 $0x5300, s22;
	v9 =	vld [tilespmem:s18+$0x0];
	[tilespmem:s19+$0x300] =	vst v12  }
0x184: {  	s26 =	sor.u32 s31, s24;
	v14 =	vld [tilespmem:s25+$0x0];
	[tilespmem:s2+$0x300] =	vst v11;
	v10 =	vadd.f32 v10, v7  }
0x185: {  	s1 =	sor.u32 s12, s16;
	v12 =	vld [tilespmem:s26+$0x0];
	s5 =	rddreg [dreg:$0x1d]  }
0x186: {  	v15 =	vld [tilespmem:s1+$0x0];
	s1 =	smin.u32 s5, $0x67;
	[tilespmem:s21+$0x300] =	vst v10  }
0x187: {  	v0 =	vadd.f32 v8, v0;
	s0 =	sor.u32 s8, s24;
	s1 =	sshll.u32 s1, $0x4;
	s6 =	sld [smem:$0x7FD]  }
0x188: {  	s28 =	sadd.s32 $0x5300, s14;
	v2 =	vadd.f32 v9, v2;
	v9 =	vld [tilespmem:s0+$0x0];
	s8 =	rddreg [dreg:$0x5];
	s1 =	sadd.s32 $0x40, s1  }
0x189: {  	s4 =	sor.u32 s11, s28;
	[tilespmem:s8+$0x380] =	vst v0;
	v0 =	vadd.f32 v14, v1;
	s10 =	smulhi.u32 $0x5555556, s1  }
0x18a: {  	s3 =	sor.u32 s20, s28;
	v8 =	vld [tilespmem:s4+$0x0];
	s9 =	rddreg [dreg:$0x1e];
	[tilespmem:s23+$0x380] =	vst v2;
	v2 =	vadd.f32 v12, v4;
	s0 =	smul.u32 $0xC0000, s6  }
0x18b: {  	v1 =	vld [tilespmem:s3+$0x0];
	s3 =	smul.u32 $0x1800, s9;
	[tilespmem:s7+$0x380] =	vst v0;
	v0 =	vadd.f32 v15, v3  }
0x18c: {  	s24 =	stileid.u32;
	s12 =	smul.u32 $0xFFFFFFD0, s10;
	[tilespmem:s19+$0x380] =	vst v2  }
0x18d: {  	s1 =	sor.u32 s24, s1;
	s11 =	rddreg [dreg:$0x1f];
	[tilespmem:s17+$0x380] =	vst v0;
	v0 =	vadd.f32 v9, v5  }
0x18e: {  	s0 =	sadd.s32 s0, s3;
	s1 =	sadd.s32 s1, s12  }
0x18f: {  	s3 =	sshll.u32 s11, $0xB;
	s14 =	sshra.s32 s1, $0x1F;
	[tilespmem:s13+$0x380] =	vst v0;
	s13 =	smulhi.u32 $0x55555556, s1  }
0x190: {  	v2 =	vadd.f32 v8, v6;
	s0 =	sadd.s32 s3, s0;
	s3 =	smul.u32 $0x55555556, s14  }
0x191: {  	s16 =	simm.s32 $0x800;
	s18 =	simm.s32 $0x13B00;
	v1 =	vadd.f32 v1, v7;
	s0 =	sadd.s32 $0x18000, s0  }
0x192: {  	s15 =	rddreg [dreg:$0x2];
	[tilespmem:s2+$0x380] =	vst v2;
	s0 =	sshrl.u32 s0, $0x3;
	s19 =	sadd.s32 s3, s13  }
0x193: {  	s17 =	simm.s32 $0x18000;
	[tilespmem:s21+$0x380] =	vst v1;
	s0 =	sadd.s32 s15, s0;
	s2 =	sshrl.u32 s19, $0x1F  }
0x194: {  	[hbm4b:s0+s16] =	stream.strided.scatter [tilespmem:s18], [sflag:$0x9], $0x4000, s17, s16, $0x38;
	[tilespmem:$0x1F100] =	vst v63  }
0x195: {  	s0 =	sadd.s32 s2, s19  }
0x196: {  	s2 =	smul.u32 $0xFFFFFFFD, s0  }
0x197: {  	s20 =	ssub.s32 $0x0, s1  }
0x198: {  	p3 =	slt.s32 s1, $0x1;
	p4 =	sne.s32 s2, s20  }
0x199: {  	p3 =	por !p3, !p4  }
0x19a: {  	s2 =	simm.s32 $0x1;
	p3 =	por !p3, !p3  }
0x19b: {  	s2 =	simm.s32 @!p3 $0x0  }
0x19c: {  	s0 =	ssub.s32 s0, s2  }
0x19d: {  	s21 =	rddreg [dreg:$0x7];
	s2 =	smul.u32 $0x360000, s0  }
0x19e: {  	s3 =	sadd.s32 s21, s10;
	s0 =	smul.u32 $0x1FFFFD, s0  }
0x19f: {  	s3 =	smul.u32 $0x1800, s3  }
0x1a0: {  	s0 =	sadd.s32 s1, s0  }
0x1a1: {  	s22 =	sadd.s32 s3, s2;
	s0 =	sshll.u32 s0, $0xB  }
0x1a2: {  	s28 =	simm.s32 $0x1B00;
	s25 =	smul.u32 $0x6000, s10;
	s1 =	sadd.s32 s0, s22  }
0x1a3: {  	s26 =	simm.s32 $0x6C000;
	s23 =	rddreg [dreg:$0x0];
	s1 =	sshrl.u32 s1, $0x3  }
0x1a4: {  	s5 =	rddreg [dreg:$0x3];
	s4 =	sshrl.u32 s25, $0x2;
	s1 =	sadd.s32 s23, s1  }
0x1a5: {  	[tilespmem:s28], [sflag:$0x1] =	stream.strided.gather [hbm4b:s1+s16], $0x4000, s26, s16, $0x38;
	[tilespmem:$0x1F100] =	vst v63  }
0x1a6: {  	s1 =	sadd.s32 s4, s5  }
0x1a7: {  	s6 =	simm.s32 $0x11B00;
	s7 =	simm.s32 $0x2;
	s0 =	sadd.s32 s0, s1  }
0x1a8: {  	[tilespmem:s6], [sflag:$0x5] =	stream.linear.gather [spmem:s0], $0x800, $0x38;
	[tilespmem:$0x1F100] =	vst v63  }
0x1a9: {  	_ =	swait.ge [sflag:s7], $0x4000  }
0x1aa: {  	[sflag:s7] =	ssyncset.done $0x0  }
0x1ab: {  	s8 =	simm.s32 $0x6;
	[sflag:s7] =	ssyncadd.s32 $0xFFFFC000  }
0x1ac: {  	_ =	swait.ge [sflag:s8], $0x800  }
0x1ad: {  	s9 =	simm.s32 $0x0;
	s10 =	simm.s32 $0x0;
	[sflag:s8] =	ssyncset.done $0x0  }
0x1ae: {  	s11 =	sand.u32 $0xFFFFFF80, s10;
	s0 =	simm.s32 @!p2 $0xA;
	[sflag:s8] =	ssyncadd.s32 $0xFFFFF800  }
0x1af: {  	s20 =	sand.u32 $0x60, s9;
	s1 =	sand.u32 $0x400, s9;
	_ =	swait.ge @!p2 [sflag:s0], $0x4000  }
0x1b0: {  	s2 =	sor.u32 $0x10, s20;
	s12 =	sor.u32 s11, s1;
	[sflag:s0] =	ssyncset.done @!p2 $0x0  }
0x1b1: {  	s13 =	sor.u32 s2, s12;
	[sflag:s0] =	ssyncadd.s32 @!p2 $0xFFFFC000  }
0x1b2: {  	v6 =	vld [tilespmem:s13+$0x12300]  }
0x1b3: {  	v0 =	vld [tilespmem:s13+$0x5B00];
	_ =	sdelay $0x1  }
0x1b4: {  	s14 =	simm.s32 $0x0  }
0x1b5: {  	s17 =	simm.s32 $0x20;
	s18 =	simm.s32 $0x10;
	s0 =	sand.u32 $0x3FFFF800, s14  }
0x1b6: {  	s22 =	sand.u32 $0x60, s17;
	s16 =	simm.s32 $0x100;
	s0 =	sor.u32 s1, s0  }
0x1b7: {  	s19 =	sand.u32 $0x400, s16;
	s4 =	sadd.s32 s11, s1;
	s15 =	sadd.s32 $0x17B00, s0;
	v0 =	vadd.f32 v0, v6  }
0x1b8: {  	s7 =	sand.u32 $0xFFFFFF80, s18;
	s1 =	sadd.s32 $0x6300, s4;
	s21 =	sor.u32 s2, s15  }
0x1b9: {  	s9 =	sor.u32 s7, s19;
	s23 =	sor.u32 s2, s1;
	s0 =	sor.u32 $0x10, s22;
	[tilespmem:s21+$0x0] =	vst v0  }
0x1ba: {  	s25 =	sor.u32 s0, s9;
	v1 =	vld [tilespmem:s23+$0x0]  }
0x1bb: {  	v7 =	vld [tilespmem:s25+$0x12300]  }
0x1bc: {  	v2 =	vld [tilespmem:s25+$0x5B00]  }
0x1bd: {  	s5 =	sor.u32 s20, s12  }
0x1be: {  	s26 =	simm.s32 $0x100;
	v3 =	vld [tilespmem:s5+$0x5B00]  }
0x1bf: {  	s8 =	sand.u32 $0x3FFFF800, s26;
	v0 =	vld [tilespmem:s5+$0x12300];
	v1 =	vadd.f32 v1, v6  }
0x1c0: {  	s8 =	sor.u32 s19, s8  }
0x1c1: {  	s28 =	sadd.s32 $0x6B00, s4;
	s17 =	sadd.s32 s7, s19;
	s8 =	sadd.s32 $0x17B00, s8;
	[tilespmem:s21+$0x80] =	vst v1;
	v1 =	vadd.f32 v2, v7  }
0x1c2: {  	s10 =	sor.u32 s2, s28;
	s7 =	sadd.s32 $0x6300, s17;
	s14 =	sor.u32 s0, s8  }
0x1c3: {  	s11 =	sor.u32 s0, s7;
	v2 =	vld [tilespmem:s10+$0x0];
	[tilespmem:s14+$0x0] =	vst v1  }
0x1c4: {  	v3 =	vadd.f32 v3, v0;
	v1 =	vld [tilespmem:s11+$0x0]  }
0x1c5: {  	s31 =	sor.u32 s20, s15  }
0x1c6: {  	s1 =	sor.u32 s20, s1;
	[tilespmem:s31+$0x0] =	vst v3  }
0x1c7: {  	v3 =	vld [tilespmem:s1+$0x0]  }
0x1c8: {  	v2 =	vadd.f32 v2, v6  }
0x1c9: {  	s10 =	sadd.s32 $0x7300, s4;
	v1 =	vadd.f32 v1, v7  }
0x1ca: {  	s6 =	sadd.s32 $0x6B00, s17;
	s12 =	sor.u32 s2, s10;
	[tilespmem:s21+$0x100] =	vst v2  }
0x1cb: {  	s13 =	sor.u32 s0, s6;
	v2 =	vld [tilespmem:s12+$0x0];
	[tilespmem:s14+$0x80] =	vst v1  }
0x1cc: {  	v3 =	vadd.f32 v3, v0;
	v4 =	vld [tilespmem:s13+$0x0]  }
0x1cd: {  	s15 =	sor.u32 s22, s9  }
0x1ce: {  	s18 =	simm.s32 $0x200;
	s19 =	simm.s32 $0x40;
	s23 =	simm.s32 $0x20;
	[tilespmem:s31+$0x80] =	vst v3;
	v3 =	vld [tilespmem:s15+$0x5B00]  }
0x1cf: {  	s5 =	sand.u32 $0x400, s18;
	s1 =	sand.u32 $0x60, s19;
	v1 =	vld [tilespmem:s15+$0x12300];
	s15 =	sand.u32 $0xFFFFFF80, s23  }
0x1d0: {  	s16 =	sor.u32 s20, s28;
	s12 =	sor.u32 $0x10, s1;
	s9 =	sor.u32 s15, s5;
	v2 =	vadd.f32 v2, v6  }
0x1d1: {  	v5 =	vld [tilespmem:s16+$0x0];
	s13 =	sadd.s32 $0x7B00, s4;
	s26 =	sor.u32 s12, s9;
	v4 =	vadd.f32 v4, v7  }
0x1d2: {  	s3 =	sadd.s32 $0x7300, s17;
	s25 =	sor.u32 s2, s13;
	v9 =	vld [tilespmem:s26+$0x5B00];
	[tilespmem:s21+$0x180] =	vst v2  }
0x1d3: {  	s28 =	sor.u32 s0, s3;
	v8 =	vld [tilespmem:s25+$0x0];
	[tilespmem:s14+$0x100] =	vst v4  }
0x1d4: {  	v4 =	vld [tilespmem:s28+$0x0]  }
0x1d5: {  	v3 =	vadd.f32 v3, v1;
	v2 =	vld [tilespmem:s26+$0x12300]  }
0x1d6: {  	s11 =	sor.u32 s22, s8;
	v5 =	vadd.f32 v5, v0  }
0x1d7: {  	s7 =	sor.u32 s22, s7;
	s18 =	simm.s32 $0x200;
	s10 =	sor.u32 s20, s10;
	[tilespmem:s11+$0x0] =	vst v3  }
0x1d8: {  	s19 =	sor.u32 s1, s9;
	v10 =	vld [tilespmem:s7+$0x0];
	s7 =	sand.u32 $0x3FFFF800, s18;
	s16 =	rddreg [dreg:$0x1c];
	[tilespmem:s31+$0x100] =	vst v5;
	v8 =	vadd.f32 v8, v6  }
0x1d9: {  	s9 =	sadd.s32 $0x8300, s4;
	s7 =	sor.u32 s5, s7;
	s8 =	sor.u32 $0x10, s16;
	v5 =	vld [tilespmem:s10+$0x0];
	v4 =	vadd.f32 v4, v7  }
0x1da: {  	s23 =	sor.u32 s2, s9;
	v11 =	vld [tilespmem:s19+$0x5B00];
	s25 =	sadd.s32 $0x17B00, s7;
	s16 =	smulhi.u32 $0x2AAAAAAB, s8;
	[tilespmem:s21+$0x200] =	vst v8;
	v8 =	vadd.f32 v9, v2  }
0x1db: {  	v3 =	vld [tilespmem:s19+$0x12300];
	s18 =	sadd.s32 $0x7B00, s17;
	s10 =	sadd.s32 s15, s5;
	s7 =	sor.u32 s12, s25;
	[tilespmem:s14+$0x180] =	vst v4  }
0x1dc: {  	s26 =	sor.u32 s0, s18;
	s5 =	sadd.s32 $0x6300, s10;
	s16 =	sshrl.u32 s16, $0x3;
	v9 =	vld [tilespmem:s23+$0x0];
	[tilespmem:s7+$0x0] =	vst v8  }
0x1dd: {  	s28 =	sor.u32 s12, s5;
	v8 =	vadd.f32 v10, v1;
	v4 =	vld [tilespmem:s26+$0x0];
	[smem:$0x7F9] =	sst s16  }
0x1de: {  	v5 =	vadd.f32 v5, v0;
	v10 =	vld [tilespmem:s28+$0x0]  }
0x1df: {  	s6 =	sor.u32 s22, s6;
	s13 =	sor.u32 s20, s13;
	[tilespmem:s11+$0x80] =	vst v8  }
0x1e0: {  	s24 =	sor.u32 s24, s8;
	s8 =	sor.u32 s1, s25;
	s25 =	simm.s32 $0x60;
	v8 =	vadd.f32 v11, v3;
	[tilespmem:s31+$0x180] =	vst v5  }
0x1e1: {  	s5 =	sor.u32 s1, s5;
	s23 =	simm.s32 $0x30;
	s26 =	smul.u32 $0xFFFFFFD0, s16;
	v11 =	vld [tilespmem:s13+$0x0];
	v9 =	vadd.f32 v9, v6  }
0x1e2: {  	s16 =	sand.u32 $0x60, s25;
	s28 =	simm.s32 $0x300;
	v5 =	vld [tilespmem:s6+$0x0];
	s6 =	sadd.s32 $0x8B00, s4;
	[tilespmem:s8+$0x0] =	vst v8;
	v4 =	vadd.f32 v4, v7  }
0x1e3: {  	s25 =	sadd.s32 $0x8300, s17;
	s13 =	sand.u32 $0x400, s28;
	s15 =	sor.u32 s2, s6;
	v8 =	vld [tilespmem:s5+$0x0];
	[tilespmem:s21+$0x280] =	vst v9;
	v9 =	vadd.f32 v10, v2  }
0x1e4: {  	s28 =	sor.u32 s0, s25;
	s5 =	sand.u32 $0xFFFFFF80, s23;
	s23 =	sadd.s32 $0x6B00, s10;
	v10 =	vld [tilespmem:s15+$0x0];
	[tilespmem:s14+$0x200] =	vst v4  }
0x1e5: {  	s19 =	sor.u32 $0x10, s16;
	s29 =	sor.u32 s12, s23;
	v12 =	vld [tilespmem:s28+$0x0];
	[tilespmem:s7+$0x80] =	vst v9;
	s28 =	sor.u32 s5, s13  }
0x1e6: {  	v11 =	vadd.f32 v11, v0;
	v9 =	vld [tilespmem:s29+$0x0];
	s15 =	sor.u32 s19, s28  }
0x1e7: {  	s24 =	sadd.s32 s24, s26;
	v5 =	vadd.f32 v5, v1;
	v4 =	vld [tilespmem:s15+$0x12300]  }
0x1e8: {  	s29 =	sshra.s32 s24, $0x1F;
	[tilespmem:s31+$0x200] =	vst v11;
	v13 =	vld [tilespmem:s15+$0x5B00];
	s15 =	sor.u32 s20, s9  }
0x1e9: {  	s3 =	sor.u32 s22, s3;
	[tilespmem:s11+$0x100] =	vst v5;
	s26 =	smul.u32 $0x55555556, s29;
	v11 =	vld [tilespmem:s15+$0x0];
	s15 =	simm.s32 $0x300  }
0x1ea: {  	s28 =	sor.u32 s16, s28;
	v14 =	vld [tilespmem:s3+$0x0];
	s3 =	sand.u32 $0x3FFFF800, s15;
	s15 =	sadd.s32 $0x8B00, s17;
	v12 =	vadd.f32 v12, v7  }
0x1eb: {  	s9 =	smulhi.u32 $0x55555556, s24;
	v5 =	vld [tilespmem:s28+$0x12300];
	[smem:$0x7F8] =	sst s15;
	v9 =	vadd.f32 v9, v2  }
0x1ec: {  	s23 =	sor.u32 s1, s23;
	v8 =	vadd.f32 v8, v3;
	s29 =	sadd.s32 $0x7300, s10;
	s15 =	sor.u32 s0, s15;
	v15 =	vld [tilespmem:s28+$0x5B00];
	[tilespmem:s14+$0x280] =	vst v12  }
0x1ed: {  	s26 =	sadd.s32 s26, s9;
	s9 =	sor.u32 s13, s3;
	s3 =	sor.u32 s12, s29;
	v12 =	vld [tilespmem:s15+$0x0];
	[tilespmem:s7+$0x100] =	vst v9  }
0x1ee: {  	s13 =	sadd.s32 s5, s13;
	s5 =	sadd.s32 $0x17B00, s9;
	[tilespmem:s8+$0x80] =	vst v8;
	v13 =	vadd.f32 v13, v4;
	v9 =	vld [tilespmem:s3+$0x0];
	s3 =	sadd.s32 $0x9300, s4  }
0x1ef: {  	v10 =	vadd.f32 v10, v6;
	s30 =	sadd.s32 $0x6300, s13;
	s9 =	sor.u32 s19, s5;
	v8 =	vld [tilespmem:s23+$0x0];
	[smem:$0x7F7] =	sst s3  }
0x1f0: {  	v14 =	vadd.f32 v14, v1;
	s4 =	sor.u32 s19, s30;
	[tilespmem:s9+$0x0] =	vst v13  }
0x1f1: {  	s2 =	sor.u32 s2, s3;
	[tilespmem:s21+$0x300] =	vst v10;
	v10 =	vadd.f32 v11, v0;
	v13 =	vld [tilespmem:s4+$0x0]  }
0x1f2: {  	s18 =	sor.u32 s22, s18;
	s15 =	sshrl.u32 s26, $0x1F;
	[tilespmem:s11+$0x180] =	vst v14;
	v14 =	vadd.f32 v15, v5;
	v11 =	vld [tilespmem:s2+$0x0]  }
0x1f3: {  	s23 =	sadd.s32 s15, s26;
	s15 =	sor.u32 s20, s6;
	s26 =	sor.u32 s16, s5;
	v15 =	vld [tilespmem:s18+$0x0];
	[tilespmem:s31+$0x280] =	vst v10;
	v10 =	vadd.f32 v12, v7  }
0x1f4: {  	s28 =	simm.s32 $0x400;
	s5 =	sor.u32 s16, s30;
	[tilespmem:s26+$0x0] =	vst v14;
	v12 =	vld [tilespmem:s15+$0x0];
	v9 =	vadd.f32 v9, v2;
	s15 =	sadd.s32 $0x9300, s17  }
0x1f5: {  	s4 =	sand.u32 $0x400, s28;
	v8 =	vadd.f32 v8, v3;
	s28 =	sadd.s32 $0x7B00, s10;
	v14 =	vld [tilespmem:s5+$0x0];
	[tilespmem:s14+$0x300] =	vst v10;
	s0 =	sor.u32 s0, s15  }
0x1f6: {  	s3 =	simm.s32 $0x40;
	s5 =	sor.u32 s12, s28;
	v10 =	vld [tilespmem:s0+$0x0];
	[tilespmem:s7+$0x180] =	vst v9;
	v13 =	vadd.f32 v13, v4  }
0x1f7: {  	s18 =	sor.u32 s1, s29;
	[tilespmem:s8+$0x100] =	vst v8;
	s0 =	simm.s32 $0x80;
	v9 =	vld [tilespmem:s5+$0x0];
	s5 =	sadd.s32 $0x6B00, s13  }
0x1f8: {  	s6 =	sand.u32 $0xFFFFFF80, s3;
	v8 =	vld [tilespmem:s18+$0x0];
	s17 =	sand.u32 $0x60, s0;
	s2 =	sor.u32 s19, s5;
	[tilespmem:s9+$0x80] =	vst v13  }
0x1f9: {  	s3 =	sor.u32 s6, s4;
	v11 =	vadd.f32 v11, v6;
	s18 =	sor.u32 $0x10, s17;
	v13 =	vld [tilespmem:s2+$0x0]  }
0x1fa: {  	s29 =	smul.u32 $0xFFFFFFFD, s23;
	v15 =	vadd.f32 v15, v1;
	s2 =	sor.u32 s18, s3  }
0x1fb: {  	s30 =	ssub.s32 $0x0, s24;
	[tilespmem:s21+$0x380] =	vst v11;
	v11 =	vadd.f32 v14, v5;
	v6 =	vld [tilespmem:s2+$0x12300]  }
0x1fc: {  	s25 =	sor.u32 s22, s25;
	p6 =	slt.s32 s24, $0x1;
	p5 =	sne.s32 s29, s30;
	[tilespmem:s11+$0x200] =	vst v15;
	v16 =	vld [tilespmem:s2+$0x5B00];
	v7 =	vadd.f32 v10, v7  }
0x1fd: {  	s29 =	sadd.s32 $0x8300, s10;
	p2 =	por !p6, !p5;
	v10 =	vld [tilespmem:s25+$0x0];
	s2 =	sor.u32 s17, s3;
	[tilespmem:s26+$0x80] =	vst v11;
	v9 =	vadd.f32 v9, v2  }
0x1fe: {  	p2 =	por !p2, !p2;
	s3 =	simm.s32 $0x1;
	s25 =	simm.s32 $0x400;
	v14 =	vld [tilespmem:s2+$0x5B00];
	[tilespmem:s14+$0x380] =	vst v7;
	v13 =	vadd.f32 v13, v4  }
0x1ff: {  	s3 =	simm.s32 @!p2 $0x0;
	s25 =	sand.u32 $0x3FFFF800, s25;
	v7 =	vld [tilespmem:s2+$0x12300];
	s14 =	sor.u32 s16, s5;
	[tilespmem:s7+$0x200] =	vst v9  }
0x200: {  	s21 =	ssub.s32 s23, s3;
	s23 =	sor.u32 s4, s25;
	s25 =	sor.u32 s12, s29;
	v17 =	vld [tilespmem:s14+$0x0];
	[tilespmem:s9+$0x100] =	vst v13  }
0x201: {  	v8 =	vadd.f32 v8, v3;
	v15 =	vld [tilespmem:s25+$0x0];
	[smem:$0x7F5] =	sst s21;
	s21 =	smul.u32 $0x1FFFFD, s21  }
0x202: {  	s25 =	sadd.s32 s6, s4;
	s4 =	sadd.s32 $0x7300, s13  }
0x203: {  	s3 =	sadd.s32 $0x17B00, s23;
	v9 =	vadd.f32 v16, v6;
	s23 =	sor.u32 s19, s4;
	[tilespmem:s8+$0x180] =	vst v8;
	s5 =	sadd.s32 s24, s21  }
0x204: {  	s2 =	sor.u32 s18, s3;
	v13 =	vld [tilespmem:s23+$0x0];
	[smem:$0x7F6] =	sst s5  }
0x205: {  	s14 =	sld [smem:$0x7F7];
	[tilespmem:s2+$0x0] =	vst v9  }
0x206: {  	s24 =	sld [smem:$0x7F8];
	_ =	sdelay $0x1  }
0x207: {  	s28 =	sor.u32 s1, s28;
	s23 =	sadd.s32 $0x6300, s25;
	s5 =	sor.u32 s20, s14  }
0x208: {  	v8 =	vadd.f32 v10, v1;
	v10 =	vld [tilespmem:s28+$0x0];
	s14 =	sor.u32 s22, s15;
	s28 =	sor.u32 s22, s24;
	s22 =	sld [smem:$0x7F9]  }
0x209: {  	s21 =	sor.u32 s18, s23  }
0x20a: {  	v11 =	vld [tilespmem:s21+$0x0];
	s21 =	rddreg [dreg:$0x7]  }
0x20b: {  	s6 =	sadd.s32 s21, s22  }
0x20c: {  	v12 =	vadd.f32 v12, v0;
	[smem:$0x7FA] =	sst s6  }
0x20d: {  	v14 =	vadd.f32 v14, v7;
	[tilespmem:s11+$0x280] =	vst v8  }
0x20e: {  	s30 =	sor.u32 s16, s4;
	v15 =	vadd.f32 v15, v2;
	s15 =	sor.u32 s1, s29;
	s20 =	sor.u32 s17, s3;
	[tilespmem:s31+$0x300] =	vst v12;
	v9 =	vld [tilespmem:s28+$0x0]  }
0x20f: {  	s29 =	simm.s32 $0x8;
	s24 =	sadd.s32 $0x8B00, s10;
	[tilespmem:s20+$0x0] =	vst v14;
	v8 =	vld [tilespmem:s5+$0x0];
	s28 =	sor.u32 s17, s23  }
0x210: {  	s3 =	simm.s32 $0x500;
	v13 =	vadd.f32 v13, v4;
	s4 =	sor.u32 s1, s24;
	s6 =	sor.u32 s12, s24;
	v14 =	vadd.f32 v17, v5;
	[tilespmem:s7+$0x280] =	vst v15;
	v12 =	vld [tilespmem:s28+$0x0]  }
.LBB2_21:
0x211: {  	s29 =	sadd.s32 $0x2, s29  }
0x212: {  	s0 =	sadd.s32 $0x20, s0;
	s23 =	sadd.s32 $0x7B00, s13;
	s28 =	smov.u32 s7  }
0x213: {  	[tilespmem:s26+$0x100] =	vst v14;
	v10 =	vadd.f32 v10, v3;
	v14 =	vld [tilespmem:s6+$0x0];
	s7 =	smov.u32 s9;
	s9 =	smov.u32 s2;
	s24 =	sadd.s32 $0x6B00, s25  }
0x214: {  	s2 =	sand.u32 $0x60, s0;
	s5 =	sshll.u32 s29, $0x3;
	v11 =	vadd.f32 v11, v6;
	v15 =	vld [tilespmem:s30+$0x0];
	[tilespmem:s7+$0x180] =	vst v13;
	s6 =	sor.u32 s19, s23  }
0x215: {  	s30 =	sand.u32 $0x400, s3;
	s21 =	sor.u32 s18, s24;
	s5 =	sand.u32 $0xFFFFFF80, s5;
	v13 =	vld [tilespmem:s6+$0x0];
	[tilespmem:s8+$0x200] =	vst v10;
	v9 =	vadd.f32 v9, v1  }
0x216: {  	s24 =	sor.u32 s17, s24;
	s6 =	sor.u32 $0x10, s2;
	s22 =	sor.u32 s5, s30;
	[tilespmem:s9+$0x80] =	vst v11;
	v10 =	vld [tilespmem:s15+$0x0];
	v8 =	vadd.f32 v8, v0;
	v0 =	vmovc v1;
	v1 =	vmovc v3;
	v3 =	vmov v5;
	v5 =	vmov v7  }
0x217: {  	p2 =	slt.u32 s29, $0x7E;
	s15 =	sor.u32 s2, s22;
	s22 =	sor.u32 s6, s22;
	v7 =	vadd.f32 v12, v5;
	v11 =	vld [tilespmem:s21+$0x0];
	[tilespmem:s11+$0x300] =	vst v9  }
0x218: {  	s21 =	sor.u32 s16, s23;
	v9 =	vld [tilespmem:s22+$0x12300];
	v12 =	vadd.f32 v14, v2;
	[tilespmem:s31+$0x380] =	vst v8;
	s31 =	smov.u32 s11;
	s11 =	sadd.s32 $0x9300, s10  }
0x219: {  	s10 =	smov.u32 s13;
	s13 =	smov.u32 s25;
	s25 =	sadd.s32 s5, s30;
	v8 =	vld [tilespmem:s22+$0x5B00];
	[tilespmem:s20+$0x80] =	vst v7;
	v14 =	vadd.f32 v15, v3  }
0x21a: {  	s23 =	sor.u32 s1, s11;
	s11 =	sor.u32 s12, s11;
	s1 =	smov.u32 s16;
	v7 =	vld [tilespmem:s15+$0x12300];
	v13 =	vadd.f32 v13, v4;
	[tilespmem:s28+$0x300] =	vst v12  }
0x21b: {  	s12 =	sshll.u32 s29, $0x7;
	s22 =	sadd.s32 $0x8300, s10;
	s16 =	smov.u32 s17;
	[tilespmem:s26+$0x180] =	vst v14;
	v10 =	vadd.f32 v10, v1;
	v12 =	vld [tilespmem:s11+$0x0]  }
0x21c: {  	s11 =	sand.u32 $0x3FFFF800, s12;
	s12 =	sor.u32 s19, s22;
	v14 =	vld [tilespmem:s15+$0x5B00];
	v11 =	vadd.f32 v11, v6;
	s15 =	sor.u32 s1, s22;
	[tilespmem:s7+$0x200] =	vst v13  }
0x21d: {  	s17 =	smov.u32 s2;
	s11 =	sor.u32 s30, s11;
	s22 =	sadd.s32 $0x7300, s13;
	v13 =	vld [tilespmem:s12+$0x0];
	[tilespmem:s8+$0x280] =	vst v10  }
0x21e: {  	s2 =	sadd.s32 $0x17B00, s11;
	s5 =	sor.u32 s18, s22;
	s11 =	sadd.s32 $0x6300, s25;
	v8 =	vadd.f32 v8, v9;
	v15 =	vld [tilespmem:s24+$0x0];
	[tilespmem:s9+$0x100] =	vst v11  }
0x21f: {  	s30 =	sor.u32 s16, s22;
	s24 =	sor.u32 s17, s2;
	s2 =	sor.u32 s6, s2;
	v16 =	vld [tilespmem:s5+$0x0]  }
.Ltmp9:
0x220: {  	s5 =	sor.u32 s17, s11;
	s11 =	sor.u32 s6, s11;
	[tilespmem:s2+$0x0] =	vst v8;
	v10 =	vld [tilespmem:s21+$0x0];
	v8 =	vadd.f32 v12, v2;
	(pc) =	sbr.rel @p2 .LBB2_21-.Ltmp9, $4  }
0x221: {  	s12 =	smov.u32 s19;
	s19 =	smov.u32 s18;
	s18 =	smov.u32 s6;
	v2 =	vmovc v4;
	v4 =	vmov v6;
	v6 =	vmov v9;
	v12 =	vadd.f32 v14, v7;
	v11 =	vld [tilespmem:s11+$0x0]  }
0x222: {  	s11 =	smov.u32 s8;
	s8 =	smov.u32 s26;
	s26 =	smov.u32 s20;
	v17 =	vadd.f32 v13, v2;
	v9 =	vld [tilespmem:s4+$0x0];
	[tilespmem:s28+$0x380] =	vst v8  }
0x223: {  	s6 =	sadd.s32 $0x8B00, s10;
	s20 =	smov.u32 s24;
	[tilespmem:s24+$0x0] =	vst v12;
	v14 =	vadd.f32 v15, v5;
	v8 =	vld [tilespmem:s14+$0x0];
	s14 =	smov.u32 s23  }
0x224: {  	s3 =	sadd.s32 $0x100, s3;
	s4 =	sor.u32 s1, s6;
	s6 =	sor.u32 s12, s6;
	v12 =	vld [tilespmem:s5+$0x0];
	v13 =	vadd.f32 v16, v4;
	[tilespmem:s7+$0x280] =	vst v17  }
0x225: {  	_ =	sdelay $0x1  }
0x226: {  	v11 =	vadd.f32 v11, v6  }
0x227: {  	s0 =	sadd.s32 $0x6B00, s25  }
0x228: {  	s3 =	sor.u32 s18, s0;
	[tilespmem:s2+$0x80] =	vst v11;
	v11 =	vadd.f32 v12, v7  }
0x229: {  	v12 =	vld [tilespmem:s3+$0x0]  }
0x22a: {  	s0 =	sor.u32 s17, s0;
	[tilespmem:s20+$0x80] =	vst v11  }
0x22b: {  	v11 =	vld [tilespmem:s0+$0x0];
	_ =	sdelay $0x2  }
0x22c: {  	[tilespmem:s26+$0x100] =	vst v14;
	v12 =	vadd.f32 v12, v6  }
0x22d: {  	s21 =	sadd.s32 $0x7300, s25;
	v14 =	vld [tilespmem:s30+$0x0]  }
0x22e: {  	s22 =	sor.u32 s18, s21;
	[tilespmem:s2+$0x100] =	vst v12;
	v11 =	vadd.f32 v11, v7  }
0x22f: {  	v12 =	vld [tilespmem:s22+$0x0]  }
0x230: {  	s0 =	sor.u32 s17, s21;
	[tilespmem:s20+$0x100] =	vst v11  }
0x231: {  	s23 =	sadd.s32 $0x7B00, s13;
	v11 =	vld [tilespmem:s0+$0x0]  }
0x232: {  	[tilespmem:s9+$0x180] =	vst v13;
	s24 =	sor.u32 s19, s23;
	v14 =	vadd.f32 v14, v5  }
0x233: {  	v13 =	vld [tilespmem:s24+$0x0]  }
0x234: {  	[tilespmem:s26+$0x180] =	vst v14;
	s0 =	sor.u32 s16, s23;
	v12 =	vadd.f32 v12, v6  }
0x235: {  	s28 =	sadd.s32 $0x7B00, s25;
	v14 =	vld [tilespmem:s0+$0x0]  }
0x236: {  	s5 =	sor.u32 s18, s28;
	[tilespmem:s2+$0x180] =	vst v12;
	v11 =	vadd.f32 v11, v7  }
0x237: {  	v10 =	vadd.f32 v10, v3;
	v12 =	vld [tilespmem:s5+$0x0]  }
0x238: {  	s29 =	sor.u32 s17, s28;
	v13 =	vadd.f32 v13, v4;
	[tilespmem:s20+$0x180] =	vst v11  }
0x239: {  	[tilespmem:s8+$0x200] =	vst v10;
	v11 =	vld [tilespmem:s29+$0x0]  }
0x23a: {  	s30 =	sadd.s32 $0x8300, s13;
	[tilespmem:s9+$0x200] =	vst v13;
	v13 =	vadd.f32 v14, v5  }
0x23b: {  	s5 =	sor.u32 s19, s30;
	v14 =	vld [tilespmem:s15+$0x0]  }
0x23c: {  	s0 =	sor.u32 s16, s30;
	v10 =	vld [tilespmem:s5+$0x0];
	[tilespmem:s26+$0x200] =	vst v13;
	v12 =	vadd.f32 v12, v6  }
0x23d: {  	s21 =	sadd.s32 $0x8300, s25;
	v13 =	vld [tilespmem:s0+$0x0]  }
0x23e: {  	s22 =	sor.u32 s18, s21;
	[tilespmem:s2+$0x200] =	vst v12;
	v11 =	vadd.f32 v11, v7  }
0x23f: {  	v12 =	vld [tilespmem:s22+$0x0]  }
0x240: {  	v15 =	vld [tilespmem:s6+$0x0];
	s23 =	sor.u32 s17, s21;
	v14 =	vadd.f32 v14, v3;
	[tilespmem:s20+$0x200] =	vst v11  }
0x241: {  	v10 =	vadd.f32 v10, v4;
	v11 =	vld [tilespmem:s23+$0x0]  }
0x242: {  	[tilespmem:s8+$0x280] =	vst v14;
	v13 =	vadd.f32 v13, v5  }
0x243: {  	s24 =	sadd.s32 $0x8B00, s13;
	[tilespmem:s9+$0x280] =	vst v10;
	v14 =	vld [tilespmem:s4+$0x0]  }
0x244: {  	s0 =	sor.u32 s16, s24;
	[tilespmem:s26+$0x280] =	vst v13;
	v10 =	vadd.f32 v12, v6  }
0x245: {  	s28 =	sor.u32 s19, s24;
	s29 =	sadd.s32 $0x8B00, s25;
	v13 =	vadd.f32 v15, v2;
	v15 =	vld [tilespmem:s0+$0x0]  }
0x246: {  	s30 =	sor.u32 s18, s29;
	v12 =	vld [tilespmem:s28+$0x0];
	[tilespmem:s2+$0x280] =	vst v10;
	v10 =	vadd.f32 v11, v7  }
0x247: {  	[tilespmem:s7+$0x300] =	vst v13;
	v11 =	vld [tilespmem:s30+$0x0]  }
0x248: {  	s5 =	sor.u32 s17, s29;
	v13 =	vadd.f32 v14, v3;
	[tilespmem:s20+$0x280] =	vst v10  }
0x249: {  	v9 =	vadd.f32 v9, v1;
	v10 =	vld [tilespmem:s5+$0x0]  }
0x24a: {  	s6 =	sadd.s32 $0x9300, s10;
	[tilespmem:s8+$0x300] =	vst v13;
	v13 =	vadd.f32 v15, v5  }
0x24b: {  	s10 =	sor.u32 s12, s6;
	[tilespmem:s11+$0x300] =	vst v9;
	v12 =	vadd.f32 v12, v4  }
0x24c: {  	s12 =	sadd.s32 $0x9300, s13;
	v9 =	vld [tilespmem:s10+$0x0];
	[tilespmem:s26+$0x300] =	vst v13;
	v11 =	vadd.f32 v11, v6  }
0x24d: {  	s13 =	sor.u32 s19, s12;
	v14 =	vld [tilespmem:s14+$0x0];
	[tilespmem:s9+$0x300] =	vst v12  }
0x24e: {  	v12 =	vld [tilespmem:s13+$0x0];
	[tilespmem:s2+$0x300] =	vst v11;
	v10 =	vadd.f32 v10, v7  }
0x24f: {  	s1 =	sor.u32 s1, s6;
	s0 =	sor.u32 s16, s12;
	s16 =	rddreg [dreg:$0x1d]  }
0x250: {  	v0 =	vadd.f32 v8, v0;
	s14 =	sadd.s32 $0x9300, s25;
	v15 =	vld [tilespmem:s1+$0x0];
	s1 =	smin.u32 s16, $0x66;
	[tilespmem:s20+$0x300] =	vst v10  }
0x251: {  	s3 =	sor.u32 s17, s14;
	v2 =	vadd.f32 v9, v2;
	s1 =	sshll.u32 s1, $0x4;
	s17 =	sld [smem:$0x7FA]  }
0x252: {  	[tilespmem:s31+$0x380] =	vst v0;
	v0 =	vadd.f32 v14, v1;
	s1 =	sadd.s32 $0x50, s1  }
0x253: {  	s15 =	sor.u32 s18, s14;
	v9 =	vld [tilespmem:s0+$0x0];
	s18 =	sld [smem:$0x7F5];
	[tilespmem:s7+$0x380] =	vst v2;
	v2 =	vadd.f32 v12, v4;
	s19 =	smulhi.u32 $0x5555556, s1  }
0x254: {  	v8 =	vld [tilespmem:s15+$0x0];
	[tilespmem:s11+$0x380] =	vst v0;
	s0 =	smul.u32 $0xC0000, s17  }
0x255: {  	s23 =	stileid.u32;
	[tilespmem:s9+$0x380] =	vst v2;
	s22 =	smul.u32 $0xFFFFFFD0, s19  }
0x256: {  	v1 =	vld [tilespmem:s3+$0x0];
	s3 =	smul.u32 $0x1800, s18;
	s21 =	sld [smem:$0x7F6]  }
0x257: {  	s1 =	sor.u32 s23, s1  }
0x258: {  	v0 =	vadd.f32 v15, v3;
	s1 =	sadd.s32 s1, s22;
	s0 =	sadd.s32 s0, s3  }
0x259: {  	v2 =	vadd.f32 v8, v6;
	s24 =	smulhi.u32 $0x55555556, s1;
	s25 =	sshra.s32 s1, $0x1F;
	s3 =	sshll.u32 s21, $0xB  }
0x25a: {  	[tilespmem:s8+$0x380] =	vst v0;
	v0 =	vadd.f32 v9, v5;
	s0 =	sadd.s32 s3, s0;
	s3 =	smul.u32 $0x55555556, s25  }
0x25b: {  	s29 =	simm.s32 $0x18000;
	s28 =	simm.s32 $0x800;
	[tilespmem:s2+$0x380] =	vst v2;
	v1 =	vadd.f32 v1, v7;
	s0 =	sadd.s32 $0x18000, s0  }
0x25c: {  	[tilespmem:s26+$0x380] =	vst v0;
	s26 =	rddreg [dreg:$0x2];
	s0 =	sshrl.u32 s0, $0x3;
	s6 =	sadd.s32 s3, s24  }
0x25d: {  	s30 =	simm.s32 $0x17B00;
	[tilespmem:s20+$0x380] =	vst v1;
	s0 =	sadd.s32 s26, s0;
	s2 =	sshrl.u32 s6, $0x1F  }
0x25e: {  	[hbm4b:s0+s28] =	stream.strided.scatter [tilespmem:s30], [sflag:$0xA], $0x4000, s29, s28, $0x38;
	[tilespmem:$0x1F100] =	vst v63  }
0x25f: {  	s0 =	sadd.s32 s2, s6  }
0x260: {  	s2 =	smul.u32 $0xFFFFFFFD, s0  }
0x261: {  	s7 =	ssub.s32 $0x0, s1  }
0x262: {  	p2 =	slt.s32 s1, $0x1;
	p3 =	sne.s32 s2, s7  }
0x263: {  	p2 =	por !p2, !p3  }
0x264: {  	s2 =	simm.s32 $0x1;
	p2 =	por !p2, !p2  }
0x265: {  	s2 =	simm.s32 @!p2 $0x0  }
0x266: {  	s0 =	ssub.s32 s0, s2  }
0x267: {  	s8 =	rddreg [dreg:$0x7];
	s2 =	smul.u32 $0x360000, s0  }
0x268: {  	s3 =	sadd.s32 s8, s19;
	s0 =	smul.u32 $0x1FFFFD, s0  }
0x269: {  	s3 =	smul.u32 $0x1800, s3  }
0x26a: {  	s0 =	sadd.s32 s1, s0  }
0x26b: {  	s9 =	sadd.s32 s3, s2;
	s0 =	sshll.u32 s0, $0xB  }
0x26c: {  	s12 =	simm.s32 $0x6C000;
	s11 =	smul.u32 $0x6000, s19;
	s1 =	sadd.s32 s0, s9  }
0x26d: {  	s10 =	rddreg [dreg:$0x0];
	s13 =	simm.s32 $0x5B00;
	s1 =	sshrl.u32 s1, $0x3  }
0x26e: {  	s15 =	rddreg [dreg:$0x3];
	s14 =	sshrl.u32 s11, $0x2;
	s1 =	sadd.s32 s10, s1  }
0x26f: {  	[tilespmem:s13], [sflag:$0x2] =	stream.strided.gather [hbm4b:s1+s28], $0x4000, s12, s28, $0x38;
	[tilespmem:$0x1F100] =	vst v63  }
0x270: {  	s1 =	sadd.s32 s14, s15  }
0x271: {  	s16 =	simm.s32 $0x12300;
	s17 =	simm.s32 $0x3;
	s0 =	sadd.s32 s0, s1  }
0x272: {  	[tilespmem:s16], [sflag:$0x6] =	stream.linear.gather [spmem:s0], $0x800, $0x38;
	[tilespmem:$0x1F100] =	vst v63  }
0x273: {  	_ =	swait.ge [sflag:s17], $0x4000  }
0x274: {  	[sflag:s17] =	ssyncset.done $0x0  }
0x275: {  	s18 =	simm.s32 $0x7;
	[sflag:s17] =	ssyncadd.s32 $0xFFFFC000  }
0x276: {  	_ =	swait.ge [sflag:s18], $0x800  }
0x277: {  	s22 =	simm.s32 $0x0;
	s21 =	simm.s32 $0x0;
	[sflag:s18] =	ssyncset.done $0x0  }
0x278: {  	s20 =	sand.u32 $0x60, s21;
	s19 =	simm.s32 $0x9;
	[sflag:s18] =	ssyncadd.s32 $0xFFFFF800  }
0x279: {  	s23 =	sand.u32 $0x400, s21;
	s1 =	sand.u32 $0xFFFFFF80, s22;
	_ =	swait.ge [sflag:s19], $0x4000  }
0x27a: {  	s24 =	sor.u32 s1, s23;
	s0 =	sor.u32 $0x10, s20;
	[sflag:s19] =	ssyncset.done $0x0  }
0x27b: {  	s25 =	sor.u32 s0, s24;
	[sflag:s19] =	ssyncadd.s32 $0xFFFFC000  }
0x27c: {  	v6 =	vld [tilespmem:s25+$0x12B00]  }
0x27d: {  	v0 =	vld [tilespmem:s25+$0x9B00];
	_ =	sdelay $0x1  }
0x27e: {  	s26 =	simm.s32 $0x0  }
0x27f: {  	s4 =	sand.u32 $0x3FFFF800, s26  }
0x280: {  	s4 =	sor.u32 s23, s4  }
0x281: {  	s28 =	sadd.s32 $0x13B00, s4;
	s4 =	sadd.s32 s1, s23;
	v0 =	vadd.f32 v0, v6  }
0x282: {  	s1 =	sadd.s32 $0xA300, s4;
	s22 =	sor.u32 s0, s28  }
0x283: {  	s29 =	sor.u32 s0, s1;
	[tilespmem:s22+$0x0] =	vst v0  }
0x284: {  	v1 =	vld [tilespmem:s29+$0x0]  }
0x285: {  	s8 =	simm.s32 $0x20  }
0x286: {  	s7 =	simm.s32 $0x100;
	s9 =	simm.s32 $0x10;
	s30 =	sor.u32 s20, s24  }
0x287: {  	s21 =	sand.u32 $0x60, s8;
	s3 =	sand.u32 $0x400, s7;
	s10 =	sand.u32 $0xFFFFFF80, s9;
	v2 =	vld [tilespmem:s30+$0x9B00]  }
0x288: {  	s11 =	sor.u32 s10, s3;
	s24 =	sor.u32 $0x10, s21;
	v0 =	vld [tilespmem:s30+$0x12B00]  }
0x289: {  	s12 =	sor.u32 s24, s11;
	v1 =	vadd.f32 v1, v6  }
0x28a: {  	s13 =	sadd.s32 $0xAB00, s4;
	v8 =	vld [tilespmem:s12+$0x12B00]  }
0x28b: {  	s15 =	sor.u32 s0, s13;
	[tilespmem:s22+$0x80] =	vst v1;
	v1 =	vld [tilespmem:s12+$0x9B00]  }
0x28c: {  	v3 =	vld [tilespmem:s15+$0x0]  }
0x28d: {  	s16 =	simm.s32 $0x100;
	v2 =	vadd.f32 v2, v0  }
0x28e: {  	s31 =	sor.u32 s20, s28;
	s17 =	sand.u32 $0x3FFFF800, s16  }
0x28f: {  	s1 =	sor.u32 s20, s1;
	s5 =	sor.u32 s3, s17;
	[tilespmem:s31+$0x0] =	vst v2  }
0x290: {  	s2 =	sadd.s32 s10, s3;
	s5 =	sadd.s32 $0x13B00, s5;
	s18 =	sor.u32 s21, s11;
	v2 =	vld [tilespmem:s1+$0x0];
	v4 =	vadd.f32 v1, v8  }
0x291: {  	s3 =	sadd.s32 $0xA300, s2;
	s14 =	sor.u32 s24, s5;
	v5 =	vld [tilespmem:s18+$0x9B00];
	v3 =	vadd.f32 v3, v6  }
0x292: {  	s23 =	sor.u32 s24, s3;
	s19 =	sadd.s32 $0xB300, s4;
	v1 =	vld [tilespmem:s18+$0x12B00];
	[tilespmem:s14+$0x0] =	vst v4  }
0x293: {  	s25 =	sor.u32 s0, s19;
	[tilespmem:s22+$0x100] =	vst v3;
	v3 =	vld [tilespmem:s23+$0x0]  }
0x294: {  	v4 =	vld [tilespmem:s25+$0x0]  }
0x295: {  	v2 =	vadd.f32 v2, v0;
	_ =	sdelay $0x1  }
0x296: {  	s9 =	sadd.s32 $0xAB00, s2;
	s28 =	simm.s32 $0x200;
	s26 =	sor.u32 s20, s13;
	[tilespmem:s31+$0x80] =	vst v2;
	v2 =	vadd.f32 v5, v1  }
0x297: {  	s7 =	sadd.s32 $0xBB00, s4;
	s3 =	sor.u32 s21, s3;
	s10 =	sor.u32 s21, s5;
	v5 =	vld [tilespmem:s26+$0x0];
	v3 =	vadd.f32 v3, v8  }
0x298: {  	s5 =	sand.u32 $0x400, s28;
	s30 =	simm.s32 $0x20;
	s29 =	simm.s32 $0x40;
	[tilespmem:s10+$0x0] =	vst v2;
	v2 =	vadd.f32 v4, v6  }
0x299: {  	s28 =	sor.u32 s24, s9;
	s1 =	sand.u32 $0x60, s29;
	s26 =	sand.u32 $0xFFFFFF80, s30;
	v4 =	vld [tilespmem:s3+$0x0];
	[tilespmem:s14+$0x80] =	vst v3  }
0x29a: {  	s29 =	sor.u32 s0, s7;
	s16 =	sor.u32 $0x10, s1;
	s30 =	sor.u32 s26, s5;
	[tilespmem:s22+$0x180] =	vst v2;
	v2 =	vld [tilespmem:s28+$0x0]  }
0x29b: {  	s13 =	sor.u32 s16, s30;
	v7 =	vld [tilespmem:s29+$0x0]  }
0x29c: {  	v9 =	vld [tilespmem:s13+$0x9B00];
	v5 =	vadd.f32 v5, v0  }
0x29d: {  	s15 =	sor.u32 s1, s30;
	v3 =	vld [tilespmem:s13+$0x12B00]  }
0x29e: {  	s17 =	simm.s32 $0x200;
	s6 =	sor.u32 s20, s19;
	v11 =	vld [tilespmem:s15+$0x9B00];
	[tilespmem:s31+$0x100] =	vst v5;
	v4 =	vadd.f32 v4, v1  }
0x29f: {  	s8 =	sand.u32 $0x3FFFF800, s17;
	v5 =	vld [tilespmem:s6+$0x0];
	v10 =	vadd.f32 v2, v8  }
0x2a0: {  	s18 =	sadd.s32 $0xB300, s2;
	s11 =	sadd.s32 s26, s5;
	s26 =	sor.u32 s21, s9;
	v2 =	vld [tilespmem:s15+$0x12B00];
	[tilespmem:s10+$0x80] =	vst v4;
	v7 =	vadd.f32 v7, v6  }
0x2a1: {  	s19 =	sor.u32 s5, s8;
	s23 =	sor.u32 s24, s18;
	s13 =	sadd.s32 $0xC300, s4;
	[tilespmem:s14+$0x100] =	vst v10;
	v10 =	vld [tilespmem:s26+$0x0]  }
0x2a2: {  	s25 =	sor.u32 s0, s13;
	s6 =	sadd.s32 $0x13B00, s19;
	[tilespmem:s22+$0x200] =	vst v7;
	v7 =	vadd.f32 v9, v3;
	v9 =	vld [tilespmem:s23+$0x0]  }
0x2a3: {  	s5 =	sadd.s32 $0xA300, s11;
	s8 =	sor.u32 s16, s6;
	v4 =	vld [tilespmem:s25+$0x0]  }
0x2a4: {  	s28 =	sor.u32 s16, s5;
	v5 =	vadd.f32 v5, v0;
	[tilespmem:s8+$0x0] =	vst v7  }
0x2a5: {  	v11 =	vadd.f32 v11, v2;
	v7 =	vld [tilespmem:s28+$0x0]  }
0x2a6: {  	s29 =	sor.u32 s20, s7;
	s7 =	sor.u32 s1, s6;
	[tilespmem:s31+$0x180] =	vst v5;
	v10 =	vadd.f32 v10, v1  }
0x2a7: {  	s30 =	sor.u32 s21, s18;
	[tilespmem:s7+$0x0] =	vst v11;
	v5 =	vadd.f32 v9, v8  }
0x2a8: {  	s18 =	simm.s32 $0x300;
	s3 =	sadd.s32 $0xBB00, s2;
	s5 =	sor.u32 s1, s5;
	v9 =	vld [tilespmem:s29+$0x0];
	v4 =	vadd.f32 v4, v6;
	[tilespmem:s10+$0x100] =	vst v10  }
0x2a9: {  	s19 =	simm.s32 $0x60;
	s6 =	sadd.s32 $0xCB00, s4;
	s26 =	simm.s32 $0x30;
	v11 =	vld [tilespmem:s5+$0x0];
	[tilespmem:s14+$0x180] =	vst v5  }
0x2aa: {  	s12 =	sand.u32 $0x60, s19;
	s23 =	sor.u32 s24, s3;
	s15 =	sand.u32 $0xFFFFFF80, s26;
	v12 =	vld [tilespmem:s30+$0x0];
	[tilespmem:s22+$0x280] =	vst v4;
	v4 =	vadd.f32 v7, v3  }
0x2ab: {  	s25 =	sor.u32 s0, s6;
	s28 =	sadd.s32 $0xAB00, s11;
	s5 =	sand.u32 $0x400, s18;
	v7 =	vld [tilespmem:s23+$0x0]  }
0x2ac: {  	s9 =	sor.u32 $0x10, s12;
	s29 =	sor.u32 s16, s28;
	s18 =	sor.u32 s15, s5;
	v10 =	vld [tilespmem:s25+$0x0];
	[tilespmem:s8+$0x80] =	vst v4  }
0x2ad: {  	s23 =	sor.u32 s9, s18;
	v4 =	vadd.f32 v9, v0;
	v9 =	vld [tilespmem:s29+$0x0]  }
0x2ae: {  	v5 =	vld [tilespmem:s23+$0x12B00]  }
0x2af: {  	s30 =	sor.u32 s12, s18;
	v13 =	vld [tilespmem:s23+$0x9B00];
	v11 =	vadd.f32 v11, v2  }
0x2b0: {  	s13 =	sor.u32 s20, s13;
	[tilespmem:s31+$0x200] =	vst v4;
	v4 =	vld [tilespmem:s30+$0x12B00];
	v7 =	vadd.f32 v7, v8  }
0x2b1: {  	s17 =	sor.u32 s1, s28;
	s18 =	sadd.s32 $0xC300, s2;
	s25 =	simm.s32 $0x300;
	[tilespmem:s7+$0x80] =	vst v11;
	v14 =	vld [tilespmem:s13+$0x0]  }
0x2b2: {  	s26 =	sor.u32 s24, s18;
	s19 =	sand.u32 $0x3FFFF800, s25;
	v15 =	vld [tilespmem:s17+$0x0];
	[tilespmem:s14+$0x200] =	vst v7;
	v7 =	vadd.f32 v9, v3  }
0x2b3: {  	s23 =	sadd.s32 $0xB300, s11;
	s28 =	sor.u32 s5, s19;
	v11 =	vadd.f32 v12, v1;
	v9 =	vld [tilespmem:s26+$0x0]  }
0x2b4: {  	s29 =	sor.u32 s16, s23;
	v12 =	vld [tilespmem:s30+$0x9B00];
	s25 =	sadd.s32 $0x13B00, s28;
	s13 =	sadd.s32 s15, s5;
	v13 =	vadd.f32 v13, v5;
	[tilespmem:s8+$0x100] =	vst v7  }
0x2b5: {  	s30 =	sor.u32 s21, s3;
	s19 =	sor.u32 s9, s25;
	[tilespmem:s10+$0x180] =	vst v11;
	s17 =	sadd.s32 $0xA300, s13;
	v7 =	vadd.f32 v10, v6;
	v10 =	vld [tilespmem:s29+$0x0]  }
0x2b6: {  	s3 =	sadd.s32 $0xD300, s4;
	[tilespmem:s19+$0x0] =	vst v13;
	s26 =	sor.u32 s9, s17;
	v13 =	vld [tilespmem:s30+$0x0];
	v11 =	vadd.f32 v14, v0  }
0x2b7: {  	s0 =	sor.u32 s0, s3;
	v15 =	vadd.f32 v15, v2;
	[tilespmem:s22+$0x300] =	vst v7;
	v7 =	vld [tilespmem:s26+$0x0]  }
0x2b8: {  	s28 =	sor.u32 s20, s6;
	[tilespmem:s31+$0x280] =	vst v11;
	v9 =	vadd.f32 v9, v8;
	v14 =	vld [tilespmem:s0+$0x0]  }
0x2b9: {  	s4 =	sadd.s32 $0xCB00, s2;
	s30 =	sor.u32 s21, s18;
	s18 =	sor.u32 s1, s23;
	v11 =	vadd.f32 v12, v4;
	[tilespmem:s7+$0x100] =	vst v15;
	v12 =	vld [tilespmem:s28+$0x0]  }
0x2ba: {  	s17 =	sor.u32 s12, s17;
	s29 =	sor.u32 s24, s4;
	s26 =	sor.u32 s12, s25;
	v15 =	vld [tilespmem:s18+$0x0];
	[tilespmem:s14+$0x280] =	vst v9;
	v9 =	vadd.f32 v10, v3  }
0x2bb: {  	s23 =	sadd.s32 $0xBB00, s11;
	s25 =	simm.s32 $0x400;
	s0 =	simm.s32 $0x80;
	v13 =	vadd.f32 v13, v1;
	[tilespmem:s26+$0x0] =	vst v11;
	v10 =	vld [tilespmem:s29+$0x0]  }
0x2bc: {  	s28 =	simm.s32 $0x40;
	s6 =	sand.u32 $0x400, s25;
	v11 =	vld [tilespmem:s17+$0x0];
	s29 =	sor.u32 s16, s23;
	v7 =	vadd.f32 v7, v5;
	[tilespmem:s8+$0x180] =	vst v9  }
0x2bd: {  	s25 =	sadd.s32 $0xAB00, s13;
	s15 =	sand.u32 $0xFFFFFF80, s28;
	s17 =	sand.u32 $0x60, s0;
	[tilespmem:s10+$0x200] =	vst v13;
	v9 =	vld [tilespmem:s29+$0x0]  }
0x2be: {  	s28 =	sor.u32 s9, s25;
	v13 =	vld [tilespmem:s30+$0x0];
	s30 =	sor.u32 s15, s6;
	s18 =	sor.u32 $0x10, s17;
	[tilespmem:s19+$0x80] =	vst v7  }
0x2bf: {  	v12 =	vadd.f32 v12, v0;
	s29 =	sor.u32 s18, s30;
	v16 =	vld [tilespmem:s28+$0x0]  }
0x2c0: {  	v7 =	vadd.f32 v10, v8;
	v10 =	vadd.f32 v14, v6;
	v6 =	vld [tilespmem:s29+$0x12B00]  }
0x2c1: {  	s5 =	sor.u32 s17, s30;
	[tilespmem:s31+$0x300] =	vst v12;
	v14 =	vld [tilespmem:s29+$0x9B00]  }
0x2c2: {  	s2 =	sadd.s32 $0xD300, s2;
	v12 =	vld [tilespmem:s5+$0x9B00];
	[tilespmem:s14+$0x300] =	vst v7;
	v9 =	vadd.f32 v9, v3  }
0x2c3: {  	s24 =	sor.u32 s24, s2;
	s30 =	simm.s32 $0x400;
	s28 =	sadd.s32 $0xC300, s11;
	[tilespmem:s22+$0x380] =	vst v10;
	v10 =	vadd.f32 v11, v4;
	v7 =	vld [tilespmem:s5+$0x12B00]  }
0x2c4: {  	s29 =	sor.u32 s16, s28;
	v17 =	vld [tilespmem:s24+$0x0];
	s24 =	sand.u32 $0x3FFFF800, s30;
	v11 =	vadd.f32 v16, v5;
	[tilespmem:s8+$0x200] =	vst v9  }
0x2c5: {  	s30 =	sor.u32 s12, s25;
	s25 =	sadd.s32 $0xB300, s13;
	[tilespmem:s26+$0x80] =	vst v10;
	s5 =	sor.u32 s6, s24;
	v9 =	vadd.f32 v15, v2;
	v63 =	vld [tilespmem:s29+$0x0]  }
0x2c6: {  	s22 =	sadd.s32 s15, s6;
	s24 =	sor.u32 s9, s25;
	v15 =	vld [tilespmem:s30+$0x0];
	s5 =	sadd.s32 $0x13B00, s5;
	v14 =	vadd.f32 v14, v6;
	[tilespmem:s19+$0x100] =	vst v11  }
0x2c7: {  	s30 =	sadd.s32 $0xA300, s22;
	s29 =	sor.u32 s1, s23;
	v18 =	vld [tilespmem:s24+$0x0];
	[tilespmem:s7+$0x180] =	vst v9;
	v9 =	vadd.f32 v13, v1;
	s24 =	sor.u32 s18, s5  }
0x2c8: {  	s15 =	sor.u32 s18, s30;
	v12 =	vadd.f32 v12, v7;
	v10 =	vld [tilespmem:s29+$0x0];
	[tilespmem:s24+$0x0] =	vst v14  }
0x2c9: {  	s3 =	sor.u32 s20, s3;
	s4 =	sor.u32 s21, s4;
	s20 =	sor.u32 s17, s5;
	v8 =	vadd.f32 v17, v8;
	v11 =	vld [tilespmem:s15+$0x0];
	[tilespmem:s10+$0x280] =	vst v9  }
0x2ca: {  	s21 =	sor.u32 s21, s2;
	s29 =	sor.u32 s17, s30;
	s30 =	sadd.s32 $0xCB00, s11;
	[tilespmem:s20+$0x0] =	vst v12;
	v9 =	vld [tilespmem:s4+$0x0];
	v16 =	vadd.f32 v63, v3  }
0x2cb: {  	s25 =	sor.u32 s12, s25;
	s15 =	simm.s32 $0x8;
	s2 =	sor.u32 s1, s30;
	[tilespmem:s14+$0x380] =	vst v8;
	v8 =	vld [tilespmem:s3+$0x0]  }
0x2cc: {  	s4 =	sor.u32 s1, s28;
	v14 =	vadd.f32 v15, v4;
	v12 =	vld [tilespmem:s29+$0x0];
	s14 =	simm.s32 $0x500;
	s3 =	sor.u32 s16, s30;
	v13 =	vadd.f32 v18, v5;
	[tilespmem:s8+$0x280] =	vst v16  }
.LBB2_23:
0x2cd: {  	s15 =	sadd.s32 $0x2, s15  }
0x2ce: {  	s0 =	sadd.s32 $0x20, s0;
	[tilespmem:s26+$0x100] =	vst v14;
	s23 =	sadd.s32 $0xBB00, s13;
	v14 =	vld [tilespmem:s3+$0x0];
	s3 =	smov.u32 s8  }
0x2cf: {  	v10 =	vadd.f32 v10, v2;
	s8 =	smov.u32 s19;
	s19 =	smov.u32 s24;
	s28 =	sadd.s32 $0xAB00, s22  }
0x2d0: {  	s24 =	sand.u32 $0x60, s0;
	s5 =	sshll.u32 s15, $0x3;
	v11 =	vadd.f32 v11, v6;
	v15 =	vld [tilespmem:s25+$0x0];
	[tilespmem:s8+$0x180] =	vst v13;
	s6 =	sor.u32 s9, s23  }
0x2d1: {  	s25 =	sand.u32 $0x400, s14;
	s30 =	sor.u32 s18, s28;
	s5 =	sand.u32 $0xFFFFFF80, s5;
	v13 =	vld [tilespmem:s6+$0x0];
	[tilespmem:s7+$0x200] =	vst v10;
	v9 =	vadd.f32 v9, v1  }
0x2d2: {  	s28 =	sor.u32 s17, s28;
	s6 =	sor.u32 $0x10, s24;
	s29 =	sor.u32 s5, s25;
	[tilespmem:s19+$0x80] =	vst v11;
	v10 =	vld [tilespmem:s4+$0x0];
	v8 =	vadd.f32 v8, v0;
	v0 =	vmovc v1;
	v1 =	vmovc v2;
	v2 =	vmov v4;
	v4 =	vmov v7  }
0x2d3: {  	p2 =	slt.u32 s15, $0x7E;
	s4 =	sor.u32 s24, s29;
	s29 =	sor.u32 s6, s29;
	v7 =	vadd.f32 v12, v4;
	v11 =	vld [tilespmem:s30+$0x0];
	[tilespmem:s10+$0x300] =	vst v9  }
0x2d4: {  	s30 =	sor.u32 s12, s23;
	v9 =	vld [tilespmem:s29+$0x12B00];
	v12 =	vadd.f32 v14, v3;
	[tilespmem:s31+$0x380] =	vst v8;
	s31 =	smov.u32 s10;
	s10 =	sadd.s32 $0xD300, s11  }
0x2d5: {  	s11 =	smov.u32 s13;
	s13 =	smov.u32 s22;
	v8 =	vld [tilespmem:s29+$0x9B00];
	[tilespmem:s20+$0x80] =	vst v7;
	v14 =	vadd.f32 v15, v2;
	s23 =	sor.u32 s1, s10  }
0x2d6: {  	s10 =	sor.u32 s16, s10;
	s1 =	smov.u32 s12;
	s16 =	sshll.u32 s15, $0x7;
	v7 =	vld [tilespmem:s4+$0x12B00];
	v13 =	vadd.f32 v13, v5;
	[tilespmem:s3+$0x300] =	vst v12  }
0x2d7: {  	s22 =	sadd.s32 $0xC300, s11;
	s12 =	smov.u32 s17;
	s29 =	sadd.s32 $0xB300, s13;
	[tilespmem:s26+$0x180] =	vst v14;
	v10 =	vadd.f32 v10, v1;
	v12 =	vld [tilespmem:s10+$0x0]  }
0x2d8: {  	s10 =	sand.u32 $0x3FFFF800, s16;
	s16 =	sor.u32 s9, s22;
	v14 =	vld [tilespmem:s4+$0x9B00];
	v11 =	vadd.f32 v11, v6;
	s4 =	sor.u32 s1, s22;
	[tilespmem:s8+$0x200] =	vst v13  }
0x2d9: {  	s17 =	smov.u32 s24;
	s10 =	sor.u32 s25, s10;
	s22 =	sadd.s32 s5, s25;
	v13 =	vld [tilespmem:s16+$0x0];
	[tilespmem:s7+$0x280] =	vst v10  }
0x2da: {  	s5 =	sor.u32 s18, s29;
	s25 =	sor.u32 s12, s29;
	s10 =	sadd.s32 $0x13B00, s10;
	v8 =	vadd.f32 v8, v9;
	v15 =	vld [tilespmem:s28+$0x0];
	[tilespmem:s19+$0x100] =	vst v11  }
0x2db: {  	s16 =	sadd.s32 $0xA300, s22;
	s28 =	sor.u32 s17, s10;
	s24 =	sor.u32 s6, s10;
	v16 =	vld [tilespmem:s5+$0x0]  }
.Ltmp10:
0x2dc: {  	s10 =	sor.u32 s6, s16;
	s5 =	sor.u32 s17, s16;
	[tilespmem:s24+$0x0] =	vst v8;
	v10 =	vld [tilespmem:s30+$0x0];
	v8 =	vadd.f32 v12, v3;
	(pc) =	sbr.rel @p2 .LBB2_23-.Ltmp10, $4  }
0x2dd: {  	s16 =	smov.u32 s9;
	s9 =	smov.u32 s18;
	s18 =	smov.u32 s6;
	v3 =	vmovc v5;
	v5 =	vmov v6;
	v6 =	vmov v9;
	v12 =	vadd.f32 v14, v7;
	v11 =	vld [tilespmem:s10+$0x0]  }
0x2de: {  	s10 =	smov.u32 s7;
	s7 =	smov.u32 s26;
	s26 =	smov.u32 s20;
	v17 =	vadd.f32 v13, v3;
	v9 =	vld [tilespmem:s2+$0x0];
	[tilespmem:s3+$0x380] =	vst v8  }
0x2df: {  	s20 =	smov.u32 s28;
	s3 =	sadd.s32 $0xCB00, s11;
	[tilespmem:s28+$0x0] =	vst v12;
	v14 =	vadd.f32 v15, v4;
	v8 =	vld [tilespmem:s21+$0x0];
	s21 =	smov.u32 s23  }
0x2e0: {  	s14 =	sadd.s32 $0x100, s14;
	s2 =	sor.u32 s1, s3;
	s3 =	sor.u32 s16, s3;
	v12 =	vld [tilespmem:s5+$0x0];
	v13 =	vadd.f32 v16, v5;
	[tilespmem:s8+$0x280] =	vst v17  }
0x2e1: {  	_ = 	snop  }
0x2e2: {  	v11 =	vadd.f32 v11, v6  }
0x2e3: {  	s0 =	sadd.s32 $0xAB00, s22  }
0x2e4: {  	s5 =	sor.u32 s18, s0;
	[tilespmem:s24+$0x80] =	vst v11  }
0x2e5: {  	v11 =	vadd.f32 v12, v7;
	v12 =	vld [tilespmem:s5+$0x0];
	_ =	sdelay $0x1  }
0x2e6: {  	s0 =	sor.u32 s17, s0;
	[tilespmem:s20+$0x80] =	vst v11  }
0x2e7: {  	v11 =	vld [tilespmem:s0+$0x0];
	_ =	sdelay $0x1  }
0x2e8: {  	v12 =	vadd.f32 v12, v6  }
0x2e9: {  	s28 =	sadd.s32 $0xB300, s22;
	[tilespmem:s26+$0x100] =	vst v14  }
0x2ea: {  	s29 =	sor.u32 s18, s28;
	v14 =	vld [tilespmem:s25+$0x0];
	[tilespmem:s24+$0x100] =	vst v12  }
0x2eb: {  	v11 =	vadd.f32 v11, v7;
	v12 =	vld [tilespmem:s29+$0x0];
	_ =	sdelay $0x1  }
0x2ec: {  	s30 =	sadd.s32 $0xBB00, s13;
	s0 =	sor.u32 s17, s28;
	[tilespmem:s20+$0x100] =	vst v11  }
0x2ed: {  	[tilespmem:s19+$0x180] =	vst v13;
	s14 =	sor.u32 s9, s30;
	v11 =	vld [tilespmem:s0+$0x0]  }
0x2ee: {  	v13 =	vld [tilespmem:s14+$0x0];
	v14 =	vadd.f32 v14, v4  }
0x2ef: {  	v12 =	vadd.f32 v12, v6  }
0x2f0: {  	s15 =	sadd.s32 $0xBB00, s22;
	[tilespmem:s26+$0x180] =	vst v14;
	s0 =	sor.u32 s12, s30  }
0x2f1: {  	s6 =	sor.u32 s18, s15;
	v14 =	vld [tilespmem:s0+$0x0];
	[tilespmem:s24+$0x180] =	vst v12  }
0x2f2: {  	v11 =	vadd.f32 v11, v7;
	v12 =	vld [tilespmem:s6+$0x0]  }
0x2f3: {  	v13 =	vadd.f32 v13, v5  }
0x2f4: {  	v10 =	vadd.f32 v10, v2;
	s23 =	sor.u32 s17, s15;
	[tilespmem:s20+$0x180] =	vst v11  }
0x2f5: {  	v11 =	vld [tilespmem:s23+$0x0];
	s28 =	rddreg [dreg:$0x1c];
	[tilespmem:s19+$0x200] =	vst v13  }
0x2f6: {  	s25 =	sadd.s32 $0xC300, s13;
	[tilespmem:s7+$0x200] =	vst v10;
	v13 =	vadd.f32 v14, v4  }
0x2f7: {  	s29 =	sor.u32 s9, s25;
	s5 =	sor.u32 $0x20, s28;
	v14 =	vld [tilespmem:s4+$0x0];
	v12 =	vadd.f32 v12, v6  }
0x2f8: {  	s30 =	sadd.s32 $0xC300, s22;
	s0 =	sor.u32 s12, s25;
	v10 =	vld [tilespmem:s29+$0x0];
	s14 =	smulhi.u32 $0x2AAAAAAB, s5;
	[tilespmem:s26+$0x200] =	vst v13  }
0x2f9: {  	s15 =	sor.u32 s18, s30;
	v13 =	vld [tilespmem:s0+$0x0];
	[tilespmem:s24+$0x200] =	vst v12  }
0x2fa: {  	s4 =	sshrl.u32 s14, $0x3;
	v11 =	vadd.f32 v11, v7;
	v12 =	vld [tilespmem:s15+$0x0]  }
0x2fb: {  	s14 =	smul.u32 $0xFFFFFFD0, s4;
	s15 =	stileid.u32  }
0x2fc: {  	v15 =	vld [tilespmem:s3+$0x0];
	s6 =	sor.u32 s17, s30;
	s5 =	sor.u32 s15, s5;
	v14 =	vadd.f32 v14, v2;
	[tilespmem:s20+$0x200] =	vst v11  }
0x2fd: {  	v10 =	vadd.f32 v10, v5;
	s0 =	sadd.s32 s5, s14;
	v11 =	vld [tilespmem:s6+$0x0]  }
0x2fe: {  	s25 =	sadd.s32 $0xCB00, s13;
	s5 =	smulhi.u32 $0x55555556, s0;
	s23 =	sshra.s32 s0, $0x1F;
	[tilespmem:s7+$0x280] =	vst v14;
	v13 =	vadd.f32 v13, v4  }
0x2ff: {  	s28 =	sor.u32 s9, s25;
	[tilespmem:s19+$0x280] =	vst v10;
	s6 =	smul.u32 $0x55555556, s23;
	v14 =	vld [tilespmem:s2+$0x0];
	v10 =	vadd.f32 v12, v6  }
0x300: {  	s3 =	sor.u32 s12, s25;
	s29 =	sadd.s32 $0xCB00, s22;
	v12 =	vld [tilespmem:s28+$0x0];
	[tilespmem:s26+$0x280] =	vst v13  }
0x301: {  	s30 =	sor.u32 s18, s29;
	v13 =	vadd.f32 v15, v3;
	s5 =	sadd.s32 s6, s5;
	v15 =	vld [tilespmem:s3+$0x0];
	[tilespmem:s24+$0x280] =	vst v10  }
0x302: {  	s6 =	sshrl.u32 s5, $0x1F;
	v10 =	vadd.f32 v11, v7;
	v11 =	vld [tilespmem:s30+$0x0]  }
0x303: {  	v9 =	vadd.f32 v9, v1;
	[tilespmem:s8+$0x300] =	vst v13;
	s2 =	sadd.s32 s6, s5  }
0x304: {  	s14 =	sor.u32 s17, s29;
	s23 =	sadd.s32 $0xD300, s11;
	s5 =	smul.u32 $0xFFFFFFFD, s2;
	v13 =	vadd.f32 v14, v2;
	[tilespmem:s20+$0x280] =	vst v10  }
0x305: {  	[tilespmem:s10+$0x300] =	vst v9;
	s25 =	ssub.s32 $0x0, s0;
	s11 =	sor.u32 s16, s23;
	v12 =	vadd.f32 v12, v5;
	v10 =	vld [tilespmem:s14+$0x0]  }
0x306: {  	p2 =	slt.s32 s0, $0x1;
	s28 =	sadd.s32 $0xD300, s13;
	v9 =	vld [tilespmem:s11+$0x0];
	p3 =	sne.s32 s5, s25;
	[tilespmem:s7+$0x300] =	vst v13;
	v13 =	vadd.f32 v15, v4  }
0x307: {  	s1 =	sor.u32 s1, s23;
	s29 =	sor.u32 s9, s28;
	v14 =	vld [tilespmem:s21+$0x0];
	p2 =	por !p2, !p3;
	[tilespmem:s19+$0x300] =	vst v12;
	v11 =	vadd.f32 v11, v6  }
0x308: {  	s9 =	simm.s32 $0x1;
	s30 =	sadd.s32 $0xD300, s22;
	p2 =	por !p2, !p2;
	[tilespmem:s26+$0x300] =	vst v13  }
0x309: {  	v0 =	vadd.f32 v8, v0;
	s3 =	sor.u32 s12, s28;
	s11 =	sor.u32 s18, s30;
	v15 =	vld [tilespmem:s1+$0x0];
	s9 =	simm.s32 @!p2 $0x0;
	[tilespmem:s24+$0x300] =	vst v11  }
0x30a: {  	s5 =	sor.u32 s17, s30;
	v12 =	vld [tilespmem:s29+$0x0];
	s2 =	ssub.s32 s2, s9;
	v10 =	vadd.f32 v10, v7;
	s14 =	rddreg [dreg:$0x1d]  }
0x30b: {  	v3 =	vadd.f32 v9, v3;
	v9 =	vld [tilespmem:s3+$0x0];
	s12 =	smul.u32 $0x1FFFFD, s2;
	s13 =	rddreg [dreg:$0x7];
	[tilespmem:s31+$0x380] =	vst v0;
	s6 =	smin.u32 s14, $0x65  }
0x30c: {  	v8 =	vld [tilespmem:s11+$0x0];
	v0 =	vadd.f32 v14, v1;
	s2 =	smul.u32 $0x1800, s2;
	s4 =	sadd.s32 s13, s4;
	[tilespmem:s20+$0x300] =	vst v10;
	s17 =	sshll.u32 s6, $0x4  }
0x30d: {  	s16 =	smul.u32 $0xC0000, s4;
	v1 =	vld [tilespmem:s5+$0x0];
	s4 =	sadd.s32 $0x60, s17  }
0x30e: {  	[tilespmem:s10+$0x380] =	vst v0;
	v0 =	vadd.f32 v15, v2;
	s18 =	smulhi.u32 $0x5555556, s4  }
0x30f: {  	s28 =	simm.s32 $0x800;
	[tilespmem:s8+$0x380] =	vst v3;
	v3 =	vadd.f32 v12, v5;
	s0 =	sadd.s32 s0, s12  }
0x310: {  	s0 =	sshll.u32 s0, $0xB;
	s21 =	sadd.s32 s16, s2;
	[tilespmem:s7+$0x380] =	vst v0;
	v0 =	vadd.f32 v9, v4;
	s22 =	smul.u32 $0xFFFFFFD0, s18  }
0x311: {  	s30 =	simm.s32 $0x13B00;
	[tilespmem:s19+$0x380] =	vst v3;
	s23 =	sor.u32 s15, s4;
	v2 =	vadd.f32 v8, v6;
	s0 =	sadd.s32 s0, s21  }
0x312: {  	s0 =	sadd.s32 $0x18000, s0;
	[tilespmem:s26+$0x380] =	vst v0;
	s26 =	rddreg [dreg:$0x2];
	v1 =	vadd.f32 v1, v7;
	s1 =	sadd.s32 s23, s22  }
0x313: {  	[tilespmem:s24+$0x380] =	vst v2;
	s0 =	sshrl.u32 s0, $0x3;
	s2 =	smulhi.u32 $0x55555556, s1;
	s25 =	sshra.s32 s1, $0x1F  }
0x314: {  	s29 =	simm.s32 $0x18000;
	s0 =	sadd.s32 s26, s0;
	[tilespmem:s20+$0x380] =	vst v1;
	s3 =	smul.u32 $0x55555556, s25  }
0x315: {  	[hbm4b:s0+s28] =	stream.strided.scatter [tilespmem:s30], [sflag:$0x9], $0x4000, s29, s28, $0x38;
	[tilespmem:$0x1F100] =	vst v63  }
0x316: {  	s6 =	sadd.s32 s3, s2  }
0x317: {  	s2 =	sshrl.u32 s6, $0x1F  }
0x318: {  	s0 =	sadd.s32 s2, s6  }
0x319: {  	s2 =	smul.u32 $0xFFFFFFFD, s0  }
0x31a: {  	s7 =	ssub.s32 $0x0, s1  }
0x31b: {  	p5 =	slt.s32 s1, $0x1;
	p6 =	sne.s32 s2, s7  }
0x31c: {  	p2 =	por !p5, !p6  }
0x31d: {  	s2 =	simm.s32 $0x1;
	p2 =	por !p2, !p2  }
0x31e: {  	s2 =	simm.s32 @!p2 $0x0  }
0x31f: {  	s0 =	ssub.s32 s0, s2  }
0x320: {  	s2 =	smul.u32 $0x360000, s0  }
0x321: {  	s8 =	sadd.s32 s13, s18;
	s0 =	smul.u32 $0x1FFFFD, s0  }
0x322: {  	s3 =	smul.u32 $0x1800, s8  }
0x323: {  	s0 =	sadd.s32 s1, s0  }
0x324: {  	s9 =	sadd.s32 s3, s2;
	s0 =	sshll.u32 s0, $0xB  }
0x325: {  	s10 =	rddreg [dreg:$0x0];
	s11 =	smul.u32 $0x6000, s18;
	s1 =	sadd.s32 s0, s9  }
0x326: {  	s12 =	simm.s32 $0x6C000;
	s15 =	rddreg [dreg:$0x3];
	s1 =	sshrl.u32 s1, $0x3  }
0x327: {  	s13 =	simm.s32 $0x9B00;
	s14 =	sshrl.u32 s11, $0x2;
	s1 =	sadd.s32 s10, s1  }
0x328: {  	[tilespmem:s13], [sflag:$0x3] =	stream.strided.gather [hbm4b:s1+s28], $0x4000, s12, s28, $0x38;
	[tilespmem:$0x1F100] =	vst v63  }
0x329: {  	s1 =	sadd.s32 s14, s15  }
0x32a: {  	s17 =	simm.s32 $0x4;
	s16 =	simm.s32 $0x12B00;
	s0 =	sadd.s32 s0, s1  }
0x32b: {  	[tilespmem:s16], [sflag:$0x7] =	stream.linear.gather [spmem:s0], $0x800, $0x38;
	[tilespmem:$0x1F100] =	vst v63  }
0x32c: {  	_ =	swait.ge [sflag:s17], $0x4000  }
0x32d: {  	[sflag:s17] =	ssyncset.done $0x0  }
0x32e: {  	s18 =	simm.s32 $0x8;
	[sflag:s17] =	ssyncadd.s32 $0xFFFFC000  }
0x32f: {  	_ =	swait.ge [sflag:s18], $0x800  }
0x330: {  	s19 =	simm.s32 $0xA;
	s21 =	simm.s32 $0x0;
	[sflag:s18] =	ssyncset.done $0x0  }
0x331: {  	s22 =	simm.s32 $0x0;
	s23 =	sand.u32 $0x400, s21;
	[sflag:s18] =	ssyncadd.s32 $0xFFFFF800  }
0x332: {  	s20 =	sand.u32 $0x60, s21;
	s1 =	sand.u32 $0xFFFFFF80, s22;
	_ =	swait.ge [sflag:s19], $0x4000  }
0x333: {  	s24 =	sor.u32 s1, s23;
	s0 =	sor.u32 $0x10, s20;
	[sflag:s19] =	ssyncset.done $0x0  }
0x334: {  	s25 =	sor.u32 s0, s24;
	[sflag:s19] =	ssyncadd.s32 $0xFFFFC000  }
0x335: {  	v6 =	vld [tilespmem:s25+$0x13300]  }
0x336: {  	v0 =	vld [tilespmem:s25+$0xDB00];
	_ =	sdelay $0x1  }
0x337: {  	s26 =	simm.s32 $0x0  }
0x338: {  	s4 =	sand.u32 $0x3FFFF800, s26  }
0x339: {  	s4 =	sor.u32 s23, s4  }
0x33a: {  	s28 =	sadd.s32 $0x17B00, s4;
	s4 =	sadd.s32 s1, s23;
	v0 =	vadd.f32 v0, v6  }
0x33b: {  	s1 =	sadd.s32 $0xE300, s4;
	s22 =	sor.u32 s0, s28  }
0x33c: {  	s29 =	sor.u32 s0, s1;
	[tilespmem:s22+$0x0] =	vst v0  }
0x33d: {  	v1 =	vld [tilespmem:s29+$0x0]  }
0x33e: {  	s8 =	simm.s32 $0x20  }
0x33f: {  	s7 =	simm.s32 $0x100;
	s9 =	simm.s32 $0x10;
	s30 =	sor.u32 s20, s24  }
0x340: {  	s21 =	sand.u32 $0x60, s8;
	s3 =	sand.u32 $0x400, s7;
	s10 =	sand.u32 $0xFFFFFF80, s9;
	v2 =	vld [tilespmem:s30+$0xDB00]  }
0x341: {  	s11 =	sor.u32 s10, s3;
	s24 =	sor.u32 $0x10, s21;
	v0 =	vld [tilespmem:s30+$0x13300]  }
0x342: {  	s12 =	sor.u32 s24, s11;
	v1 =	vadd.f32 v1, v6  }
0x343: {  	s13 =	sadd.s32 $0xEB00, s4;
	v8 =	vld [tilespmem:s12+$0x13300]  }
0x344: {  	s15 =	sor.u32 s0, s13;
	[tilespmem:s22+$0x80] =	vst v1;
	v1 =	vld [tilespmem:s12+$0xDB00]  }
0x345: {  	v3 =	vld [tilespmem:s15+$0x0]  }
0x346: {  	s16 =	simm.s32 $0x100;
	v2 =	vadd.f32 v2, v0  }
0x347: {  	s31 =	sor.u32 s20, s28;
	s17 =	sand.u32 $0x3FFFF800, s16  }
0x348: {  	s1 =	sor.u32 s20, s1;
	s5 =	sor.u32 s3, s17;
	[tilespmem:s31+$0x0] =	vst v2  }
0x349: {  	s2 =	sadd.s32 s10, s3;
	s5 =	sadd.s32 $0x17B00, s5;
	s18 =	sor.u32 s21, s11;
	v2 =	vld [tilespmem:s1+$0x0];
	v4 =	vadd.f32 v1, v8  }
0x34a: {  	s3 =	sadd.s32 $0xE300, s2;
	s14 =	sor.u32 s24, s5;
	v5 =	vld [tilespmem:s18+$0xDB00];
	v3 =	vadd.f32 v3, v6  }
0x34b: {  	s23 =	sor.u32 s24, s3;
	s19 =	sadd.s32 $0xF300, s4;
	v1 =	vld [tilespmem:s18+$0x13300];
	[tilespmem:s14+$0x0] =	vst v4  }
0x34c: {  	s25 =	sor.u32 s0, s19;
	[tilespmem:s22+$0x100] =	vst v3;
	v3 =	vld [tilespmem:s23+$0x0]  }
0x34d: {  	v4 =	vld [tilespmem:s25+$0x0]  }
0x34e: {  	v2 =	vadd.f32 v2, v0;
	_ =	sdelay $0x1  }
0x34f: {  	s9 =	sadd.s32 $0xEB00, s2;
	s28 =	simm.s32 $0x200;
	s26 =	sor.u32 s20, s13;
	[tilespmem:s31+$0x80] =	vst v2;
	v2 =	vadd.f32 v5, v1  }
0x350: {  	s7 =	sadd.s32 $0xFB00, s4;
	s3 =	sor.u32 s21, s3;
	s10 =	sor.u32 s21, s5;
	v5 =	vld [tilespmem:s26+$0x0];
	v3 =	vadd.f32 v3, v8  }
0x351: {  	s5 =	sand.u32 $0x400, s28;
	s30 =	simm.s32 $0x20;
	s29 =	simm.s32 $0x40;
	[tilespmem:s10+$0x0] =	vst v2;
	v2 =	vadd.f32 v4, v6  }
0x352: {  	s28 =	sor.u32 s24, s9;
	s1 =	sand.u32 $0x60, s29;
	s26 =	sand.u32 $0xFFFFFF80, s30;
	v4 =	vld [tilespmem:s3+$0x0];
	[tilespmem:s14+$0x80] =	vst v3  }
0x353: {  	s29 =	sor.u32 s0, s7;
	s16 =	sor.u32 $0x10, s1;
	s30 =	sor.u32 s26, s5;
	[tilespmem:s22+$0x180] =	vst v2;
	v2 =	vld [tilespmem:s28+$0x0]  }
0x354: {  	s13 =	sor.u32 s16, s30;
	v7 =	vld [tilespmem:s29+$0x0]  }
0x355: {  	v9 =	vld [tilespmem:s13+$0xDB00];
	v5 =	vadd.f32 v5, v0  }
0x356: {  	s15 =	sor.u32 s1, s30;
	v3 =	vld [tilespmem:s13+$0x13300]  }
0x357: {  	s17 =	simm.s32 $0x200;
	s6 =	sor.u32 s20, s19;
	v11 =	vld [tilespmem:s15+$0xDB00];
	[tilespmem:s31+$0x100] =	vst v5;
	v4 =	vadd.f32 v4, v1  }
0x358: {  	s8 =	sand.u32 $0x3FFFF800, s17;
	v5 =	vld [tilespmem:s6+$0x0];
	v10 =	vadd.f32 v2, v8  }
0x359: {  	s18 =	sadd.s32 $0xF300, s2;
	s11 =	sadd.s32 s26, s5;
	s26 =	sor.u32 s21, s9;
	v2 =	vld [tilespmem:s15+$0x13300];
	[tilespmem:s10+$0x80] =	vst v4;
	v7 =	vadd.f32 v7, v6  }
0x35a: {  	s19 =	sor.u32 s5, s8;
	s23 =	sor.u32 s24, s18;
	s13 =	sadd.s32 $0x10300, s4;
	[tilespmem:s14+$0x100] =	vst v10;
	v10 =	vld [tilespmem:s26+$0x0]  }
0x35b: {  	s25 =	sor.u32 s0, s13;
	s6 =	sadd.s32 $0x17B00, s19;
	[tilespmem:s22+$0x200] =	vst v7;
	v7 =	vadd.f32 v9, v3;
	v9 =	vld [tilespmem:s23+$0x0]  }
0x35c: {  	s5 =	sadd.s32 $0xE300, s11;
	s8 =	sor.u32 s16, s6;
	v4 =	vld [tilespmem:s25+$0x0]  }
0x35d: {  	s28 =	sor.u32 s16, s5;
	v5 =	vadd.f32 v5, v0;
	[tilespmem:s8+$0x0] =	vst v7  }
0x35e: {  	v11 =	vadd.f32 v11, v2;
	v7 =	vld [tilespmem:s28+$0x0]  }
0x35f: {  	s29 =	sor.u32 s20, s7;
	s7 =	sor.u32 s1, s6;
	[tilespmem:s31+$0x180] =	vst v5;
	v10 =	vadd.f32 v10, v1  }
0x360: {  	s30 =	sor.u32 s21, s18;
	[tilespmem:s7+$0x0] =	vst v11;
	v5 =	vadd.f32 v9, v8  }
0x361: {  	s18 =	simm.s32 $0x300;
	s3 =	sadd.s32 $0xFB00, s2;
	s5 =	sor.u32 s1, s5;
	v9 =	vld [tilespmem:s29+$0x0];
	v4 =	vadd.f32 v4, v6;
	[tilespmem:s10+$0x100] =	vst v10  }
0x362: {  	s19 =	simm.s32 $0x60;
	s6 =	sadd.s32 $0x10B00, s4;
	s26 =	simm.s32 $0x30;
	v11 =	vld [tilespmem:s5+$0x0];
	[tilespmem:s14+$0x180] =	vst v5  }
0x363: {  	s12 =	sand.u32 $0x60, s19;
	s23 =	sor.u32 s24, s3;
	s15 =	sand.u32 $0xFFFFFF80, s26;
	v12 =	vld [tilespmem:s30+$0x0];
	[tilespmem:s22+$0x280] =	vst v4;
	v4 =	vadd.f32 v7, v3  }
0x364: {  	s25 =	sor.u32 s0, s6;
	s28 =	sadd.s32 $0xEB00, s11;
	s5 =	sand.u32 $0x400, s18;
	v7 =	vld [tilespmem:s23+$0x0]  }
0x365: {  	s9 =	sor.u32 $0x10, s12;
	s29 =	sor.u32 s16, s28;
	s18 =	sor.u32 s15, s5;
	v10 =	vld [tilespmem:s25+$0x0];
	[tilespmem:s8+$0x80] =	vst v4  }
0x366: {  	s23 =	sor.u32 s9, s18;
	v4 =	vadd.f32 v9, v0;
	v9 =	vld [tilespmem:s29+$0x0]  }
0x367: {  	v5 =	vld [tilespmem:s23+$0x13300]  }
0x368: {  	s30 =	sor.u32 s12, s18;
	v13 =	vld [tilespmem:s23+$0xDB00];
	v11 =	vadd.f32 v11, v2  }
0x369: {  	s13 =	sor.u32 s20, s13;
	[tilespmem:s31+$0x200] =	vst v4;
	v4 =	vld [tilespmem:s30+$0x13300];
	v7 =	vadd.f32 v7, v8  }
0x36a: {  	s17 =	sor.u32 s1, s28;
	s18 =	sadd.s32 $0x10300, s2;
	s25 =	simm.s32 $0x300;
	[tilespmem:s7+$0x80] =	vst v11;
	v14 =	vld [tilespmem:s13+$0x0]  }
0x36b: {  	s26 =	sor.u32 s24, s18;
	s19 =	sand.u32 $0x3FFFF800, s25;
	v15 =	vld [tilespmem:s17+$0x0];
	[tilespmem:s14+$0x200] =	vst v7;
	v7 =	vadd.f32 v9, v3  }
0x36c: {  	s23 =	sadd.s32 $0xF300, s11;
	s28 =	sor.u32 s5, s19;
	v11 =	vadd.f32 v12, v1;
	v9 =	vld [tilespmem:s26+$0x0]  }
0x36d: {  	s29 =	sor.u32 s16, s23;
	v12 =	vld [tilespmem:s30+$0xDB00];
	s25 =	sadd.s32 $0x17B00, s28;
	s13 =	sadd.s32 s15, s5;
	v13 =	vadd.f32 v13, v5;
	[tilespmem:s8+$0x100] =	vst v7  }
0x36e: {  	s30 =	sor.u32 s21, s3;
	s19 =	sor.u32 s9, s25;
	[tilespmem:s10+$0x180] =	vst v11;
	s17 =	sadd.s32 $0xE300, s13;
	v7 =	vadd.f32 v10, v6;
	v10 =	vld [tilespmem:s29+$0x0]  }
0x36f: {  	s3 =	sadd.s32 $0x11300, s4;
	[tilespmem:s19+$0x0] =	vst v13;
	s26 =	sor.u32 s9, s17;
	v13 =	vld [tilespmem:s30+$0x0];
	v11 =	vadd.f32 v14, v0  }
0x370: {  	s0 =	sor.u32 s0, s3;
	v15 =	vadd.f32 v15, v2;
	[tilespmem:s22+$0x300] =	vst v7;
	v7 =	vld [tilespmem:s26+$0x0]  }
0x371: {  	s28 =	sor.u32 s20, s6;
	[tilespmem:s31+$0x280] =	vst v11;
	v9 =	vadd.f32 v9, v8;
	v14 =	vld [tilespmem:s0+$0x0]  }
0x372: {  	s4 =	sadd.s32 $0x10B00, s2;
	s30 =	sor.u32 s21, s18;
	s18 =	sor.u32 s1, s23;
	v11 =	vadd.f32 v12, v4;
	[tilespmem:s7+$0x100] =	vst v15;
	v12 =	vld [tilespmem:s28+$0x0]  }
0x373: {  	s17 =	sor.u32 s12, s17;
	s29 =	sor.u32 s24, s4;
	s26 =	sor.u32 s12, s25;
	v15 =	vld [tilespmem:s18+$0x0];
	[tilespmem:s14+$0x280] =	vst v9;
	v9 =	vadd.f32 v10, v3  }
0x374: {  	s23 =	sadd.s32 $0xFB00, s11;
	s25 =	simm.s32 $0x400;
	s0 =	simm.s32 $0x80;
	v13 =	vadd.f32 v13, v1;
	[tilespmem:s26+$0x0] =	vst v11;
	v10 =	vld [tilespmem:s29+$0x0]  }
0x375: {  	s28 =	simm.s32 $0x40;
	s6 =	sand.u32 $0x400, s25;
	v11 =	vld [tilespmem:s17+$0x0];
	s29 =	sor.u32 s16, s23;
	v7 =	vadd.f32 v7, v5;
	[tilespmem:s8+$0x180] =	vst v9  }
0x376: {  	s25 =	sadd.s32 $0xEB00, s13;
	s15 =	sand.u32 $0xFFFFFF80, s28;
	s17 =	sand.u32 $0x60, s0;
	[tilespmem:s10+$0x200] =	vst v13;
	v9 =	vld [tilespmem:s29+$0x0]  }
0x377: {  	s28 =	sor.u32 s9, s25;
	v13 =	vld [tilespmem:s30+$0x0];
	s30 =	sor.u32 s15, s6;
	s18 =	sor.u32 $0x10, s17;
	[tilespmem:s19+$0x80] =	vst v7  }
0x378: {  	v12 =	vadd.f32 v12, v0;
	s29 =	sor.u32 s18, s30;
	v16 =	vld [tilespmem:s28+$0x0]  }
0x379: {  	v7 =	vadd.f32 v10, v8;
	v10 =	vadd.f32 v14, v6;
	v6 =	vld [tilespmem:s29+$0x13300]  }
0x37a: {  	s5 =	sor.u32 s17, s30;
	[tilespmem:s31+$0x300] =	vst v12;
	v14 =	vld [tilespmem:s29+$0xDB00]  }
0x37b: {  	s2 =	sadd.s32 $0x11300, s2;
	v12 =	vld [tilespmem:s5+$0xDB00];
	[tilespmem:s14+$0x300] =	vst v7;
	v9 =	vadd.f32 v9, v3  }
0x37c: {  	s24 =	sor.u32 s24, s2;
	s30 =	simm.s32 $0x400;
	s28 =	sadd.s32 $0x10300, s11;
	[tilespmem:s22+$0x380] =	vst v10;
	v10 =	vadd.f32 v11, v4;
	v7 =	vld [tilespmem:s5+$0x13300]  }
0x37d: {  	s29 =	sor.u32 s16, s28;
	v17 =	vld [tilespmem:s24+$0x0];
	s24 =	sand.u32 $0x3FFFF800, s30;
	v11 =	vadd.f32 v16, v5;
	[tilespmem:s8+$0x200] =	vst v9  }
0x37e: {  	s30 =	sor.u32 s12, s25;
	s25 =	sadd.s32 $0xF300, s13;
	[tilespmem:s26+$0x80] =	vst v10;
	s5 =	sor.u32 s6, s24;
	v9 =	vadd.f32 v15, v2;
	v63 =	vld [tilespmem:s29+$0x0]  }
0x37f: {  	s22 =	sadd.s32 s15, s6;
	s24 =	sor.u32 s9, s25;
	v15 =	vld [tilespmem:s30+$0x0];
	s5 =	sadd.s32 $0x17B00, s5;
	v14 =	vadd.f32 v14, v6;
	[tilespmem:s19+$0x100] =	vst v11  }
0x380: {  	s30 =	sadd.s32 $0xE300, s22;
	s29 =	sor.u32 s1, s23;
	v18 =	vld [tilespmem:s24+$0x0];
	[tilespmem:s7+$0x180] =	vst v9;
	v9 =	vadd.f32 v13, v1;
	s24 =	sor.u32 s18, s5  }
0x381: {  	s15 =	sor.u32 s18, s30;
	v12 =	vadd.f32 v12, v7;
	v10 =	vld [tilespmem:s29+$0x0];
	[tilespmem:s24+$0x0] =	vst v14  }
0x382: {  	s3 =	sor.u32 s20, s3;
	s4 =	sor.u32 s21, s4;
	s20 =	sor.u32 s17, s5;
	v8 =	vadd.f32 v17, v8;
	v11 =	vld [tilespmem:s15+$0x0];
	[tilespmem:s10+$0x280] =	vst v9  }
0x383: {  	s21 =	sor.u32 s21, s2;
	s29 =	sor.u32 s17, s30;
	s30 =	sadd.s32 $0x10B00, s11;
	[tilespmem:s20+$0x0] =	vst v12;
	v9 =	vld [tilespmem:s4+$0x0];
	v16 =	vadd.f32 v63, v3  }
0x384: {  	s25 =	sor.u32 s12, s25;
	s15 =	simm.s32 $0x8;
	s2 =	sor.u32 s1, s30;
	[tilespmem:s14+$0x380] =	vst v8;
	v8 =	vld [tilespmem:s3+$0x0]  }
0x385: {  	s4 =	sor.u32 s1, s28;
	v14 =	vadd.f32 v15, v4;
	v12 =	vld [tilespmem:s29+$0x0];
	s14 =	simm.s32 $0x500;
	s3 =	sor.u32 s16, s30;
	v13 =	vadd.f32 v18, v5;
	[tilespmem:s8+$0x280] =	vst v16  }
.LBB2_25:
0x386: {  	s15 =	sadd.s32 $0x2, s15  }
0x387: {  	s0 =	sadd.s32 $0x20, s0;
	[tilespmem:s26+$0x100] =	vst v14;
	s23 =	sadd.s32 $0xFB00, s13;
	v14 =	vld [tilespmem:s3+$0x0];
	s3 =	smov.u32 s8  }
0x388: {  	v10 =	vadd.f32 v10, v2;
	s8 =	smov.u32 s19;
	s19 =	smov.u32 s24;
	s28 =	sadd.s32 $0xEB00, s22  }
0x389: {  	s24 =	sand.u32 $0x60, s0;
	s5 =	sshll.u32 s15, $0x3;
	v11 =	vadd.f32 v11, v6;
	v15 =	vld [tilespmem:s25+$0x0];
	[tilespmem:s8+$0x180] =	vst v13;
	s6 =	sor.u32 s9, s23  }
0x38a: {  	s25 =	sand.u32 $0x400, s14;
	s30 =	sor.u32 s18, s28;
	s5 =	sand.u32 $0xFFFFFF80, s5;
	v13 =	vld [tilespmem:s6+$0x0];
	[tilespmem:s7+$0x200] =	vst v10;
	v9 =	vadd.f32 v9, v1  }
0x38b: {  	s28 =	sor.u32 s17, s28;
	s6 =	sor.u32 $0x10, s24;
	s29 =	sor.u32 s5, s25;
	[tilespmem:s19+$0x80] =	vst v11;
	v10 =	vld [tilespmem:s4+$0x0];
	v8 =	vadd.f32 v8, v0;
	v0 =	vmovc v1;
	v1 =	vmovc v2;
	v2 =	vmov v4;
	v4 =	vmov v7  }
0x38c: {  	p2 =	slt.u32 s15, $0x7E;
	s4 =	sor.u32 s24, s29;
	s29 =	sor.u32 s6, s29;
	v7 =	vadd.f32 v12, v4;
	v11 =	vld [tilespmem:s30+$0x0];
	[tilespmem:s10+$0x300] =	vst v9  }
0x38d: {  	s30 =	sor.u32 s12, s23;
	v9 =	vld [tilespmem:s29+$0x13300];
	v12 =	vadd.f32 v14, v3;
	[tilespmem:s31+$0x380] =	vst v8;
	s31 =	smov.u32 s10;
	s10 =	sadd.s32 $0x11300, s11  }
0x38e: {  	s11 =	smov.u32 s13;
	s13 =	smov.u32 s22;
	v8 =	vld [tilespmem:s29+$0xDB00];
	[tilespmem:s20+$0x80] =	vst v7;
	v14 =	vadd.f32 v15, v2;
	s23 =	sor.u32 s1, s10  }
0x38f: {  	s10 =	sor.u32 s16, s10;
	s1 =	smov.u32 s12;
	s16 =	sshll.u32 s15, $0x7;
	v7 =	vld [tilespmem:s4+$0x13300];
	v13 =	vadd.f32 v13, v5;
	[tilespmem:s3+$0x300] =	vst v12  }
0x390: {  	s22 =	sadd.s32 $0x10300, s11;
	s12 =	smov.u32 s17;
	s29 =	sadd.s32 $0xF300, s13;
	[tilespmem:s26+$0x180] =	vst v14;
	v10 =	vadd.f32 v10, v1;
	v12 =	vld [tilespmem:s10+$0x0]  }
0x391: {  	s10 =	sand.u32 $0x3FFFF800, s16;
	s16 =	sor.u32 s9, s22;
	v14 =	vld [tilespmem:s4+$0xDB00];
	v11 =	vadd.f32 v11, v6;
	s4 =	sor.u32 s1, s22;
	[tilespmem:s8+$0x200] =	vst v13  }
0x392: {  	s17 =	smov.u32 s24;
	s10 =	sor.u32 s25, s10;
	s22 =	sadd.s32 s5, s25;
	v13 =	vld [tilespmem:s16+$0x0];
	[tilespmem:s7+$0x280] =	vst v10  }
0x393: {  	s5 =	sor.u32 s18, s29;
	s25 =	sor.u32 s12, s29;
	s10 =	sadd.s32 $0x17B00, s10;
	v8 =	vadd.f32 v8, v9;
	v15 =	vld [tilespmem:s28+$0x0];
	[tilespmem:s19+$0x100] =	vst v11  }
0x394: {  	s16 =	sadd.s32 $0xE300, s22;
	s28 =	sor.u32 s17, s10;
	s24 =	sor.u32 s6, s10;
	v16 =	vld [tilespmem:s5+$0x0]  }
.Ltmp11:
0x395: {  	s10 =	sor.u32 s6, s16;
	s5 =	sor.u32 s17, s16;
	[tilespmem:s24+$0x0] =	vst v8;
	v10 =	vld [tilespmem:s30+$0x0];
	v8 =	vadd.f32 v12, v3;
	(pc) =	sbr.rel @p2 .LBB2_25-.Ltmp11, $4  }
0x396: {  	s16 =	smov.u32 s9;
	s9 =	smov.u32 s18;
	s18 =	smov.u32 s6;
	v3 =	vmovc v5;
	v5 =	vmov v6;
	v6 =	vmov v9;
	v12 =	vadd.f32 v14, v7;
	v11 =	vld [tilespmem:s10+$0x0]  }
0x397: {  	s10 =	smov.u32 s7;
	s7 =	smov.u32 s26;
	s26 =	smov.u32 s20;
	v17 =	vadd.f32 v13, v3;
	v9 =	vld [tilespmem:s2+$0x0];
	[tilespmem:s3+$0x380] =	vst v8  }
0x398: {  	s20 =	smov.u32 s28;
	s3 =	sadd.s32 $0x10B00, s11;
	[tilespmem:s28+$0x0] =	vst v12;
	v14 =	vadd.f32 v15, v4;
	v8 =	vld [tilespmem:s21+$0x0];
	s21 =	smov.u32 s23  }
0x399: {  	s14 =	sadd.s32 $0x100, s14;
	s2 =	sor.u32 s1, s3;
	s3 =	sor.u32 s16, s3;
	v12 =	vld [tilespmem:s5+$0x0];
	v13 =	vadd.f32 v16, v5;
	[tilespmem:s8+$0x280] =	vst v17  }
0x39a: {  	_ = 	snop  }
0x39b: {  	v11 =	vadd.f32 v11, v6  }
0x39c: {  	s0 =	sadd.s32 $0xEB00, s22  }
0x39d: {  	s5 =	sor.u32 s18, s0;
	[tilespmem:s24+$0x80] =	vst v11  }
0x39e: {  	v41 =	vadd.f32 v12, v7;
	v42 =	vld [tilespmem:s5+$0x0];
	_ =	sdelay $0x1  }
0x39f: {  	s0 =	sor.u32 s17, s0;
	[tilespmem:s20+$0x80] =	vst v41  }
0x3a0: {  	v11 =	vld [tilespmem:s0+$0x0];
	_ =	sdelay $0x1  }
0x3a1: {  	v12 =	vadd.f32 v42, v6  }
0x3a2: {  	s28 =	sadd.s32 $0xF300, s22;
	[tilespmem:s26+$0x100] =	vst v14  }
0x3a3: {  	s29 =	sor.u32 s18, s28;
	v14 =	vld [tilespmem:s25+$0x0];
	[tilespmem:s24+$0x100] =	vst v12  }
0x3a4: {  	v11 =	vadd.f32 v11, v7;
	v12 =	vld [tilespmem:s29+$0x0];
	_ =	sdelay $0x1  }
0x3a5: {  	s0 =	sor.u32 s17, s28;
	[tilespmem:s20+$0x100] =	vst v11  }
0x3a6: {  	s30 =	sadd.s32 $0xFB00, s13;
	v11 =	vld [tilespmem:s0+$0x0]  }
0x3a7: {  	[tilespmem:s19+$0x180] =	vst v13;
	s14 =	sor.u32 s9, s30;
	v14 =	vadd.f32 v14, v4  }
0x3a8: {  	v13 =	vld [tilespmem:s14+$0x0];
	v12 =	vadd.f32 v12, v6  }
0x3a9: {  	s15 =	sadd.s32 $0xFB00, s22;
	[tilespmem:s26+$0x180] =	vst v14;
	s0 =	sor.u32 s12, s30  }
0x3aa: {  	s6 =	sor.u32 s18, s15;
	v14 =	vld [tilespmem:s0+$0x0];
	[tilespmem:s24+$0x180] =	vst v12  }
0x3ab: {  	v11 =	vadd.f32 v11, v7;
	v12 =	vld [tilespmem:s6+$0x0];
	_ =	sdelay $0x1  }
0x3ac: {  	s23 =	sor.u32 s17, s15;
	v13 =	vadd.f32 v13, v5;
	[tilespmem:s20+$0x180] =	vst v11  }
0x3ad: {  	v10 =	vadd.f32 v10, v2;
	s25 =	sadd.s32 $0x10300, s13;
	v11 =	vld [tilespmem:s23+$0x0]  }
0x3ae: {  	s29 =	sor.u32 s9, s25;
	v44 =	vadd.f32 v14, v4;
	s28 =	rddreg [dreg:$0x1c];
	[tilespmem:s19+$0x200] =	vst v13  }
0x3af: {  	[tilespmem:s7+$0x200] =	vst v10;
	s5 =	sor.u32 $0x30, s28;
	v43 =	vld [tilespmem:s29+$0x0];
	v12 =	vadd.f32 v12, v6  }
0x3b0: {  	s30 =	sadd.s32 $0x10300, s22;
	s0 =	sor.u32 s12, s25;
	[tilespmem:s26+$0x200] =	vst v44;
	v45 =	vld [tilespmem:s4+$0x0];
	s14 =	smulhi.u32 $0x2AAAAAAB, s5  }
0x3b1: {  	s15 =	sor.u32 s18, s30;
	v13 =	vld [tilespmem:s0+$0x0];
	[tilespmem:s24+$0x200] =	vst v12  }
0x3b2: {  	s4 =	sshrl.u32 s14, $0x3;
	v11 =	vadd.f32 v11, v7;
	v12 =	vld [tilespmem:s15+$0x0]  }
0x3b3: {  	s23 =	stileid.u32;
	s14 =	smul.u32 $0xFFFFFFD0, s4  }
0x3b4: {  	v15 =	vld [tilespmem:s3+$0x0];
	s5 =	sor.u32 s23, s5;
	s15 =	sor.u32 s17, s30;
	v10 =	vadd.f32 v43, v5;
	[tilespmem:s20+$0x200] =	vst v11  }
0x3b5: {  	s28 =	sadd.s32 $0x10B00, s13;
	v14 =	vadd.f32 v45, v2;
	s0 =	sadd.s32 s5, s14;
	v11 =	vld [tilespmem:s15+$0x0]  }
0x3b6: {  	s29 =	sor.u32 s9, s28;
	v13 =	vadd.f32 v13, v4;
	s5 =	smulhi.u32 $0x55555556, s0;
	s25 =	sshra.s32 s0, $0x1F;
	[tilespmem:s19+$0x280] =	vst v10  }
0x3b7: {  	[tilespmem:s7+$0x280] =	vst v14;
	s6 =	smul.u32 $0x55555556, s25;
	v47 =	vld [tilespmem:s29+$0x0];
	v46 =	vadd.f32 v12, v6  }
0x3b8: {  	s3 =	sor.u32 s12, s28;
	s30 =	sadd.s32 $0x10B00, s22;
	[tilespmem:s26+$0x280] =	vst v13;
	v14 =	vld [tilespmem:s2+$0x0]  }
0x3b9: {  	v50 =	vadd.f32 v15, v3;
	s15 =	sor.u32 s18, s30;
	v51 =	vld [tilespmem:s3+$0x0];
	s5 =	sadd.s32 s6, s5;
	[tilespmem:s24+$0x280] =	vst v46  }
0x3ba: {  	s6 =	sshrl.u32 s5, $0x1F;
	v48 =	vadd.f32 v11, v7;
	v49 =	vld [tilespmem:s15+$0x0]  }
0x3bb: {  	v9 =	vadd.f32 v9, v1;
	[tilespmem:s8+$0x300] =	vst v50;
	s25 =	sadd.s32 s6, s5  }
0x3bc: {  	s28 =	sor.u32 s17, s30;
	s5 =	smul.u32 $0xFFFFFFFD, s25;
	v12 =	vadd.f32 v47, v5;
	[tilespmem:s20+$0x280] =	vst v48  }
0x3bd: {  	[tilespmem:s10+$0x300] =	vst v9;
	s14 =	sadd.s32 $0x11300, s13;
	s30 =	ssub.s32 $0x0, s0;
	s29 =	sadd.s32 $0x11300, s11;
	v52 =	vadd.f32 v14, v2;
	v10 =	vld [tilespmem:s28+$0x0]  }
0x3be: {  	p3 =	slt.s32 s0, $0x1;
	s11 =	sor.u32 s16, s29;
	v54 =	vadd.f32 v51, v4;
	p2 =	sne.s32 s5, s30;
	[tilespmem:s19+$0x300] =	vst v12  }
0x3bf: {  	s3 =	sor.u32 s12, s14;
	s16 =	sadd.s32 $0x11300, s22;
	v13 =	vld [tilespmem:s11+$0x0];
	[tilespmem:s7+$0x300] =	vst v52;
	p2 =	por !p3, !p2;
	v11 =	vadd.f32 v49, v6  }
0x3c0: {  	v53 =	vld [tilespmem:s21+$0x0];
	s15 =	sor.u32 s9, s14;
	s9 =	simm.s32 $0x1;
	[tilespmem:s26+$0x300] =	vst v54;
	p2 =	por !p2, !p2  }
0x3c1: {  	s1 =	sor.u32 s1, s29;
	s22 =	sor.u32 s18, s16;
	v12 =	vld [tilespmem:s15+$0x0];
	s9 =	simm.s32 @!p2 $0x0;
	[tilespmem:s24+$0x300] =	vst v11  }
0x3c2: {  	s5 =	sor.u32 s17, s16;
	v55 =	vld [tilespmem:s1+$0x0];
	s21 =	ssub.s32 s25, s9;
	v10 =	vadd.f32 v10, v7;
	s29 =	rddreg [dreg:$0x1d]  }
0x3c3: {  	v0 =	vadd.f32 v8, v0;
	v9 =	vld [tilespmem:s3+$0x0];
	s25 =	smul.u32 $0x1FFFFD, s21;
	s28 =	rddreg [dreg:$0x7];
	s6 =	smin.u32 s29, $0x64  }
0x3c4: {  	v57 =	vadd.f32 v13, v3;
	v56 =	vld [tilespmem:s22+$0x0];
	s1 =	smul.u32 $0x1800, s21;
	s4 =	sadd.s32 s28, s4;
	[tilespmem:s20+$0x300] =	vst v10;
	s6 =	sshll.u32 s6, $0x4  }
0x3c5: {  	v59 =	vadd.f32 v53, v1;
	[tilespmem:s31+$0x380] =	vst v0;
	s30 =	smul.u32 $0xC0000, s4;
	v58 =	vld [tilespmem:s5+$0x0];
	s4 =	sadd.s32 $0x70, s6  }
0x3c6: {  	[tilespmem:s8+$0x380] =	vst v57;
	v60 =	vadd.f32 v12, v5;
	s9 =	smulhi.u32 $0x5555556, s4  }
0x3c7: {  	s14 =	rddreg [dreg:$0x2];
	[tilespmem:s10+$0x380] =	vst v59;
	v61 =	vadd.f32 v55, v2;
	s0 =	sadd.s32 s0, s25  }
0x3c8: {  	v63 =	vadd.f32 v9, v4;
	[tilespmem:s19+$0x380] =	vst v60;
	s0 =	sshll.u32 s0, $0xB;
	s1 =	sadd.s32 s30, s1;
	s11 =	smul.u32 $0xFFFFFFD0, s9  }
0x3c9: {  	s16 =	simm.s32 $0x18000;
	[tilespmem:s7+$0x380] =	vst v61;
	s12 =	sor.u32 s23, s4;
	v62 =	vadd.f32 v56, v6;
	s0 =	sadd.s32 s0, s1  }
0x3ca: {  	s17 =	simm.s32 $0x17B00;
	[tilespmem:s26+$0x380] =	vst v63;
	s0 =	sadd.s32 $0x18000, s0;
	v0 =	vadd.f32 v58, v7;
	s1 =	sadd.s32 s12, s11  }
0x3cb: {  	[tilespmem:s24+$0x380] =	vst v62;
	s0 =	sshrl.u32 s0, $0x3;
	s2 =	smulhi.u32 $0x55555556, s1;
	s13 =	sshra.s32 s1, $0x1F  }
0x3cc: {  	s15 =	simm.s32 $0x800;
	s0 =	sadd.s32 s14, s0;
	[tilespmem:s20+$0x380] =	vst v0;
	s3 =	smul.u32 $0x55555556, s13  }
0x3cd: {  	[hbm4b:s0+s15] =	stream.strided.scatter [tilespmem:s17], [sflag:$0xA], $0x4000, s16, s15, $0x38;
	[tilespmem:$0x1F100] =	vst v63  }
0x3ce: {  	s18 =	sadd.s32 s3, s2  }
0x3cf: {  	s2 =	sshrl.u32 s18, $0x1F  }
0x3d0: {  	s0 =	sadd.s32 s2, s18  }
0x3d1: {  	s2 =	smul.u32 $0xFFFFFFFD, s0  }
0x3d2: {  	s19 =	ssub.s32 $0x0, s1  }
0x3d3: {  	p5 =	slt.s32 s1, $0x1;
	p6 =	sne.s32 s2, s19  }
0x3d4: {  	p2 =	por !p5, !p6  }
0x3d5: {  	s2 =	simm.s32 $0x1;
	p2 =	por !p2, !p2  }
0x3d6: {  	s2 =	simm.s32 @!p2 $0x0  }
0x3d7: {  	s0 =	ssub.s32 s0, s2  }
0x3d8: {  	s2 =	smul.u32 $0x360000, s0  }
0x3d9: {  	s20 =	sadd.s32 s28, s9;
	s0 =	smul.u32 $0x1FFFFD, s0  }
0x3da: {  	s3 =	smul.u32 $0x1800, s20  }
0x3db: {  	s0 =	sadd.s32 s1, s0  }
0x3dc: {  	s21 =	sadd.s32 s3, s2;
	s0 =	sshll.u32 s0, $0xB  }
0x3dd: {  	s22 =	rddreg [dreg:$0x0];
	s24 =	smul.u32 $0x6000, s9;
	s1 =	sadd.s32 s0, s21  }
0x3de: {  	s29 =	rddreg [dreg:$0x3];
	s25 =	simm.s32 $0x6C000;
	s1 =	sshrl.u32 s1, $0x3  }
0x3df: {  	s26 =	simm.s32 $0xDB00;
	s28 =	sshrl.u32 s24, $0x2;
	s1 =	sadd.s32 s22, s1  }
0x3e0: {  	[tilespmem:s26], [sflag:$0x4] =	stream.strided.gather [hbm4b:s1+s15], $0x4000, s25, s15, $0x38;
	[tilespmem:$0x1F100] =	vst v63  }
0x3e1: {  	s31 =	rddreg [dreg:$0x1b];
	s1 =	sadd.s32 s28, s29  }
0x3e2: {  	s0 =	sadd.s32 s0, s1;
	s1 =	sadd.s32 $0x1, s31  }
0x3e3: {  	p2 =	sne.s32 s1, $0x1B  }
.Ltmp12:
0x3e4: {  	_ = 	snop;
	(pc) =	sbr.rel @p2 .LBB2_18-.Ltmp12, $3  }
0x3e5: {  	_ =	sdelay $0x1  }
0x3e6: {  	s30 =	simm.s32 $0x13300  }
0x3e7: {  	[tilespmem:s30], [sflag:$0x8] =	stream.linear.gather [spmem:s0], $0x800, $0x38;
	[tilespmem:$0x1F100] =	vst v63  }
0x3e8: {  	s0 =	simm.s32 $0x1  }
0x3e9: {  	_ =	swait.ge [sflag:s0], $0x4000  }
0x3ea: {  	[sflag:s0] =	ssyncset.done $0x0  }
0x3eb: {  	s21 =	simm.s32 $0x5;
	[sflag:s0] =	ssyncadd.s32 $0xFFFFC000  }
0x3ec: {  	_ =	swait.ge [sflag:s21], $0x800  }
0x3ed: {  	[sflag:s21] =	ssyncset.done $0x0  }
0x3ee: {  	s22 =	simm.s32 $0x2;
	[sflag:s21] =	ssyncadd.s32 $0xFFFFF800  }
0x3ef: {  	_ =	swait.ge [sflag:s22], $0x4000  }
0x3f0: {  	[sflag:s22] =	ssyncset.done $0x0  }
0x3f1: {  	s24 =	simm.s32 $0x6;
	[sflag:s22] =	ssyncadd.s32 $0xFFFFC000  }
0x3f2: {  	_ =	swait.ge [sflag:s24], $0x800  }
0x3f3: {  	[sflag:s24] =	ssyncset.done $0x0  }
0x3f4: {  	s25 =	simm.s32 $0x3;
	[sflag:s24] =	ssyncadd.s32 $0xFFFFF800  }
0x3f5: {  	_ =	swait.ge [sflag:s25], $0x4000  }
0x3f6: {  	[sflag:s25] =	ssyncset.done $0x0  }
0x3f7: {  	s26 =	simm.s32 $0x7;
	[sflag:s25] =	ssyncadd.s32 $0xFFFFC000  }
0x3f8: {  	_ =	swait.ge [sflag:s26], $0x800  }
0x3f9: {  	[sflag:s26] =	ssyncset.done $0x0  }
0x3fa: {  	s28 =	simm.s32 $0x4;
	[sflag:s26] =	ssyncadd.s32 $0xFFFFF800  }
0x3fb: {  	_ =	swait.ge [sflag:s28], $0x4000  }
0x3fc: {  	[sflag:s28] =	ssyncset.done $0x0  }
0x3fd: {  	s29 =	simm.s32 $0x8;
	[sflag:s28] =	ssyncadd.s32 $0xFFFFC000  }
0x3fe: {  	_ =	swait.ge [sflag:s29], $0x800  }
0x3ff: {  	[sflag:s29] =	ssyncset.done $0x0  }
0x400: {  	s30 =	simm.s32 $0x9;
	[sflag:s29] =	ssyncadd.s32 $0xFFFFF800  }
0x401: {  	_ =	swait.ge [sflag:s30], $0x4000  }
0x402: {  	[sflag:s30] =	ssyncset.done $0x0  }
0x403: {  	s1 =	simm.s32 $0xA;
	[sflag:s30] =	ssyncadd.s32 $0xFFFFC000  }
0x404: {  	_ =	swait.ge [sflag:s1], $0x4000  }
0x405: {  	s2 =	rddreg [dreg:$0x1a]  }
0x406: {  	s31 =	rddreg [dreg:$0x16];
	s2 =	sadd.s32 $0x1, s2  }
0x407: {  	p2 =	sne.s32 s2, s31  }
.Ltmp13:
0x408: {  	_ = 	snop;
	(pc) =	sbr.rel @p2 .LBB2_1-.Ltmp13, $3  }
0x409: {  	_ =	sdelay $0x1  }
0x40a: {  	[sflag:s1] =	ssyncset.done $0x0  }
0x40b: {  	[sflag:s1] =	ssyncadd.s32 $0xFFFFC000  }
0x40c: {  	_ =	sfence.sel $0x180000  }
0x40d: {  	[bflag:$0x0] =	sbarrier.arrive $0xFFFF  }
0x40e: {  	_ =	strace $0x90000047  }
0x40f: {  	[bflag:$0x2] =	sbarrier.arrive $0xFFFF  }
0x410: {  	p0 =	sne.s32 s23, $0x0;
	s0 =	rddreg [dreg:$0x4]  }
0x411: {  	s0 =	sadd.s32 @!p0 $0x100000, s0  }
0x412: {  	[sflag:s0] =	ssyncadd.tile.s32 @!p0 $0x1;
	_ =	shalt  }
.Lfunc_end2:
_tile_overlayer_lowered:
.L_overlay_start_2:
0x413: {  	(tag) =	ssettag $0x2  }
0x414: {  	s0 =	rddreg [dreg:$0x0];
	s2 =	stileid.u32  }
0x415: {  	s1 =	rddreg [dreg:$0x1];
	p0 =	sne.s32 s2, $0x0  }
0x416: {  	s3 =	rddreg [dreg:$0x2];
	[bflag:$0x3] =	sbarrier.arrive $0xFFFF;
	s2 =	simm.s32 @!p0 $0x1C0B  }
0x417: {  	[timem:s3], [sflag:s2] =	dma.local @!p0 [hbm:s0], s1  }
0x418: {  	s0 =	simm.s32 @!p0 $0xB  }
0x419: {  	_ =	swait.ge @!p0 [sflag:s0], s1  }
0x41a: {  	s1 =	ssub.s32 @!p0 $0x0, s1;
	[sflag:s0] =	ssyncset.done @!p0 $0x0  }
0x41b: {  	[sflag:s0] =	ssyncadd.s32 @!p0 s1  }
0x41c: {  	[bflag:$0x3] =	sbarrier.arrive $0xFFFF  }
0x41d: {  	_ =	shalt  }

</sc_bundles>
